<compile_context>
chip_gen: v7x
topology: tpu7x:2x2x1
jax: 0.10.2.dev20260603
libtpu: 0.0.44.dev20260713+nightly
codegen_flags: <defaults>
</compile_context>

<pallas_src>
import functools
import math

import jax
import jax.numpy as jnp
from jax import lax
from jax.experimental import pallas as pl
from jax.experimental.pallas import tpu as pltpu
from jax.experimental.pallas import tpu_sc as plsc

C0, C1 = 20000, 60000
D0, D1, D2 = 1024, 256, 64
D2P = 256
OUT_DIM = 1024
SCALE = math.sqrt(OUT_DIM)

NC, NS, L = 2, 16, 16
NW = NC * NS

K = 32
CAP0, CAP1, CAP2 = 448, 768, 768


def _compact_tc(ids3, n):
    nw, tb, eight = ids3.shape

    def ck(ids_ref, i0_ref, p0_ref, i1_ref, p1_ref, i2_ref, p2_ref, cnt_ref):
        w = pl.program_id(0)
        ids = ids_ref[0]
        idsf = ids.astype(jnp.float32)
        rowi = lax.broadcasted_iota(jnp.int32, (tb, eight), 0).astype(
            jnp.float32)
        coli = lax.broadcasted_iota(jnp.int32, (tb, eight), 1).astype(
            jnp.float32)
        posf = w * (tb * eight) + rowi * eight + coli
        tril = jnp.where(
            lax.broadcasted_iota(jnp.int32, (tb, tb), 0)
            >= lax.broadcasted_iota(jnp.int32, (tb, tb), 1), 1.0, 0.0)
        su8 = jnp.where(
            lax.broadcasted_iota(jnp.int32, (eight, eight), 0)
            < lax.broadcasted_iota(jnp.int32, (eight, eight), 1), 1.0, 0.0)
        dnc = (((1,), (0,)), ((), ()))

        def band(m, local, cap, idx_ref, pos_ref):
            mf = jnp.where(m, 1.0, 0.0)
            pre = lax.dot_general(tril, mf, dnc,
                                  preferred_element_type=jnp.float32)
            t = pre[tb - 1:tb, :]
            offs = lax.dot_general(t, su8, dnc,
                                   precision=lax.Precision.HIGHEST,
                                   preferred_element_type=jnp.float32)
            dest = jnp.where(m, pre - 1.0 + offs, -1.0)
            iq = lax.broadcasted_iota(jnp.int32, (1, cap), 1).astype(
                jnp.float32)
            acc_i = jnp.zeros((1, cap), jnp.float32)
            acc_p = jnp.zeros((1, cap), jnp.float32)
            for j in range(eight):
                oh = jnp.where(dest[:, j:j + 1] == iq, 1.0, 0.0)
                lj = jnp.transpose(local[:, j:j + 1])
                pj = jnp.transpose(posf[:, j:j + 1] - n)
                acc_i += lax.dot_general(lj, oh, dnc,
                                         precision=lax.Precision.HIGHEST,
                                         preferred_element_type=jnp.float32)
                acc_p += lax.dot_general(pj, oh, dnc,
                                         precision=lax.Precision.HIGHEST,
                                         preferred_element_type=jnp.float32)
            idx_ref[0] = acc_i.astype(jnp.int32)
            pos_ref[0] = (acc_p + n).astype(jnp.int32)
            return offs + t

        c0 = band(ids < C0, idsf, CAP0, i0_ref, p0_ref)
        c1 = band((ids >= C0) & (ids < C1), idsf - C0, CAP1, i1_ref, p1_ref)
        c2 = band(ids >= C1, idsf - C1, CAP2, i2_ref, p2_ref)
        cnt_ref[0] = jnp.concatenate([c0, c1, c2, c0],
                                     axis=1).astype(jnp.int32)

    return pl.pallas_call(
        ck,
        grid=(nw,),
        in_specs=[pl.BlockSpec((1, tb, eight), lambda i: (i, 0, 0))],
        out_specs=[
            pl.BlockSpec((1, 1, CAP0), lambda i: (i, 0, 0)),
            pl.BlockSpec((1, 1, CAP0), lambda i: (i, 0, 0)),
            pl.BlockSpec((1, 1, CAP1), lambda i: (i, 0, 0)),
            pl.BlockSpec((1, 1, CAP1), lambda i: (i, 0, 0)),
            pl.BlockSpec((1, 1, CAP2), lambda i: (i, 0, 0)),
            pl.BlockSpec((1, 1, CAP2), lambda i: (i, 0, 0)),
            pl.BlockSpec((1, 1, 32), lambda i: (i, 0, 0)),
        ],
        out_shape=[
            jax.ShapeDtypeStruct((nw, 1, CAP0), jnp.int32),
            jax.ShapeDtypeStruct((nw, 1, CAP0), jnp.int32),
            jax.ShapeDtypeStruct((nw, 1, CAP1), jnp.int32),
            jax.ShapeDtypeStruct((nw, 1, CAP1), jnp.int32),
            jax.ShapeDtypeStruct((nw, 1, CAP2), jnp.int32),
            jax.ShapeDtypeStruct((nw, 1, CAP2), jnp.int32),
            jax.ShapeDtypeStruct((nw, 1, 32), jnp.int32),
        ],
    )(ids3)


def _make_sc_kernel(n, fast):
    bw = n // NW
    mesh = plsc.VectorSubcoreMesh(core_axis_name="c", subcore_axis_name="s",
                                  num_cores=NC, num_subcores=NS)

    @functools.partial(
        pl.kernel,
        out_type=(
            jax.ShapeDtypeStruct((n + 8, D0), jnp.float32),
            jax.ShapeDtypeStruct((n + 8, D1), jnp.float32),
            jax.ShapeDtypeStruct((n + 8, D2P), jnp.float32),
        ),
        mesh=mesh,
        scratch_types=[
            pltpu.VMEM((bw,), jnp.int32),
            pltpu.VMEM((CAP0,), jnp.int32),
            pltpu.VMEM((CAP0,), jnp.int32),
            pltpu.VMEM((CAP1,), jnp.int32),
            pltpu.VMEM((CAP1,), jnp.int32),
            pltpu.VMEM((CAP2,), jnp.int32),
            pltpu.VMEM((CAP2,), jnp.int32),
            pltpu.VMEM((bw,), jnp.int32),
            pltpu.VMEM((2 * K,), jnp.int32),
            pltpu.VMEM((2, K), jnp.int32),
            pltpu.VMEM((2, K, D0), jnp.float32),
            pltpu.VMEM((2, K, D1), jnp.float32),
            pltpu.VMEM((2, K, D2P), jnp.float32),
            pltpu.SemaphoreType.DMA,
            pltpu.SemaphoreType.DMA,
            pltpu.SemaphoreType.DMA,
            pltpu.SemaphoreType.DMA,
        ],
    )
    def sc_kernel(ids_hbm, pid_hbm, i0_hbm, p0_hbm, i1_hbm, p1_hbm,
                  i2_hbm, p2_hbm, e0_hbm, e1_hbm, e2_hbm,
                  g0_hbm, g1_hbm, g2_hbm,
                  ids_v, i0_v, p0_v, i1_v, p1_v, i2_v, p2_v, pid_v,
                  idxd_v, posc_v, r0_v, r1_v, r2_v, sg0, sg1, sw0, sw1):
        sem_g = (sg0, sg1)
        sem_w = (sw0, sw1)
        wid = lax.axis_index("s") * NC + lax.axis_index("c")
        base = wid * bw

        if fast:
            pltpu.sync_copy(i0_hbm.at[pl.ds(wid * CAP0, CAP0)], i0_v)
            pltpu.sync_copy(p0_hbm.at[pl.ds(wid * CAP0, CAP0)], p0_v)
            pltpu.sync_copy(i1_hbm.at[pl.ds(wid * CAP1, CAP1)], i1_v)
            pltpu.sync_copy(p1_hbm.at[pl.ds(wid * CAP1, CAP1)], p1_v)
            pltpu.sync_copy(i2_hbm.at[pl.ds(wid * CAP2, CAP2)], i2_v)
            pltpu.sync_copy(p2_hbm.at[pl.ds(wid * CAP2, CAP2)], p2_v)
        else:
            pltpu.sync_copy(ids_hbm.at[pl.ds(base, bw)], ids_v)
            pltpu.sync_copy(pid_hbm.at[pl.ds(base, bw)], pid_v)

        def run_band(e_hbm, g_hbm, r_v, nch, stage, idx_ref):
            def gather(c, b):
                stage(c, b)
                pltpu.async_copy(e_hbm.at[idx_ref(c, b)], r_v.at[b],
                                 sem_g[b])

            def wait_gather(b):
                pltpu.make_async_copy(e_hbm.at[idx_ref(0, b)], r_v.at[b],
                                      sem_g[b]).wait()

            def scatter(b):
                pltpu.async_copy(r_v.at[b], g_hbm.at[posc_v.at[b]], sem_w[b])

            def wait_scatter(b):
                pltpu.make_async_copy(e_hbm.at[idx_ref(0, b)], r_v.at[b],
                                      sem_w[b]).wait()

            for b in range(2):
                gather(b, b)

            def body(i, _):
                for b in range(2):
                    c = i * 2 + b

                    @pl.when(c < nch)
                    def _():
                        wait_gather(b)
                        scatter(b)

                        @pl.when(c + 2 < nch)
                        def _():
                            wait_scatter(b)
                            gather(c + 2, b)
                return 0

            lax.fori_loop(0, (nch + 1) // 2, body, 0)

            @pl.when(nch >= 2)
            def _():
                wait_scatter(0)
                wait_scatter(1)

            @pl.when(nch == 1)
            def _():
                wait_scatter(0)

        if fast:
            def make_stage(pos_v):
                def stage(c, b):
                    for j in range(K // L):
                        posc_v[b, pl.ds(j * L, L)] = pos_v[
                            pl.ds(c * K + j * L, L)]
                return stage

            run_band(e0_hbm, g0_hbm, r0_v, CAP0 // K, make_stage(p0_v),
                     lambda c, b: i0_v.at[pl.ds(c * K, K)])
            run_band(e1_hbm, g1_hbm, r1_v, CAP1 // K, make_stage(p1_v),
                     lambda c, b: i1_v.at[pl.ds(c * K, K)])
            run_band(e2_hbm, g2_hbm, r2_v, CAP2 // K, make_stage(p2_v),
                     lambda c, b: i2_v.at[pl.ds(c * K, K)])
        else:
            zero = jnp.zeros((L,), jnp.int32)

            def make_stage(sel):
                def stage(c, b):
                    for j in range(K // L):
                        v = ids_v[pl.ds(c * K + j * L, L)]
                        idxd_v[pl.ds(b * K + j * L, L)] = sel(v)
                        posc_v[b, pl.ds(j * L, L)] = pid_v[
                            pl.ds(c * K + j * L, L)]
                return stage

            didx = lambda c, b: idxd_v.at[pl.ds(b * K, K)]
            run_band(e0_hbm, g0_hbm, r0_v, bw // K,
                     make_stage(lambda v: jnp.where(v < C0, v, zero)), didx)
            run_band(e1_hbm, g1_hbm, r1_v, bw // K,
                     make_stage(lambda v: jnp.where(
                         (v >= C0) & (v < C1), v - C0, zero)), didx)
            run_band(e2_hbm, g2_hbm, r2_v, bw // K,
                     make_stage(lambda v: jnp.where(v >= C1, v - C1, zero)),
                     didx)

    return sc_kernel


def _matmul_tc(ids_col, g0, g1, g2, p0, p1, p2):
    n = ids_col.shape[0]
    bm = 512

    def mm_kernel(ids_ref, g0_ref, g1_ref, g2_ref,
                  p0_ref, p1_ref, p2_ref, out_ref):
        dn = (((1,), (1,)), ((), ()))
        ids_blk = ids_ref[...]
        a0 = lax.dot_general(g0_ref[...], p0_ref[...], dn,
                             preferred_element_type=jnp.float32)
        a1 = lax.dot_general(g1_ref[...], p1_ref[...], dn,
                             preferred_element_type=jnp.float32)
        a2 = lax.dot_general(g2_ref[...], p2_ref[...], dn,
                             preferred_element_type=jnp.float32)
        m0 = ids_blk < C0
        m1 = (ids_blk >= C0) & (ids_blk < C1)
        out_ref[...] = SCALE * jnp.where(m0, a0, jnp.where(m1, a1, a2))

    return pl.pallas_call(
        mm_kernel,
        grid=(n // bm,),
        in_specs=[
            pl.BlockSpec((bm, 1), lambda i: (i, 0)),
            pl.BlockSpec((bm, D0), lambda i: (i, 0)),
            pl.BlockSpec((bm, D1), lambda i: (i, 0)),
            pl.BlockSpec((bm, D2P), lambda i: (i, 0)),
            pl.BlockSpec((OUT_DIM, D0), lambda i: (0, 0)),
            pl.BlockSpec((OUT_DIM, D1), lambda i: (0, 0)),
            pl.BlockSpec((OUT_DIM, D2P), lambda i: (0, 0)),
        ],
        out_specs=pl.BlockSpec((bm, OUT_DIM), lambda i: (i, 0)),
        out_shape=jax.ShapeDtypeStruct((n, OUT_DIM), jnp.float32),
    )(ids_col, g0, g1, g2, p0, p1, p2)


def kernel(input_ids, embed0, proj0, embed1, proj1, embed2, proj2):
    b, s = input_ids.shape
    ids = input_ids.reshape(-1)
    n = ids.shape[0]
    bw = n // NW
    e2p = jnp.pad(embed2, ((0, 0), (0, D2P - D2)))
    p2p = jnp.pad(proj2, ((0, 0), (0, D2P - D2)))

    i0, po0, i1, po1, i2, po2, cnt = _compact_tc(
        ids.reshape(NW, bw // 8, 8), n)
    ok = ((jnp.max(cnt[:, 0, 7]) <= CAP0)
          & (jnp.max(cnt[:, 0, 15]) <= CAP1)
          & (jnp.max(cnt[:, 0, 23]) <= CAP2))

    pid = jnp.arange(n, dtype=jnp.int32)
    fast_k = _make_sc_kernel(n, fast=True)
    dense_k = _make_sc_kernel(n, fast=False)
    flat = lambda x: x.reshape(-1)
    args = (ids, pid, flat(i0), flat(po0), flat(i1), flat(po1), flat(i2),
            flat(po2), embed0, embed1, e2p)
    g0, g1, g2 = lax.cond(ok, lambda a: fast_k(*a), lambda a: dense_k(*a),
                          args)

    out = _matmul_tc(ids.reshape(n, 1), g0, g1, g2, proj0, proj1, p2p)
    return out.reshape(b, s, OUT_DIM)

# --- scband reference (transcript-rebuilt; emitter-appended) ---
"""Pipeline reference for scband-adaptive-embedding-15702400434470 (READ-ONLY COPY).

The authoritative reference and input builder live on the scoring server;
editing this copy changes nothing except your own understanding.
"""

import math
import jax, jax.numpy as jnp
import numpy as np

CUTOFF = [20000, 60000, 100000]
OUT_DIM = 1024
INITIAL_DIM = 1024
FACTOR = 4.0
PAD = 0
EMBED_SCALE = math.sqrt(OUT_DIM)
BATCH, SEQ = 1024, 50


def setup_inputs(seed: int = 0) -> dict:
    key = jax.random.key(seed)
    inp = {}
    inp['input_ids'] = jax.random.randint(jax.random.fold_in(key, 0), (BATCH, SEQ), 0, CUTOFF[-1], dtype=jnp.int32)
    prev = 0
    for i, c in enumerate(CUTOFF):
        band_dim = int(INITIAL_DIM // FACTOR ** i)
        std = math.sqrt(1.0 / band_dim)
        emb = jax.random.normal(jax.random.fold_in(key, 10 + i), (c - prev, band_dim), dtype=jnp.float32) * std
        emb = emb.at[PAD].set(0.0)  # padding_idx row zeroed per torch init
        limit = math.sqrt(6.0 / (band_dim + OUT_DIM))  # xavier_uniform on Linear weight [out, in]
        proj = jax.random.uniform(jax.random.fold_in(key, 20 + i), (OUT_DIM, band_dim), dtype=jnp.float32, minval=-limit, maxval=limit)
        inp[f'embed{i}'] = emb
        inp[f'proj{i}'] = proj
        prev = c
    return inp


def reference(input_ids, embed0, proj0, embed1, proj1, embed2, proj2):
    bands = [(embed0, proj0), (embed1, proj1), (embed2, proj2)]
    result = jnp.zeros(input_ids.shape + (OUT_DIM,), dtype=jnp.float32)
    prev = 0
    for i, c in enumerate(CUTOFF):
        emb, proj = bands[i]
        mask = (input_ids >= prev) & (input_ids < c)
        local = jnp.where(mask, input_ids - prev, 0)
        e = jnp.take(emb, local, axis=0)          # gather [B, S, band_dim]
        out = jnp.einsum('bsd,od->bso', e, proj)  # Linear(band_dim -> OUT_DIM), no bias
        result = jnp.where(mask[..., None], out, result)  # scatter-overwrite by band mask
        prev = c
    return EMBED_SCALE * result

if __name__ == "__main__":
    import jax
    _d = setup_inputs()
    print(jax.jit(kernel)(*tuple(_d.values())))

</pallas_src>

<mosaic_0001>
#map = affine_map<(d0, d1) -> (0)>
#map1 = affine_map<(d0, d1) -> (0, 0)>
module attributes {stable_mosaic.version = 14 : i64} {
  func.func @sc_kernel(%arg0: i32, %arg1: i32, %arg2: memref<51200xi32, #tpu.memory_space<hbm>>, %arg3: memref<51200xi32, #tpu.memory_space<hbm>>, %arg4: memref<14336xi32, #tpu.memory_space<hbm>>, %arg5: memref<14336xi32, #tpu.memory_space<hbm>>, %arg6: memref<24576xi32, #tpu.memory_space<hbm>>, %arg7: memref<24576xi32, #tpu.memory_space<hbm>>, %arg8: memref<24576xi32, #tpu.memory_space<hbm>>, %arg9: memref<24576xi32, #tpu.memory_space<hbm>>, %arg10: memref<20000x1024xf32, #tpu.memory_space<hbm>>, %arg11: memref<40000x256xf32, #tpu.memory_space<hbm>>, %arg12: memref<40000x256xf32, #tpu.memory_space<hbm>>, %arg13: memref<51208x1024xf32, #tpu.memory_space<hbm>>, %arg14: memref<51208x256xf32, #tpu.memory_space<hbm>>, %arg15: memref<51208x256xf32, #tpu.memory_space<hbm>>, %arg16: memref<1600xi32, #tpu.memory_space<vmem>>, %arg17: memref<448xi32, #tpu.memory_space<vmem>>, %arg18: memref<448xi32, #tpu.memory_space<vmem>>, %arg19: memref<768xi32, #tpu.memory_space<vmem>>, %arg20: memref<768xi32, #tpu.memory_space<vmem>>, %arg21: memref<768xi32, #tpu.memory_space<vmem>>, %arg22: memref<768xi32, #tpu.memory_space<vmem>>, %arg23: memref<1600xi32, #tpu.memory_space<vmem>>, %arg24: memref<64xi32, #tpu.memory_space<vmem>>, %arg25: memref<2x32xi32, #tpu.memory_space<vmem>>, %arg26: memref<2x32x1024xf32, #tpu.memory_space<vmem>>, %arg27: memref<2x32x256xf32, #tpu.memory_space<vmem>>, %arg28: memref<2x32x256xf32, #tpu.memory_space<vmem>>, %arg29: memref<!tpu.dma_semaphore, #tpu.memory_space<semaphore_mem>>, %arg30: memref<!tpu.dma_semaphore, #tpu.memory_space<semaphore_mem>>, %arg31: memref<!tpu.dma_semaphore, #tpu.memory_space<semaphore_mem>>, %arg32: memref<!tpu.dma_semaphore, #tpu.memory_space<semaphore_mem>>) attributes {dimension_semantics = [#tpu.dimension_semantics<core_parallel>, #tpu.dimension_semantics<subcore_parallel>], iteration_bounds = array<i64: 2, 16>, scalar_prefetch = 0 : i64, scratch_operands = 17 : i64, tpu.core_type = #tpu.core_type<sc_vector_subcore>, window_params = [{transform_indices = #map}, {transform_indices = #map}, {transform_indices = #map}, {transform_indices = #map}, {transform_indices = #map}, {transform_indices = #map}, {transform_indices = #map}, {transform_indices = #map}, {transform_indices = #map1}, {transform_indices = #map1}, {transform_indices = #map1}, {transform_indices = #map1}, {transform_indices = #map1}, {transform_indices = #map1}]} {
    %mul3A = arith.constant 2 : i32
    %mul3A_0 = arith.muli %arg1, %mul3A : i32
    %add3A = arith.addi %mul3A_0, %arg0 : i32
    %mul3A_1 = arith.constant 1600 : i32
    %mul3A_2 = arith.muli %add3A, %mul3A_1 : i32
    %mul3A_3 = arith.constant 448 : i32
    %mul3A_4 = arith.muli %add3A, %mul3A_3 : i32
    "tpu.region"() ({
      %run_scoped3A = tpu.sem_alloc : memref<!tpu.dma_semaphore, #tpu.memory_space<semaphore_mem>>
      %dma_start3A_259 = tpu.memref_slice %arg4[%mul3A_4] : memref<14336xi32, #tpu.memory_space<hbm>> -> memref<448xi32, #tpu.memory_space<hbm>>
      %dma_start3A_260 = tpu.memref_slice %arg4[%mul3A_4] : memref<14336xi32, #tpu.memory_space<hbm>> -> memref<448xi32, #tpu.memory_space<hbm>>
      tpu.enqueue_dma source(%dma_start3A_260 : memref<448xi32, #tpu.memory_space<hbm>>) target(%arg17 : memref<448xi32, #tpu.memory_space<vmem>>) target_semaphore(%run_scoped3A : memref<!tpu.dma_semaphore, #tpu.memory_space<semaphore_mem>>)
      %dma_wait3A_261 = tpu.memref_slice %arg4[%mul3A_4] : memref<14336xi32, #tpu.memory_space<hbm>> -> memref<448xi32, #tpu.memory_space<hbm>>
      %dma_wait3A_262 = tpu.memref_slice %arg4[%mul3A_4] : memref<14336xi32, #tpu.memory_space<hbm>> -> memref<448xi32, #tpu.memory_space<hbm>>
      tpu.wait_dma2 semaphore(%run_scoped3A : memref<!tpu.dma_semaphore, #tpu.memory_space<semaphore_mem>>) src(%dma_wait3A_262 : memref<448xi32, #tpu.memory_space<hbm>>) dst(%arg17 : memref<448xi32, #tpu.memory_space<vmem>>)
      tpu.yield
    }) : () -> ()
    %mul3A_5 = arith.constant 448 : i32
    %mul3A_6 = arith.muli %add3A, %mul3A_5 : i32
    "tpu.region"() ({
      %run_scoped3A = tpu.sem_alloc : memref<!tpu.dma_semaphore, #tpu.memory_space<semaphore_mem>>
      %dma_start3A_259 = tpu.memref_slice %arg5[%mul3A_6] : memref<14336xi32, #tpu.memory_space<hbm>> -> memref<448xi32, #tpu.memory_space<hbm>>
      %dma_start3A_260 = tpu.memref_slice %arg5[%mul3A_6] : memref<14336xi32, #tpu.memory_space<hbm>> -> memref<448xi32, #tpu.memory_space<hbm>>
      tpu.enqueue_dma source(%dma_start3A_260 : memref<448xi32, #tpu.memory_space<hbm>>) target(%arg18 : memref<448xi32, #tpu.memory_space<vmem>>) target_semaphore(%run_scoped3A : memref<!tpu.dma_semaphore, #tpu.memory_space<semaphore_mem>>)
      %dma_wait3A_261 = tpu.memref_slice %arg5[%mul3A_6] : memref<14336xi32, #tpu.memory_space<hbm>> -> memref<448xi32, #tpu.memory_space<hbm>>
      %dma_wait3A_262 = tpu.memref_slice %arg5[%mul3A_6] : memref<14336xi32, #tpu.memory_space<hbm>> -> memref<448xi32, #tpu.memory_space<hbm>>
      tpu.wait_dma2 semaphore(%run_scoped3A : memref<!tpu.dma_semaphore, #tpu.memory_space<semaphore_mem>>) src(%dma_wait3A_262 : memref<448xi32, #tpu.memory_space<hbm>>) dst(%arg18 : memref<448xi32, #tpu.memory_space<vmem>>)
      tpu.yield
    }) : () -> ()
    %mul3A_7 = arith.constant 768 : i32
    %mul3A_8 = arith.muli %add3A, %mul3A_7 : i32
    "tpu.region"() ({
      %run_scoped3A = tpu.sem_alloc : memref<!tpu.dma_semaphore, #tpu.memory_space<semaphore_mem>>
      %dma_start3A_259 = tpu.memref_slice %arg6[%mul3A_8] : memref<24576xi32, #tpu.memory_space<hbm>> -> memref<768xi32, #tpu.memory_space<hbm>>
      %dma_start3A_260 = tpu.memref_slice %arg6[%mul3A_8] : memref<24576xi32, #tpu.memory_space<hbm>> -> memref<768xi32, #tpu.memory_space<hbm>>
      tpu.enqueue_dma source(%dma_start3A_260 : memref<768xi32, #tpu.memory_space<hbm>>) target(%arg19 : memref<768xi32, #tpu.memory_space<vmem>>) target_semaphore(%run_scoped3A : memref<!tpu.dma_semaphore, #tpu.memory_space<semaphore_mem>>)
      %dma_wait3A_261 = tpu.memref_slice %arg6[%mul3A_8] : memref<24576xi32, #tpu.memory_space<hbm>> -> memref<768xi32, #tpu.memory_space<hbm>>
      %dma_wait3A_262 = tpu.memref_slice %arg6[%mul3A_8] : memref<24576xi32, #tpu.memory_space<hbm>> -> memref<768xi32, #tpu.memory_space<hbm>>
      tpu.wait_dma2 semaphore(%run_scoped3A : memref<!tpu.dma_semaphore, #tpu.memory_space<semaphore_mem>>) src(%dma_wait3A_262 : memref<768xi32, #tpu.memory_space<hbm>>) dst(%arg19 : memref<768xi32, #tpu.memory_space<vmem>>)
      tpu.yield
    }) : () -> ()
    %mul3A_9 = arith.constant 768 : i32
    %mul3A_10 = arith.muli %add3A, %mul3A_9 : i32
    "tpu.region"() ({
      %run_scoped3A = tpu.sem_alloc : memref<!tpu.dma_semaphore, #tpu.memory_space<semaphore_mem>>
      %dma_start3A_259 = tpu.memref_slice %arg7[%mul3A_10] : memref<24576xi32, #tpu.memory_space<hbm>> -> memref<768xi32, #tpu.memory_space<hbm>>
      %dma_start3A_260 = tpu.memref_slice %arg7[%mul3A_10] : memref<24576xi32, #tpu.memory_space<hbm>> -> memref<768xi32, #tpu.memory_space<hbm>>
      tpu.enqueue_dma source(%dma_start3A_260 : memref<768xi32, #tpu.memory_space<hbm>>) target(%arg20 : memref<768xi32, #tpu.memory_space<vmem>>) target_semaphore(%run_scoped3A : memref<!tpu.dma_semaphore, #tpu.memory_space<semaphore_mem>>)
      %dma_wait3A_261 = tpu.memref_slice %arg7[%mul3A_10] : memref<24576xi32, #tpu.memory_space<hbm>> -> memref<768xi32, #tpu.memory_space<hbm>>
      %dma_wait3A_262 = tpu.memref_slice %arg7[%mul3A_10] : memref<24576xi32, #tpu.memory_space<hbm>> -> memref<768xi32, #tpu.memory_space<hbm>>
      tpu.wait_dma2 semaphore(%run_scoped3A : memref<!tpu.dma_semaphore, #tpu.memory_space<semaphore_mem>>) src(%dma_wait3A_262 : memref<768xi32, #tpu.memory_space<hbm>>) dst(%arg20 : memref<768xi32, #tpu.memory_space<vmem>>)
      tpu.yield
    }) : () -> ()
    %mul3A_11 = arith.constant 768 : i32
    %mul3A_12 = arith.muli %add3A, %mul3A_11 : i32
    "tpu.region"() ({
      %run_scoped3A = tpu.sem_alloc : memref<!tpu.dma_semaphore, #tpu.memory_space<semaphore_mem>>
      %dma_start3A_259 = tpu.memref_slice %arg8[%mul3A_12] : memref<24576xi32, #tpu.memory_space<hbm>> -> memref<768xi32, #tpu.memory_space<hbm>>
      %dma_start3A_260 = tpu.memref_slice %arg8[%mul3A_12] : memref<24576xi32, #tpu.memory_space<hbm>> -> memref<768xi32, #tpu.memory_space<hbm>>
      tpu.enqueue_dma source(%dma_start3A_260 : memref<768xi32, #tpu.memory_space<hbm>>) target(%arg21 : memref<768xi32, #tpu.memory_space<vmem>>) target_semaphore(%run_scoped3A : memref<!tpu.dma_semaphore, #tpu.memory_space<semaphore_mem>>)
      %dma_wait3A_261 = tpu.memref_slice %arg8[%mul3A_12] : memref<24576xi32, #tpu.memory_space<hbm>> -> memref<768xi32, #tpu.memory_space<hbm>>
      %dma_wait3A_262 = tpu.memref_slice %arg8[%mul3A_12] : memref<24576xi32, #tpu.memory_space<hbm>> -> memref<768xi32, #tpu.memory_space<hbm>>
      tpu.wait_dma2 semaphore(%run_scoped3A : memref<!tpu.dma_semaphore, #tpu.memory_space<semaphore_mem>>) src(%dma_wait3A_262 : memref<768xi32, #tpu.memory_space<hbm>>) dst(%arg21 : memref<768xi32, #tpu.memory_space<vmem>>)
      tpu.yield
    }) : () -> ()
    %mul3A_13 = arith.constant 768 : i32
    %mul3A_14 = arith.muli %add3A, %mul3A_13 : i32
    "tpu.region"() ({
      %run_scoped3A = tpu.sem_alloc : memref<!tpu.dma_semaphore, #tpu.memory_space<semaphore_mem>>
      %dma_start3A_259 = tpu.memref_slice %arg9[%mul3A_14] : memref<24576xi32, #tpu.memory_space<hbm>> -> memref<768xi32, #tpu.memory_space<hbm>>
      %dma_start3A_260 = tpu.memref_slice %arg9[%mul3A_14] : memref<24576xi32, #tpu.memory_space<hbm>> -> memref<768xi32, #tpu.memory_space<hbm>>
      tpu.enqueue_dma source(%dma_start3A_260 : memref<768xi32, #tpu.memory_space<hbm>>) target(%arg22 : memref<768xi32, #tpu.memory_space<vmem>>) target_semaphore(%run_scoped3A : memref<!tpu.dma_semaphore, #tpu.memory_space<semaphore_mem>>)
      %dma_wait3A_261 = tpu.memref_slice %arg9[%mul3A_14] : memref<24576xi32, #tpu.memory_space<hbm>> -> memref<768xi32, #tpu.memory_space<hbm>>
      %dma_wait3A_262 = tpu.memref_slice %arg9[%mul3A_14] : memref<24576xi32, #tpu.memory_space<hbm>> -> memref<768xi32, #tpu.memory_space<hbm>>
      tpu.wait_dma2 semaphore(%run_scoped3A : memref<!tpu.dma_semaphore, #tpu.memory_space<semaphore_mem>>) src(%dma_wait3A_262 : memref<768xi32, #tpu.memory_space<hbm>>) dst(%arg22 : memref<768xi32, #tpu.memory_space<vmem>>)
      tpu.yield
    }) : () -> ()
    %get3A = arith.constant 0 : index
    %get3A_15 = tpu.vector_load %arg18[%get3A] {strides = array<i32>} : memref<448xi32, #tpu.memory_space<vmem>>, vector<16xi32>,
    %get3A_16 = vector.shape_cast %get3A_15 : vector<16xi32> to vector<16xi32>
    %swap3A = arith.constant 0 : i32
    %swap3A_17 = arith.index_cast %swap3A : i32 to index
    %swap3A_18 = arith.constant 0 : index
    %swap3A_19 = tpu.vector_load %arg25[%swap3A_17, %swap3A_18] {strides = array<i32>} : memref<2x32xi32, #tpu.memory_space<vmem>>, vector<1x16xi32>,
    %swap3A_20 = vector.shape_cast %swap3A_19 : vector<1x16xi32> to vector<16xi32>
    %swap3A_21 = vector.shape_cast %get3A_16 : vector<16xi32> to vector<1x16xi32>
    tpu.vector_store %arg25[%swap3A_17, %swap3A_18], %swap3A_21 {strides = array<i32>} : memref<2x32xi32, #tpu.memory_space<vmem>>, vector<1x16xi32>,
    %get3A_22 = arith.constant 16 : index
    %get3A_23 = tpu.vector_load %arg18[%get3A_22] {strides = array<i32>} : memref<448xi32, #tpu.memory_space<vmem>>, vector<16xi32>,
    %get3A_24 = vector.shape_cast %get3A_23 : vector<16xi32> to vector<16xi32>
    %swap3A_25 = arith.constant 0 : i32
    %swap3A_26 = arith.index_cast %swap3A_25 : i32 to index
    %swap3A_27 = arith.constant 16 : index
    %swap3A_28 = tpu.vector_load %arg25[%swap3A_26, %swap3A_27] {strides = array<i32>} : memref<2x32xi32, #tpu.memory_space<vmem>>, vector<1x16xi32>,
    %swap3A_29 = vector.shape_cast %swap3A_28 : vector<1x16xi32> to vector<16xi32>
    %swap3A_30 = vector.shape_cast %get3A_24 : vector<16xi32> to vector<1x16xi32>
    tpu.vector_store %arg25[%swap3A_26, %swap3A_27], %swap3A_30 {strides = array<i32>} : memref<2x32xi32, #tpu.memory_space<vmem>>, vector<1x16xi32>,
    %dma_start3A = arith.constant 0 : i32
    %dma_start3A_31 = arith.constant 0 : i32
    %dma_start3A_32 = arith.constant 0 : i32
    %dma_start3A_33 = tpu.memref_slice %arg26[%dma_start3A, %dma_start3A_31, %dma_start3A_32] : memref<2x32x1024xf32, #tpu.memory_space<vmem>> -> memref<1x32x1024xf32, #tpu.memory_space<vmem>>
    %dma_start3A_34 = tpu.memref_squeeze %dma_start3A_33 : memref<1x32x1024xf32, #tpu.memory_space<vmem>> -> memref<32x1024xf32, #tpu.memory_space<vmem>>
    %dma_start3A_35 = arith.constant 0 : i32
    %dma_start3A_36 = tpu.memref_slice %arg17[%dma_start3A_35] : memref<448xi32, #tpu.memory_space<vmem>> -> memref<32xi32, #tpu.memory_space<vmem>>
    %dma_start3A_37 = arith.constant 0 : i32
    %dma_start3A_38 = arith.constant 0 : i32
    %dma_start3A_39 = tpu.memref_slice %arg10[%dma_start3A_37, %dma_start3A_38] : memref<20000x1024xf32, #tpu.memory_space<hbm>> -> memref<20000x1024xf32, #tpu.memory_space<hbm>>
    tpu.enqueue_indirect_dma source(%dma_start3A_39 : memref<20000x1024xf32, #tpu.memory_space<hbm>>) target(%dma_start3A_34 : memref<32x1024xf32, #tpu.memory_space<vmem>>) offsets(%dma_start3A_36 : memref<32xi32, #tpu.memory_space<vmem>>) semaphore(%arg29 : memref<!tpu.dma_semaphore, #tpu.memory_space<semaphore_mem>>)
    %get3A_40 = arith.constant 32 : index
    %get3A_41 = tpu.vector_load %arg18[%get3A_40] {strides = array<i32>} : memref<448xi32, #tpu.memory_space<vmem>>, vector<16xi32>,
    %get3A_42 = vector.shape_cast %get3A_41 : vector<16xi32> to vector<16xi32>
    %swap3A_43 = arith.constant 1 : i32
    %swap3A_44 = arith.index_cast %swap3A_43 : i32 to index
    %swap3A_45 = arith.constant 0 : index
    %swap3A_46 = tpu.vector_load %arg25[%swap3A_44, %swap3A_45] {strides = array<i32>} : memref<2x32xi32, #tpu.memory_space<vmem>>, vector<1x16xi32>,
    %swap3A_47 = vector.shape_cast %swap3A_46 : vector<1x16xi32> to vector<16xi32>
    %swap3A_48 = vector.shape_cast %get3A_42 : vector<16xi32> to vector<1x16xi32>
    tpu.vector_store %arg25[%swap3A_44, %swap3A_45], %swap3A_48 {strides = array<i32>} : memref<2x32xi32, #tpu.memory_space<vmem>>, vector<1x16xi32>,
    %get3A_49 = arith.constant 48 : index
    %get3A_50 = tpu.vector_load %arg18[%get3A_49] {strides = array<i32>} : memref<448xi32, #tpu.memory_space<vmem>>, vector<16xi32>,
    %get3A_51 = vector.shape_cast %get3A_50 : vector<16xi32> to vector<16xi32>
    %swap3A_52 = arith.constant 1 : i32
    %swap3A_53 = arith.index_cast %swap3A_52 : i32 to index
    %swap3A_54 = arith.constant 16 : index
    %swap3A_55 = tpu.vector_load %arg25[%swap3A_53, %swap3A_54] {strides = array<i32>} : memref<2x32xi32, #tpu.memory_space<vmem>>, vector<1x16xi32>,
    %swap3A_56 = vector.shape_cast %swap3A_55 : vector<1x16xi32> to vector<16xi32>
    %swap3A_57 = vector.shape_cast %get3A_51 : vector<16xi32> to vector<1x16xi32>
    tpu.vector_store %arg25[%swap3A_53, %swap3A_54], %swap3A_57 {strides = array<i32>} : memref<2x32xi32, #tpu.memory_space<vmem>>, vector<1x16xi32>,
    %dma_start3A_58 = arith.constant 1 : i32
    %dma_start3A_59 = arith.constant 0 : i32
    %dma_start3A_60 = arith.constant 0 : i32
    %dma_start3A_61 = tpu.memref_slice %arg26[%dma_start3A_58, %dma_start3A_59, %dma_start3A_60] : memref<2x32x1024xf32, #tpu.memory_space<vmem>> -> memref<1x32x1024xf32, #tpu.memory_space<vmem>>
    %dma_start3A_62 = tpu.memref_squeeze %dma_start3A_61 : memref<1x32x1024xf32, #tpu.memory_space<vmem>> -> memref<32x1024xf32, #tpu.memory_space<vmem>>
    %dma_start3A_63 = arith.constant 32 : i32
    %dma_start3A_64 = tpu.memref_slice %arg17[%dma_start3A_63] : memref<448xi32, #tpu.memory_space<vmem>> -> memref<32xi32, #tpu.memory_space<vmem>>
    %dma_start3A_65 = arith.constant 0 : i32
    %dma_start3A_66 = arith.constant 0 : i32
    %dma_start3A_67 = tpu.memref_slice %arg10[%dma_start3A_65, %dma_start3A_66] : memref<20000x1024xf32, #tpu.memory_space<hbm>> -> memref<20000x1024xf32, #tpu.memory_space<hbm>>
    tpu.enqueue_indirect_dma source(%dma_start3A_67 : memref<20000x1024xf32, #tpu.memory_space<hbm>>) target(%dma_start3A_62 : memref<32x1024xf32, #tpu.memory_space<vmem>>) offsets(%dma_start3A_64 : memref<32xi32, #tpu.memory_space<vmem>>) semaphore(%arg30 : memref<!tpu.dma_semaphore, #tpu.memory_space<semaphore_mem>>)
    %scan3A = arith.constant 0 : i32
    %scan3A_68 = arith.constant 0 : i32
    %scan3A_69 = arith.constant 7 : i32
    %scan3A_70 = arith.addi %scan3A_68, %scan3A_69 : i32
    %scan3A_71 = arith.constant 1 : i32
    %scan3A_72 = scf.for %scan3A_259 = %scan3A_68 to %scan3A_70 step %scan3A_71 iter_args(%scan3A_260 = %scan3A) -> (i32)  : i32 {
      %mul3A_261 = arith.constant 2 : i32
      %mul3A_262 = arith.muli %scan3A_259, %mul3A_261 : i32
      %add3A_263 = arith.constant 0 : i32
      %add3A_264 = arith.addi %mul3A_262, %add3A_263 : i32
      %lt3A = arith.constant 14 : i32
      %lt3A_265 = arith.cmpi slt, %add3A_264, %lt3A : i32
      %convert_element_type3A = arith.extui %lt3A_265 : i1 to i32
      %cond3A = arith.constant 0 : i32
      %cond3A_266 = arith.cmpi ne, %convert_element_type3A, %cond3A : i32
      scf.if %cond3A_266 {
        %dma_wait3A_277 = arith.constant 0 : i32
        %dma_wait3A_278 = arith.constant 0 : i32
        %dma_wait3A_279 = arith.constant 0 : i32
        %dma_wait3A_280 = tpu.memref_slice %arg26[%dma_wait3A_277, %dma_wait3A_278, %dma_wait3A_279] : memref<2x32x1024xf32, #tpu.memory_space<vmem>> -> memref<1x32x1024xf32, #tpu.memory_space<vmem>>
        %dma_wait3A_281 = tpu.memref_squeeze %dma_wait3A_280 : memref<1x32x1024xf32, #tpu.memory_space<vmem>> -> memref<32x1024xf32, #tpu.memory_space<vmem>>
        %dma_wait3A_282 = arith.constant 0 : i32
        %dma_wait3A_283 = tpu.memref_slice %arg17[%dma_wait3A_282] : memref<448xi32, #tpu.memory_space<vmem>> -> memref<32xi32, #tpu.memory_space<vmem>>
        %dma_wait3A_284 = arith.constant 0 : i32
        %dma_wait3A_285 = arith.constant 0 : i32
        %dma_wait3A_286 = tpu.memref_slice %arg10[%dma_wait3A_284, %dma_wait3A_285] : memref<20000x1024xf32, #tpu.memory_space<hbm>> -> memref<20000x1024xf32, #tpu.memory_space<hbm>>
        tpu.wait_indirect_dma semaphore(%arg29 : memref<!tpu.dma_semaphore, #tpu.memory_space<semaphore_mem>>) src(%dma_wait3A_286 : memref<20000x1024xf32, #tpu.memory_space<hbm>>) dst(%dma_wait3A_281 : memref<32x1024xf32, #tpu.memory_space<vmem>>)
        %dma_start3A_287 = arith.constant 0 : i32
        %dma_start3A_288 = arith.constant 0 : i32
        %dma_start3A_289 = arith.constant 0 : i32
        %dma_start3A_290 = arith.constant 0 : i32
        %dma_start3A_291 = tpu.memref_slice %arg26[%dma_start3A_287, %dma_start3A_289, %dma_start3A_290] : memref<2x32x1024xf32, #tpu.memory_space<vmem>> -> memref<1x32x1024xf32, #tpu.memory_space<vmem>>
        %dma_start3A_292 = tpu.memref_squeeze %dma_start3A_291 : memref<1x32x1024xf32, #tpu.memory_space<vmem>> -> memref<32x1024xf32, #tpu.memory_space<vmem>>
        %dma_start3A_293 = arith.constant 0 : i32
        %dma_start3A_294 = tpu.memref_slice %arg25[%dma_start3A_288, %dma_start3A_293] : memref<2x32xi32, #tpu.memory_space<vmem>> -> memref<1x32xi32, #tpu.memory_space<vmem>>
        %dma_start3A_295 = tpu.memref_squeeze %dma_start3A_294 : memref<1x32xi32, #tpu.memory_space<vmem>> -> memref<32xi32, #tpu.memory_space<vmem>>
        %dma_start3A_296 = arith.constant 0 : i32
        %dma_start3A_297 = arith.constant 0 : i32
        %dma_start3A_298 = tpu.memref_slice %arg13[%dma_start3A_296, %dma_start3A_297] : memref<51208x1024xf32, #tpu.memory_space<hbm>> -> memref<51208x1024xf32, #tpu.memory_space<hbm>>
        tpu.enqueue_indirect_dma source(%dma_start3A_292 : memref<32x1024xf32, #tpu.memory_space<vmem>>) target(%dma_start3A_298 : memref<51208x1024xf32, #tpu.memory_space<hbm>>) offsets(%dma_start3A_295 : memref<32xi32, #tpu.memory_space<vmem>>) semaphore(%arg31 : memref<!tpu.dma_semaphore, #tpu.memory_space<semaphore_mem>>)
        %add3A_299 = arith.constant 2 : i32
        %add3A_300 = arith.addi %add3A_264, %add3A_299 : i32
        %lt3A_301 = arith.constant 14 : i32
        %lt3A_302 = arith.cmpi slt, %add3A_300, %lt3A_301 : i32
        %convert_element_type3A_303 = arith.extui %lt3A_302 : i1 to i32
        %cond3A_304 = arith.constant 0 : i32
        %cond3A_305 = arith.cmpi ne, %convert_element_type3A_303, %cond3A_304 : i32
        scf.if %cond3A_305 {
          %dma_wait3A_306 = arith.constant 0 : i32
          %dma_wait3A_307 = arith.constant 0 : i32
          %dma_wait3A_308 = arith.constant 0 : i32
          %dma_wait3A_309 = tpu.memref_slice %arg26[%dma_wait3A_306, %dma_wait3A_307, %dma_wait3A_308] : memref<2x32x1024xf32, #tpu.memory_space<vmem>> -> memref<1x32x1024xf32, #tpu.memory_space<vmem>>
          %dma_wait3A_310 = tpu.memref_squeeze %dma_wait3A_309 : memref<1x32x1024xf32, #tpu.memory_space<vmem>> -> memref<32x1024xf32, #tpu.memory_space<vmem>>
          %dma_wait3A_311 = arith.constant 0 : i32
          %dma_wait3A_312 = tpu.memref_slice %arg17[%dma_wait3A_311] : memref<448xi32, #tpu.memory_space<vmem>> -> memref<32xi32, #tpu.memory_space<vmem>>
          %dma_wait3A_313 = arith.constant 0 : i32
          %dma_wait3A_314 = arith.constant 0 : i32
          %dma_wait3A_315 = tpu.memref_slice %arg10[%dma_wait3A_313, %dma_wait3A_314] : memref<20000x1024xf32, #tpu.memory_space<hbm>> -> memref<20000x1024xf32, #tpu.memory_space<hbm>>
          tpu.wait_indirect_dma semaphore(%arg31 : memref<!tpu.dma_semaphore, #tpu.memory_space<semaphore_mem>>) src(%dma_wait3A_315 : memref<20000x1024xf32, #tpu.memory_space<hbm>>) dst(%dma_wait3A_310 : memref<32x1024xf32, #tpu.memory_space<vmem>>)
          %add3A_316 = arith.constant 2 : i32
          %add3A_317 = arith.addi %add3A_264, %add3A_316 : i32
          %mul3A_318 = arith.constant 32 : i32
          %mul3A_319 = arith.muli %add3A_317, %mul3A_318 : i32
          %add3A_320 = arith.constant 0 : i32
          %add3A_321 = arith.addi %mul3A_319, %add3A_320 : i32
          %get3A_322 = arith.index_cast %add3A_321 : i32 to index
          %get3A_323 = tpu.vector_load %arg18[%get3A_322] {strides = array<i32>} : memref<448xi32, #tpu.memory_space<vmem>>, vector<16xi32>,
          %get3A_324 = vector.shape_cast %get3A_323 : vector<16xi32> to vector<16xi32>
          %swap3A_325 = arith.constant 0 : i32
          %swap3A_326 = arith.index_cast %swap3A_325 : i32 to index
          %swap3A_327 = arith.constant 0 : index
          %swap3A_328 = tpu.vector_load %arg25[%swap3A_326, %swap3A_327] {strides = array<i32>} : memref<2x32xi32, #tpu.memory_space<vmem>>, vector<1x16xi32>,
          %swap3A_329 = vector.shape_cast %swap3A_328 : vector<1x16xi32> to vector<16xi32>
          %swap3A_330 = vector.shape_cast %get3A_324 : vector<16xi32> to vector<1x16xi32>
          tpu.vector_store %arg25[%swap3A_326, %swap3A_327], %swap3A_330 {strides = array<i32>} : memref<2x32xi32, #tpu.memory_space<vmem>>, vector<1x16xi32>,
          %mul3A_331 = arith.constant 32 : i32
          %mul3A_332 = arith.muli %add3A_317, %mul3A_331 : i32
          %add3A_333 = arith.constant 16 : i32
          %add3A_334 = arith.addi %mul3A_332, %add3A_333 : i32
          %get3A_335 = arith.index_cast %add3A_334 : i32 to index
          %get3A_336 = tpu.vector_load %arg18[%get3A_335] {strides = array<i32>} : memref<448xi32, #tpu.memory_space<vmem>>, vector<16xi32>,
          %get3A_337 = vector.shape_cast %get3A_336 : vector<16xi32> to vector<16xi32>
          %swap3A_338 = arith.constant 0 : i32
          %swap3A_339 = arith.index_cast %swap3A_338 : i32 to index
          %swap3A_340 = arith.constant 16 : index
          %swap3A_341 = tpu.vector_load %arg25[%swap3A_339, %swap3A_340] {strides = array<i32>} : memref<2x32xi32, #tpu.memory_space<vmem>>, vector<1x16xi32>,
          %swap3A_342 = vector.shape_cast %swap3A_341 : vector<1x16xi32> to vector<16xi32>
          %swap3A_343 = vector.shape_cast %get3A_337 : vector<16xi32> to vector<1x16xi32>
          tpu.vector_store %arg25[%swap3A_339, %swap3A_340], %swap3A_343 {strides = array<i32>} : memref<2x32xi32, #tpu.memory_space<vmem>>, vector<1x16xi32>,
          %mul3A_344 = arith.constant 32 : i32
          %mul3A_345 = arith.muli %add3A_317, %mul3A_344 : i32
          %dma_start3A_346 = arith.constant 0 : i32
          %dma_start3A_347 = arith.constant 0 : i32
          %dma_start3A_348 = arith.constant 0 : i32
          %dma_start3A_349 = tpu.memref_slice %arg26[%dma_start3A_346, %dma_start3A_347, %dma_start3A_348] : memref<2x32x1024xf32, #tpu.memory_space<vmem>> -> memref<1x32x1024xf32, #tpu.memory_space<vmem>>
          %dma_start3A_350 = tpu.memref_squeeze %dma_start3A_349 : memref<1x32x1024xf32, #tpu.memory_space<vmem>> -> memref<32x1024xf32, #tpu.memory_space<vmem>>
          %dma_start3A_351 = tpu.memref_slice %arg17[%mul3A_345] : memref<448xi32, #tpu.memory_space<vmem>> -> memref<32xi32, #tpu.memory_space<vmem>>
          %dma_start3A_352 = arith.constant 0 : i32
          %dma_start3A_353 = arith.constant 0 : i32
          %dma_start3A_354 = tpu.memref_slice %arg10[%dma_start3A_352, %dma_start3A_353] : memref<20000x1024xf32, #tpu.memory_space<hbm>> -> memref<20000x1024xf32, #tpu.memory_space<hbm>>
          tpu.enqueue_indirect_dma source(%dma_start3A_354 : memref<20000x1024xf32, #tpu.memory_space<hbm>>) target(%dma_start3A_350 : memref<32x1024xf32, #tpu.memory_space<vmem>>) offsets(%dma_start3A_351 : memref<32xi32, #tpu.memory_space<vmem>>) semaphore(%arg29 : memref<!tpu.dma_semaphore, #tpu.memory_space<semaphore_mem>>)
        } else {
        }
      } else {
      }
      %mul3A_267 = arith.constant 2 : i32
      %mul3A_268 = arith.muli %scan3A_259, %mul3A_267 : i32
      %add3A_269 = arith.constant 1 : i32
      %add3A_270 = arith.addi %mul3A_268, %add3A_269 : i32
      %lt3A_271 = arith.constant 14 : i32
      %lt3A_272 = arith.cmpi slt, %add3A_270, %lt3A_271 : i32
      %convert_element_type3A_273 = arith.extui %lt3A_272 : i1 to i32
      %cond3A_274 = arith.constant 0 : i32
      %cond3A_275 = arith.cmpi ne, %convert_element_type3A_273, %cond3A_274 : i32
      scf.if %cond3A_275 {
        %dma_wait3A_277 = arith.constant 1 : i32
        %dma_wait3A_278 = arith.constant 0 : i32
        %dma_wait3A_279 = arith.constant 0 : i32
        %dma_wait3A_280 = tpu.memref_slice %arg26[%dma_wait3A_277, %dma_wait3A_278, %dma_wait3A_279] : memref<2x32x1024xf32, #tpu.memory_space<vmem>> -> memref<1x32x1024xf32, #tpu.memory_space<vmem>>
        %dma_wait3A_281 = tpu.memref_squeeze %dma_wait3A_280 : memref<1x32x1024xf32, #tpu.memory_space<vmem>> -> memref<32x1024xf32, #tpu.memory_space<vmem>>
        %dma_wait3A_282 = arith.constant 0 : i32
        %dma_wait3A_283 = tpu.memref_slice %arg17[%dma_wait3A_282] : memref<448xi32, #tpu.memory_space<vmem>> -> memref<32xi32, #tpu.memory_space<vmem>>
        %dma_wait3A_284 = arith.constant 0 : i32
        %dma_wait3A_285 = arith.constant 0 : i32
        %dma_wait3A_286 = tpu.memref_slice %arg10[%dma_wait3A_284, %dma_wait3A_285] : memref<20000x1024xf32, #tpu.memory_space<hbm>> -> memref<20000x1024xf32, #tpu.memory_space<hbm>>
        tpu.wait_indirect_dma semaphore(%arg30 : memref<!tpu.dma_semaphore, #tpu.memory_space<semaphore_mem>>) src(%dma_wait3A_286 : memref<20000x1024xf32, #tpu.memory_space<hbm>>) dst(%dma_wait3A_281 : memref<32x1024xf32, #tpu.memory_space<vmem>>)
        %dma_start3A_287 = arith.constant 1 : i32
        %dma_start3A_288 = arith.constant 1 : i32
        %dma_start3A_289 = arith.constant 0 : i32
        %dma_start3A_290 = arith.constant 0 : i32
        %dma_start3A_291 = tpu.memref_slice %arg26[%dma_start3A_287, %dma_start3A_289, %dma_start3A_290] : memref<2x32x1024xf32, #tpu.memory_space<vmem>> -> memref<1x32x1024xf32, #tpu.memory_space<vmem>>
        %dma_start3A_292 = tpu.memref_squeeze %dma_start3A_291 : memref<1x32x1024xf32, #tpu.memory_space<vmem>> -> memref<32x1024xf32, #tpu.memory_space<vmem>>
        %dma_start3A_293 = arith.constant 0 : i32
        %dma_start3A_294 = tpu.memref_slice %arg25[%dma_start3A_288, %dma_start3A_293] : memref<2x32xi32, #tpu.memory_space<vmem>> -> memref<1x32xi32, #tpu.memory_space<vmem>>
        %dma_start3A_295 = tpu.memref_squeeze %dma_start3A_294 : memref<1x32xi32, #tpu.memory_space<vmem>> -> memref<32xi32, #tpu.memory_space<vmem>>
        %dma_start3A_296 = arith.constant 0 : i32
        %dma_start3A_297 = arith.constant 0 : i32
        %dma_start3A_298 = tpu.memref_slice %arg13[%dma_start3A_296, %dma_start3A_297] : memref<51208x1024xf32, #tpu.memory_space<hbm>> -> memref<51208x1024xf32, #tpu.memory_space<hbm>>
        tpu.enqueue_indirect_dma source(%dma_start3A_292 : memref<32x1024xf32, #tpu.memory_space<vmem>>) target(%dma_start3A_298 : memref<51208x1024xf32, #tpu.memory_space<hbm>>) offsets(%dma_start3A_295 : memref<32xi32, #tpu.memory_space<vmem>>) semaphore(%arg32 : memref<!tpu.dma_semaphore, #tpu.memory_space<semaphore_mem>>)
        %add3A_299 = arith.constant 2 : i32
        %add3A_300 = arith.addi %add3A_270, %add3A_299 : i32
        %lt3A_301 = arith.constant 14 : i32
        %lt3A_302 = arith.cmpi slt, %add3A_300, %lt3A_301 : i32
        %convert_element_type3A_303 = arith.extui %lt3A_302 : i1 to i32
        %cond3A_304 = arith.constant 0 : i32
        %cond3A_305 = arith.cmpi ne, %convert_element_type3A_303, %cond3A_304 : i32
        scf.if %cond3A_305 {
          %dma_wait3A_306 = arith.constant 1 : i32
          %dma_wait3A_307 = arith.constant 0 : i32
          %dma_wait3A_308 = arith.constant 0 : i32
          %dma_wait3A_309 = tpu.memref_slice %arg26[%dma_wait3A_306, %dma_wait3A_307, %dma_wait3A_308] : memref<2x32x1024xf32, #tpu.memory_space<vmem>> -> memref<1x32x1024xf32, #tpu.memory_space<vmem>>
          %dma_wait3A_310 = tpu.memref_squeeze %dma_wait3A_309 : memref<1x32x1024xf32, #tpu.memory_space<vmem>> -> memref<32x1024xf32, #tpu.memory_space<vmem>>
          %dma_wait3A_311 = arith.constant 0 : i32
          %dma_wait3A_312 = tpu.memref_slice %arg17[%dma_wait3A_311] : memref<448xi32, #tpu.memory_space<vmem>> -> memref<32xi32, #tpu.memory_space<vmem>>
          %dma_wait3A_313 = arith.constant 0 : i32
          %dma_wait3A_314 = arith.constant 0 : i32
          %dma_wait3A_315 = tpu.memref_slice %arg10[%dma_wait3A_313, %dma_wait3A_314] : memref<20000x1024xf32, #tpu.memory_space<hbm>> -> memref<20000x1024xf32, #tpu.memory_space<hbm>>
          tpu.wait_indirect_dma semaphore(%arg32 : memref<!tpu.dma_semaphore, #tpu.memory_space<semaphore_mem>>) src(%dma_wait3A_315 : memref<20000x1024xf32, #tpu.memory_space<hbm>>) dst(%dma_wait3A_310 : memref<32x1024xf32, #tpu.memory_space<vmem>>)
          %add3A_316 = arith.constant 2 : i32
          %add3A_317 = arith.addi %add3A_270, %add3A_316 : i32
          %mul3A_318 = arith.constant 32 : i32
          %mul3A_319 = arith.muli %add3A_317, %mul3A_318 : i32
          %add3A_320 = arith.constant 0 : i32
          %add3A_321 = arith.addi %mul3A_319, %add3A_320 : i32
          %get3A_322 = arith.index_cast %add3A_321 : i32 to index
          %get3A_323 = tpu.vector_load %arg18[%get3A_322] {strides = array<i32>} : memref<448xi32, #tpu.memory_space<vmem>>, vector<16xi32>,
          %get3A_324 = vector.shape_cast %get3A_323 : vector<16xi32> to vector<16xi32>
          %swap3A_325 = arith.constant 1 : i32
          %swap3A_326 = arith.index_cast %swap3A_325 : i32 to index
          %swap3A_327 = arith.constant 0 : index
          %swap3A_328 = tpu.vector_load %arg25[%swap3A_326, %swap3A_327] {strides = array<i32>} : memref<2x32xi32, #tpu.memory_space<vmem>>, vector<1x16xi32>,
          %swap3A_329 = vector.shape_cast %swap3A_328 : vector<1x16xi32> to vector<16xi32>
          %swap3A_330 = vector.shape_cast %get3A_324 : vector<16xi32> to vector<1x16xi32>
          tpu.vector_store %arg25[%swap3A_326, %swap3A_327], %swap3A_330 {strides = array<i32>} : memref<2x32xi32, #tpu.memory_space<vmem>>, vector<1x16xi32>,
          %mul3A_331 = arith.constant 32 : i32
          %mul3A_332 = arith.muli %add3A_317, %mul3A_331 : i32
          %add3A_333 = arith.constant 16 : i32
          %add3A_334 = arith.addi %mul3A_332, %add3A_333 : i32
          %get3A_335 = arith.index_cast %add3A_334 : i32 to index
          %get3A_336 = tpu.vector_load %arg18[%get3A_335] {strides = array<i32>} : memref<448xi32, #tpu.memory_space<vmem>>, vector<16xi32>,
          %get3A_337 = vector.shape_cast %get3A_336 : vector<16xi32> to vector<16xi32>
          %swap3A_338 = arith.constant 1 : i32
          %swap3A_339 = arith.index_cast %swap3A_338 : i32 to index
          %swap3A_340 = arith.constant 16 : index
          %swap3A_341 = tpu.vector_load %arg25[%swap3A_339, %swap3A_340] {strides = array<i32>} : memref<2x32xi32, #tpu.memory_space<vmem>>, vector<1x16xi32>,
          %swap3A_342 = vector.shape_cast %swap3A_341 : vector<1x16xi32> to vector<16xi32>
          %swap3A_343 = vector.shape_cast %get3A_337 : vector<16xi32> to vector<1x16xi32>
          tpu.vector_store %arg25[%swap3A_339, %swap3A_340], %swap3A_343 {strides = array<i32>} : memref<2x32xi32, #tpu.memory_space<vmem>>, vector<1x16xi32>,
          %mul3A_344 = arith.constant 32 : i32
          %mul3A_345 = arith.muli %add3A_317, %mul3A_344 : i32
          %dma_start3A_346 = arith.constant 1 : i32
          %dma_start3A_347 = arith.constant 0 : i32
          %dma_start3A_348 = arith.constant 0 : i32
          %dma_start3A_349 = tpu.memref_slice %arg26[%dma_start3A_346, %dma_start3A_347, %dma_start3A_348] : memref<2x32x1024xf32, #tpu.memory_space<vmem>> -> memref<1x32x1024xf32, #tpu.memory_space<vmem>>
          %dma_start3A_350 = tpu.memref_squeeze %dma_start3A_349 : memref<1x32x1024xf32, #tpu.memory_space<vmem>> -> memref<32x1024xf32, #tpu.memory_space<vmem>>
          %dma_start3A_351 = tpu.memref_slice %arg17[%mul3A_345] : memref<448xi32, #tpu.memory_space<vmem>> -> memref<32xi32, #tpu.memory_space<vmem>>
          %dma_start3A_352 = arith.constant 0 : i32
          %dma_start3A_353 = arith.constant 0 : i32
          %dma_start3A_354 = tpu.memref_slice %arg10[%dma_start3A_352, %dma_start3A_353] : memref<20000x1024xf32, #tpu.memory_space<hbm>> -> memref<20000x1024xf32, #tpu.memory_space<hbm>>
          tpu.enqueue_indirect_dma source(%dma_start3A_354 : memref<20000x1024xf32, #tpu.memory_space<hbm>>) target(%dma_start3A_350 : memref<32x1024xf32, #tpu.memory_space<vmem>>) offsets(%dma_start3A_351 : memref<32xi32, #tpu.memory_space<vmem>>) semaphore(%arg30 : memref<!tpu.dma_semaphore, #tpu.memory_space<semaphore_mem>>)
        } else {
        }
      } else {
      }
      %scan3A_276 = arith.constant 0 : i32
      scf.yield %scan3A_276 : i32
    }
    %scan3A_73 = arith.constant 7 : i32
    %dma_wait3A = arith.constant 0 : i32
    %dma_wait3A_74 = arith.constant 0 : i32
    %dma_wait3A_75 = arith.constant 0 : i32
    %dma_wait3A_76 = tpu.memref_slice %arg26[%dma_wait3A, %dma_wait3A_74, %dma_wait3A_75] : memref<2x32x1024xf32, #tpu.memory_space<vmem>> -> memref<1x32x1024xf32, #tpu.memory_space<vmem>>
    %dma_wait3A_77 = tpu.memref_squeeze %dma_wait3A_76 : memref<1x32x1024xf32, #tpu.memory_space<vmem>> -> memref<32x1024xf32, #tpu.memory_space<vmem>>
    %dma_wait3A_78 = arith.constant 0 : i32
    %dma_wait3A_79 = tpu.memref_slice %arg17[%dma_wait3A_78] : memref<448xi32, #tpu.memory_space<vmem>> -> memref<32xi32, #tpu.memory_space<vmem>>
    %dma_wait3A_80 = arith.constant 0 : i32
    %dma_wait3A_81 = arith.constant 0 : i32
    %dma_wait3A_82 = tpu.memref_slice %arg10[%dma_wait3A_80, %dma_wait3A_81] : memref<20000x1024xf32, #tpu.memory_space<hbm>> -> memref<20000x1024xf32, #tpu.memory_space<hbm>>
    tpu.wait_indirect_dma semaphore(%arg31 : memref<!tpu.dma_semaphore, #tpu.memory_space<semaphore_mem>>) src(%dma_wait3A_82 : memref<20000x1024xf32, #tpu.memory_space<hbm>>) dst(%dma_wait3A_77 : memref<32x1024xf32, #tpu.memory_space<vmem>>)
    %dma_wait3A_83 = arith.constant 1 : i32
    %dma_wait3A_84 = arith.constant 0 : i32
    %dma_wait3A_85 = arith.constant 0 : i32
    %dma_wait3A_86 = tpu.memref_slice %arg26[%dma_wait3A_83, %dma_wait3A_84, %dma_wait3A_85] : memref<2x32x1024xf32, #tpu.memory_space<vmem>> -> memref<1x32x1024xf32, #tpu.memory_space<vmem>>
    %dma_wait3A_87 = tpu.memref_squeeze %dma_wait3A_86 : memref<1x32x1024xf32, #tpu.memory_space<vmem>> -> memref<32x1024xf32, #tpu.memory_space<vmem>>
    %dma_wait3A_88 = arith.constant 0 : i32
    %dma_wait3A_89 = tpu.memref_slice %arg17[%dma_wait3A_88] : memref<448xi32, #tpu.memory_space<vmem>> -> memref<32xi32, #tpu.memory_space<vmem>>
    %dma_wait3A_90 = arith.constant 0 : i32
    %dma_wait3A_91 = arith.constant 0 : i32
    %dma_wait3A_92 = tpu.memref_slice %arg10[%dma_wait3A_90, %dma_wait3A_91] : memref<20000x1024xf32, #tpu.memory_space<hbm>> -> memref<20000x1024xf32, #tpu.memory_space<hbm>>
    tpu.wait_indirect_dma semaphore(%arg32 : memref<!tpu.dma_semaphore, #tpu.memory_space<semaphore_mem>>) src(%dma_wait3A_92 : memref<20000x1024xf32, #tpu.memory_space<hbm>>) dst(%dma_wait3A_87 : memref<32x1024xf32, #tpu.memory_space<vmem>>)
    %get3A_93 = arith.constant 0 : index
    %get3A_94 = tpu.vector_load %arg20[%get3A_93] {strides = array<i32>} : memref<768xi32, #tpu.memory_space<vmem>>, vector<16xi32>,
    %get3A_95 = vector.shape_cast %get3A_94 : vector<16xi32> to vector<16xi32>
    %swap3A_96 = arith.constant 0 : i32
    %swap3A_97 = arith.index_cast %swap3A_96 : i32 to index
    %swap3A_98 = arith.constant 0 : index
    %swap3A_99 = tpu.vector_load %arg25[%swap3A_97, %swap3A_98] {strides = array<i32>} : memref<2x32xi32, #tpu.memory_space<vmem>>, vector<1x16xi32>,
    %swap3A_100 = vector.shape_cast %swap3A_99 : vector<1x16xi32> to vector<16xi32>
    %swap3A_101 = vector.shape_cast %get3A_95 : vector<16xi32> to vector<1x16xi32>
    tpu.vector_store %arg25[%swap3A_97, %swap3A_98], %swap3A_101 {strides = array<i32>} : memref<2x32xi32, #tpu.memory_space<vmem>>, vector<1x16xi32>,
    %get3A_102 = arith.constant 16 : index
    %get3A_103 = tpu.vector_load %arg20[%get3A_102] {strides = array<i32>} : memref<768xi32, #tpu.memory_space<vmem>>, vector<16xi32>,
    %get3A_104 = vector.shape_cast %get3A_103 : vector<16xi32> to vector<16xi32>
    %swap3A_105 = arith.constant 0 : i32
    %swap3A_106 = arith.index_cast %swap3A_105 : i32 to index
    %swap3A_107 = arith.constant 16 : index
    %swap3A_108 = tpu.vector_load %arg25[%swap3A_106, %swap3A_107] {strides = array<i32>} : memref<2x32xi32, #tpu.memory_space<vmem>>, vector<1x16xi32>,
    %swap3A_109 = vector.shape_cast %swap3A_108 : vector<1x16xi32> to vector<16xi32>
    %swap3A_110 = vector.shape_cast %get3A_104 : vector<16xi32> to vector<1x16xi32>
    tpu.vector_store %arg25[%swap3A_106, %swap3A_107], %swap3A_110 {strides = array<i32>} : memref<2x32xi32, #tpu.memory_space<vmem>>, vector<1x16xi32>,
    %dma_start3A_111 = arith.constant 0 : i32
    %dma_start3A_112 = arith.constant 0 : i32
    %dma_start3A_113 = arith.constant 0 : i32
    %dma_start3A_114 = tpu.memref_slice %arg27[%dma_start3A_111, %dma_start3A_112, %dma_start3A_113] : memref<2x32x256xf32, #tpu.memory_space<vmem>> -> memref<1x32x256xf32, #tpu.memory_space<vmem>>
    %dma_start3A_115 = tpu.memref_squeeze %dma_start3A_114 : memref<1x32x256xf32, #tpu.memory_space<vmem>> -> memref<32x256xf32, #tpu.memory_space<vmem>>
    %dma_start3A_116 = arith.constant 0 : i32
    %dma_start3A_117 = tpu.memref_slice %arg19[%dma_start3A_116] : memref<768xi32, #tpu.memory_space<vmem>> -> memref<32xi32, #tpu.memory_space<vmem>>
    %dma_start3A_118 = arith.constant 0 : i32
    %dma_start3A_119 = arith.constant 0 : i32
    %dma_start3A_120 = tpu.memref_slice %arg11[%dma_start3A_118, %dma_start3A_119] : memref<40000x256xf32, #tpu.memory_space<hbm>> -> memref<40000x256xf32, #tpu.memory_space<hbm>>
    tpu.enqueue_indirect_dma source(%dma_start3A_120 : memref<40000x256xf32, #tpu.memory_space<hbm>>) target(%dma_start3A_115 : memref<32x256xf32, #tpu.memory_space<vmem>>) offsets(%dma_start3A_117 : memref<32xi32, #tpu.memory_space<vmem>>) semaphore(%arg29 : memref<!tpu.dma_semaphore, #tpu.memory_space<semaphore_mem>>)
    %get3A_121 = arith.constant 32 : index
    %get3A_122 = tpu.vector_load %arg20[%get3A_121] {strides = array<i32>} : memref<768xi32, #tpu.memory_space<vmem>>, vector<16xi32>,
    %get3A_123 = vector.shape_cast %get3A_122 : vector<16xi32> to vector<16xi32>
    %swap3A_124 = arith.constant 1 : i32
    %swap3A_125 = arith.index_cast %swap3A_124 : i32 to index
    %swap3A_126 = arith.constant 0 : index
    %swap3A_127 = tpu.vector_load %arg25[%swap3A_125, %swap3A_126] {strides = array<i32>} : memref<2x32xi32, #tpu.memory_space<vmem>>, vector<1x16xi32>,
    %swap3A_128 = vector.shape_cast %swap3A_127 : vector<1x16xi32> to vector<16xi32>
    %swap3A_129 = vector.shape_cast %get3A_123 : vector<16xi32> to vector<1x16xi32>
    tpu.vector_store %arg25[%swap3A_125, %swap3A_126], %swap3A_129 {strides = array<i32>} : memref<2x32xi32, #tpu.memory_space<vmem>>, vector<1x16xi32>,
    %get3A_130 = arith.constant 48 : index
    %get3A_131 = tpu.vector_load %arg20[%get3A_130] {strides = array<i32>} : memref<768xi32, #tpu.memory_space<vmem>>, vector<16xi32>,
    %get3A_132 = vector.shape_cast %get3A_131 : vector<16xi32> to vector<16xi32>
    %swap3A_133 = arith.constant 1 : i32
    %swap3A_134 = arith.index_cast %swap3A_133 : i32 to index
    %swap3A_135 = arith.constant 16 : index
    %swap3A_136 = tpu.vector_load %arg25[%swap3A_134, %swap3A_135] {strides = array<i32>} : memref<2x32xi32, #tpu.memory_space<vmem>>, vector<1x16xi32>,
    %swap3A_137 = vector.shape_cast %swap3A_136 : vector<1x16xi32> to vector<16xi32>
    %swap3A_138 = vector.shape_cast %get3A_132 : vector<16xi32> to vector<1x16xi32>
    tpu.vector_store %arg25[%swap3A_134, %swap3A_135], %swap3A_138 {strides = array<i32>} : memref<2x32xi32, #tpu.memory_space<vmem>>, vector<1x16xi32>,
    %dma_start3A_139 = arith.constant 1 : i32
    %dma_start3A_140 = arith.constant 0 : i32
    %dma_start3A_141 = arith.constant 0 : i32
    %dma_start3A_142 = tpu.memref_slice %arg27[%dma_start3A_139, %dma_start3A_140, %dma_start3A_141] : memref<2x32x256xf32, #tpu.memory_space<vmem>> -> memref<1x32x256xf32, #tpu.memory_space<vmem>>
    %dma_start3A_143 = tpu.memref_squeeze %dma_start3A_142 : memref<1x32x256xf32, #tpu.memory_space<vmem>> -> memref<32x256xf32, #tpu.memory_space<vmem>>
    %dma_start3A_144 = arith.constant 32 : i32
    %dma_start3A_145 = tpu.memref_slice %arg19[%dma_start3A_144] : memref<768xi32, #tpu.memory_space<vmem>> -> memref<32xi32, #tpu.memory_space<vmem>>
    %dma_start3A_146 = arith.constant 0 : i32
    %dma_start3A_147 = arith.constant 0 : i32
    %dma_start3A_148 = tpu.memref_slice %arg11[%dma_start3A_146, %dma_start3A_147] : memref<40000x256xf32, #tpu.memory_space<hbm>> -> memref<40000x256xf32, #tpu.memory_space<hbm>>
    tpu.enqueue_indirect_dma source(%dma_start3A_148 : memref<40000x256xf32, #tpu.memory_space<hbm>>) target(%dma_start3A_143 : memref<32x256xf32, #tpu.memory_space<vmem>>) offsets(%dma_start3A_145 : memref<32xi32, #tpu.memory_space<vmem>>) semaphore(%arg30 : memref<!tpu.dma_semaphore, #tpu.memory_space<semaphore_mem>>)
    %scan3A_149 = arith.constant 0 : i32
    %scan3A_150 = arith.constant 0 : i32
    %scan3A_151 = arith.constant 12 : i32
    %scan3A_152 = arith.addi %scan3A_150, %scan3A_151 : i32
    %scan3A_153 = arith.constant 1 : i32
    %scan3A_154 = scf.for %scan3A_259 = %scan3A_150 to %scan3A_152 step %scan3A_153 iter_args(%scan3A_260 = %scan3A_149) -> (i32)  : i32 {
      %mul3A_261 = arith.constant 2 : i32
      %mul3A_262 = arith.muli %scan3A_259, %mul3A_261 : i32
      %add3A_263 = arith.constant 0 : i32
      %add3A_264 = arith.addi %mul3A_262, %add3A_263 : i32
      %lt3A = arith.constant 24 : i32
      %lt3A_265 = arith.cmpi slt, %add3A_264, %lt3A : i32
      %convert_element_type3A = arith.extui %lt3A_265 : i1 to i32
      %cond3A = arith.constant 0 : i32
      %cond3A_266 = arith.cmpi ne, %convert_element_type3A, %cond3A : i32
      scf.if %cond3A_266 {
        %dma_wait3A_277 = arith.constant 0 : i32
        %dma_wait3A_278 = arith.constant 0 : i32
        %dma_wait3A_279 = arith.constant 0 : i32
        %dma_wait3A_280 = tpu.memref_slice %arg27[%dma_wait3A_277, %dma_wait3A_278, %dma_wait3A_279] : memref<2x32x256xf32, #tpu.memory_space<vmem>> -> memref<1x32x256xf32, #tpu.memory_space<vmem>>
        %dma_wait3A_281 = tpu.memref_squeeze %dma_wait3A_280 : memref<1x32x256xf32, #tpu.memory_space<vmem>> -> memref<32x256xf32, #tpu.memory_space<vmem>>
        %dma_wait3A_282 = arith.constant 0 : i32
        %dma_wait3A_283 = tpu.memref_slice %arg19[%dma_wait3A_282] : memref<768xi32, #tpu.memory_space<vmem>> -> memref<32xi32, #tpu.memory_space<vmem>>
        %dma_wait3A_284 = arith.constant 0 : i32
        %dma_wait3A_285 = arith.constant 0 : i32
        %dma_wait3A_286 = tpu.memref_slice %arg11[%dma_wait3A_284, %dma_wait3A_285] : memref<40000x256xf32, #tpu.memory_space<hbm>> -> memref<40000x256xf32, #tpu.memory_space<hbm>>
        tpu.wait_indirect_dma semaphore(%arg29 : memref<!tpu.dma_semaphore, #tpu.memory_space<semaphore_mem>>) src(%dma_wait3A_286 : memref<40000x256xf32, #tpu.memory_space<hbm>>) dst(%dma_wait3A_281 : memref<32x256xf32, #tpu.memory_space<vmem>>)
        %dma_start3A_287 = arith.constant 0 : i32
        %dma_start3A_288 = arith.constant 0 : i32
        %dma_start3A_289 = arith.constant 0 : i32
        %dma_start3A_290 = arith.constant 0 : i32
        %dma_start3A_291 = tpu.memref_slice %arg27[%dma_start3A_287, %dma_start3A_289, %dma_start3A_290] : memref<2x32x256xf32, #tpu.memory_space<vmem>> -> memref<1x32x256xf32, #tpu.memory_space<vmem>>
        %dma_start3A_292 = tpu.memref_squeeze %dma_start3A_291 : memref<1x32x256xf32, #tpu.memory_space<vmem>> -> memref<32x256xf32, #tpu.memory_space<vmem>>
        %dma_start3A_293 = arith.constant 0 : i32
        %dma_start3A_294 = tpu.memref_slice %arg25[%dma_start3A_288, %dma_start3A_293] : memref<2x32xi32, #tpu.memory_space<vmem>> -> memref<1x32xi32, #tpu.memory_space<vmem>>
        %dma_start3A_295 = tpu.memref_squeeze %dma_start3A_294 : memref<1x32xi32, #tpu.memory_space<vmem>> -> memref<32xi32, #tpu.memory_space<vmem>>
        %dma_start3A_296 = arith.constant 0 : i32
        %dma_start3A_297 = arith.constant 0 : i32
        %dma_start3A_298 = tpu.memref_slice %arg14[%dma_start3A_296, %dma_start3A_297] : memref<51208x256xf32, #tpu.memory_space<hbm>> -> memref<51208x256xf32, #tpu.memory_space<hbm>>
        tpu.enqueue_indirect_dma source(%dma_start3A_292 : memref<32x256xf32, #tpu.memory_space<vmem>>) target(%dma_start3A_298 : memref<51208x256xf32, #tpu.memory_space<hbm>>) offsets(%dma_start3A_295 : memref<32xi32, #tpu.memory_space<vmem>>) semaphore(%arg31 : memref<!tpu.dma_semaphore, #tpu.memory_space<semaphore_mem>>)
        %add3A_299 = arith.constant 2 : i32
        %add3A_300 = arith.addi %add3A_264, %add3A_299 : i32
        %lt3A_301 = arith.constant 24 : i32
        %lt3A_302 = arith.cmpi slt, %add3A_300, %lt3A_301 : i32
        %convert_element_type3A_303 = arith.extui %lt3A_302 : i1 to i32
        %cond3A_304 = arith.constant 0 : i32
        %cond3A_305 = arith.cmpi ne, %convert_element_type3A_303, %cond3A_304 : i32
        scf.if %cond3A_305 {
          %dma_wait3A_306 = arith.constant 0 : i32
          %dma_wait3A_307 = arith.constant 0 : i32
          %dma_wait3A_308 = arith.constant 0 : i32
          %dma_wait3A_309 = tpu.memref_slice %arg27[%dma_wait3A_306, %dma_wait3A_307, %dma_wait3A_308] : memref<2x32x256xf32, #tpu.memory_space<vmem>> -> memref<1x32x256xf32, #tpu.memory_space<vmem>>
          %dma_wait3A_310 = tpu.memref_squeeze %dma_wait3A_309 : memref<1x32x256xf32, #tpu.memory_space<vmem>> -> memref<32x256xf32, #tpu.memory_space<vmem>>
          %dma_wait3A_311 = arith.constant 0 : i32
          %dma_wait3A_312 = tpu.memref_slice %arg19[%dma_wait3A_311] : memref<768xi32, #tpu.memory_space<vmem>> -> memref<32xi32, #tpu.memory_space<vmem>>
          %dma_wait3A_313 = arith.constant 0 : i32
          %dma_wait3A_314 = arith.constant 0 : i32
          %dma_wait3A_315 = tpu.memref_slice %arg11[%dma_wait3A_313, %dma_wait3A_314] : memref<40000x256xf32, #tpu.memory_space<hbm>> -> memref<40000x256xf32, #tpu.memory_space<hbm>>
          tpu.wait_indirect_dma semaphore(%arg31 : memref<!tpu.dma_semaphore, #tpu.memory_space<semaphore_mem>>) src(%dma_wait3A_315 : memref<40000x256xf32, #tpu.memory_space<hbm>>) dst(%dma_wait3A_310 : memref<32x256xf32, #tpu.memory_space<vmem>>)
          %add3A_316 = arith.constant 2 : i32
          %add3A_317 = arith.addi %add3A_264, %add3A_316 : i32
          %mul3A_318 = arith.constant 32 : i32
          %mul3A_319 = arith.muli %add3A_317, %mul3A_318 : i32
          %add3A_320 = arith.constant 0 : i32
          %add3A_321 = arith.addi %mul3A_319, %add3A_320 : i32
          %get3A_322 = arith.index_cast %add3A_321 : i32 to index
          %get3A_323 = tpu.vector_load %arg20[%get3A_322] {strides = array<i32>} : memref<768xi32, #tpu.memory_space<vmem>>, vector<16xi32>,
          %get3A_324 = vector.shape_cast %get3A_323 : vector<16xi32> to vector<16xi32>
          %swap3A_325 = arith.constant 0 : i32
          %swap3A_326 = arith.index_cast %swap3A_325 : i32 to index
          %swap3A_327 = arith.constant 0 : index
          %swap3A_328 = tpu.vector_load %arg25[%swap3A_326, %swap3A_327] {strides = array<i32>} : memref<2x32xi32, #tpu.memory_space<vmem>>, vector<1x16xi32>,
          %swap3A_329 = vector.shape_cast %swap3A_328 : vector<1x16xi32> to vector<16xi32>
          %swap3A_330 = vector.shape_cast %get3A_324 : vector<16xi32> to vector<1x16xi32>
          tpu.vector_store %arg25[%swap3A_326, %swap3A_327], %swap3A_330 {strides = array<i32>} : memref<2x32xi32, #tpu.memory_space<vmem>>, vector<1x16xi32>,
          %mul3A_331 = arith.constant 32 : i32
          %mul3A_332 = arith.muli %add3A_317, %mul3A_331 : i32
          %add3A_333 = arith.constant 16 : i32
          %add3A_334 = arith.addi %mul3A_332, %add3A_333 : i32
          %get3A_335 = arith.index_cast %add3A_334 : i32 to index
          %get3A_336 = tpu.vector_load %arg20[%get3A_335] {strides = array<i32>} : memref<768xi32, #tpu.memory_space<vmem>>, vector<16xi32>,
          %get3A_337 = vector.shape_cast %get3A_336 : vector<16xi32> to vector<16xi32>
          %swap3A_338 = arith.constant 0 : i32
          %swap3A_339 = arith.index_cast %swap3A_338 : i32 to index
          %swap3A_340 = arith.constant 16 : index
          %swap3A_341 = tpu.vector_load %arg25[%swap3A_339, %swap3A_340] {strides = array<i32>} : memref<2x32xi32, #tpu.memory_space<vmem>>, vector<1x16xi32>,
          %swap3A_342 = vector.shape_cast %swap3A_341 : vector<1x16xi32> to vector<16xi32>
          %swap3A_343 = vector.shape_cast %get3A_337 : vector<16xi32> to vector<1x16xi32>
          tpu.vector_store %arg25[%swap3A_339, %swap3A_340], %swap3A_343 {strides = array<i32>} : memref<2x32xi32, #tpu.memory_space<vmem>>, vector<1x16xi32>,
          %mul3A_344 = arith.constant 32 : i32
          %mul3A_345 = arith.muli %add3A_317, %mul3A_344 : i32
          %dma_start3A_346 = arith.constant 0 : i32
          %dma_start3A_347 = arith.constant 0 : i32
          %dma_start3A_348 = arith.constant 0 : i32
          %dma_start3A_349 = tpu.memref_slice %arg27[%dma_start3A_346, %dma_start3A_347, %dma_start3A_348] : memref<2x32x256xf32, #tpu.memory_space<vmem>> -> memref<1x32x256xf32, #tpu.memory_space<vmem>>
          %dma_start3A_350 = tpu.memref_squeeze %dma_start3A_349 : memref<1x32x256xf32, #tpu.memory_space<vmem>> -> memref<32x256xf32, #tpu.memory_space<vmem>>
          %dma_start3A_351 = tpu.memref_slice %arg19[%mul3A_345] : memref<768xi32, #tpu.memory_space<vmem>> -> memref<32xi32, #tpu.memory_space<vmem>>
          %dma_start3A_352 = arith.constant 0 : i32
          %dma_start3A_353 = arith.constant 0 : i32
          %dma_start3A_354 = tpu.memref_slice %arg11[%dma_start3A_352, %dma_start3A_353] : memref<40000x256xf32, #tpu.memory_space<hbm>> -> memref<40000x256xf32, #tpu.memory_space<hbm>>
          tpu.enqueue_indirect_dma source(%dma_start3A_354 : memref<40000x256xf32, #tpu.memory_space<hbm>>) target(%dma_start3A_350 : memref<32x256xf32, #tpu.memory_space<vmem>>) offsets(%dma_start3A_351 : memref<32xi32, #tpu.memory_space<vmem>>) semaphore(%arg29 : memref<!tpu.dma_semaphore, #tpu.memory_space<semaphore_mem>>)
        } else {
        }
      } else {
      }
      %mul3A_267 = arith.constant 2 : i32
      %mul3A_268 = arith.muli %scan3A_259, %mul3A_267 : i32
      %add3A_269 = arith.constant 1 : i32
      %add3A_270 = arith.addi %mul3A_268, %add3A_269 : i32
      %lt3A_271 = arith.constant 24 : i32
      %lt3A_272 = arith.cmpi slt, %add3A_270, %lt3A_271 : i32
      %convert_element_type3A_273 = arith.extui %lt3A_272 : i1 to i32
      %cond3A_274 = arith.constant 0 : i32
      %cond3A_275 = arith.cmpi ne, %convert_element_type3A_273, %cond3A_274 : i32
      scf.if %cond3A_275 {
        %dma_wait3A_277 = arith.constant 1 : i32
        %dma_wait3A_278 = arith.constant 0 : i32
        %dma_wait3A_279 = arith.constant 0 : i32
        %dma_wait3A_280 = tpu.memref_slice %arg27[%dma_wait3A_277, %dma_wait3A_278, %dma_wait3A_279] : memref<2x32x256xf32, #tpu.memory_space<vmem>> -> memref<1x32x256xf32, #tpu.memory_space<vmem>>
        %dma_wait3A_281 = tpu.memref_squeeze %dma_wait3A_280 : memref<1x32x256xf32, #tpu.memory_space<vmem>> -> memref<32x256xf32, #tpu.memory_space<vmem>>
        %dma_wait3A_282 = arith.constant 0 : i32
        %dma_wait3A_283 = tpu.memref_slice %arg19[%dma_wait3A_282] : memref<768xi32, #tpu.memory_space<vmem>> -> memref<32xi32, #tpu.memory_space<vmem>>
        %dma_wait3A_284 = arith.constant 0 : i32
        %dma_wait3A_285 = arith.constant 0 : i32
        %dma_wait3A_286 = tpu.memref_slice %arg11[%dma_wait3A_284, %dma_wait3A_285] : memref<40000x256xf32, #tpu.memory_space<hbm>> -> memref<40000x256xf32, #tpu.memory_space<hbm>>
        tpu.wait_indirect_dma semaphore(%arg30 : memref<!tpu.dma_semaphore, #tpu.memory_space<semaphore_mem>>) src(%dma_wait3A_286 : memref<40000x256xf32, #tpu.memory_space<hbm>>) dst(%dma_wait3A_281 : memref<32x256xf32, #tpu.memory_space<vmem>>)
        %dma_start3A_287 = arith.constant 1 : i32
        %dma_start3A_288 = arith.constant 1 : i32
        %dma_start3A_289 = arith.constant 0 : i32
        %dma_start3A_290 = arith.constant 0 : i32
        %dma_start3A_291 = tpu.memref_slice %arg27[%dma_start3A_287, %dma_start3A_289, %dma_start3A_290] : memref<2x32x256xf32, #tpu.memory_space<vmem>> -> memref<1x32x256xf32, #tpu.memory_space<vmem>>
        %dma_start3A_292 = tpu.memref_squeeze %dma_start3A_291 : memref<1x32x256xf32, #tpu.memory_space<vmem>> -> memref<32x256xf32, #tpu.memory_space<vmem>>
        %dma_start3A_293 = arith.constant 0 : i32
        %dma_start3A_294 = tpu.memref_slice %arg25[%dma_start3A_288, %dma_start3A_293] : memref<2x32xi32, #tpu.memory_space<vmem>> -> memref<1x32xi32, #tpu.memory_space<vmem>>
        %dma_start3A_295 = tpu.memref_squeeze %dma_start3A_294 : memref<1x32xi32, #tpu.memory_space<vmem>> -> memref<32xi32, #tpu.memory_space<vmem>>
        %dma_start3A_296 = arith.constant 0 : i32
        %dma_start3A_297 = arith.constant 0 : i32
        %dma_start3A_298 = tpu.memref_slice %arg14[%dma_start3A_296, %dma_start3A_297] : memref<51208x256xf32, #tpu.memory_space<hbm>> -> memref<51208x256xf32, #tpu.memory_space<hbm>>
        tpu.enqueue_indirect_dma source(%dma_start3A_292 : memref<32x256xf32, #tpu.memory_space<vmem>>) target(%dma_start3A_298 : memref<51208x256xf32, #tpu.memory_space<hbm>>) offsets(%dma_start3A_295 : memref<32xi32, #tpu.memory_space<vmem>>) semaphore(%arg32 : memref<!tpu.dma_semaphore, #tpu.memory_space<semaphore_mem>>)
        %add3A_299 = arith.constant 2 : i32
        %add3A_300 = arith.addi %add3A_270, %add3A_299 : i32
        %lt3A_301 = arith.constant 24 : i32
        %lt3A_302 = arith.cmpi slt, %add3A_300, %lt3A_301 : i32
        %convert_element_type3A_303 = arith.extui %lt3A_302 : i1 to i32
        %cond3A_304 = arith.constant 0 : i32
        %cond3A_305 = arith.cmpi ne, %convert_element_type3A_303, %cond3A_304 : i32
        scf.if %cond3A_305 {
          %dma_wait3A_306 = arith.constant 1 : i32
          %dma_wait3A_307 = arith.constant 0 : i32
          %dma_wait3A_308 = arith.constant 0 : i32
          %dma_wait3A_309 = tpu.memref_slice %arg27[%dma_wait3A_306, %dma_wait3A_307, %dma_wait3A_308] : memref<2x32x256xf32, #tpu.memory_space<vmem>> -> memref<1x32x256xf32, #tpu.memory_space<vmem>>
          %dma_wait3A_310 = tpu.memref_squeeze %dma_wait3A_309 : memref<1x32x256xf32, #tpu.memory_space<vmem>> -> memref<32x256xf32, #tpu.memory_space<vmem>>
          %dma_wait3A_311 = arith.constant 0 : i32
          %dma_wait3A_312 = tpu.memref_slice %arg19[%dma_wait3A_311] : memref<768xi32, #tpu.memory_space<vmem>> -> memref<32xi32, #tpu.memory_space<vmem>>
          %dma_wait3A_313 = arith.constant 0 : i32
          %dma_wait3A_314 = arith.constant 0 : i32
          %dma_wait3A_315 = tpu.memref_slice %arg11[%dma_wait3A_313, %dma_wait3A_314] : memref<40000x256xf32, #tpu.memory_space<hbm>> -> memref<40000x256xf32, #tpu.memory_space<hbm>>
          tpu.wait_indirect_dma semaphore(%arg32 : memref<!tpu.dma_semaphore, #tpu.memory_space<semaphore_mem>>) src(%dma_wait3A_315 : memref<40000x256xf32, #tpu.memory_space<hbm>>) dst(%dma_wait3A_310 : memref<32x256xf32, #tpu.memory_space<vmem>>)
          %add3A_316 = arith.constant 2 : i32
          %add3A_317 = arith.addi %add3A_270, %add3A_316 : i32
          %mul3A_318 = arith.constant 32 : i32
          %mul3A_319 = arith.muli %add3A_317, %mul3A_318 : i32
          %add3A_320 = arith.constant 0 : i32
          %add3A_321 = arith.addi %mul3A_319, %add3A_320 : i32
          %get3A_322 = arith.index_cast %add3A_321 : i32 to index
          %get3A_323 = tpu.vector_load %arg20[%get3A_322] {strides = array<i32>} : memref<768xi32, #tpu.memory_space<vmem>>, vector<16xi32>,
          %get3A_324 = vector.shape_cast %get3A_323 : vector<16xi32> to vector<16xi32>
          %swap3A_325 = arith.constant 1 : i32
          %swap3A_326 = arith.index_cast %swap3A_325 : i32 to index
          %swap3A_327 = arith.constant 0 : index
          %swap3A_328 = tpu.vector_load %arg25[%swap3A_326, %swap3A_327] {strides = array<i32>} : memref<2x32xi32, #tpu.memory_space<vmem>>, vector<1x16xi32>,
          %swap3A_329 = vector.shape_cast %swap3A_328 : vector<1x16xi32> to vector<16xi32>
          %swap3A_330 = vector.shape_cast %get3A_324 : vector<16xi32> to vector<1x16xi32>
          tpu.vector_store %arg25[%swap3A_326, %swap3A_327], %swap3A_330 {strides = array<i32>} : memref<2x32xi32, #tpu.memory_space<vmem>>, vector<1x16xi32>,
          %mul3A_331 = arith.constant 32 : i32
          %mul3A_332 = arith.muli %add3A_317, %mul3A_331 : i32
          %add3A_333 = arith.constant 16 : i32
          %add3A_334 = arith.addi %mul3A_332, %add3A_333 : i32
          %get3A_335 = arith.index_cast %add3A_334 : i32 to index
          %get3A_336 = tpu.vector_load %arg20[%get3A_335] {strides = array<i32>} : memref<768xi32, #tpu.memory_space<vmem>>, vector<16xi32>,
          %get3A_337 = vector.shape_cast %get3A_336 : vector<16xi32> to vector<16xi32>
          %swap3A_338 = arith.constant 1 : i32
          %swap3A_339 = arith.index_cast %swap3A_338 : i32 to index
          %swap3A_340 = arith.constant 16 : index
          %swap3A_341 = tpu.vector_load %arg25[%swap3A_339, %swap3A_340] {strides = array<i32>} : memref<2x32xi32, #tpu.memory_space<vmem>>, vector<1x16xi32>,
          %swap3A_342 = vector.shape_cast %swap3A_341 : vector<1x16xi32> to vector<16xi32>
          %swap3A_343 = vector.shape_cast %get3A_337 : vector<16xi32> to vector<1x16xi32>
          tpu.vector_store %arg25[%swap3A_339, %swap3A_340], %swap3A_343 {strides = array<i32>} : memref<2x32xi32, #tpu.memory_space<vmem>>, vector<1x16xi32>,
          %mul3A_344 = arith.constant 32 : i32
          %mul3A_345 = arith.muli %add3A_317, %mul3A_344 : i32
          %dma_start3A_346 = arith.constant 1 : i32
          %dma_start3A_347 = arith.constant 0 : i32
          %dma_start3A_348 = arith.constant 0 : i32
          %dma_start3A_349 = tpu.memref_slice %arg27[%dma_start3A_346, %dma_start3A_347, %dma_start3A_348] : memref<2x32x256xf32, #tpu.memory_space<vmem>> -> memref<1x32x256xf32, #tpu.memory_space<vmem>>
          %dma_start3A_350 = tpu.memref_squeeze %dma_start3A_349 : memref<1x32x256xf32, #tpu.memory_space<vmem>> -> memref<32x256xf32, #tpu.memory_space<vmem>>
          %dma_start3A_351 = tpu.memref_slice %arg19[%mul3A_345] : memref<768xi32, #tpu.memory_space<vmem>> -> memref<32xi32, #tpu.memory_space<vmem>>
          %dma_start3A_352 = arith.constant 0 : i32
          %dma_start3A_353 = arith.constant 0 : i32
          %dma_start3A_354 = tpu.memref_slice %arg11[%dma_start3A_352, %dma_start3A_353] : memref<40000x256xf32, #tpu.memory_space<hbm>> -> memref<40000x256xf32, #tpu.memory_space<hbm>>
          tpu.enqueue_indirect_dma source(%dma_start3A_354 : memref<40000x256xf32, #tpu.memory_space<hbm>>) target(%dma_start3A_350 : memref<32x256xf32, #tpu.memory_space<vmem>>) offsets(%dma_start3A_351 : memref<32xi32, #tpu.memory_space<vmem>>) semaphore(%arg30 : memref<!tpu.dma_semaphore, #tpu.memory_space<semaphore_mem>>)
        } else {
        }
      } else {
      }
      %scan3A_276 = arith.constant 0 : i32
      scf.yield %scan3A_276 : i32
    }
    %scan3A_155 = arith.constant 12 : i32
    %dma_wait3A_156 = arith.constant 0 : i32
    %dma_wait3A_157 = arith.constant 0 : i32
    %dma_wait3A_158 = arith.constant 0 : i32
    %dma_wait3A_159 = tpu.memref_slice %arg27[%dma_wait3A_156, %dma_wait3A_157, %dma_wait3A_158] : memref<2x32x256xf32, #tpu.memory_space<vmem>> -> memref<1x32x256xf32, #tpu.memory_space<vmem>>
    %dma_wait3A_160 = tpu.memref_squeeze %dma_wait3A_159 : memref<1x32x256xf32, #tpu.memory_space<vmem>> -> memref<32x256xf32, #tpu.memory_space<vmem>>
    %dma_wait3A_161 = arith.constant 0 : i32
    %dma_wait3A_162 = tpu.memref_slice %arg19[%dma_wait3A_161] : memref<768xi32, #tpu.memory_space<vmem>> -> memref<32xi32, #tpu.memory_space<vmem>>
    %dma_wait3A_163 = arith.constant 0 : i32
    %dma_wait3A_164 = arith.constant 0 : i32
    %dma_wait3A_165 = tpu.memref_slice %arg11[%dma_wait3A_163, %dma_wait3A_164] : memref<40000x256xf32, #tpu.memory_space<hbm>> -> memref<40000x256xf32, #tpu.memory_space<hbm>>
    tpu.wait_indirect_dma semaphore(%arg31 : memref<!tpu.dma_semaphore, #tpu.memory_space<semaphore_mem>>) src(%dma_wait3A_165 : memref<40000x256xf32, #tpu.memory_space<hbm>>) dst(%dma_wait3A_160 : memref<32x256xf32, #tpu.memory_space<vmem>>)
    %dma_wait3A_166 = arith.constant 1 : i32
    %dma_wait3A_167 = arith.constant 0 : i32
    %dma_wait3A_168 = arith.constant 0 : i32
    %dma_wait3A_169 = tpu.memref_slice %arg27[%dma_wait3A_166, %dma_wait3A_167, %dma_wait3A_168] : memref<2x32x256xf32, #tpu.memory_space<vmem>> -> memref<1x32x256xf32, #tpu.memory_space<vmem>>
    %dma_wait3A_170 = tpu.memref_squeeze %dma_wait3A_169 : memref<1x32x256xf32, #tpu.memory_space<vmem>> -> memref<32x256xf32, #tpu.memory_space<vmem>>
    %dma_wait3A_171 = arith.constant 0 : i32
    %dma_wait3A_172 = tpu.memref_slice %arg19[%dma_wait3A_171] : memref<768xi32, #tpu.memory_space<vmem>> -> memref<32xi32, #tpu.memory_space<vmem>>
    %dma_wait3A_173 = arith.constant 0 : i32
    %dma_wait3A_174 = arith.constant 0 : i32
    %dma_wait3A_175 = tpu.memref_slice %arg11[%dma_wait3A_173, %dma_wait3A_174] : memref<40000x256xf32, #tpu.memory_space<hbm>> -> memref<40000x256xf32, #tpu.memory_space<hbm>>
    tpu.wait_indirect_dma semaphore(%arg32 : memref<!tpu.dma_semaphore, #tpu.memory_space<semaphore_mem>>) src(%dma_wait3A_175 : memref<40000x256xf32, #tpu.memory_space<hbm>>) dst(%dma_wait3A_170 : memref<32x256xf32, #tpu.memory_space<vmem>>)
    %get3A_176 = arith.constant 0 : index
    %get3A_177 = tpu.vector_load %arg22[%get3A_176] {strides = array<i32>} : memref<768xi32, #tpu.memory_space<vmem>>, vector<16xi32>,
    %get3A_178 = vector.shape_cast %get3A_177 : vector<16xi32> to vector<16xi32>
    %swap3A_179 = arith.constant 0 : i32
    %swap3A_180 = arith.index_cast %swap3A_179 : i32 to index
    %swap3A_181 = arith.constant 0 : index
    %swap3A_182 = tpu.vector_load %arg25[%swap3A_180, %swap3A_181] {strides = array<i32>} : memref<2x32xi32, #tpu.memory_space<vmem>>, vector<1x16xi32>,
    %swap3A_183 = vector.shape_cast %swap3A_182 : vector<1x16xi32> to vector<16xi32>
    %swap3A_184 = vector.shape_cast %get3A_178 : vector<16xi32> to vector<1x16xi32>
    tpu.vector_store %arg25[%swap3A_180, %swap3A_181], %swap3A_184 {strides = array<i32>} : memref<2x32xi32, #tpu.memory_space<vmem>>, vector<1x16xi32>,
    %get3A_185 = arith.constant 16 : index
    %get3A_186 = tpu.vector_load %arg22[%get3A_185] {strides = array<i32>} : memref<768xi32, #tpu.memory_space<vmem>>, vector<16xi32>,
    %get3A_187 = vector.shape_cast %get3A_186 : vector<16xi32> to vector<16xi32>
    %swap3A_188 = arith.constant 0 : i32
    %swap3A_189 = arith.index_cast %swap3A_188 : i32 to index
    %swap3A_190 = arith.constant 16 : index
    %swap3A_191 = tpu.vector_load %arg25[%swap3A_189, %swap3A_190] {strides = array<i32>} : memref<2x32xi32, #tpu.memory_space<vmem>>, vector<1x16xi32>,
    %swap3A_192 = vector.shape_cast %swap3A_191 : vector<1x16xi32> to vector<16xi32>
    %swap3A_193 = vector.shape_cast %get3A_187 : vector<16xi32> to vector<1x16xi32>
    tpu.vector_store %arg25[%swap3A_189, %swap3A_190], %swap3A_193 {strides = array<i32>} : memref<2x32xi32, #tpu.memory_space<vmem>>, vector<1x16xi32>,
    %dma_start3A_194 = arith.constant 0 : i32
    %dma_start3A_195 = arith.constant 0 : i32
    %dma_start3A_196 = arith.constant 0 : i32
    %dma_start3A_197 = tpu.memref_slice %arg28[%dma_start3A_194, %dma_start3A_195, %dma_start3A_196] : memref<2x32x256xf32, #tpu.memory_space<vmem>> -> memref<1x32x256xf32, #tpu.memory_space<vmem>>
    %dma_start3A_198 = tpu.memref_squeeze %dma_start3A_197 : memref<1x32x256xf32, #tpu.memory_space<vmem>> -> memref<32x256xf32, #tpu.memory_space<vmem>>
    %dma_start3A_199 = arith.constant 0 : i32
    %dma_start3A_200 = tpu.memref_slice %arg21[%dma_start3A_199] : memref<768xi32, #tpu.memory_space<vmem>> -> memref<32xi32, #tpu.memory_space<vmem>>
    %dma_start3A_201 = arith.constant 0 : i32
    %dma_start3A_202 = arith.constant 0 : i32
    %dma_start3A_203 = tpu.memref_slice %arg12[%dma_start3A_201, %dma_start3A_202] : memref<40000x256xf32, #tpu.memory_space<hbm>> -> memref<40000x256xf32, #tpu.memory_space<hbm>>
    tpu.enqueue_indirect_dma source(%dma_start3A_203 : memref<40000x256xf32, #tpu.memory_space<hbm>>) target(%dma_start3A_198 : memref<32x256xf32, #tpu.memory_space<vmem>>) offsets(%dma_start3A_200 : memref<32xi32, #tpu.memory_space<vmem>>) semaphore(%arg29 : memref<!tpu.dma_semaphore, #tpu.memory_space<semaphore_mem>>)
    %get3A_204 = arith.constant 32 : index
    %get3A_205 = tpu.vector_load %arg22[%get3A_204] {strides = array<i32>} : memref<768xi32, #tpu.memory_space<vmem>>, vector<16xi32>,
    %get3A_206 = vector.shape_cast %get3A_205 : vector<16xi32> to vector<16xi32>
    %swap3A_207 = arith.constant 1 : i32
    %swap3A_208 = arith.index_cast %swap3A_207 : i32 to index
    %swap3A_209 = arith.constant 0 : index
    %swap3A_210 = tpu.vector_load %arg25[%swap3A_208, %swap3A_209] {strides = array<i32>} : memref<2x32xi32, #tpu.memory_space<vmem>>, vector<1x16xi32>,
    %swap3A_211 = vector.shape_cast %swap3A_210 : vector<1x16xi32> to vector<16xi32>
    %swap3A_212 = vector.shape_cast %get3A_206 : vector<16xi32> to vector<1x16xi32>
    tpu.vector_store %arg25[%swap3A_208, %swap3A_209], %swap3A_212 {strides = array<i32>} : memref<2x32xi32, #tpu.memory_space<vmem>>, vector<1x16xi32>,
    %get3A_213 = arith.constant 48 : index
    %get3A_214 = tpu.vector_load %arg22[%get3A_213] {strides = array<i32>} : memref<768xi32, #tpu.memory_space<vmem>>, vector<16xi32>,
    %get3A_215 = vector.shape_cast %get3A_214 : vector<16xi32> to vector<16xi32>
    %swap3A_216 = arith.constant 1 : i32
    %swap3A_217 = arith.index_cast %swap3A_216 : i32 to index
    %swap3A_218 = arith.constant 16 : index
    %swap3A_219 = tpu.vector_load %arg25[%swap3A_217, %swap3A_218] {strides = array<i32>} : memref<2x32xi32, #tpu.memory_space<vmem>>, vector<1x16xi32>,
    %swap3A_220 = vector.shape_cast %swap3A_219 : vector<1x16xi32> to vector<16xi32>
    %swap3A_221 = vector.shape_cast %get3A_215 : vector<16xi32> to vector<1x16xi32>
    tpu.vector_store %arg25[%swap3A_217, %swap3A_218], %swap3A_221 {strides = array<i32>} : memref<2x32xi32, #tpu.memory_space<vmem>>, vector<1x16xi32>,
    %dma_start3A_222 = arith.constant 1 : i32
    %dma_start3A_223 = arith.constant 0 : i32
    %dma_start3A_224 = arith.constant 0 : i32
    %dma_start3A_225 = tpu.memref_slice %arg28[%dma_start3A_222, %dma_start3A_223, %dma_start3A_224] : memref<2x32x256xf32, #tpu.memory_space<vmem>> -> memref<1x32x256xf32, #tpu.memory_space<vmem>>
    %dma_start3A_226 = tpu.memref_squeeze %dma_start3A_225 : memref<1x32x256xf32, #tpu.memory_space<vmem>> -> memref<32x256xf32, #tpu.memory_space<vmem>>
    %dma_start3A_227 = arith.constant 32 : i32
    %dma_start3A_228 = tpu.memref_slice %arg21[%dma_start3A_227] : memref<768xi32, #tpu.memory_space<vmem>> -> memref<32xi32, #tpu.memory_space<vmem>>
    %dma_start3A_229 = arith.constant 0 : i32
    %dma_start3A_230 = arith.constant 0 : i32
    %dma_start3A_231 = tpu.memref_slice %arg12[%dma_start3A_229, %dma_start3A_230] : memref<40000x256xf32, #tpu.memory_space<hbm>> -> memref<40000x256xf32, #tpu.memory_space<hbm>>
    tpu.enqueue_indirect_dma source(%dma_start3A_231 : memref<40000x256xf32, #tpu.memory_space<hbm>>) target(%dma_start3A_226 : memref<32x256xf32, #tpu.memory_space<vmem>>) offsets(%dma_start3A_228 : memref<32xi32, #tpu.memory_space<vmem>>) semaphore(%arg30 : memref<!tpu.dma_semaphore, #tpu.memory_space<semaphore_mem>>)
    %scan3A_232 = arith.constant 0 : i32
    %scan3A_233 = arith.constant 0 : i32
    %scan3A_234 = arith.constant 12 : i32
    %scan3A_235 = arith.addi %scan3A_233, %scan3A_234 : i32
    %scan3A_236 = arith.constant 1 : i32
    %scan3A_237 = scf.for %scan3A_259 = %scan3A_233 to %scan3A_235 step %scan3A_236 iter_args(%scan3A_260 = %scan3A_232) -> (i32)  : i32 {
      %mul3A_261 = arith.constant 2 : i32
      %mul3A_262 = arith.muli %scan3A_259, %mul3A_261 : i32
      %add3A_263 = arith.constant 0 : i32
      %add3A_264 = arith.addi %mul3A_262, %add3A_263 : i32
      %lt3A = arith.constant 24 : i32
      %lt3A_265 = arith.cmpi slt, %add3A_264, %lt3A : i32
      %convert_element_type3A = arith.extui %lt3A_265 : i1 to i32
      %cond3A = arith.constant 0 : i32
      %cond3A_266 = arith.cmpi ne, %convert_element_type3A, %cond3A : i32
      scf.if %cond3A_266 {
        %dma_wait3A_277 = arith.constant 0 : i32
        %dma_wait3A_278 = arith.constant 0 : i32
        %dma_wait3A_279 = arith.constant 0 : i32
        %dma_wait3A_280 = tpu.memref_slice %arg28[%dma_wait3A_277, %dma_wait3A_278, %dma_wait3A_279] : memref<2x32x256xf32, #tpu.memory_space<vmem>> -> memref<1x32x256xf32, #tpu.memory_space<vmem>>
        %dma_wait3A_281 = tpu.memref_squeeze %dma_wait3A_280 : memref<1x32x256xf32, #tpu.memory_space<vmem>> -> memref<32x256xf32, #tpu.memory_space<vmem>>
        %dma_wait3A_282 = arith.constant 0 : i32
        %dma_wait3A_283 = tpu.memref_slice %arg21[%dma_wait3A_282] : memref<768xi32, #tpu.memory_space<vmem>> -> memref<32xi32, #tpu.memory_space<vmem>>
        %dma_wait3A_284 = arith.constant 0 : i32
        %dma_wait3A_285 = arith.constant 0 : i32
        %dma_wait3A_286 = tpu.memref_slice %arg12[%dma_wait3A_284, %dma_wait3A_285] : memref<40000x256xf32, #tpu.memory_space<hbm>> -> memref<40000x256xf32, #tpu.memory_space<hbm>>
        tpu.wait_indirect_dma semaphore(%arg29 : memref<!tpu.dma_semaphore, #tpu.memory_space<semaphore_mem>>) src(%dma_wait3A_286 : memref<40000x256xf32, #tpu.memory_space<hbm>>) dst(%dma_wait3A_281 : memref<32x256xf32, #tpu.memory_space<vmem>>)
        %dma_start3A_287 = arith.constant 0 : i32
        %dma_start3A_288 = arith.constant 0 : i32
        %dma_start3A_289 = arith.constant 0 : i32
        %dma_start3A_290 = arith.constant 0 : i32
        %dma_start3A_291 = tpu.memref_slice %arg28[%dma_start3A_287, %dma_start3A_289, %dma_start3A_290] : memref<2x32x256xf32, #tpu.memory_space<vmem>> -> memref<1x32x256xf32, #tpu.memory_space<vmem>>
        %dma_start3A_292 = tpu.memref_squeeze %dma_start3A_291 : memref<1x32x256xf32, #tpu.memory_space<vmem>> -> memref<32x256xf32, #tpu.memory_space<vmem>>
        %dma_start3A_293 = arith.constant 0 : i32
        %dma_start3A_294 = tpu.memref_slice %arg25[%dma_start3A_288, %dma_start3A_293] : memref<2x32xi32, #tpu.memory_space<vmem>> -> memref<1x32xi32, #tpu.memory_space<vmem>>
        %dma_start3A_295 = tpu.memref_squeeze %dma_start3A_294 : memref<1x32xi32, #tpu.memory_space<vmem>> -> memref<32xi32, #tpu.memory_space<vmem>>
        %dma_start3A_296 = arith.constant 0 : i32
        %dma_start3A_297 = arith.constant 0 : i32
        %dma_start3A_298 = tpu.memref_slice %arg15[%dma_start3A_296, %dma_start3A_297] : memref<51208x256xf32, #tpu.memory_space<hbm>> -> memref<51208x256xf32, #tpu.memory_space<hbm>>
        tpu.enqueue_indirect_dma source(%dma_start3A_292 : memref<32x256xf32, #tpu.memory_space<vmem>>) target(%dma_start3A_298 : memref<51208x256xf32, #tpu.memory_space<hbm>>) offsets(%dma_start3A_295 : memref<32xi32, #tpu.memory_space<vmem>>) semaphore(%arg31 : memref<!tpu.dma_semaphore, #tpu.memory_space<semaphore_mem>>)
        %add3A_299 = arith.constant 2 : i32
        %add3A_300 = arith.addi %add3A_264, %add3A_299 : i32
        %lt3A_301 = arith.constant 24 : i32
        %lt3A_302 = arith.cmpi slt, %add3A_300, %lt3A_301 : i32
        %convert_element_type3A_303 = arith.extui %lt3A_302 : i1 to i32
        %cond3A_304 = arith.constant 0 : i32
        %cond3A_305 = arith.cmpi ne, %convert_element_type3A_303, %cond3A_304 : i32
        scf.if %cond3A_305 {
          %dma_wait3A_306 = arith.constant 0 : i32
          %dma_wait3A_307 = arith.constant 0 : i32
          %dma_wait3A_308 = arith.constant 0 : i32
          %dma_wait3A_309 = tpu.memref_slice %arg28[%dma_wait3A_306, %dma_wait3A_307, %dma_wait3A_308] : memref<2x32x256xf32, #tpu.memory_space<vmem>> -> memref<1x32x256xf32, #tpu.memory_space<vmem>>
          %dma_wait3A_310 = tpu.memref_squeeze %dma_wait3A_309 : memref<1x32x256xf32, #tpu.memory_space<vmem>> -> memref<32x256xf32, #tpu.memory_space<vmem>>
          %dma_wait3A_311 = arith.constant 0 : i32
          %dma_wait3A_312 = tpu.memref_slice %arg21[%dma_wait3A_311] : memref<768xi32, #tpu.memory_space<vmem>> -> memref<32xi32, #tpu.memory_space<vmem>>
          %dma_wait3A_313 = arith.constant 0 : i32
          %dma_wait3A_314 = arith.constant 0 : i32
          %dma_wait3A_315 = tpu.memref_slice %arg12[%dma_wait3A_313, %dma_wait3A_314] : memref<40000x256xf32, #tpu.memory_space<hbm>> -> memref<40000x256xf32, #tpu.memory_space<hbm>>
          tpu.wait_indirect_dma semaphore(%arg31 : memref<!tpu.dma_semaphore, #tpu.memory_space<semaphore_mem>>) src(%dma_wait3A_315 : memref<40000x256xf32, #tpu.memory_space<hbm>>) dst(%dma_wait3A_310 : memref<32x256xf32, #tpu.memory_space<vmem>>)
          %add3A_316 = arith.constant 2 : i32
          %add3A_317 = arith.addi %add3A_264, %add3A_316 : i32
          %mul3A_318 = arith.constant 32 : i32
          %mul3A_319 = arith.muli %add3A_317, %mul3A_318 : i32
          %add3A_320 = arith.constant 0 : i32
          %add3A_321 = arith.addi %mul3A_319, %add3A_320 : i32
          %get3A_322 = arith.index_cast %add3A_321 : i32 to index
          %get3A_323 = tpu.vector_load %arg22[%get3A_322] {strides = array<i32>} : memref<768xi32, #tpu.memory_space<vmem>>, vector<16xi32>,
          %get3A_324 = vector.shape_cast %get3A_323 : vector<16xi32> to vector<16xi32>
          %swap3A_325 = arith.constant 0 : i32
          %swap3A_326 = arith.index_cast %swap3A_325 : i32 to index
          %swap3A_327 = arith.constant 0 : index
          %swap3A_328 = tpu.vector_load %arg25[%swap3A_326, %swap3A_327] {strides = array<i32>} : memref<2x32xi32, #tpu.memory_space<vmem>>, vector<1x16xi32>,
          %swap3A_329 = vector.shape_cast %swap3A_328 : vector<1x16xi32> to vector<16xi32>
          %swap3A_330 = vector.shape_cast %get3A_324 : vector<16xi32> to vector<1x16xi32>
          tpu.vector_store %arg25[%swap3A_326, %swap3A_327], %swap3A_330 {strides = array<i32>} : memref<2x32xi32, #tpu.memory_space<vmem>>, vector<1x16xi32>,
          %mul3A_331 = arith.constant 32 : i32
          %mul3A_332 = arith.muli %add3A_317, %mul3A_331 : i32
          %add3A_333 = arith.constant 16 : i32
          %add3A_334 = arith.addi %mul3A_332, %add3A_333 : i32
          %get3A_335 = arith.index_cast %add3A_334 : i32 to index
          %get3A_336 = tpu.vector_load %arg22[%get3A_335] {strides = array<i32>} : memref<768xi32, #tpu.memory_space<vmem>>, vector<16xi32>,
          %get3A_337 = vector.shape_cast %get3A_336 : vector<16xi32> to vector<16xi32>
          %swap3A_338 = arith.constant 0 : i32
          %swap3A_339 = arith.index_cast %swap3A_338 : i32 to index
          %swap3A_340 = arith.constant 16 : index
          %swap3A_341 = tpu.vector_load %arg25[%swap3A_339, %swap3A_340] {strides = array<i32>} : memref<2x32xi32, #tpu.memory_space<vmem>>, vector<1x16xi32>,
          %swap3A_342 = vector.shape_cast %swap3A_341 : vector<1x16xi32> to vector<16xi32>
          %swap3A_343 = vector.shape_cast %get3A_337 : vector<16xi32> to vector<1x16xi32>
          tpu.vector_store %arg25[%swap3A_339, %swap3A_340], %swap3A_343 {strides = array<i32>} : memref<2x32xi32, #tpu.memory_space<vmem>>, vector<1x16xi32>,
          %mul3A_344 = arith.constant 32 : i32
          %mul3A_345 = arith.muli %add3A_317, %mul3A_344 : i32
          %dma_start3A_346 = arith.constant 0 : i32
          %dma_start3A_347 = arith.constant 0 : i32
          %dma_start3A_348 = arith.constant 0 : i32
          %dma_start3A_349 = tpu.memref_slice %arg28[%dma_start3A_346, %dma_start3A_347, %dma_start3A_348] : memref<2x32x256xf32, #tpu.memory_space<vmem>> -> memref<1x32x256xf32, #tpu.memory_space<vmem>>
          %dma_start3A_350 = tpu.memref_squeeze %dma_start3A_349 : memref<1x32x256xf32, #tpu.memory_space<vmem>> -> memref<32x256xf32, #tpu.memory_space<vmem>>
          %dma_start3A_351 = tpu.memref_slice %arg21[%mul3A_345] : memref<768xi32, #tpu.memory_space<vmem>> -> memref<32xi32, #tpu.memory_space<vmem>>
          %dma_start3A_352 = arith.constant 0 : i32
          %dma_start3A_353 = arith.constant 0 : i32
          %dma_start3A_354 = tpu.memref_slice %arg12[%dma_start3A_352, %dma_start3A_353] : memref<40000x256xf32, #tpu.memory_space<hbm>> -> memref<40000x256xf32, #tpu.memory_space<hbm>>
          tpu.enqueue_indirect_dma source(%dma_start3A_354 : memref<40000x256xf32, #tpu.memory_space<hbm>>) target(%dma_start3A_350 : memref<32x256xf32, #tpu.memory_space<vmem>>) offsets(%dma_start3A_351 : memref<32xi32, #tpu.memory_space<vmem>>) semaphore(%arg29 : memref<!tpu.dma_semaphore, #tpu.memory_space<semaphore_mem>>)
        } else {
        }
      } else {
      }
      %mul3A_267 = arith.constant 2 : i32
      %mul3A_268 = arith.muli %scan3A_259, %mul3A_267 : i32
      %add3A_269 = arith.constant 1 : i32
      %add3A_270 = arith.addi %mul3A_268, %add3A_269 : i32
      %lt3A_271 = arith.constant 24 : i32
      %lt3A_272 = arith.cmpi slt, %add3A_270, %lt3A_271 : i32
      %convert_element_type3A_273 = arith.extui %lt3A_272 : i1 to i32
      %cond3A_274 = arith.constant 0 : i32
      %cond3A_275 = arith.cmpi ne, %convert_element_type3A_273, %cond3A_274 : i32
      scf.if %cond3A_275 {
        %dma_wait3A_277 = arith.constant 1 : i32
        %dma_wait3A_278 = arith.constant 0 : i32
        %dma_wait3A_279 = arith.constant 0 : i32
        %dma_wait3A_280 = tpu.memref_slice %arg28[%dma_wait3A_277, %dma_wait3A_278, %dma_wait3A_279] : memref<2x32x256xf32, #tpu.memory_space<vmem>> -> memref<1x32x256xf32, #tpu.memory_space<vmem>>
        %dma_wait3A_281 = tpu.memref_squeeze %dma_wait3A_280 : memref<1x32x256xf32, #tpu.memory_space<vmem>> -> memref<32x256xf32, #tpu.memory_space<vmem>>
        %dma_wait3A_282 = arith.constant 0 : i32
        %dma_wait3A_283 = tpu.memref_slice %arg21[%dma_wait3A_282] : memref<768xi32, #tpu.memory_space<vmem>> -> memref<32xi32, #tpu.memory_space<vmem>>
        %dma_wait3A_284 = arith.constant 0 : i32
        %dma_wait3A_285 = arith.constant 0 : i32
        %dma_wait3A_286 = tpu.memref_slice %arg12[%dma_wait3A_284, %dma_wait3A_285] : memref<40000x256xf32, #tpu.memory_space<hbm>> -> memref<40000x256xf32, #tpu.memory_space<hbm>>
        tpu.wait_indirect_dma semaphore(%arg30 : memref<!tpu.dma_semaphore, #tpu.memory_space<semaphore_mem>>) src(%dma_wait3A_286 : memref<40000x256xf32, #tpu.memory_space<hbm>>) dst(%dma_wait3A_281 : memref<32x256xf32, #tpu.memory_space<vmem>>)
        %dma_start3A_287 = arith.constant 1 : i32
        %dma_start3A_288 = arith.constant 1 : i32
        %dma_start3A_289 = arith.constant 0 : i32
        %dma_start3A_290 = arith.constant 0 : i32
        %dma_start3A_291 = tpu.memref_slice %arg28[%dma_start3A_287, %dma_start3A_289, %dma_start3A_290] : memref<2x32x256xf32, #tpu.memory_space<vmem>> -> memref<1x32x256xf32, #tpu.memory_space<vmem>>
        %dma_start3A_292 = tpu.memref_squeeze %dma_start3A_291 : memref<1x32x256xf32, #tpu.memory_space<vmem>> -> memref<32x256xf32, #tpu.memory_space<vmem>>
        %dma_start3A_293 = arith.constant 0 : i32
        %dma_start3A_294 = tpu.memref_slice %arg25[%dma_start3A_288, %dma_start3A_293] : memref<2x32xi32, #tpu.memory_space<vmem>> -> memref<1x32xi32, #tpu.memory_space<vmem>>
        %dma_start3A_295 = tpu.memref_squeeze %dma_start3A_294 : memref<1x32xi32, #tpu.memory_space<vmem>> -> memref<32xi32, #tpu.memory_space<vmem>>
        %dma_start3A_296 = arith.constant 0 : i32
        %dma_start3A_297 = arith.constant 0 : i32
        %dma_start3A_298 = tpu.memref_slice %arg15[%dma_start3A_296, %dma_start3A_297] : memref<51208x256xf32, #tpu.memory_space<hbm>> -> memref<51208x256xf32, #tpu.memory_space<hbm>>
        tpu.enqueue_indirect_dma source(%dma_start3A_292 : memref<32x256xf32, #tpu.memory_space<vmem>>) target(%dma_start3A_298 : memref<51208x256xf32, #tpu.memory_space<hbm>>) offsets(%dma_start3A_295 : memref<32xi32, #tpu.memory_space<vmem>>) semaphore(%arg32 : memref<!tpu.dma_semaphore, #tpu.memory_space<semaphore_mem>>)
        %add3A_299 = arith.constant 2 : i32
        %add3A_300 = arith.addi %add3A_270, %add3A_299 : i32
        %lt3A_301 = arith.constant 24 : i32
        %lt3A_302 = arith.cmpi slt, %add3A_300, %lt3A_301 : i32
        %convert_element_type3A_303 = arith.extui %lt3A_302 : i1 to i32
        %cond3A_304 = arith.constant 0 : i32
        %cond3A_305 = arith.cmpi ne, %convert_element_type3A_303, %cond3A_304 : i32
        scf.if %cond3A_305 {
          %dma_wait3A_306 = arith.constant 1 : i32
          %dma_wait3A_307 = arith.constant 0 : i32
          %dma_wait3A_308 = arith.constant 0 : i32
          %dma_wait3A_309 = tpu.memref_slice %arg28[%dma_wait3A_306, %dma_wait3A_307, %dma_wait3A_308] : memref<2x32x256xf32, #tpu.memory_space<vmem>> -> memref<1x32x256xf32, #tpu.memory_space<vmem>>
          %dma_wait3A_310 = tpu.memref_squeeze %dma_wait3A_309 : memref<1x32x256xf32, #tpu.memory_space<vmem>> -> memref<32x256xf32, #tpu.memory_space<vmem>>
          %dma_wait3A_311 = arith.constant 0 : i32
          %dma_wait3A_312 = tpu.memref_slice %arg21[%dma_wait3A_311] : memref<768xi32, #tpu.memory_space<vmem>> -> memref<32xi32, #tpu.memory_space<vmem>>
          %dma_wait3A_313 = arith.constant 0 : i32
          %dma_wait3A_314 = arith.constant 0 : i32
          %dma_wait3A_315 = tpu.memref_slice %arg12[%dma_wait3A_313, %dma_wait3A_314] : memref<40000x256xf32, #tpu.memory_space<hbm>> -> memref<40000x256xf32, #tpu.memory_space<hbm>>
          tpu.wait_indirect_dma semaphore(%arg32 : memref<!tpu.dma_semaphore, #tpu.memory_space<semaphore_mem>>) src(%dma_wait3A_315 : memref<40000x256xf32, #tpu.memory_space<hbm>>) dst(%dma_wait3A_310 : memref<32x256xf32, #tpu.memory_space<vmem>>)
          %add3A_316 = arith.constant 2 : i32
          %add3A_317 = arith.addi %add3A_270, %add3A_316 : i32
          %mul3A_318 = arith.constant 32 : i32
          %mul3A_319 = arith.muli %add3A_317, %mul3A_318 : i32
          %add3A_320 = arith.constant 0 : i32
          %add3A_321 = arith.addi %mul3A_319, %add3A_320 : i32
          %get3A_322 = arith.index_cast %add3A_321 : i32 to index
          %get3A_323 = tpu.vector_load %arg22[%get3A_322] {strides = array<i32>} : memref<768xi32, #tpu.memory_space<vmem>>, vector<16xi32>,
          %get3A_324 = vector.shape_cast %get3A_323 : vector<16xi32> to vector<16xi32>
          %swap3A_325 = arith.constant 1 : i32
          %swap3A_326 = arith.index_cast %swap3A_325 : i32 to index
          %swap3A_327 = arith.constant 0 : index
          %swap3A_328 = tpu.vector_load %arg25[%swap3A_326, %swap3A_327] {strides = array<i32>} : memref<2x32xi32, #tpu.memory_space<vmem>>, vector<1x16xi32>,
          %swap3A_329 = vector.shape_cast %swap3A_328 : vector<1x16xi32> to vector<16xi32>
          %swap3A_330 = vector.shape_cast %get3A_324 : vector<16xi32> to vector<1x16xi32>
          tpu.vector_store %arg25[%swap3A_326, %swap3A_327], %swap3A_330 {strides = array<i32>} : memref<2x32xi32, #tpu.memory_space<vmem>>, vector<1x16xi32>,
          %mul3A_331 = arith.constant 32 : i32
          %mul3A_332 = arith.muli %add3A_317, %mul3A_331 : i32
          %add3A_333 = arith.constant 16 : i32
          %add3A_334 = arith.addi %mul3A_332, %add3A_333 : i32
          %get3A_335 = arith.index_cast %add3A_334 : i32 to index
          %get3A_336 = tpu.vector_load %arg22[%get3A_335] {strides = array<i32>} : memref<768xi32, #tpu.memory_space<vmem>>, vector<16xi32>,
          %get3A_337 = vector.shape_cast %get3A_336 : vector<16xi32> to vector<16xi32>
          %swap3A_338 = arith.constant 1 : i32
          %swap3A_339 = arith.index_cast %swap3A_338 : i32 to index
          %swap3A_340 = arith.constant 16 : index
          %swap3A_341 = tpu.vector_load %arg25[%swap3A_339, %swap3A_340] {strides = array<i32>} : memref<2x32xi32, #tpu.memory_space<vmem>>, vector<1x16xi32>,
          %swap3A_342 = vector.shape_cast %swap3A_341 : vector<1x16xi32> to vector<16xi32>
          %swap3A_343 = vector.shape_cast %get3A_337 : vector<16xi32> to vector<1x16xi32>
          tpu.vector_store %arg25[%swap3A_339, %swap3A_340], %swap3A_343 {strides = array<i32>} : memref<2x32xi32, #tpu.memory_space<vmem>>, vector<1x16xi32>,
          %mul3A_344 = arith.constant 32 : i32
          %mul3A_345 = arith.muli %add3A_317, %mul3A_344 : i32
          %dma_start3A_346 = arith.constant 1 : i32
          %dma_start3A_347 = arith.constant 0 : i32
          %dma_start3A_348 = arith.constant 0 : i32
          %dma_start3A_349 = tpu.memref_slice %arg28[%dma_start3A_346, %dma_start3A_347, %dma_start3A_348] : memref<2x32x256xf32, #tpu.memory_space<vmem>> -> memref<1x32x256xf32, #tpu.memory_space<vmem>>
          %dma_start3A_350 = tpu.memref_squeeze %dma_start3A_349 : memref<1x32x256xf32, #tpu.memory_space<vmem>> -> memref<32x256xf32, #tpu.memory_space<vmem>>
          %dma_start3A_351 = tpu.memref_slice %arg21[%mul3A_345] : memref<768xi32, #tpu.memory_space<vmem>> -> memref<32xi32, #tpu.memory_space<vmem>>
          %dma_start3A_352 = arith.constant 0 : i32
          %dma_start3A_353 = arith.constant 0 : i32
          %dma_start3A_354 = tpu.memref_slice %arg12[%dma_start3A_352, %dma_start3A_353] : memref<40000x256xf32, #tpu.memory_space<hbm>> -> memref<40000x256xf32, #tpu.memory_space<hbm>>
          tpu.enqueue_indirect_dma source(%dma_start3A_354 : memref<40000x256xf32, #tpu.memory_space<hbm>>) target(%dma_start3A_350 : memref<32x256xf32, #tpu.memory_space<vmem>>) offsets(%dma_start3A_351 : memref<32xi32, #tpu.memory_space<vmem>>) semaphore(%arg30 : memref<!tpu.dma_semaphore, #tpu.memory_space<semaphore_mem>>)
        } else {
        }
      } else {
      }
      %scan3A_276 = arith.constant 0 : i32
      scf.yield %scan3A_276 : i32
    }
    %scan3A_238 = arith.constant 12 : i32
    %dma_wait3A_239 = arith.constant 0 : i32
    %dma_wait3A_240 = arith.constant 0 : i32
    %dma_wait3A_241 = arith.constant 0 : i32
    %dma_wait3A_242 = tpu.memref_slice %arg28[%dma_wait3A_239, %dma_wait3A_240, %dma_wait3A_241] : memref<2x32x256xf32, #tpu.memory_space<vmem>> -> memref<1x32x256xf32, #tpu.memory_space<vmem>>
    %dma_wait3A_243 = tpu.memref_squeeze %dma_wait3A_242 : memref<1x32x256xf32, #tpu.memory_space<vmem>> -> memref<32x256xf32, #tpu.memory_space<vmem>>
    %dma_wait3A_244 = arith.constant 0 : i32
    %dma_wait3A_245 = tpu.memref_slice %arg21[%dma_wait3A_244] : memref<768xi32, #tpu.memory_space<vmem>> -> memref<32xi32, #tpu.memory_space<vmem>>
    %dma_wait3A_246 = arith.constant 0 : i32
    %dma_wait3A_247 = arith.constant 0 : i32
    %dma_wait3A_248 = tpu.memref_slice %arg12[%dma_wait3A_246, %dma_wait3A_247] : memref<40000x256xf32, #tpu.memory_space<hbm>> -> memref<40000x256xf32, #tpu.memory_space<hbm>>
    tpu.wait_indirect_dma semaphore(%arg31 : memref<!tpu.dma_semaphore, #tpu.memory_space<semaphore_mem>>) src(%dma_wait3A_248 : memref<40000x256xf32, #tpu.memory_space<hbm>>) dst(%dma_wait3A_243 : memref<32x256xf32, #tpu.memory_space<vmem>>)
    %dma_wait3A_249 = arith.constant 1 : i32
    %dma_wait3A_250 = arith.constant 0 : i32
    %dma_wait3A_251 = arith.constant 0 : i32
    %dma_wait3A_252 = tpu.memref_slice %arg28[%dma_wait3A_249, %dma_wait3A_250, %dma_wait3A_251] : memref<2x32x256xf32, #tpu.memory_space<vmem>> -> memref<1x32x256xf32, #tpu.memory_space<vmem>>
    %dma_wait3A_253 = tpu.memref_squeeze %dma_wait3A_252 : memref<1x32x256xf32, #tpu.memory_space<vmem>> -> memref<32x256xf32, #tpu.memory_space<vmem>>
    %dma_wait3A_254 = arith.constant 0 : i32
    %dma_wait3A_255 = tpu.memref_slice %arg21[%dma_wait3A_254] : memref<768xi32, #tpu.memory_space<vmem>> -> memref<32xi32, #tpu.memory_space<vmem>>
    %dma_wait3A_256 = arith.constant 0 : i32
    %dma_wait3A_257 = arith.constant 0 : i32
    %dma_wait3A_258 = tpu.memref_slice %arg12[%dma_wait3A_256, %dma_wait3A_257] : memref<40000x256xf32, #tpu.memory_space<hbm>> -> memref<40000x256xf32, #tpu.memory_space<hbm>>
    tpu.wait_indirect_dma semaphore(%arg32 : memref<!tpu.dma_semaphore, #tpu.memory_space<semaphore_mem>>) src(%dma_wait3A_258 : memref<40000x256xf32, #tpu.memory_space<hbm>>) dst(%dma_wait3A_253 : memref<32x256xf32, #tpu.memory_space<vmem>>)
    return
  }
}

#map = affine_map<(d0, d1) -> (0)>
#map1 = affine_map<(d0, d1) -> (0, 0)>
module attributes {stable_mosaic.version = 14 : i64} {
  func.func @sc_kernel(%arg0: i32, %arg1: i32, %arg2: memref<51200xi32, #tpu.memory_space<hbm>>, %arg3: memref<51200xi32, #tpu.memory_space<hbm>>, %arg4: memref<14336xi32, #tpu.memory_space<hbm>>, %arg5: memref<14336xi32, #tpu.memory_space<hbm>>, %arg6: memref<24576xi32, #tpu.memory_space<hbm>>, %arg7: memref<24576xi32, #tpu.memory_space<hbm>>, %arg8: memref<24576xi32, #tpu.memory_space<hbm>>, %arg9: memref<24576xi32, #tpu.memory_space<hbm>>, %arg10: memref<20000x1024xf32, #tpu.memory_space<hbm>>, %arg11: memref<40000x256xf32, #tpu.memory_space<hbm>>, %arg12: memref<40000x256xf32, #tpu.memory_space<hbm>>, %arg13: memref<51208x1024xf32, #tpu.memory_space<hbm>>, %arg14: memref<51208x256xf32, #tpu.memory_space<hbm>>, %arg15: memref<51208x256xf32, #tpu.memory_space<hbm>>, %arg16: memref<1600xi32, #tpu.memory_space<vmem>>, %arg17: memref<448xi32, #tpu.memory_space<vmem>>, %arg18: memref<448xi32, #tpu.memory_space<vmem>>, %arg19: memref<768xi32, #tpu.memory_space<vmem>>, %arg20: memref<768xi32, #tpu.memory_space<vmem>>, %arg21: memref<768xi32, #tpu.memory_space<vmem>>, %arg22: memref<768xi32, #tpu.memory_space<vmem>>, %arg23: memref<1600xi32, #tpu.memory_space<vmem>>, %arg24: memref<64xi32, #tpu.memory_space<vmem>>, %arg25: memref<2x32xi32, #tpu.memory_space<vmem>>, %arg26: memref<2x32x1024xf32, #tpu.memory_space<vmem>>, %arg27: memref<2x32x256xf32, #tpu.memory_space<vmem>>, %arg28: memref<2x32x256xf32, #tpu.memory_space<vmem>>, %arg29: memref<!tpu.dma_semaphore, #tpu.memory_space<semaphore_mem>>, %arg30: memref<!tpu.dma_semaphore, #tpu.memory_space<semaphore_mem>>, %arg31: memref<!tpu.dma_semaphore, #tpu.memory_space<semaphore_mem>>, %arg32: memref<!tpu.dma_semaphore, #tpu.memory_space<semaphore_mem>>) attributes {dimension_semantics = [#tpu.dimension_semantics<core_parallel>, #tpu.dimension_semantics<subcore_parallel>], iteration_bounds = array<i64: 2, 16>, scalar_prefetch = 0 : i64, scratch_operands = 17 : i64, tpu.core_type = #tpu.core_type<sc_vector_subcore>, window_params = [{transform_indices = #map}, {transform_indices = #map}, {transform_indices = #map}, {transform_indices = #map}, {transform_indices = #map}, {transform_indices = #map}, {transform_indices = #map}, {transform_indices = #map}, {transform_indices = #map1}, {transform_indices = #map1}, {transform_indices = #map1}, {transform_indices = #map1}, {transform_indices = #map1}, {transform_indices = #map1}]} {
    %mul3A = arith.constant 2 : i32
    %mul3A_0 = arith.muli %arg1, %mul3A : i32
    %add3A = arith.addi %mul3A_0, %arg0 : i32
    %mul3A_1 = arith.constant 1600 : i32
    %mul3A_2 = arith.muli %add3A, %mul3A_1 : i32
    "tpu.region"() ({
      %run_scoped3A = tpu.sem_alloc : memref<!tpu.dma_semaphore, #tpu.memory_space<semaphore_mem>>
      %dma_start3A_415 = tpu.memref_slice %arg2[%mul3A_2] : memref<51200xi32, #tpu.memory_space<hbm>> -> memref<1600xi32, #tpu.memory_space<hbm>>
      %dma_start3A_416 = tpu.memref_slice %arg2[%mul3A_2] : memref<51200xi32, #tpu.memory_space<hbm>> -> memref<1600xi32, #tpu.memory_space<hbm>>
      tpu.enqueue_dma source(%dma_start3A_416 : memref<1600xi32, #tpu.memory_space<hbm>>) target(%arg16 : memref<1600xi32, #tpu.memory_space<vmem>>) target_semaphore(%run_scoped3A : memref<!tpu.dma_semaphore, #tpu.memory_space<semaphore_mem>>)
      %dma_wait3A_417 = tpu.memref_slice %arg2[%mul3A_2] : memref<51200xi32, #tpu.memory_space<hbm>> -> memref<1600xi32, #tpu.memory_space<hbm>>
      %dma_wait3A_418 = tpu.memref_slice %arg2[%mul3A_2] : memref<51200xi32, #tpu.memory_space<hbm>> -> memref<1600xi32, #tpu.memory_space<hbm>>
      tpu.wait_dma2 semaphore(%run_scoped3A : memref<!tpu.dma_semaphore, #tpu.memory_space<semaphore_mem>>) src(%dma_wait3A_418 : memref<1600xi32, #tpu.memory_space<hbm>>) dst(%arg16 : memref<1600xi32, #tpu.memory_space<vmem>>)
      tpu.yield
    }) : () -> ()
    "tpu.region"() ({
      %run_scoped3A = tpu.sem_alloc : memref<!tpu.dma_semaphore, #tpu.memory_space<semaphore_mem>>
      %dma_start3A_415 = tpu.memref_slice %arg3[%mul3A_2] : memref<51200xi32, #tpu.memory_space<hbm>> -> memref<1600xi32, #tpu.memory_space<hbm>>
      %dma_start3A_416 = tpu.memref_slice %arg3[%mul3A_2] : memref<51200xi32, #tpu.memory_space<hbm>> -> memref<1600xi32, #tpu.memory_space<hbm>>
      tpu.enqueue_dma source(%dma_start3A_416 : memref<1600xi32, #tpu.memory_space<hbm>>) target(%arg23 : memref<1600xi32, #tpu.memory_space<vmem>>) target_semaphore(%run_scoped3A : memref<!tpu.dma_semaphore, #tpu.memory_space<semaphore_mem>>)
      %dma_wait3A_417 = tpu.memref_slice %arg3[%mul3A_2] : memref<51200xi32, #tpu.memory_space<hbm>> -> memref<1600xi32, #tpu.memory_space<hbm>>
      %dma_wait3A_418 = tpu.memref_slice %arg3[%mul3A_2] : memref<51200xi32, #tpu.memory_space<hbm>> -> memref<1600xi32, #tpu.memory_space<hbm>>
      tpu.wait_dma2 semaphore(%run_scoped3A : memref<!tpu.dma_semaphore, #tpu.memory_space<semaphore_mem>>) src(%dma_wait3A_418 : memref<1600xi32, #tpu.memory_space<hbm>>) dst(%arg23 : memref<1600xi32, #tpu.memory_space<vmem>>)
      tpu.yield
    }) : () -> ()
    %broadcast_in_dim3A = arith.constant 0 : i32
    %broadcast_in_dim3A_3 = vector.broadcast %broadcast_in_dim3A : i32 to vector<16xi32>
    %get3A = arith.constant 0 : index
    %get3A_4 = tpu.vector_load %arg16[%get3A] {strides = array<i32>} : memref<1600xi32, #tpu.memory_space<vmem>>, vector<16xi32>,
    %get3A_5 = vector.shape_cast %get3A_4 : vector<16xi32> to vector<16xi32>
    %lt3A = arith.constant 20000 : i32
    %lt3A_6 = vector.broadcast %lt3A : i32 to vector<16xi32>
    %lt3A_7 = arith.cmpi slt, %get3A_5, %lt3A_6 : vector<16xi32>
    %select_n3A = arith.select %lt3A_7, %get3A_5, %broadcast_in_dim3A_3 : vector<16xi1>, vector<16xi32>
    %swap3A = arith.constant 0 : index
    %swap3A_8 = tpu.vector_load %arg24[%swap3A] {strides = array<i32>} : memref<64xi32, #tpu.memory_space<vmem>>, vector<16xi32>,
    %swap3A_9 = vector.shape_cast %swap3A_8 : vector<16xi32> to vector<16xi32>
    %swap3A_10 = vector.shape_cast %select_n3A : vector<16xi32> to vector<16xi32>
    tpu.vector_store %arg24[%swap3A], %swap3A_10 {strides = array<i32>} : memref<64xi32, #tpu.memory_space<vmem>>, vector<16xi32>,
    %get3A_11 = arith.constant 0 : index
    %get3A_12 = tpu.vector_load %arg23[%get3A_11] {strides = array<i32>} : memref<1600xi32, #tpu.memory_space<vmem>>, vector<16xi32>,
    %get3A_13 = vector.shape_cast %get3A_12 : vector<16xi32> to vector<16xi32>
    %swap3A_14 = arith.constant 0 : i32
    %swap3A_15 = arith.index_cast %swap3A_14 : i32 to index
    %swap3A_16 = arith.constant 0 : index
    %swap3A_17 = tpu.vector_load %arg25[%swap3A_15, %swap3A_16] {strides = array<i32>} : memref<2x32xi32, #tpu.memory_space<vmem>>, vector<1x16xi32>,
    %swap3A_18 = vector.shape_cast %swap3A_17 : vector<1x16xi32> to vector<16xi32>
    %swap3A_19 = vector.shape_cast %get3A_13 : vector<16xi32> to vector<1x16xi32>
    tpu.vector_store %arg25[%swap3A_15, %swap3A_16], %swap3A_19 {strides = array<i32>} : memref<2x32xi32, #tpu.memory_space<vmem>>, vector<1x16xi32>,
    %get3A_20 = arith.constant 16 : index
    %get3A_21 = tpu.vector_load %arg16[%get3A_20] {strides = array<i32>} : memref<1600xi32, #tpu.memory_space<vmem>>, vector<16xi32>,
    %get3A_22 = vector.shape_cast %get3A_21 : vector<16xi32> to vector<16xi32>
    %lt3A_23 = arith.constant 20000 : i32
    %lt3A_24 = vector.broadcast %lt3A_23 : i32 to vector<16xi32>
    %lt3A_25 = arith.cmpi slt, %get3A_22, %lt3A_24 : vector<16xi32>
    %select_n3A_26 = arith.select %lt3A_25, %get3A_22, %broadcast_in_dim3A_3 : vector<16xi1>, vector<16xi32>
    %swap3A_27 = arith.constant 16 : index
    %swap3A_28 = tpu.vector_load %arg24[%swap3A_27] {strides = array<i32>} : memref<64xi32, #tpu.memory_space<vmem>>, vector<16xi32>,
    %swap3A_29 = vector.shape_cast %swap3A_28 : vector<16xi32> to vector<16xi32>
    %swap3A_30 = vector.shape_cast %select_n3A_26 : vector<16xi32> to vector<16xi32>
    tpu.vector_store %arg24[%swap3A_27], %swap3A_30 {strides = array<i32>} : memref<64xi32, #tpu.memory_space<vmem>>, vector<16xi32>,
    %get3A_31 = arith.constant 16 : index
    %get3A_32 = tpu.vector_load %arg23[%get3A_31] {strides = array<i32>} : memref<1600xi32, #tpu.memory_space<vmem>>, vector<16xi32>,
    %get3A_33 = vector.shape_cast %get3A_32 : vector<16xi32> to vector<16xi32>
    %swap3A_34 = arith.constant 0 : i32
    %swap3A_35 = arith.index_cast %swap3A_34 : i32 to index
    %swap3A_36 = arith.constant 16 : index
    %swap3A_37 = tpu.vector_load %arg25[%swap3A_35, %swap3A_36] {strides = array<i32>} : memref<2x32xi32, #tpu.memory_space<vmem>>, vector<1x16xi32>,
    %swap3A_38 = vector.shape_cast %swap3A_37 : vector<1x16xi32> to vector<16xi32>
    %swap3A_39 = vector.shape_cast %get3A_33 : vector<16xi32> to vector<1x16xi32>
    tpu.vector_store %arg25[%swap3A_35, %swap3A_36], %swap3A_39 {strides = array<i32>} : memref<2x32xi32, #tpu.memory_space<vmem>>, vector<1x16xi32>,
    %dma_start3A = arith.constant 0 : i32
    %dma_start3A_40 = arith.constant 0 : i32
    %dma_start3A_41 = arith.constant 0 : i32
    %dma_start3A_42 = tpu.memref_slice %arg26[%dma_start3A, %dma_start3A_40, %dma_start3A_41] : memref<2x32x1024xf32, #tpu.memory_space<vmem>> -> memref<1x32x1024xf32, #tpu.memory_space<vmem>>
    %dma_start3A_43 = tpu.memref_squeeze %dma_start3A_42 : memref<1x32x1024xf32, #tpu.memory_space<vmem>> -> memref<32x1024xf32, #tpu.memory_space<vmem>>
    %dma_start3A_44 = arith.constant 0 : i32
    %dma_start3A_45 = tpu.memref_slice %arg24[%dma_start3A_44] : memref<64xi32, #tpu.memory_space<vmem>> -> memref<32xi32, #tpu.memory_space<vmem>>
    %dma_start3A_46 = arith.constant 0 : i32
    %dma_start3A_47 = arith.constant 0 : i32
    %dma_start3A_48 = tpu.memref_slice %arg10[%dma_start3A_46, %dma_start3A_47] : memref<20000x1024xf32, #tpu.memory_space<hbm>> -> memref<20000x1024xf32, #tpu.memory_space<hbm>>
    tpu.enqueue_indirect_dma source(%dma_start3A_48 : memref<20000x1024xf32, #tpu.memory_space<hbm>>) target(%dma_start3A_43 : memref<32x1024xf32, #tpu.memory_space<vmem>>) offsets(%dma_start3A_45 : memref<32xi32, #tpu.memory_space<vmem>>) semaphore(%arg29 : memref<!tpu.dma_semaphore, #tpu.memory_space<semaphore_mem>>)
    %get3A_49 = arith.constant 32 : index
    %get3A_50 = tpu.vector_load %arg16[%get3A_49] {strides = array<i32>} : memref<1600xi32, #tpu.memory_space<vmem>>, vector<16xi32>,
    %get3A_51 = vector.shape_cast %get3A_50 : vector<16xi32> to vector<16xi32>
    %lt3A_52 = arith.constant 20000 : i32
    %lt3A_53 = vector.broadcast %lt3A_52 : i32 to vector<16xi32>
    %lt3A_54 = arith.cmpi slt, %get3A_51, %lt3A_53 : vector<16xi32>
    %select_n3A_55 = arith.select %lt3A_54, %get3A_51, %broadcast_in_dim3A_3 : vector<16xi1>, vector<16xi32>
    %swap3A_56 = arith.constant 32 : index
    %swap3A_57 = tpu.vector_load %arg24[%swap3A_56] {strides = array<i32>} : memref<64xi32, #tpu.memory_space<vmem>>, vector<16xi32>,
    %swap3A_58 = vector.shape_cast %swap3A_57 : vector<16xi32> to vector<16xi32>
    %swap3A_59 = vector.shape_cast %select_n3A_55 : vector<16xi32> to vector<16xi32>
    tpu.vector_store %arg24[%swap3A_56], %swap3A_59 {strides = array<i32>} : memref<64xi32, #tpu.memory_space<vmem>>, vector<16xi32>,
    %get3A_60 = arith.constant 32 : index
    %get3A_61 = tpu.vector_load %arg23[%get3A_60] {strides = array<i32>} : memref<1600xi32, #tpu.memory_space<vmem>>, vector<16xi32>,
    %get3A_62 = vector.shape_cast %get3A_61 : vector<16xi32> to vector<16xi32>
    %swap3A_63 = arith.constant 1 : i32
    %swap3A_64 = arith.index_cast %swap3A_63 : i32 to index
    %swap3A_65 = arith.constant 0 : index
    %swap3A_66 = tpu.vector_load %arg25[%swap3A_64, %swap3A_65] {strides = array<i32>} : memref<2x32xi32, #tpu.memory_space<vmem>>, vector<1x16xi32>,
    %swap3A_67 = vector.shape_cast %swap3A_66 : vector<1x16xi32> to vector<16xi32>
    %swap3A_68 = vector.shape_cast %get3A_62 : vector<16xi32> to vector<1x16xi32>
    tpu.vector_store %arg25[%swap3A_64, %swap3A_65], %swap3A_68 {strides = array<i32>} : memref<2x32xi32, #tpu.memory_space<vmem>>, vector<1x16xi32>,
    %get3A_69 = arith.constant 48 : index
    %get3A_70 = tpu.vector_load %arg16[%get3A_69] {strides = array<i32>} : memref<1600xi32, #tpu.memory_space<vmem>>, vector<16xi32>,
    %get3A_71 = vector.shape_cast %get3A_70 : vector<16xi32> to vector<16xi32>
    %lt3A_72 = arith.constant 20000 : i32
    %lt3A_73 = vector.broadcast %lt3A_72 : i32 to vector<16xi32>
    %lt3A_74 = arith.cmpi slt, %get3A_71, %lt3A_73 : vector<16xi32>
    %select_n3A_75 = arith.select %lt3A_74, %get3A_71, %broadcast_in_dim3A_3 : vector<16xi1>, vector<16xi32>
    %swap3A_76 = arith.constant 48 : index
    %swap3A_77 = tpu.vector_load %arg24[%swap3A_76] {strides = array<i32>} : memref<64xi32, #tpu.memory_space<vmem>>, vector<16xi32>,
    %swap3A_78 = vector.shape_cast %swap3A_77 : vector<16xi32> to vector<16xi32>
    %swap3A_79 = vector.shape_cast %select_n3A_75 : vector<16xi32> to vector<16xi32>
    tpu.vector_store %arg24[%swap3A_76], %swap3A_79 {strides = array<i32>} : memref<64xi32, #tpu.memory_space<vmem>>, vector<16xi32>,
    %get3A_80 = arith.constant 48 : index
    %get3A_81 = tpu.vector_load %arg23[%get3A_80] {strides = array<i32>} : memref<1600xi32, #tpu.memory_space<vmem>>, vector<16xi32>,
    %get3A_82 = vector.shape_cast %get3A_81 : vector<16xi32> to vector<16xi32>
    %swap3A_83 = arith.constant 1 : i32
    %swap3A_84 = arith.index_cast %swap3A_83 : i32 to index
    %swap3A_85 = arith.constant 16 : index
    %swap3A_86 = tpu.vector_load %arg25[%swap3A_84, %swap3A_85] {strides = array<i32>} : memref<2x32xi32, #tpu.memory_space<vmem>>, vector<1x16xi32>,
    %swap3A_87 = vector.shape_cast %swap3A_86 : vector<1x16xi32> to vector<16xi32>
    %swap3A_88 = vector.shape_cast %get3A_82 : vector<16xi32> to vector<1x16xi32>
    tpu.vector_store %arg25[%swap3A_84, %swap3A_85], %swap3A_88 {strides = array<i32>} : memref<2x32xi32, #tpu.memory_space<vmem>>, vector<1x16xi32>,
    %dma_start3A_89 = arith.constant 1 : i32
    %dma_start3A_90 = arith.constant 0 : i32
    %dma_start3A_91 = arith.constant 0 : i32
    %dma_start3A_92 = tpu.memref_slice %arg26[%dma_start3A_89, %dma_start3A_90, %dma_start3A_91] : memref<2x32x1024xf32, #tpu.memory_space<vmem>> -> memref<1x32x1024xf32, #tpu.memory_space<vmem>>
    %dma_start3A_93 = tpu.memref_squeeze %dma_start3A_92 : memref<1x32x1024xf32, #tpu.memory_space<vmem>> -> memref<32x1024xf32, #tpu.memory_space<vmem>>
    %dma_start3A_94 = arith.constant 32 : i32
    %dma_start3A_95 = tpu.memref_slice %arg24[%dma_start3A_94] : memref<64xi32, #tpu.memory_space<vmem>> -> memref<32xi32, #tpu.memory_space<vmem>>
    %dma_start3A_96 = arith.constant 0 : i32
    %dma_start3A_97 = arith.constant 0 : i32
    %dma_start3A_98 = tpu.memref_slice %arg10[%dma_start3A_96, %dma_start3A_97] : memref<20000x1024xf32, #tpu.memory_space<hbm>> -> memref<20000x1024xf32, #tpu.memory_space<hbm>>
    tpu.enqueue_indirect_dma source(%dma_start3A_98 : memref<20000x1024xf32, #tpu.memory_space<hbm>>) target(%dma_start3A_93 : memref<32x1024xf32, #tpu.memory_space<vmem>>) offsets(%dma_start3A_95 : memref<32xi32, #tpu.memory_space<vmem>>) semaphore(%arg30 : memref<!tpu.dma_semaphore, #tpu.memory_space<semaphore_mem>>)
    %scan3A = arith.constant 0 : i32
    %scan3A_99 = arith.constant 0 : i32
    %scan3A_100 = arith.constant 25 : i32
    %scan3A_101 = arith.addi %scan3A_99, %scan3A_100 : i32
    %scan3A_102 = arith.constant 1 : i32
    %scan3A_103 = scf.for %scan3A_415 = %scan3A_99 to %scan3A_101 step %scan3A_102 iter_args(%scan3A_416 = %scan3A) -> (i32)  : i32 {
      %mul3A_417 = arith.constant 2 : i32
      %mul3A_418 = arith.muli %scan3A_415, %mul3A_417 : i32
      %add3A_419 = arith.constant 0 : i32
      %add3A_420 = arith.addi %mul3A_418, %add3A_419 : i32
      %lt3A_421 = arith.constant 50 : i32
      %lt3A_422 = arith.cmpi slt, %add3A_420, %lt3A_421 : i32
      %convert_element_type3A = arith.extui %lt3A_422 : i1 to i32
      %cond3A = arith.constant 0 : i32
      %cond3A_423 = arith.cmpi ne, %convert_element_type3A, %cond3A : i32
      scf.if %cond3A_423 {
        %dma_wait3A_434 = arith.constant 0 : i32
        %dma_wait3A_435 = arith.constant 0 : i32
        %dma_wait3A_436 = arith.constant 0 : i32
        %dma_wait3A_437 = tpu.memref_slice %arg26[%dma_wait3A_434, %dma_wait3A_435, %dma_wait3A_436] : memref<2x32x1024xf32, #tpu.memory_space<vmem>> -> memref<1x32x1024xf32, #tpu.memory_space<vmem>>
        %dma_wait3A_438 = tpu.memref_squeeze %dma_wait3A_437 : memref<1x32x1024xf32, #tpu.memory_space<vmem>> -> memref<32x1024xf32, #tpu.memory_space<vmem>>
        %dma_wait3A_439 = arith.constant 0 : i32
        %dma_wait3A_440 = tpu.memref_slice %arg24[%dma_wait3A_439] : memref<64xi32, #tpu.memory_space<vmem>> -> memref<32xi32, #tpu.memory_space<vmem>>
        %dma_wait3A_441 = arith.constant 0 : i32
        %dma_wait3A_442 = arith.constant 0 : i32
        %dma_wait3A_443 = tpu.memref_slice %arg10[%dma_wait3A_441, %dma_wait3A_442] : memref<20000x1024xf32, #tpu.memory_space<hbm>> -> memref<20000x1024xf32, #tpu.memory_space<hbm>>
        tpu.wait_indirect_dma semaphore(%arg29 : memref<!tpu.dma_semaphore, #tpu.memory_space<semaphore_mem>>) src(%dma_wait3A_443 : memref<20000x1024xf32, #tpu.memory_space<hbm>>) dst(%dma_wait3A_438 : memref<32x1024xf32, #tpu.memory_space<vmem>>)
        %dma_start3A_444 = arith.constant 0 : i32
        %dma_start3A_445 = arith.constant 0 : i32
        %dma_start3A_446 = arith.constant 0 : i32
        %dma_start3A_447 = arith.constant 0 : i32
        %dma_start3A_448 = tpu.memref_slice %arg26[%dma_start3A_444, %dma_start3A_446, %dma_start3A_447] : memref<2x32x1024xf32, #tpu.memory_space<vmem>> -> memref<1x32x1024xf32, #tpu.memory_space<vmem>>
        %dma_start3A_449 = tpu.memref_squeeze %dma_start3A_448 : memref<1x32x1024xf32, #tpu.memory_space<vmem>> -> memref<32x1024xf32, #tpu.memory_space<vmem>>
        %dma_start3A_450 = arith.constant 0 : i32
        %dma_start3A_451 = tpu.memref_slice %arg25[%dma_start3A_445, %dma_start3A_450] : memref<2x32xi32, #tpu.memory_space<vmem>> -> memref<1x32xi32, #tpu.memory_space<vmem>>
        %dma_start3A_452 = tpu.memref_squeeze %dma_start3A_451 : memref<1x32xi32, #tpu.memory_space<vmem>> -> memref<32xi32, #tpu.memory_space<vmem>>
        %dma_start3A_453 = arith.constant 0 : i32
        %dma_start3A_454 = arith.constant 0 : i32
        %dma_start3A_455 = tpu.memref_slice %arg13[%dma_start3A_453, %dma_start3A_454] : memref<51208x1024xf32, #tpu.memory_space<hbm>> -> memref<51208x1024xf32, #tpu.memory_space<hbm>>
        tpu.enqueue_indirect_dma source(%dma_start3A_449 : memref<32x1024xf32, #tpu.memory_space<vmem>>) target(%dma_start3A_455 : memref<51208x1024xf32, #tpu.memory_space<hbm>>) offsets(%dma_start3A_452 : memref<32xi32, #tpu.memory_space<vmem>>) semaphore(%arg31 : memref<!tpu.dma_semaphore, #tpu.memory_space<semaphore_mem>>)
        %add3A_456 = arith.constant 2 : i32
        %add3A_457 = arith.addi %add3A_420, %add3A_456 : i32
        %lt3A_458 = arith.constant 50 : i32
        %lt3A_459 = arith.cmpi slt, %add3A_457, %lt3A_458 : i32
        %convert_element_type3A_460 = arith.extui %lt3A_459 : i1 to i32
        %cond3A_461 = arith.constant 0 : i32
        %cond3A_462 = arith.cmpi ne, %convert_element_type3A_460, %cond3A_461 : i32
        scf.if %cond3A_462 {
          %dma_wait3A_463 = arith.constant 0 : i32
          %dma_wait3A_464 = arith.constant 0 : i32
          %dma_wait3A_465 = arith.constant 0 : i32
          %dma_wait3A_466 = tpu.memref_slice %arg26[%dma_wait3A_463, %dma_wait3A_464, %dma_wait3A_465] : memref<2x32x1024xf32, #tpu.memory_space<vmem>> -> memref<1x32x1024xf32, #tpu.memory_space<vmem>>
          %dma_wait3A_467 = tpu.memref_squeeze %dma_wait3A_466 : memref<1x32x1024xf32, #tpu.memory_space<vmem>> -> memref<32x1024xf32, #tpu.memory_space<vmem>>
          %dma_wait3A_468 = arith.constant 0 : i32
          %dma_wait3A_469 = tpu.memref_slice %arg24[%dma_wait3A_468] : memref<64xi32, #tpu.memory_space<vmem>> -> memref<32xi32, #tpu.memory_space<vmem>>
          %dma_wait3A_470 = arith.constant 0 : i32
          %dma_wait3A_471 = arith.constant 0 : i32
          %dma_wait3A_472 = tpu.memref_slice %arg10[%dma_wait3A_470, %dma_wait3A_471] : memref<20000x1024xf32, #tpu.memory_space<hbm>> -> memref<20000x1024xf32, #tpu.memory_space<hbm>>
          tpu.wait_indirect_dma semaphore(%arg31 : memref<!tpu.dma_semaphore, #tpu.memory_space<semaphore_mem>>) src(%dma_wait3A_472 : memref<20000x1024xf32, #tpu.memory_space<hbm>>) dst(%dma_wait3A_467 : memref<32x1024xf32, #tpu.memory_space<vmem>>)
          %add3A_473 = arith.constant 2 : i32
          %add3A_474 = arith.addi %add3A_420, %add3A_473 : i32
          %mul3A_475 = arith.constant 32 : i32
          %mul3A_476 = arith.muli %add3A_474, %mul3A_475 : i32
          %add3A_477 = arith.constant 0 : i32
          %add3A_478 = arith.addi %mul3A_476, %add3A_477 : i32
          %get3A_479 = arith.index_cast %add3A_478 : i32 to index
          %get3A_480 = tpu.vector_load %arg16[%get3A_479] {strides = array<i32>} : memref<1600xi32, #tpu.memory_space<vmem>>, vector<16xi32>,
          %get3A_481 = vector.shape_cast %get3A_480 : vector<16xi32> to vector<16xi32>
          %lt3A_482 = arith.constant 20000 : i32
          %lt3A_483 = vector.broadcast %lt3A_482 : i32 to vector<16xi32>
          %lt3A_484 = arith.cmpi slt, %get3A_481, %lt3A_483 : vector<16xi32>
          %select_n3A_485 = arith.select %lt3A_484, %get3A_481, %broadcast_in_dim3A_3 : vector<16xi1>, vector<16xi32>
          %swap3A_486 = arith.constant 0 : index
          %swap3A_487 = tpu.vector_load %arg24[%swap3A_486] {strides = array<i32>} : memref<64xi32, #tpu.memory_space<vmem>>, vector<16xi32>,
          %swap3A_488 = vector.shape_cast %swap3A_487 : vector<16xi32> to vector<16xi32>
          %swap3A_489 = vector.shape_cast %select_n3A_485 : vector<16xi32> to vector<16xi32>
          tpu.vector_store %arg24[%swap3A_486], %swap3A_489 {strides = array<i32>} : memref<64xi32, #tpu.memory_space<vmem>>, vector<16xi32>,
          %mul3A_490 = arith.constant 32 : i32
          %mul3A_491 = arith.muli %add3A_474, %mul3A_490 : i32
          %add3A_492 = arith.constant 0 : i32
          %add3A_493 = arith.addi %mul3A_491, %add3A_492 : i32
          %get3A_494 = arith.index_cast %add3A_493 : i32 to index
          %get3A_495 = tpu.vector_load %arg23[%get3A_494] {strides = array<i32>} : memref<1600xi32, #tpu.memory_space<vmem>>, vector<16xi32>,
          %get3A_496 = vector.shape_cast %get3A_495 : vector<16xi32> to vector<16xi32>
          %swap3A_497 = arith.constant 0 : i32
          %swap3A_498 = arith.index_cast %swap3A_497 : i32 to index
          %swap3A_499 = arith.constant 0 : index
          %swap3A_500 = tpu.vector_load %arg25[%swap3A_498, %swap3A_499] {strides = array<i32>} : memref<2x32xi32, #tpu.memory_space<vmem>>, vector<1x16xi32>,
          %swap3A_501 = vector.shape_cast %swap3A_500 : vector<1x16xi32> to vector<16xi32>
          %swap3A_502 = vector.shape_cast %get3A_496 : vector<16xi32> to vector<1x16xi32>
          tpu.vector_store %arg25[%swap3A_498, %swap3A_499], %swap3A_502 {strides = array<i32>} : memref<2x32xi32, #tpu.memory_space<vmem>>, vector<1x16xi32>,
          %mul3A_503 = arith.constant 32 : i32
          %mul3A_504 = arith.muli %add3A_474, %mul3A_503 : i32
          %add3A_505 = arith.constant 16 : i32
          %add3A_506 = arith.addi %mul3A_504, %add3A_505 : i32
          %get3A_507 = arith.index_cast %add3A_506 : i32 to index
          %get3A_508 = tpu.vector_load %arg16[%get3A_507] {strides = array<i32>} : memref<1600xi32, #tpu.memory_space<vmem>>, vector<16xi32>,
          %get3A_509 = vector.shape_cast %get3A_508 : vector<16xi32> to vector<16xi32>
          %lt3A_510 = arith.constant 20000 : i32
          %lt3A_511 = vector.broadcast %lt3A_510 : i32 to vector<16xi32>
          %lt3A_512 = arith.cmpi slt, %get3A_509, %lt3A_511 : vector<16xi32>
          %select_n3A_513 = arith.select %lt3A_512, %get3A_509, %broadcast_in_dim3A_3 : vector<16xi1>, vector<16xi32>
          %swap3A_514 = arith.constant 16 : index
          %swap3A_515 = tpu.vector_load %arg24[%swap3A_514] {strides = array<i32>} : memref<64xi32, #tpu.memory_space<vmem>>, vector<16xi32>,
          %swap3A_516 = vector.shape_cast %swap3A_515 : vector<16xi32> to vector<16xi32>
          %swap3A_517 = vector.shape_cast %select_n3A_513 : vector<16xi32> to vector<16xi32>
          tpu.vector_store %arg24[%swap3A_514], %swap3A_517 {strides = array<i32>} : memref<64xi32, #tpu.memory_space<vmem>>, vector<16xi32>,
          %mul3A_518 = arith.constant 32 : i32
          %mul3A_519 = arith.muli %add3A_474, %mul3A_518 : i32
          %add3A_520 = arith.constant 16 : i32
          %add3A_521 = arith.addi %mul3A_519, %add3A_520 : i32
          %get3A_522 = arith.index_cast %add3A_521 : i32 to index
          %get3A_523 = tpu.vector_load %arg23[%get3A_522] {strides = array<i32>} : memref<1600xi32, #tpu.memory_space<vmem>>, vector<16xi32>,
          %get3A_524 = vector.shape_cast %get3A_523 : vector<16xi32> to vector<16xi32>
          %swap3A_525 = arith.constant 0 : i32
          %swap3A_526 = arith.index_cast %swap3A_525 : i32 to index
          %swap3A_527 = arith.constant 16 : index
          %swap3A_528 = tpu.vector_load %arg25[%swap3A_526, %swap3A_527] {strides = array<i32>} : memref<2x32xi32, #tpu.memory_space<vmem>>, vector<1x16xi32>,
          %swap3A_529 = vector.shape_cast %swap3A_528 : vector<1x16xi32> to vector<16xi32>
          %swap3A_530 = vector.shape_cast %get3A_524 : vector<16xi32> to vector<1x16xi32>
          tpu.vector_store %arg25[%swap3A_526, %swap3A_527], %swap3A_530 {strides = array<i32>} : memref<2x32xi32, #tpu.memory_space<vmem>>, vector<1x16xi32>,
          %dma_start3A_531 = arith.constant 0 : i32
          %dma_start3A_532 = arith.constant 0 : i32
          %dma_start3A_533 = arith.constant 0 : i32
          %dma_start3A_534 = tpu.memref_slice %arg26[%dma_start3A_531, %dma_start3A_532, %dma_start3A_533] : memref<2x32x1024xf32, #tpu.memory_space<vmem>> -> memref<1x32x1024xf32, #tpu.memory_space<vmem>>
          %dma_start3A_535 = tpu.memref_squeeze %dma_start3A_534 : memref<1x32x1024xf32, #tpu.memory_space<vmem>> -> memref<32x1024xf32, #tpu.memory_space<vmem>>
          %dma_start3A_536 = arith.constant 0 : i32
          %dma_start3A_537 = tpu.memref_slice %arg24[%dma_start3A_536] : memref<64xi32, #tpu.memory_space<vmem>> -> memref<32xi32, #tpu.memory_space<vmem>>
          %dma_start3A_538 = arith.constant 0 : i32
          %dma_start3A_539 = arith.constant 0 : i32
          %dma_start3A_540 = tpu.memref_slice %arg10[%dma_start3A_538, %dma_start3A_539] : memref<20000x1024xf32, #tpu.memory_space<hbm>> -> memref<20000x1024xf32, #tpu.memory_space<hbm>>
          tpu.enqueue_indirect_dma source(%dma_start3A_540 : memref<20000x1024xf32, #tpu.memory_space<hbm>>) target(%dma_start3A_535 : memref<32x1024xf32, #tpu.memory_space<vmem>>) offsets(%dma_start3A_537 : memref<32xi32, #tpu.memory_space<vmem>>) semaphore(%arg29 : memref<!tpu.dma_semaphore, #tpu.memory_space<semaphore_mem>>)
        } else {
        }
      } else {
      }
      %mul3A_424 = arith.constant 2 : i32
      %mul3A_425 = arith.muli %scan3A_415, %mul3A_424 : i32
      %add3A_426 = arith.constant 1 : i32
      %add3A_427 = arith.addi %mul3A_425, %add3A_426 : i32
      %lt3A_428 = arith.constant 50 : i32
      %lt3A_429 = arith.cmpi slt, %add3A_427, %lt3A_428 : i32
      %convert_element_type3A_430 = arith.extui %lt3A_429 : i1 to i32
      %cond3A_431 = arith.constant 0 : i32
      %cond3A_432 = arith.cmpi ne, %convert_element_type3A_430, %cond3A_431 : i32
      scf.if %cond3A_432 {
        %dma_wait3A_434 = arith.constant 1 : i32
        %dma_wait3A_435 = arith.constant 0 : i32
        %dma_wait3A_436 = arith.constant 0 : i32
        %dma_wait3A_437 = tpu.memref_slice %arg26[%dma_wait3A_434, %dma_wait3A_435, %dma_wait3A_436] : memref<2x32x1024xf32, #tpu.memory_space<vmem>> -> memref<1x32x1024xf32, #tpu.memory_space<vmem>>
        %dma_wait3A_438 = tpu.memref_squeeze %dma_wait3A_437 : memref<1x32x1024xf32, #tpu.memory_space<vmem>> -> memref<32x1024xf32, #tpu.memory_space<vmem>>
        %dma_wait3A_439 = arith.constant 32 : i32
        %dma_wait3A_440 = tpu.memref_slice %arg24[%dma_wait3A_439] : memref<64xi32, #tpu.memory_space<vmem>> -> memref<32xi32, #tpu.memory_space<vmem>>
        %dma_wait3A_441 = arith.constant 0 : i32
        %dma_wait3A_442 = arith.constant 0 : i32
        %dma_wait3A_443 = tpu.memref_slice %arg10[%dma_wait3A_441, %dma_wait3A_442] : memref<20000x1024xf32, #tpu.memory_space<hbm>> -> memref<20000x1024xf32, #tpu.memory_space<hbm>>
        tpu.wait_indirect_dma semaphore(%arg30 : memref<!tpu.dma_semaphore, #tpu.memory_space<semaphore_mem>>) src(%dma_wait3A_443 : memref<20000x1024xf32, #tpu.memory_space<hbm>>) dst(%dma_wait3A_438 : memref<32x1024xf32, #tpu.memory_space<vmem>>)
        %dma_start3A_444 = arith.constant 1 : i32
        %dma_start3A_445 = arith.constant 1 : i32
        %dma_start3A_446 = arith.constant 0 : i32
        %dma_start3A_447 = arith.constant 0 : i32
        %dma_start3A_448 = tpu.memref_slice %arg26[%dma_start3A_444, %dma_start3A_446, %dma_start3A_447] : memref<2x32x1024xf32, #tpu.memory_space<vmem>> -> memref<1x32x1024xf32, #tpu.memory_space<vmem>>
        %dma_start3A_449 = tpu.memref_squeeze %dma_start3A_448 : memref<1x32x1024xf32, #tpu.memory_space<vmem>> -> memref<32x1024xf32, #tpu.memory_space<vmem>>
        %dma_start3A_450 = arith.constant 0 : i32
        %dma_start3A_451 = tpu.memref_slice %arg25[%dma_start3A_445, %dma_start3A_450] : memref<2x32xi32, #tpu.memory_space<vmem>> -> memref<1x32xi32, #tpu.memory_space<vmem>>
        %dma_start3A_452 = tpu.memref_squeeze %dma_start3A_451 : memref<1x32xi32, #tpu.memory_space<vmem>> -> memref<32xi32, #tpu.memory_space<vmem>>
        %dma_start3A_453 = arith.constant 0 : i32
        %dma_start3A_454 = arith.constant 0 : i32
        %dma_start3A_455 = tpu.memref_slice %arg13[%dma_start3A_453, %dma_start3A_454] : memref<51208x1024xf32, #tpu.memory_space<hbm>> -> memref<51208x1024xf32, #tpu.memory_space<hbm>>
        tpu.enqueue_indirect_dma source(%dma_start3A_449 : memref<32x1024xf32, #tpu.memory_space<vmem>>) target(%dma_start3A_455 : memref<51208x1024xf32, #tpu.memory_space<hbm>>) offsets(%dma_start3A_452 : memref<32xi32, #tpu.memory_space<vmem>>) semaphore(%arg32 : memref<!tpu.dma_semaphore, #tpu.memory_space<semaphore_mem>>)
        %add3A_456 = arith.constant 2 : i32
        %add3A_457 = arith.addi %add3A_427, %add3A_456 : i32
        %lt3A_458 = arith.constant 50 : i32
        %lt3A_459 = arith.cmpi slt, %add3A_457, %lt3A_458 : i32
        %convert_element_type3A_460 = arith.extui %lt3A_459 : i1 to i32
        %cond3A_461 = arith.constant 0 : i32
        %cond3A_462 = arith.cmpi ne, %convert_element_type3A_460, %cond3A_461 : i32
        scf.if %cond3A_462 {
          %dma_wait3A_463 = arith.constant 1 : i32
          %dma_wait3A_464 = arith.constant 0 : i32
          %dma_wait3A_465 = arith.constant 0 : i32
          %dma_wait3A_466 = tpu.memref_slice %arg26[%dma_wait3A_463, %dma_wait3A_464, %dma_wait3A_465] : memref<2x32x1024xf32, #tpu.memory_space<vmem>> -> memref<1x32x1024xf32, #tpu.memory_space<vmem>>
          %dma_wait3A_467 = tpu.memref_squeeze %dma_wait3A_466 : memref<1x32x1024xf32, #tpu.memory_space<vmem>> -> memref<32x1024xf32, #tpu.memory_space<vmem>>
          %dma_wait3A_468 = arith.constant 32 : i32
          %dma_wait3A_469 = tpu.memref_slice %arg24[%dma_wait3A_468] : memref<64xi32, #tpu.memory_space<vmem>> -> memref<32xi32, #tpu.memory_space<vmem>>
          %dma_wait3A_470 = arith.constant 0 : i32
          %dma_wait3A_471 = arith.constant 0 : i32
          %dma_wait3A_472 = tpu.memref_slice %arg10[%dma_wait3A_470, %dma_wait3A_471] : memref<20000x1024xf32, #tpu.memory_space<hbm>> -> memref<20000x1024xf32, #tpu.memory_space<hbm>>
          tpu.wait_indirect_dma semaphore(%arg32 : memref<!tpu.dma_semaphore, #tpu.memory_space<semaphore_mem>>) src(%dma_wait3A_472 : memref<20000x1024xf32, #tpu.memory_space<hbm>>) dst(%dma_wait3A_467 : memref<32x1024xf32, #tpu.memory_space<vmem>>)
          %add3A_473 = arith.constant 2 : i32
          %add3A_474 = arith.addi %add3A_427, %add3A_473 : i32
          %mul3A_475 = arith.constant 32 : i32
          %mul3A_476 = arith.muli %add3A_474, %mul3A_475 : i32
          %add3A_477 = arith.constant 0 : i32
          %add3A_478 = arith.addi %mul3A_476, %add3A_477 : i32
          %get3A_479 = arith.index_cast %add3A_478 : i32 to index
          %get3A_480 = tpu.vector_load %arg16[%get3A_479] {strides = array<i32>} : memref<1600xi32, #tpu.memory_space<vmem>>, vector<16xi32>,
          %get3A_481 = vector.shape_cast %get3A_480 : vector<16xi32> to vector<16xi32>
          %lt3A_482 = arith.constant 20000 : i32
          %lt3A_483 = vector.broadcast %lt3A_482 : i32 to vector<16xi32>
          %lt3A_484 = arith.cmpi slt, %get3A_481, %lt3A_483 : vector<16xi32>
          %select_n3A_485 = arith.select %lt3A_484, %get3A_481, %broadcast_in_dim3A_3 : vector<16xi1>, vector<16xi32>
          %swap3A_486 = arith.constant 32 : index
          %swap3A_487 = tpu.vector_load %arg24[%swap3A_486] {strides = array<i32>} : memref<64xi32, #tpu.memory_space<vmem>>, vector<16xi32>,
          %swap3A_488 = vector.shape_cast %swap3A_487 : vector<16xi32> to vector<16xi32>
          %swap3A_489 = vector.shape_cast %select_n3A_485 : vector<16xi32> to vector<16xi32>
          tpu.vector_store %arg24[%swap3A_486], %swap3A_489 {strides = array<i32>} : memref<64xi32, #tpu.memory_space<vmem>>, vector<16xi32>,
          %mul3A_490 = arith.constant 32 : i32
          %mul3A_491 = arith.muli %add3A_474, %mul3A_490 : i32
          %add3A_492 = arith.constant 0 : i32
          %add3A_493 = arith.addi %mul3A_491, %add3A_492 : i32
          %get3A_494 = arith.index_cast %add3A_493 : i32 to index
          %get3A_495 = tpu.vector_load %arg23[%get3A_494] {strides = array<i32>} : memref<1600xi32, #tpu.memory_space<vmem>>, vector<16xi32>,
          %get3A_496 = vector.shape_cast %get3A_495 : vector<16xi32> to vector<16xi32>
          %swap3A_497 = arith.constant 1 : i32
          %swap3A_498 = arith.index_cast %swap3A_497 : i32 to index
          %swap3A_499 = arith.constant 0 : index
          %swap3A_500 = tpu.vector_load %arg25[%swap3A_498, %swap3A_499] {strides = array<i32>} : memref<2x32xi32, #tpu.memory_space<vmem>>, vector<1x16xi32>,
          %swap3A_501 = vector.shape_cast %swap3A_500 : vector<1x16xi32> to vector<16xi32>
          %swap3A_502 = vector.shape_cast %get3A_496 : vector<16xi32> to vector<1x16xi32>
          tpu.vector_store %arg25[%swap3A_498, %swap3A_499], %swap3A_502 {strides = array<i32>} : memref<2x32xi32, #tpu.memory_space<vmem>>, vector<1x16xi32>,
          %mul3A_503 = arith.constant 32 : i32
          %mul3A_504 = arith.muli %add3A_474, %mul3A_503 : i32
          %add3A_505 = arith.constant 16 : i32
          %add3A_506 = arith.addi %mul3A_504, %add3A_505 : i32
          %get3A_507 = arith.index_cast %add3A_506 : i32 to index
          %get3A_508 = tpu.vector_load %arg16[%get3A_507] {strides = array<i32>} : memref<1600xi32, #tpu.memory_space<vmem>>, vector<16xi32>,
          %get3A_509 = vector.shape_cast %get3A_508 : vector<16xi32> to vector<16xi32>
          %lt3A_510 = arith.constant 20000 : i32
          %lt3A_511 = vector.broadcast %lt3A_510 : i32 to vector<16xi32>
          %lt3A_512 = arith.cmpi slt, %get3A_509, %lt3A_511 : vector<16xi32>
          %select_n3A_513 = arith.select %lt3A_512, %get3A_509, %broadcast_in_dim3A_3 : vector<16xi1>, vector<16xi32>
          %swap3A_514 = arith.constant 48 : index
          %swap3A_515 = tpu.vector_load %arg24[%swap3A_514] {strides = array<i32>} : memref<64xi32, #tpu.memory_space<vmem>>, vector<16xi32>,
          %swap3A_516 = vector.shape_cast %swap3A_515 : vector<16xi32> to vector<16xi32>
          %swap3A_517 = vector.shape_cast %select_n3A_513 : vector<16xi32> to vector<16xi32>
          tpu.vector_store %arg24[%swap3A_514], %swap3A_517 {strides = array<i32>} : memref<64xi32, #tpu.memory_space<vmem>>, vector<16xi32>,
          %mul3A_518 = arith.constant 32 : i32
          %mul3A_519 = arith.muli %add3A_474, %mul3A_518 : i32
          %add3A_520 = arith.constant 16 : i32
          %add3A_521 = arith.addi %mul3A_519, %add3A_520 : i32
          %get3A_522 = arith.index_cast %add3A_521 : i32 to index
          %get3A_523 = tpu.vector_load %arg23[%get3A_522] {strides = array<i32>} : memref<1600xi32, #tpu.memory_space<vmem>>, vector<16xi32>,
          %get3A_524 = vector.shape_cast %get3A_523 : vector<16xi32> to vector<16xi32>
          %swap3A_525 = arith.constant 1 : i32
          %swap3A_526 = arith.index_cast %swap3A_525 : i32 to index
          %swap3A_527 = arith.constant 16 : index
          %swap3A_528 = tpu.vector_load %arg25[%swap3A_526, %swap3A_527] {strides = array<i32>} : memref<2x32xi32, #tpu.memory_space<vmem>>, vector<1x16xi32>,
          %swap3A_529 = vector.shape_cast %swap3A_528 : vector<1x16xi32> to vector<16xi32>
          %swap3A_530 = vector.shape_cast %get3A_524 : vector<16xi32> to vector<1x16xi32>
          tpu.vector_store %arg25[%swap3A_526, %swap3A_527], %swap3A_530 {strides = array<i32>} : memref<2x32xi32, #tpu.memory_space<vmem>>, vector<1x16xi32>,
          %dma_start3A_531 = arith.constant 1 : i32
          %dma_start3A_532 = arith.constant 0 : i32
          %dma_start3A_533 = arith.constant 0 : i32
          %dma_start3A_534 = tpu.memref_slice %arg26[%dma_start3A_531, %dma_start3A_532, %dma_start3A_533] : memref<2x32x1024xf32, #tpu.memory_space<vmem>> -> memref<1x32x1024xf32, #tpu.memory_space<vmem>>
          %dma_start3A_535 = tpu.memref_squeeze %dma_start3A_534 : memref<1x32x1024xf32, #tpu.memory_space<vmem>> -> memref<32x1024xf32, #tpu.memory_space<vmem>>
          %dma_start3A_536 = arith.constant 32 : i32
          %dma_start3A_537 = tpu.memref_slice %arg24[%dma_start3A_536] : memref<64xi32, #tpu.memory_space<vmem>> -> memref<32xi32, #tpu.memory_space<vmem>>
          %dma_start3A_538 = arith.constant 0 : i32
          %dma_start3A_539 = arith.constant 0 : i32
          %dma_start3A_540 = tpu.memref_slice %arg10[%dma_start3A_538, %dma_start3A_539] : memref<20000x1024xf32, #tpu.memory_space<hbm>> -> memref<20000x1024xf32, #tpu.memory_space<hbm>>
          tpu.enqueue_indirect_dma source(%dma_start3A_540 : memref<20000x1024xf32, #tpu.memory_space<hbm>>) target(%dma_start3A_535 : memref<32x1024xf32, #tpu.memory_space<vmem>>) offsets(%dma_start3A_537 : memref<32xi32, #tpu.memory_space<vmem>>) semaphore(%arg30 : memref<!tpu.dma_semaphore, #tpu.memory_space<semaphore_mem>>)
        } else {
        }
      } else {
      }
      %scan3A_433 = arith.constant 0 : i32
      scf.yield %scan3A_433 : i32
    }
    %scan3A_104 = arith.constant 25 : i32
    %dma_wait3A = arith.constant 0 : i32
    %dma_wait3A_105 = arith.constant 0 : i32
    %dma_wait3A_106 = arith.constant 0 : i32
    %dma_wait3A_107 = tpu.memref_slice %arg26[%dma_wait3A, %dma_wait3A_105, %dma_wait3A_106] : memref<2x32x1024xf32, #tpu.memory_space<vmem>> -> memref<1x32x1024xf32, #tpu.memory_space<vmem>>
    %dma_wait3A_108 = tpu.memref_squeeze %dma_wait3A_107 : memref<1x32x1024xf32, #tpu.memory_space<vmem>> -> memref<32x1024xf32, #tpu.memory_space<vmem>>
    %dma_wait3A_109 = arith.constant 0 : i32
    %dma_wait3A_110 = tpu.memref_slice %arg24[%dma_wait3A_109] : memref<64xi32, #tpu.memory_space<vmem>> -> memref<32xi32, #tpu.memory_space<vmem>>
    %dma_wait3A_111 = arith.constant 0 : i32
    %dma_wait3A_112 = arith.constant 0 : i32
    %dma_wait3A_113 = tpu.memref_slice %arg10[%dma_wait3A_111, %dma_wait3A_112] : memref<20000x1024xf32, #tpu.memory_space<hbm>> -> memref<20000x1024xf32, #tpu.memory_space<hbm>>
    tpu.wait_indirect_dma semaphore(%arg31 : memref<!tpu.dma_semaphore, #tpu.memory_space<semaphore_mem>>) src(%dma_wait3A_113 : memref<20000x1024xf32, #tpu.memory_space<hbm>>) dst(%dma_wait3A_108 : memref<32x1024xf32, #tpu.memory_space<vmem>>)
    %dma_wait3A_114 = arith.constant 1 : i32
    %dma_wait3A_115 = arith.constant 0 : i32
    %dma_wait3A_116 = arith.constant 0 : i32
    %dma_wait3A_117 = tpu.memref_slice %arg26[%dma_wait3A_114, %dma_wait3A_115, %dma_wait3A_116] : memref<2x32x1024xf32, #tpu.memory_space<vmem>> -> memref<1x32x1024xf32, #tpu.memory_space<vmem>>
    %dma_wait3A_118 = tpu.memref_squeeze %dma_wait3A_117 : memref<1x32x1024xf32, #tpu.memory_space<vmem>> -> memref<32x1024xf32, #tpu.memory_space<vmem>>
    %dma_wait3A_119 = arith.constant 32 : i32
    %dma_wait3A_120 = tpu.memref_slice %arg24[%dma_wait3A_119] : memref<64xi32, #tpu.memory_space<vmem>> -> memref<32xi32, #tpu.memory_space<vmem>>
    %dma_wait3A_121 = arith.constant 0 : i32
    %dma_wait3A_122 = arith.constant 0 : i32
    %dma_wait3A_123 = tpu.memref_slice %arg10[%dma_wait3A_121, %dma_wait3A_122] : memref<20000x1024xf32, #tpu.memory_space<hbm>> -> memref<20000x1024xf32, #tpu.memory_space<hbm>>
    tpu.wait_indirect_dma semaphore(%arg32 : memref<!tpu.dma_semaphore, #tpu.memory_space<semaphore_mem>>) src(%dma_wait3A_123 : memref<20000x1024xf32, #tpu.memory_space<hbm>>) dst(%dma_wait3A_118 : memref<32x1024xf32, #tpu.memory_space<vmem>>)
    %get3A_124 = arith.constant 0 : index
    %get3A_125 = tpu.vector_load %arg16[%get3A_124] {strides = array<i32>} : memref<1600xi32, #tpu.memory_space<vmem>>, vector<16xi32>,
    %get3A_126 = vector.shape_cast %get3A_125 : vector<16xi32> to vector<16xi32>
    %ge3A = arith.constant 20000 : i32
    %ge3A_127 = vector.broadcast %ge3A : i32 to vector<16xi32>
    %ge3A_128 = arith.cmpi sge, %get3A_126, %ge3A_127 : vector<16xi32>
    %lt3A_129 = arith.constant 60000 : i32
    %lt3A_130 = vector.broadcast %lt3A_129 : i32 to vector<16xi32>
    %lt3A_131 = arith.cmpi slt, %get3A_126, %lt3A_130 : vector<16xi32>
    %and3A = arith.andi %ge3A_128, %lt3A_131 : vector<16xi1>
    %sub3A = arith.constant 20000 : i32
    %sub3A_132 = vector.broadcast %sub3A : i32 to vector<16xi32>
    %sub3A_133 = arith.subi %get3A_126, %sub3A_132 : vector<16xi32>
    %select_n3A_134 = arith.select %and3A, %sub3A_133, %broadcast_in_dim3A_3 : vector<16xi1>, vector<16xi32>
    %swap3A_135 = arith.constant 0 : index
    %swap3A_136 = tpu.vector_load %arg24[%swap3A_135] {strides = array<i32>} : memref<64xi32, #tpu.memory_space<vmem>>, vector<16xi32>,
    %swap3A_137 = vector.shape_cast %swap3A_136 : vector<16xi32> to vector<16xi32>
    %swap3A_138 = vector.shape_cast %select_n3A_134 : vector<16xi32> to vector<16xi32>
    tpu.vector_store %arg24[%swap3A_135], %swap3A_138 {strides = array<i32>} : memref<64xi32, #tpu.memory_space<vmem>>, vector<16xi32>,
    %get3A_139 = arith.constant 0 : index
    %get3A_140 = tpu.vector_load %arg23[%get3A_139] {strides = array<i32>} : memref<1600xi32, #tpu.memory_space<vmem>>, vector<16xi32>,
    %get3A_141 = vector.shape_cast %get3A_140 : vector<16xi32> to vector<16xi32>
    %swap3A_142 = arith.constant 0 : i32
    %swap3A_143 = arith.index_cast %swap3A_142 : i32 to index
    %swap3A_144 = arith.constant 0 : index
    %swap3A_145 = tpu.vector_load %arg25[%swap3A_143, %swap3A_144] {strides = array<i32>} : memref<2x32xi32, #tpu.memory_space<vmem>>, vector<1x16xi32>,
    %swap3A_146 = vector.shape_cast %swap3A_145 : vector<1x16xi32> to vector<16xi32>
    %swap3A_147 = vector.shape_cast %get3A_141 : vector<16xi32> to vector<1x16xi32>
    tpu.vector_store %arg25[%swap3A_143, %swap3A_144], %swap3A_147 {strides = array<i32>} : memref<2x32xi32, #tpu.memory_space<vmem>>, vector<1x16xi32>,
    %get3A_148 = arith.constant 16 : index
    %get3A_149 = tpu.vector_load %arg16[%get3A_148] {strides = array<i32>} : memref<1600xi32, #tpu.memory_space<vmem>>, vector<16xi32>,
    %get3A_150 = vector.shape_cast %get3A_149 : vector<16xi32> to vector<16xi32>
    %ge3A_151 = arith.constant 20000 : i32
    %ge3A_152 = vector.broadcast %ge3A_151 : i32 to vector<16xi32>
    %ge3A_153 = arith.cmpi sge, %get3A_150, %ge3A_152 : vector<16xi32>
    %lt3A_154 = arith.constant 60000 : i32
    %lt3A_155 = vector.broadcast %lt3A_154 : i32 to vector<16xi32>
    %lt3A_156 = arith.cmpi slt, %get3A_150, %lt3A_155 : vector<16xi32>
    %and3A_157 = arith.andi %ge3A_153, %lt3A_156 : vector<16xi1>
    %sub3A_158 = arith.constant 20000 : i32
    %sub3A_159 = vector.broadcast %sub3A_158 : i32 to vector<16xi32>
    %sub3A_160 = arith.subi %get3A_150, %sub3A_159 : vector<16xi32>
    %select_n3A_161 = arith.select %and3A_157, %sub3A_160, %broadcast_in_dim3A_3 : vector<16xi1>, vector<16xi32>
    %swap3A_162 = arith.constant 16 : index
    %swap3A_163 = tpu.vector_load %arg24[%swap3A_162] {strides = array<i32>} : memref<64xi32, #tpu.memory_space<vmem>>, vector<16xi32>,
    %swap3A_164 = vector.shape_cast %swap3A_163 : vector<16xi32> to vector<16xi32>
    %swap3A_165 = vector.shape_cast %select_n3A_161 : vector<16xi32> to vector<16xi32>
    tpu.vector_store %arg24[%swap3A_162], %swap3A_165 {strides = array<i32>} : memref<64xi32, #tpu.memory_space<vmem>>, vector<16xi32>,
    %get3A_166 = arith.constant 16 : index
    %get3A_167 = tpu.vector_load %arg23[%get3A_166] {strides = array<i32>} : memref<1600xi32, #tpu.memory_space<vmem>>, vector<16xi32>,
    %get3A_168 = vector.shape_cast %get3A_167 : vector<16xi32> to vector<16xi32>
    %swap3A_169 = arith.constant 0 : i32
    %swap3A_170 = arith.index_cast %swap3A_169 : i32 to index
    %swap3A_171 = arith.constant 16 : index
    %swap3A_172 = tpu.vector_load %arg25[%swap3A_170, %swap3A_171] {strides = array<i32>} : memref<2x32xi32, #tpu.memory_space<vmem>>, vector<1x16xi32>,
    %swap3A_173 = vector.shape_cast %swap3A_172 : vector<1x16xi32> to vector<16xi32>
    %swap3A_174 = vector.shape_cast %get3A_168 : vector<16xi32> to vector<1x16xi32>
    tpu.vector_store %arg25[%swap3A_170, %swap3A_171], %swap3A_174 {strides = array<i32>} : memref<2x32xi32, #tpu.memory_space<vmem>>, vector<1x16xi32>,
    %dma_start3A_175 = arith.constant 0 : i32
    %dma_start3A_176 = arith.constant 0 : i32
    %dma_start3A_177 = arith.constant 0 : i32
    %dma_start3A_178 = tpu.memref_slice %arg27[%dma_start3A_175, %dma_start3A_176, %dma_start3A_177] : memref<2x32x256xf32, #tpu.memory_space<vmem>> -> memref<1x32x256xf32, #tpu.memory_space<vmem>>
    %dma_start3A_179 = tpu.memref_squeeze %dma_start3A_178 : memref<1x32x256xf32, #tpu.memory_space<vmem>> -> memref<32x256xf32, #tpu.memory_space<vmem>>
    %dma_start3A_180 = arith.constant 0 : i32
    %dma_start3A_181 = tpu.memref_slice %arg24[%dma_start3A_180] : memref<64xi32, #tpu.memory_space<vmem>> -> memref<32xi32, #tpu.memory_space<vmem>>
    %dma_start3A_182 = arith.constant 0 : i32
    %dma_start3A_183 = arith.constant 0 : i32
    %dma_start3A_184 = tpu.memref_slice %arg11[%dma_start3A_182, %dma_start3A_183] : memref<40000x256xf32, #tpu.memory_space<hbm>> -> memref<40000x256xf32, #tpu.memory_space<hbm>>
    tpu.enqueue_indirect_dma source(%dma_start3A_184 : memref<40000x256xf32, #tpu.memory_space<hbm>>) target(%dma_start3A_179 : memref<32x256xf32, #tpu.memory_space<vmem>>) offsets(%dma_start3A_181 : memref<32xi32, #tpu.memory_space<vmem>>) semaphore(%arg29 : memref<!tpu.dma_semaphore, #tpu.memory_space<semaphore_mem>>)
    %get3A_185 = arith.constant 32 : index
    %get3A_186 = tpu.vector_load %arg16[%get3A_185] {strides = array<i32>} : memref<1600xi32, #tpu.memory_space<vmem>>, vector<16xi32>,
    %get3A_187 = vector.shape_cast %get3A_186 : vector<16xi32> to vector<16xi32>
    %ge3A_188 = arith.constant 20000 : i32
    %ge3A_189 = vector.broadcast %ge3A_188 : i32 to vector<16xi32>
    %ge3A_190 = arith.cmpi sge, %get3A_187, %ge3A_189 : vector<16xi32>
    %lt3A_191 = arith.constant 60000 : i32
    %lt3A_192 = vector.broadcast %lt3A_191 : i32 to vector<16xi32>
    %lt3A_193 = arith.cmpi slt, %get3A_187, %lt3A_192 : vector<16xi32>
    %and3A_194 = arith.andi %ge3A_190, %lt3A_193 : vector<16xi1>
    %sub3A_195 = arith.constant 20000 : i32
    %sub3A_196 = vector.broadcast %sub3A_195 : i32 to vector<16xi32>
    %sub3A_197 = arith.subi %get3A_187, %sub3A_196 : vector<16xi32>
    %select_n3A_198 = arith.select %and3A_194, %sub3A_197, %broadcast_in_dim3A_3 : vector<16xi1>, vector<16xi32>
    %swap3A_199 = arith.constant 32 : index
    %swap3A_200 = tpu.vector_load %arg24[%swap3A_199] {strides = array<i32>} : memref<64xi32, #tpu.memory_space<vmem>>, vector<16xi32>,
    %swap3A_201 = vector.shape_cast %swap3A_200 : vector<16xi32> to vector<16xi32>
    %swap3A_202 = vector.shape_cast %select_n3A_198 : vector<16xi32> to vector<16xi32>
    tpu.vector_store %arg24[%swap3A_199], %swap3A_202 {strides = array<i32>} : memref<64xi32, #tpu.memory_space<vmem>>, vector<16xi32>,
    %get3A_203 = arith.constant 32 : index
    %get3A_204 = tpu.vector_load %arg23[%get3A_203] {strides = array<i32>} : memref<1600xi32, #tpu.memory_space<vmem>>, vector<16xi32>,
    %get3A_205 = vector.shape_cast %get3A_204 : vector<16xi32> to vector<16xi32>
    %swap3A_206 = arith.constant 1 : i32
    %swap3A_207 = arith.index_cast %swap3A_206 : i32 to index
    %swap3A_208 = arith.constant 0 : index
    %swap3A_209 = tpu.vector_load %arg25[%swap3A_207, %swap3A_208] {strides = array<i32>} : memref<2x32xi32, #tpu.memory_space<vmem>>, vector<1x16xi32>,
    %swap3A_210 = vector.shape_cast %swap3A_209 : vector<1x16xi32> to vector<16xi32>
    %swap3A_211 = vector.shape_cast %get3A_205 : vector<16xi32> to vector<1x16xi32>
    tpu.vector_store %arg25[%swap3A_207, %swap3A_208], %swap3A_211 {strides = array<i32>} : memref<2x32xi32, #tpu.memory_space<vmem>>, vector<1x16xi32>,
    %get3A_212 = arith.constant 48 : index
    %get3A_213 = tpu.vector_load %arg16[%get3A_212] {strides = array<i32>} : memref<1600xi32, #tpu.memory_space<vmem>>, vector<16xi32>,
    %get3A_214 = vector.shape_cast %get3A_213 : vector<16xi32> to vector<16xi32>
    %ge3A_215 = arith.constant 20000 : i32
    %ge3A_216 = vector.broadcast %ge3A_215 : i32 to vector<16xi32>
    %ge3A_217 = arith.cmpi sge, %get3A_214, %ge3A_216 : vector<16xi32>
    %lt3A_218 = arith.constant 60000 : i32
    %lt3A_219 = vector.broadcast %lt3A_218 : i32 to vector<16xi32>
    %lt3A_220 = arith.cmpi slt, %get3A_214, %lt3A_219 : vector<16xi32>
    %and3A_221 = arith.andi %ge3A_217, %lt3A_220 : vector<16xi1>
    %sub3A_222 = arith.constant 20000 : i32
    %sub3A_223 = vector.broadcast %sub3A_222 : i32 to vector<16xi32>
    %sub3A_224 = arith.subi %get3A_214, %sub3A_223 : vector<16xi32>
    %select_n3A_225 = arith.select %and3A_221, %sub3A_224, %broadcast_in_dim3A_3 : vector<16xi1>, vector<16xi32>
    %swap3A_226 = arith.constant 48 : index
    %swap3A_227 = tpu.vector_load %arg24[%swap3A_226] {strides = array<i32>} : memref<64xi32, #tpu.memory_space<vmem>>, vector<16xi32>,
    %swap3A_228 = vector.shape_cast %swap3A_227 : vector<16xi32> to vector<16xi32>
    %swap3A_229 = vector.shape_cast %select_n3A_225 : vector<16xi32> to vector<16xi32>
    tpu.vector_store %arg24[%swap3A_226], %swap3A_229 {strides = array<i32>} : memref<64xi32, #tpu.memory_space<vmem>>, vector<16xi32>,
    %get3A_230 = arith.constant 48 : index
    %get3A_231 = tpu.vector_load %arg23[%get3A_230] {strides = array<i32>} : memref<1600xi32, #tpu.memory_space<vmem>>, vector<16xi32>,
    %get3A_232 = vector.shape_cast %get3A_231 : vector<16xi32> to vector<16xi32>
    %swap3A_233 = arith.constant 1 : i32
    %swap3A_234 = arith.index_cast %swap3A_233 : i32 to index
    %swap3A_235 = arith.constant 16 : index
    %swap3A_236 = tpu.vector_load %arg25[%swap3A_234, %swap3A_235] {strides = array<i32>} : memref<2x32xi32, #tpu.memory_space<vmem>>, vector<1x16xi32>,
    %swap3A_237 = vector.shape_cast %swap3A_236 : vector<1x16xi32> to vector<16xi32>
    %swap3A_238 = vector.shape_cast %get3A_232 : vector<16xi32> to vector<1x16xi32>
    tpu.vector_store %arg25[%swap3A_234, %swap3A_235], %swap3A_238 {strides = array<i32>} : memref<2x32xi32, #tpu.memory_space<vmem>>, vector<1x16xi32>,
    %dma_start3A_239 = arith.constant 1 : i32
    %dma_start3A_240 = arith.constant 0 : i32
    %dma_start3A_241 = arith.constant 0 : i32
    %dma_start3A_242 = tpu.memref_slice %arg27[%dma_start3A_239, %dma_start3A_240, %dma_start3A_241] : memref<2x32x256xf32, #tpu.memory_space<vmem>> -> memref<1x32x256xf32, #tpu.memory_space<vmem>>
    %dma_start3A_243 = tpu.memref_squeeze %dma_start3A_242 : memref<1x32x256xf32, #tpu.memory_space<vmem>> -> memref<32x256xf32, #tpu.memory_space<vmem>>
    %dma_start3A_244 = arith.constant 32 : i32
    %dma_start3A_245 = tpu.memref_slice %arg24[%dma_start3A_244] : memref<64xi32, #tpu.memory_space<vmem>> -> memref<32xi32, #tpu.memory_space<vmem>>
    %dma_start3A_246 = arith.constant 0 : i32
    %dma_start3A_247 = arith.constant 0 : i32
    %dma_start3A_248 = tpu.memref_slice %arg11[%dma_start3A_246, %dma_start3A_247] : memref<40000x256xf32, #tpu.memory_space<hbm>> -> memref<40000x256xf32, #tpu.memory_space<hbm>>
    tpu.enqueue_indirect_dma source(%dma_start3A_248 : memref<40000x256xf32, #tpu.memory_space<hbm>>) target(%dma_start3A_243 : memref<32x256xf32, #tpu.memory_space<vmem>>) offsets(%dma_start3A_245 : memref<32xi32, #tpu.memory_space<vmem>>) semaphore(%arg30 : memref<!tpu.dma_semaphore, #tpu.memory_space<semaphore_mem>>)
    %scan3A_249 = arith.constant 0 : i32
    %scan3A_250 = arith.constant 0 : i32
    %scan3A_251 = arith.constant 25 : i32
    %scan3A_252 = arith.addi %scan3A_250, %scan3A_251 : i32
    %scan3A_253 = arith.constant 1 : i32
    %scan3A_254 = scf.for %scan3A_415 = %scan3A_250 to %scan3A_252 step %scan3A_253 iter_args(%scan3A_416 = %scan3A_249) -> (i32)  : i32 {
      %mul3A_417 = arith.constant 2 : i32
      %mul3A_418 = arith.muli %scan3A_415, %mul3A_417 : i32
      %add3A_419 = arith.constant 0 : i32
      %add3A_420 = arith.addi %mul3A_418, %add3A_419 : i32
      %lt3A_421 = arith.constant 50 : i32
      %lt3A_422 = arith.cmpi slt, %add3A_420, %lt3A_421 : i32
      %convert_element_type3A = arith.extui %lt3A_422 : i1 to i32
      %cond3A = arith.constant 0 : i32
      %cond3A_423 = arith.cmpi ne, %convert_element_type3A, %cond3A : i32
      scf.if %cond3A_423 {
        %dma_wait3A_434 = arith.constant 0 : i32
        %dma_wait3A_435 = arith.constant 0 : i32
        %dma_wait3A_436 = arith.constant 0 : i32
        %dma_wait3A_437 = tpu.memref_slice %arg27[%dma_wait3A_434, %dma_wait3A_435, %dma_wait3A_436] : memref<2x32x256xf32, #tpu.memory_space<vmem>> -> memref<1x32x256xf32, #tpu.memory_space<vmem>>
        %dma_wait3A_438 = tpu.memref_squeeze %dma_wait3A_437 : memref<1x32x256xf32, #tpu.memory_space<vmem>> -> memref<32x256xf32, #tpu.memory_space<vmem>>
        %dma_wait3A_439 = arith.constant 0 : i32
        %dma_wait3A_440 = tpu.memref_slice %arg24[%dma_wait3A_439] : memref<64xi32, #tpu.memory_space<vmem>> -> memref<32xi32, #tpu.memory_space<vmem>>
        %dma_wait3A_441 = arith.constant 0 : i32
        %dma_wait3A_442 = arith.constant 0 : i32
        %dma_wait3A_443 = tpu.memref_slice %arg11[%dma_wait3A_441, %dma_wait3A_442] : memref<40000x256xf32, #tpu.memory_space<hbm>> -> memref<40000x256xf32, #tpu.memory_space<hbm>>
        tpu.wait_indirect_dma semaphore(%arg29 : memref<!tpu.dma_semaphore, #tpu.memory_space<semaphore_mem>>) src(%dma_wait3A_443 : memref<40000x256xf32, #tpu.memory_space<hbm>>) dst(%dma_wait3A_438 : memref<32x256xf32, #tpu.memory_space<vmem>>)
        %dma_start3A_444 = arith.constant 0 : i32
        %dma_start3A_445 = arith.constant 0 : i32
        %dma_start3A_446 = arith.constant 0 : i32
        %dma_start3A_447 = arith.constant 0 : i32
        %dma_start3A_448 = tpu.memref_slice %arg27[%dma_start3A_444, %dma_start3A_446, %dma_start3A_447] : memref<2x32x256xf32, #tpu.memory_space<vmem>> -> memref<1x32x256xf32, #tpu.memory_space<vmem>>
        %dma_start3A_449 = tpu.memref_squeeze %dma_start3A_448 : memref<1x32x256xf32, #tpu.memory_space<vmem>> -> memref<32x256xf32, #tpu.memory_space<vmem>>
        %dma_start3A_450 = arith.constant 0 : i32
        %dma_start3A_451 = tpu.memref_slice %arg25[%dma_start3A_445, %dma_start3A_450] : memref<2x32xi32, #tpu.memory_space<vmem>> -> memref<1x32xi32, #tpu.memory_space<vmem>>
        %dma_start3A_452 = tpu.memref_squeeze %dma_start3A_451 : memref<1x32xi32, #tpu.memory_space<vmem>> -> memref<32xi32, #tpu.memory_space<vmem>>
        %dma_start3A_453 = arith.constant 0 : i32
        %dma_start3A_454 = arith.constant 0 : i32
        %dma_start3A_455 = tpu.memref_slice %arg14[%dma_start3A_453, %dma_start3A_454] : memref<51208x256xf32, #tpu.memory_space<hbm>> -> memref<51208x256xf32, #tpu.memory_space<hbm>>
        tpu.enqueue_indirect_dma source(%dma_start3A_449 : memref<32x256xf32, #tpu.memory_space<vmem>>) target(%dma_start3A_455 : memref<51208x256xf32, #tpu.memory_space<hbm>>) offsets(%dma_start3A_452 : memref<32xi32, #tpu.memory_space<vmem>>) semaphore(%arg31 : memref<!tpu.dma_semaphore, #tpu.memory_space<semaphore_mem>>)
        %add3A_456 = arith.constant 2 : i32
        %add3A_457 = arith.addi %add3A_420, %add3A_456 : i32
        %lt3A_458 = arith.constant 50 : i32
        %lt3A_459 = arith.cmpi slt, %add3A_457, %lt3A_458 : i32
        %convert_element_type3A_460 = arith.extui %lt3A_459 : i1 to i32
        %cond3A_461 = arith.constant 0 : i32
        %cond3A_462 = arith.cmpi ne, %convert_element_type3A_460, %cond3A_461 : i32
        scf.if %cond3A_462 {
          %dma_wait3A_463 = arith.constant 0 : i32
          %dma_wait3A_464 = arith.constant 0 : i32
          %dma_wait3A_465 = arith.constant 0 : i32
          %dma_wait3A_466 = tpu.memref_slice %arg27[%dma_wait3A_463, %dma_wait3A_464, %dma_wait3A_465] : memref<2x32x256xf32, #tpu.memory_space<vmem>> -> memref<1x32x256xf32, #tpu.memory_space<vmem>>
          %dma_wait3A_467 = tpu.memref_squeeze %dma_wait3A_466 : memref<1x32x256xf32, #tpu.memory_space<vmem>> -> memref<32x256xf32, #tpu.memory_space<vmem>>
          %dma_wait3A_468 = arith.constant 0 : i32
          %dma_wait3A_469 = tpu.memref_slice %arg24[%dma_wait3A_468] : memref<64xi32, #tpu.memory_space<vmem>> -> memref<32xi32, #tpu.memory_space<vmem>>
          %dma_wait3A_470 = arith.constant 0 : i32
          %dma_wait3A_471 = arith.constant 0 : i32
          %dma_wait3A_472 = tpu.memref_slice %arg11[%dma_wait3A_470, %dma_wait3A_471] : memref<40000x256xf32, #tpu.memory_space<hbm>> -> memref<40000x256xf32, #tpu.memory_space<hbm>>
          tpu.wait_indirect_dma semaphore(%arg31 : memref<!tpu.dma_semaphore, #tpu.memory_space<semaphore_mem>>) src(%dma_wait3A_472 : memref<40000x256xf32, #tpu.memory_space<hbm>>) dst(%dma_wait3A_467 : memref<32x256xf32, #tpu.memory_space<vmem>>)
          %add3A_473 = arith.constant 2 : i32
          %add3A_474 = arith.addi %add3A_420, %add3A_473 : i32
          %mul3A_475 = arith.constant 32 : i32
          %mul3A_476 = arith.muli %add3A_474, %mul3A_475 : i32
          %add3A_477 = arith.constant 0 : i32
          %add3A_478 = arith.addi %mul3A_476, %add3A_477 : i32
          %get3A_479 = arith.index_cast %add3A_478 : i32 to index
          %get3A_480 = tpu.vector_load %arg16[%get3A_479] {strides = array<i32>} : memref<1600xi32, #tpu.memory_space<vmem>>, vector<16xi32>,
          %get3A_481 = vector.shape_cast %get3A_480 : vector<16xi32> to vector<16xi32>
          %ge3A_482 = arith.constant 20000 : i32
          %ge3A_483 = vector.broadcast %ge3A_482 : i32 to vector<16xi32>
          %ge3A_484 = arith.cmpi sge, %get3A_481, %ge3A_483 : vector<16xi32>
          %lt3A_485 = arith.constant 60000 : i32
          %lt3A_486 = vector.broadcast %lt3A_485 : i32 to vector<16xi32>
          %lt3A_487 = arith.cmpi slt, %get3A_481, %lt3A_486 : vector<16xi32>
          %and3A_488 = arith.andi %ge3A_484, %lt3A_487 : vector<16xi1>
          %sub3A_489 = arith.constant 20000 : i32
          %sub3A_490 = vector.broadcast %sub3A_489 : i32 to vector<16xi32>
          %sub3A_491 = arith.subi %get3A_481, %sub3A_490 : vector<16xi32>
          %select_n3A_492 = arith.select %and3A_488, %sub3A_491, %broadcast_in_dim3A_3 : vector<16xi1>, vector<16xi32>
          %swap3A_493 = arith.constant 0 : index
          %swap3A_494 = tpu.vector_load %arg24[%swap3A_493] {strides = array<i32>} : memref<64xi32, #tpu.memory_space<vmem>>, vector<16xi32>,
          %swap3A_495 = vector.shape_cast %swap3A_494 : vector<16xi32> to vector<16xi32>
          %swap3A_496 = vector.shape_cast %select_n3A_492 : vector<16xi32> to vector<16xi32>
          tpu.vector_store %arg24[%swap3A_493], %swap3A_496 {strides = array<i32>} : memref<64xi32, #tpu.memory_space<vmem>>, vector<16xi32>,
          %mul3A_497 = arith.constant 32 : i32
          %mul3A_498 = arith.muli %add3A_474, %mul3A_497 : i32
          %add3A_499 = arith.constant 0 : i32
          %add3A_500 = arith.addi %mul3A_498, %add3A_499 : i32
          %get3A_501 = arith.index_cast %add3A_500 : i32 to index
          %get3A_502 = tpu.vector_load %arg23[%get3A_501] {strides = array<i32>} : memref<1600xi32, #tpu.memory_space<vmem>>, vector<16xi32>,
          %get3A_503 = vector.shape_cast %get3A_502 : vector<16xi32> to vector<16xi32>
          %swap3A_504 = arith.constant 0 : i32
          %swap3A_505 = arith.index_cast %swap3A_504 : i32 to index
          %swap3A_506 = arith.constant 0 : index
          %swap3A_507 = tpu.vector_load %arg25[%swap3A_505, %swap3A_506] {strides = array<i32>} : memref<2x32xi32, #tpu.memory_space<vmem>>, vector<1x16xi32>,
          %swap3A_508 = vector.shape_cast %swap3A_507 : vector<1x16xi32> to vector<16xi32>
          %swap3A_509 = vector.shape_cast %get3A_503 : vector<16xi32> to vector<1x16xi32>
          tpu.vector_store %arg25[%swap3A_505, %swap3A_506], %swap3A_509 {strides = array<i32>} : memref<2x32xi32, #tpu.memory_space<vmem>>, vector<1x16xi32>,
          %mul3A_510 = arith.constant 32 : i32
          %mul3A_511 = arith.muli %add3A_474, %mul3A_510 : i32
          %add3A_512 = arith.constant 16 : i32
          %add3A_513 = arith.addi %mul3A_511, %add3A_512 : i32
          %get3A_514 = arith.index_cast %add3A_513 : i32 to index
          %get3A_515 = tpu.vector_load %arg16[%get3A_514] {strides = array<i32>} : memref<1600xi32, #tpu.memory_space<vmem>>, vector<16xi32>,
          %get3A_516 = vector.shape_cast %get3A_515 : vector<16xi32> to vector<16xi32>
          %ge3A_517 = arith.constant 20000 : i32
          %ge3A_518 = vector.broadcast %ge3A_517 : i32 to vector<16xi32>
          %ge3A_519 = arith.cmpi sge, %get3A_516, %ge3A_518 : vector<16xi32>
          %lt3A_520 = arith.constant 60000 : i32
          %lt3A_521 = vector.broadcast %lt3A_520 : i32 to vector<16xi32>
          %lt3A_522 = arith.cmpi slt, %get3A_516, %lt3A_521 : vector<16xi32>
          %and3A_523 = arith.andi %ge3A_519, %lt3A_522 : vector<16xi1>
          %sub3A_524 = arith.constant 20000 : i32
          %sub3A_525 = vector.broadcast %sub3A_524 : i32 to vector<16xi32>
          %sub3A_526 = arith.subi %get3A_516, %sub3A_525 : vector<16xi32>
          %select_n3A_527 = arith.select %and3A_523, %sub3A_526, %broadcast_in_dim3A_3 : vector<16xi1>, vector<16xi32>
          %swap3A_528 = arith.constant 16 : index
          %swap3A_529 = tpu.vector_load %arg24[%swap3A_528] {strides = array<i32>} : memref<64xi32, #tpu.memory_space<vmem>>, vector<16xi32>,
          %swap3A_530 = vector.shape_cast %swap3A_529 : vector<16xi32> to vector<16xi32>
          %swap3A_531 = vector.shape_cast %select_n3A_527 : vector<16xi32> to vector<16xi32>
          tpu.vector_store %arg24[%swap3A_528], %swap3A_531 {strides = array<i32>} : memref<64xi32, #tpu.memory_space<vmem>>, vector<16xi32>,
          %mul3A_532 = arith.constant 32 : i32
          %mul3A_533 = arith.muli %add3A_474, %mul3A_532 : i32
          %add3A_534 = arith.constant 16 : i32
          %add3A_535 = arith.addi %mul3A_533, %add3A_534 : i32
          %get3A_536 = arith.index_cast %add3A_535 : i32 to index
          %get3A_537 = tpu.vector_load %arg23[%get3A_536] {strides = array<i32>} : memref<1600xi32, #tpu.memory_space<vmem>>, vector<16xi32>,
          %get3A_538 = vector.shape_cast %get3A_537 : vector<16xi32> to vector<16xi32>
          %swap3A_539 = arith.constant 0 : i32
          %swap3A_540 = arith.index_cast %swap3A_539 : i32 to index
          %swap3A_541 = arith.constant 16 : index
          %swap3A_542 = tpu.vector_load %arg25[%swap3A_540, %swap3A_541] {strides = array<i32>} : memref<2x32xi32, #tpu.memory_space<vmem>>, vector<1x16xi32>,
          %swap3A_543 = vector.shape_cast %swap3A_542 : vector<1x16xi32> to vector<16xi32>
          %swap3A_544 = vector.shape_cast %get3A_538 : vector<16xi32> to vector<1x16xi32>
          tpu.vector_store %arg25[%swap3A_540, %swap3A_541], %swap3A_544 {strides = array<i32>} : memref<2x32xi32, #tpu.memory_space<vmem>>, vector<1x16xi32>,
          %dma_start3A_545 = arith.constant 0 : i32
          %dma_start3A_546 = arith.constant 0 : i32
          %dma_start3A_547 = arith.constant 0 : i32
          %dma_start3A_548 = tpu.memref_slice %arg27[%dma_start3A_545, %dma_start3A_546, %dma_start3A_547] : memref<2x32x256xf32, #tpu.memory_space<vmem>> -> memref<1x32x256xf32, #tpu.memory_space<vmem>>
          %dma_start3A_549 = tpu.memref_squeeze %dma_start3A_548 : memref<1x32x256xf32, #tpu.memory_space<vmem>> -> memref<32x256xf32, #tpu.memory_space<vmem>>
          %dma_start3A_550 = arith.constant 0 : i32
          %dma_start3A_551 = tpu.memref_slice %arg24[%dma_start3A_550] : memref<64xi32, #tpu.memory_space<vmem>> -> memref<32xi32, #tpu.memory_space<vmem>>
          %dma_start3A_552 = arith.constant 0 : i32
          %dma_start3A_553 = arith.constant 0 : i32
          %dma_start3A_554 = tpu.memref_slice %arg11[%dma_start3A_552, %dma_start3A_553] : memref<40000x256xf32, #tpu.memory_space<hbm>> -> memref<40000x256xf32, #tpu.memory_space<hbm>>
          tpu.enqueue_indirect_dma source(%dma_start3A_554 : memref<40000x256xf32, #tpu.memory_space<hbm>>) target(%dma_start3A_549 : memref<32x256xf32, #tpu.memory_space<vmem>>) offsets(%dma_start3A_551 : memref<32xi32, #tpu.memory_space<vmem>>) semaphore(%arg29 : memref<!tpu.dma_semaphore, #tpu.memory_space<semaphore_mem>>)
        } else {
        }
      } else {
      }
      %mul3A_424 = arith.constant 2 : i32
      %mul3A_425 = arith.muli %scan3A_415, %mul3A_424 : i32
      %add3A_426 = arith.constant 1 : i32
      %add3A_427 = arith.addi %mul3A_425, %add3A_426 : i32
      %lt3A_428 = arith.constant 50 : i32
      %lt3A_429 = arith.cmpi slt, %add3A_427, %lt3A_428 : i32
      %convert_element_type3A_430 = arith.extui %lt3A_429 : i1 to i32
      %cond3A_431 = arith.constant 0 : i32
      %cond3A_432 = arith.cmpi ne, %convert_element_type3A_430, %cond3A_431 : i32
      scf.if %cond3A_432 {
        %dma_wait3A_434 = arith.constant 1 : i32
        %dma_wait3A_435 = arith.constant 0 : i32
        %dma_wait3A_436 = arith.constant 0 : i32
        %dma_wait3A_437 = tpu.memref_slice %arg27[%dma_wait3A_434, %dma_wait3A_435, %dma_wait3A_436] : memref<2x32x256xf32, #tpu.memory_space<vmem>> -> memref<1x32x256xf32, #tpu.memory_space<vmem>>
        %dma_wait3A_438 = tpu.memref_squeeze %dma_wait3A_437 : memref<1x32x256xf32, #tpu.memory_space<vmem>> -> memref<32x256xf32, #tpu.memory_space<vmem>>
        %dma_wait3A_439 = arith.constant 32 : i32
        %dma_wait3A_440 = tpu.memref_slice %arg24[%dma_wait3A_439] : memref<64xi32, #tpu.memory_space<vmem>> -> memref<32xi32, #tpu.memory_space<vmem>>
        %dma_wait3A_441 = arith.constant 0 : i32
        %dma_wait3A_442 = arith.constant 0 : i32
        %dma_wait3A_443 = tpu.memref_slice %arg11[%dma_wait3A_441, %dma_wait3A_442] : memref<40000x256xf32, #tpu.memory_space<hbm>> -> memref<40000x256xf32, #tpu.memory_space<hbm>>
        tpu.wait_indirect_dma semaphore(%arg30 : memref<!tpu.dma_semaphore, #tpu.memory_space<semaphore_mem>>) src(%dma_wait3A_443 : memref<40000x256xf32, #tpu.memory_space<hbm>>) dst(%dma_wait3A_438 : memref<32x256xf32, #tpu.memory_space<vmem>>)
        %dma_start3A_444 = arith.constant 1 : i32
        %dma_start3A_445 = arith.constant 1 : i32
        %dma_start3A_446 = arith.constant 0 : i32
        %dma_start3A_447 = arith.constant 0 : i32
        %dma_start3A_448 = tpu.memref_slice %arg27[%dma_start3A_444, %dma_start3A_446, %dma_start3A_447] : memref<2x32x256xf32, #tpu.memory_space<vmem>> -> memref<1x32x256xf32, #tpu.memory_space<vmem>>
        %dma_start3A_449 = tpu.memref_squeeze %dma_start3A_448 : memref<1x32x256xf32, #tpu.memory_space<vmem>> -> memref<32x256xf32, #tpu.memory_space<vmem>>
        %dma_start3A_450 = arith.constant 0 : i32
        %dma_start3A_451 = tpu.memref_slice %arg25[%dma_start3A_445, %dma_start3A_450] : memref<2x32xi32, #tpu.memory_space<vmem>> -> memref<1x32xi32, #tpu.memory_space<vmem>>
        %dma_start3A_452 = tpu.memref_squeeze %dma_start3A_451 : memref<1x32xi32, #tpu.memory_space<vmem>> -> memref<32xi32, #tpu.memory_space<vmem>>
        %dma_start3A_453 = arith.constant 0 : i32
        %dma_start3A_454 = arith.constant 0 : i32
        %dma_start3A_455 = tpu.memref_slice %arg14[%dma_start3A_453, %dma_start3A_454] : memref<51208x256xf32, #tpu.memory_space<hbm>> -> memref<51208x256xf32, #tpu.memory_space<hbm>>
        tpu.enqueue_indirect_dma source(%dma_start3A_449 : memref<32x256xf32, #tpu.memory_space<vmem>>) target(%dma_start3A_455 : memref<51208x256xf32, #tpu.memory_space<hbm>>) offsets(%dma_start3A_452 : memref<32xi32, #tpu.memory_space<vmem>>) semaphore(%arg32 : memref<!tpu.dma_semaphore, #tpu.memory_space<semaphore_mem>>)
        %add3A_456 = arith.constant 2 : i32
        %add3A_457 = arith.addi %add3A_427, %add3A_456 : i32
        %lt3A_458 = arith.constant 50 : i32
        %lt3A_459 = arith.cmpi slt, %add3A_457, %lt3A_458 : i32
        %convert_element_type3A_460 = arith.extui %lt3A_459 : i1 to i32
        %cond3A_461 = arith.constant 0 : i32
        %cond3A_462 = arith.cmpi ne, %convert_element_type3A_460, %cond3A_461 : i32
        scf.if %cond3A_462 {
          %dma_wait3A_463 = arith.constant 1 : i32
          %dma_wait3A_464 = arith.constant 0 : i32
          %dma_wait3A_465 = arith.constant 0 : i32
          %dma_wait3A_466 = tpu.memref_slice %arg27[%dma_wait3A_463, %dma_wait3A_464, %dma_wait3A_465] : memref<2x32x256xf32, #tpu.memory_space<vmem>> -> memref<1x32x256xf32, #tpu.memory_space<vmem>>
          %dma_wait3A_467 = tpu.memref_squeeze %dma_wait3A_466 : memref<1x32x256xf32, #tpu.memory_space<vmem>> -> memref<32x256xf32, #tpu.memory_space<vmem>>
          %dma_wait3A_468 = arith.constant 32 : i32
          %dma_wait3A_469 = tpu.memref_slice %arg24[%dma_wait3A_468] : memref<64xi32, #tpu.memory_space<vmem>> -> memref<32xi32, #tpu.memory_space<vmem>>
          %dma_wait3A_470 = arith.constant 0 : i32
          %dma_wait3A_471 = arith.constant 0 : i32
          %dma_wait3A_472 = tpu.memref_slice %arg11[%dma_wait3A_470, %dma_wait3A_471] : memref<40000x256xf32, #tpu.memory_space<hbm>> -> memref<40000x256xf32, #tpu.memory_space<hbm>>
          tpu.wait_indirect_dma semaphore(%arg32 : memref<!tpu.dma_semaphore, #tpu.memory_space<semaphore_mem>>) src(%dma_wait3A_472 : memref<40000x256xf32, #tpu.memory_space<hbm>>) dst(%dma_wait3A_467 : memref<32x256xf32, #tpu.memory_space<vmem>>)
          %add3A_473 = arith.constant 2 : i32
          %add3A_474 = arith.addi %add3A_427, %add3A_473 : i32
          %mul3A_475 = arith.constant 32 : i32
          %mul3A_476 = arith.muli %add3A_474, %mul3A_475 : i32
          %add3A_477 = arith.constant 0 : i32
          %add3A_478 = arith.addi %mul3A_476, %add3A_477 : i32
          %get3A_479 = arith.index_cast %add3A_478 : i32 to index
          %get3A_480 = tpu.vector_load %arg16[%get3A_479] {strides = array<i32>} : memref<1600xi32, #tpu.memory_space<vmem>>, vector<16xi32>,
          %get3A_481 = vector.shape_cast %get3A_480 : vector<16xi32> to vector<16xi32>
          %ge3A_482 = arith.constant 20000 : i32
          %ge3A_483 = vector.broadcast %ge3A_482 : i32 to vector<16xi32>
          %ge3A_484 = arith.cmpi sge, %get3A_481, %ge3A_483 : vector<16xi32>
          %lt3A_485 = arith.constant 60000 : i32
          %lt3A_486 = vector.broadcast %lt3A_485 : i32 to vector<16xi32>
          %lt3A_487 = arith.cmpi slt, %get3A_481, %lt3A_486 : vector<16xi32>
          %and3A_488 = arith.andi %ge3A_484, %lt3A_487 : vector<16xi1>
          %sub3A_489 = arith.constant 20000 : i32
          %sub3A_490 = vector.broadcast %sub3A_489 : i32 to vector<16xi32>
          %sub3A_491 = arith.subi %get3A_481, %sub3A_490 : vector<16xi32>
          %select_n3A_492 = arith.select %and3A_488, %sub3A_491, %broadcast_in_dim3A_3 : vector<16xi1>, vector<16xi32>
          %swap3A_493 = arith.constant 32 : index
          %swap3A_494 = tpu.vector_load %arg24[%swap3A_493] {strides = array<i32>} : memref<64xi32, #tpu.memory_space<vmem>>, vector<16xi32>,
          %swap3A_495 = vector.shape_cast %swap3A_494 : vector<16xi32> to vector<16xi32>
          %swap3A_496 = vector.shape_cast %select_n3A_492 : vector<16xi32> to vector<16xi32>
          tpu.vector_store %arg24[%swap3A_493], %swap3A_496 {strides = array<i32>} : memref<64xi32, #tpu.memory_space<vmem>>, vector<16xi32>,
          %mul3A_497 = arith.constant 32 : i32
          %mul3A_498 = arith.muli %add3A_474, %mul3A_497 : i32
          %add3A_499 = arith.constant 0 : i32
          %add3A_500 = arith.addi %mul3A_498, %add3A_499 : i32
          %get3A_501 = arith.index_cast %add3A_500 : i32 to index
          %get3A_502 = tpu.vector_load %arg23[%get3A_501] {strides = array<i32>} : memref<1600xi32, #tpu.memory_space<vmem>>, vector<16xi32>,
          %get3A_503 = vector.shape_cast %get3A_502 : vector<16xi32> to vector<16xi32>
          %swap3A_504 = arith.constant 1 : i32
          %swap3A_505 = arith.index_cast %swap3A_504 : i32 to index
          %swap3A_506 = arith.constant 0 : index
          %swap3A_507 = tpu.vector_load %arg25[%swap3A_505, %swap3A_506] {strides = array<i32>} : memref<2x32xi32, #tpu.memory_space<vmem>>, vector<1x16xi32>,
          %swap3A_508 = vector.shape_cast %swap3A_507 : vector<1x16xi32> to vector<16xi32>
          %swap3A_509 = vector.shape_cast %get3A_503 : vector<16xi32> to vector<1x16xi32>
          tpu.vector_store %arg25[%swap3A_505, %swap3A_506], %swap3A_509 {strides = array<i32>} : memref<2x32xi32, #tpu.memory_space<vmem>>, vector<1x16xi32>,
          %mul3A_510 = arith.constant 32 : i32
          %mul3A_511 = arith.muli %add3A_474, %mul3A_510 : i32
          %add3A_512 = arith.constant 16 : i32
          %add3A_513 = arith.addi %mul3A_511, %add3A_512 : i32
          %get3A_514 = arith.index_cast %add3A_513 : i32 to index
          %get3A_515 = tpu.vector_load %arg16[%get3A_514] {strides = array<i32>} : memref<1600xi32, #tpu.memory_space<vmem>>, vector<16xi32>,
          %get3A_516 = vector.shape_cast %get3A_515 : vector<16xi32> to vector<16xi32>
          %ge3A_517 = arith.constant 20000 : i32
          %ge3A_518 = vector.broadcast %ge3A_517 : i32 to vector<16xi32>
          %ge3A_519 = arith.cmpi sge, %get3A_516, %ge3A_518 : vector<16xi32>
          %lt3A_520 = arith.constant 60000 : i32
          %lt3A_521 = vector.broadcast %lt3A_520 : i32 to vector<16xi32>
          %lt3A_522 = arith.cmpi slt, %get3A_516, %lt3A_521 : vector<16xi32>
          %and3A_523 = arith.andi %ge3A_519, %lt3A_522 : vector<16xi1>
          %sub3A_524 = arith.constant 20000 : i32
          %sub3A_525 = vector.broadcast %sub3A_524 : i32 to vector<16xi32>
          %sub3A_526 = arith.subi %get3A_516, %sub3A_525 : vector<16xi32>
          %select_n3A_527 = arith.select %and3A_523, %sub3A_526, %broadcast_in_dim3A_3 : vector<16xi1>, vector<16xi32>
          %swap3A_528 = arith.constant 48 : index
          %swap3A_529 = tpu.vector_load %arg24[%swap3A_528] {strides = array<i32>} : memref<64xi32, #tpu.memory_space<vmem>>, vector<16xi32>,
          %swap3A_530 = vector.shape_cast %swap3A_529 : vector<16xi32> to vector<16xi32>
          %swap3A_531 = vector.shape_cast %select_n3A_527 : vector<16xi32> to vector<16xi32>
          tpu.vector_store %arg24[%swap3A_528], %swap3A_531 {strides = array<i32>} : memref<64xi32, #tpu.memory_space<vmem>>, vector<16xi32>,
          %mul3A_532 = arith.constant 32 : i32
          %mul3A_533 = arith.muli %add3A_474, %mul3A_532 : i32
          %add3A_534 = arith.constant 16 : i32
          %add3A_535 = arith.addi %mul3A_533, %add3A_534 : i32
          %get3A_536 = arith.index_cast %add3A_535 : i32 to index
          %get3A_537 = tpu.vector_load %arg23[%get3A_536] {strides = array<i32>} : memref<1600xi32, #tpu.memory_space<vmem>>, vector<16xi32>,
          %get3A_538 = vector.shape_cast %get3A_537 : vector<16xi32> to vector<16xi32>
          %swap3A_539 = arith.constant 1 : i32
          %swap3A_540 = arith.index_cast %swap3A_539 : i32 to index
          %swap3A_541 = arith.constant 16 : index
          %swap3A_542 = tpu.vector_load %arg25[%swap3A_540, %swap3A_541] {strides = array<i32>} : memref<2x32xi32, #tpu.memory_space<vmem>>, vector<1x16xi32>,
          %swap3A_543 = vector.shape_cast %swap3A_542 : vector<1x16xi32> to vector<16xi32>
          %swap3A_544 = vector.shape_cast %get3A_538 : vector<16xi32> to vector<1x16xi32>
          tpu.vector_store %arg25[%swap3A_540, %swap3A_541], %swap3A_544 {strides = array<i32>} : memref<2x32xi32, #tpu.memory_space<vmem>>, vector<1x16xi32>,
          %dma_start3A_545 = arith.constant 1 : i32
          %dma_start3A_546 = arith.constant 0 : i32
          %dma_start3A_547 = arith.constant 0 : i32
          %dma_start3A_548 = tpu.memref_slice %arg27[%dma_start3A_545, %dma_start3A_546, %dma_start3A_547] : memref<2x32x256xf32, #tpu.memory_space<vmem>> -> memref<1x32x256xf32, #tpu.memory_space<vmem>>
          %dma_start3A_549 = tpu.memref_squeeze %dma_start3A_548 : memref<1x32x256xf32, #tpu.memory_space<vmem>> -> memref<32x256xf32, #tpu.memory_space<vmem>>
          %dma_start3A_550 = arith.constant 32 : i32
          %dma_start3A_551 = tpu.memref_slice %arg24[%dma_start3A_550] : memref<64xi32, #tpu.memory_space<vmem>> -> memref<32xi32, #tpu.memory_space<vmem>>
          %dma_start3A_552 = arith.constant 0 : i32
          %dma_start3A_553 = arith.constant 0 : i32
          %dma_start3A_554 = tpu.memref_slice %arg11[%dma_start3A_552, %dma_start3A_553] : memref<40000x256xf32, #tpu.memory_space<hbm>> -> memref<40000x256xf32, #tpu.memory_space<hbm>>
          tpu.enqueue_indirect_dma source(%dma_start3A_554 : memref<40000x256xf32, #tpu.memory_space<hbm>>) target(%dma_start3A_549 : memref<32x256xf32, #tpu.memory_space<vmem>>) offsets(%dma_start3A_551 : memref<32xi32, #tpu.memory_space<vmem>>) semaphore(%arg30 : memref<!tpu.dma_semaphore, #tpu.memory_space<semaphore_mem>>)
        } else {
        }
      } else {
      }
      %scan3A_433 = arith.constant 0 : i32
      scf.yield %scan3A_433 : i32
    }
    %scan3A_255 = arith.constant 25 : i32
    %dma_wait3A_256 = arith.constant 0 : i32
    %dma_wait3A_257 = arith.constant 0 : i32
    %dma_wait3A_258 = arith.constant 0 : i32
    %dma_wait3A_259 = tpu.memref_slice %arg27[%dma_wait3A_256, %dma_wait3A_257, %dma_wait3A_258] : memref<2x32x256xf32, #tpu.memory_space<vmem>> -> memref<1x32x256xf32, #tpu.memory_space<vmem>>
    %dma_wait3A_260 = tpu.memref_squeeze %dma_wait3A_259 : memref<1x32x256xf32, #tpu.memory_space<vmem>> -> memref<32x256xf32, #tpu.memory_space<vmem>>
    %dma_wait3A_261 = arith.constant 0 : i32
    %dma_wait3A_262 = tpu.memref_slice %arg24[%dma_wait3A_261] : memref<64xi32, #tpu.memory_space<vmem>> -> memref<32xi32, #tpu.memory_space<vmem>>
    %dma_wait3A_263 = arith.constant 0 : i32
    %dma_wait3A_264 = arith.constant 0 : i32
    %dma_wait3A_265 = tpu.memref_slice %arg11[%dma_wait3A_263, %dma_wait3A_264] : memref<40000x256xf32, #tpu.memory_space<hbm>> -> memref<40000x256xf32, #tpu.memory_space<hbm>>
    tpu.wait_indirect_dma semaphore(%arg31 : memref<!tpu.dma_semaphore, #tpu.memory_space<semaphore_mem>>) src(%dma_wait3A_265 : memref<40000x256xf32, #tpu.memory_space<hbm>>) dst(%dma_wait3A_260 : memref<32x256xf32, #tpu.memory_space<vmem>>)
    %dma_wait3A_266 = arith.constant 1 : i32
    %dma_wait3A_267 = arith.constant 0 : i32
    %dma_wait3A_268 = arith.constant 0 : i32
    %dma_wait3A_269 = tpu.memref_slice %arg27[%dma_wait3A_266, %dma_wait3A_267, %dma_wait3A_268] : memref<2x32x256xf32, #tpu.memory_space<vmem>> -> memref<1x32x256xf32, #tpu.memory_space<vmem>>
    %dma_wait3A_270 = tpu.memref_squeeze %dma_wait3A_269 : memref<1x32x256xf32, #tpu.memory_space<vmem>> -> memref<32x256xf32, #tpu.memory_space<vmem>>
    %dma_wait3A_271 = arith.constant 32 : i32
    %dma_wait3A_272 = tpu.memref_slice %arg24[%dma_wait3A_271] : memref<64xi32, #tpu.memory_space<vmem>> -> memref<32xi32, #tpu.memory_space<vmem>>
    %dma_wait3A_273 = arith.constant 0 : i32
    %dma_wait3A_274 = arith.constant 0 : i32
    %dma_wait3A_275 = tpu.memref_slice %arg11[%dma_wait3A_273, %dma_wait3A_274] : memref<40000x256xf32, #tpu.memory_space<hbm>> -> memref<40000x256xf32, #tpu.memory_space<hbm>>
    tpu.wait_indirect_dma semaphore(%arg32 : memref<!tpu.dma_semaphore, #tpu.memory_space<semaphore_mem>>) src(%dma_wait3A_275 : memref<40000x256xf32, #tpu.memory_space<hbm>>) dst(%dma_wait3A_270 : memref<32x256xf32, #tpu.memory_space<vmem>>)
    %get3A_276 = arith.constant 0 : index
    %get3A_277 = tpu.vector_load %arg16[%get3A_276] {strides = array<i32>} : memref<1600xi32, #tpu.memory_space<vmem>>, vector<16xi32>,
    %get3A_278 = vector.shape_cast %get3A_277 : vector<16xi32> to vector<16xi32>
    %ge3A_279 = arith.constant 60000 : i32
    %ge3A_280 = vector.broadcast %ge3A_279 : i32 to vector<16xi32>
    %ge3A_281 = arith.cmpi sge, %get3A_278, %ge3A_280 : vector<16xi32>
    %sub3A_282 = arith.constant 60000 : i32
    %sub3A_283 = vector.broadcast %sub3A_282 : i32 to vector<16xi32>
    %sub3A_284 = arith.subi %get3A_278, %sub3A_283 : vector<16xi32>
    %select_n3A_285 = arith.select %ge3A_281, %sub3A_284, %broadcast_in_dim3A_3 : vector<16xi1>, vector<16xi32>
    %swap3A_286 = arith.constant 0 : index
    %swap3A_287 = tpu.vector_load %arg24[%swap3A_286] {strides = array<i32>} : memref<64xi32, #tpu.memory_space<vmem>>, vector<16xi32>,
    %swap3A_288 = vector.shape_cast %swap3A_287 : vector<16xi32> to vector<16xi32>
    %swap3A_289 = vector.shape_cast %select_n3A_285 : vector<16xi32> to vector<16xi32>
    tpu.vector_store %arg24[%swap3A_286], %swap3A_289 {strides = array<i32>} : memref<64xi32, #tpu.memory_space<vmem>>, vector<16xi32>,
    %get3A_290 = arith.constant 0 : index
    %get3A_291 = tpu.vector_load %arg23[%get3A_290] {strides = array<i32>} : memref<1600xi32, #tpu.memory_space<vmem>>, vector<16xi32>,
    %get3A_292 = vector.shape_cast %get3A_291 : vector<16xi32> to vector<16xi32>
    %swap3A_293 = arith.constant 0 : i32
    %swap3A_294 = arith.index_cast %swap3A_293 : i32 to index
    %swap3A_295 = arith.constant 0 : index
    %swap3A_296 = tpu.vector_load %arg25[%swap3A_294, %swap3A_295] {strides = array<i32>} : memref<2x32xi32, #tpu.memory_space<vmem>>, vector<1x16xi32>,
    %swap3A_297 = vector.shape_cast %swap3A_296 : vector<1x16xi32> to vector<16xi32>
    %swap3A_298 = vector.shape_cast %get3A_292 : vector<16xi32> to vector<1x16xi32>
    tpu.vector_store %arg25[%swap3A_294, %swap3A_295], %swap3A_298 {strides = array<i32>} : memref<2x32xi32, #tpu.memory_space<vmem>>, vector<1x16xi32>,
    %get3A_299 = arith.constant 16 : index
    %get3A_300 = tpu.vector_load %arg16[%get3A_299] {strides = array<i32>} : memref<1600xi32, #tpu.memory_space<vmem>>, vector<16xi32>,
    %get3A_301 = vector.shape_cast %get3A_300 : vector<16xi32> to vector<16xi32>
    %ge3A_302 = arith.constant 60000 : i32
    %ge3A_303 = vector.broadcast %ge3A_302 : i32 to vector<16xi32>
    %ge3A_304 = arith.cmpi sge, %get3A_301, %ge3A_303 : vector<16xi32>
    %sub3A_305 = arith.constant 60000 : i32
    %sub3A_306 = vector.broadcast %sub3A_305 : i32 to vector<16xi32>
    %sub3A_307 = arith.subi %get3A_301, %sub3A_306 : vector<16xi32>
    %select_n3A_308 = arith.select %ge3A_304, %sub3A_307, %broadcast_in_dim3A_3 : vector<16xi1>, vector<16xi32>
    %swap3A_309 = arith.constant 16 : index
    %swap3A_310 = tpu.vector_load %arg24[%swap3A_309] {strides = array<i32>} : memref<64xi32, #tpu.memory_space<vmem>>, vector<16xi32>,
    %swap3A_311 = vector.shape_cast %swap3A_310 : vector<16xi32> to vector<16xi32>
    %swap3A_312 = vector.shape_cast %select_n3A_308 : vector<16xi32> to vector<16xi32>
    tpu.vector_store %arg24[%swap3A_309], %swap3A_312 {strides = array<i32>} : memref<64xi32, #tpu.memory_space<vmem>>, vector<16xi32>,
    %get3A_313 = arith.constant 16 : index
    %get3A_314 = tpu.vector_load %arg23[%get3A_313] {strides = array<i32>} : memref<1600xi32, #tpu.memory_space<vmem>>, vector<16xi32>,
    %get3A_315 = vector.shape_cast %get3A_314 : vector<16xi32> to vector<16xi32>
    %swap3A_316 = arith.constant 0 : i32
    %swap3A_317 = arith.index_cast %swap3A_316 : i32 to index
    %swap3A_318 = arith.constant 16 : index
    %swap3A_319 = tpu.vector_load %arg25[%swap3A_317, %swap3A_318] {strides = array<i32>} : memref<2x32xi32, #tpu.memory_space<vmem>>, vector<1x16xi32>,
    %swap3A_320 = vector.shape_cast %swap3A_319 : vector<1x16xi32> to vector<16xi32>
    %swap3A_321 = vector.shape_cast %get3A_315 : vector<16xi32> to vector<1x16xi32>
    tpu.vector_store %arg25[%swap3A_317, %swap3A_318], %swap3A_321 {strides = array<i32>} : memref<2x32xi32, #tpu.memory_space<vmem>>, vector<1x16xi32>,
    %dma_start3A_322 = arith.constant 0 : i32
    %dma_start3A_323 = arith.constant 0 : i32
    %dma_start3A_324 = arith.constant 0 : i32
    %dma_start3A_325 = tpu.memref_slice %arg28[%dma_start3A_322, %dma_start3A_323, %dma_start3A_324] : memref<2x32x256xf32, #tpu.memory_space<vmem>> -> memref<1x32x256xf32, #tpu.memory_space<vmem>>
    %dma_start3A_326 = tpu.memref_squeeze %dma_start3A_325 : memref<1x32x256xf32, #tpu.memory_space<vmem>> -> memref<32x256xf32, #tpu.memory_space<vmem>>
    %dma_start3A_327 = arith.constant 0 : i32
    %dma_start3A_328 = tpu.memref_slice %arg24[%dma_start3A_327] : memref<64xi32, #tpu.memory_space<vmem>> -> memref<32xi32, #tpu.memory_space<vmem>>
    %dma_start3A_329 = arith.constant 0 : i32
    %dma_start3A_330 = arith.constant 0 : i32
    %dma_start3A_331 = tpu.memref_slice %arg12[%dma_start3A_329, %dma_start3A_330] : memref<40000x256xf32, #tpu.memory_space<hbm>> -> memref<40000x256xf32, #tpu.memory_space<hbm>>
    tpu.enqueue_indirect_dma source(%dma_start3A_331 : memref<40000x256xf32, #tpu.memory_space<hbm>>) target(%dma_start3A_326 : memref<32x256xf32, #tpu.memory_space<vmem>>) offsets(%dma_start3A_328 : memref<32xi32, #tpu.memory_space<vmem>>) semaphore(%arg29 : memref<!tpu.dma_semaphore, #tpu.memory_space<semaphore_mem>>)
    %get3A_332 = arith.constant 32 : index
    %get3A_333 = tpu.vector_load %arg16[%get3A_332] {strides = array<i32>} : memref<1600xi32, #tpu.memory_space<vmem>>, vector<16xi32>,
    %get3A_334 = vector.shape_cast %get3A_333 : vector<16xi32> to vector<16xi32>
    %ge3A_335 = arith.constant 60000 : i32
    %ge3A_336 = vector.broadcast %ge3A_335 : i32 to vector<16xi32>
    %ge3A_337 = arith.cmpi sge, %get3A_334, %ge3A_336 : vector<16xi32>
    %sub3A_338 = arith.constant 60000 : i32
    %sub3A_339 = vector.broadcast %sub3A_338 : i32 to vector<16xi32>
    %sub3A_340 = arith.subi %get3A_334, %sub3A_339 : vector<16xi32>
    %select_n3A_341 = arith.select %ge3A_337, %sub3A_340, %broadcast_in_dim3A_3 : vector<16xi1>, vector<16xi32>
    %swap3A_342 = arith.constant 32 : index
    %swap3A_343 = tpu.vector_load %arg24[%swap3A_342] {strides = array<i32>} : memref<64xi32, #tpu.memory_space<vmem>>, vector<16xi32>,
    %swap3A_344 = vector.shape_cast %swap3A_343 : vector<16xi32> to vector<16xi32>
    %swap3A_345 = vector.shape_cast %select_n3A_341 : vector<16xi32> to vector<16xi32>
    tpu.vector_store %arg24[%swap3A_342], %swap3A_345 {strides = array<i32>} : memref<64xi32, #tpu.memory_space<vmem>>, vector<16xi32>,
    %get3A_346 = arith.constant 32 : index
    %get3A_347 = tpu.vector_load %arg23[%get3A_346] {strides = array<i32>} : memref<1600xi32, #tpu.memory_space<vmem>>, vector<16xi32>,
    %get3A_348 = vector.shape_cast %get3A_347 : vector<16xi32> to vector<16xi32>
    %swap3A_349 = arith.constant 1 : i32
    %swap3A_350 = arith.index_cast %swap3A_349 : i32 to index
    %swap3A_351 = arith.constant 0 : index
    %swap3A_352 = tpu.vector_load %arg25[%swap3A_350, %swap3A_351] {strides = array<i32>} : memref<2x32xi32, #tpu.memory_space<vmem>>, vector<1x16xi32>,
    %swap3A_353 = vector.shape_cast %swap3A_352 : vector<1x16xi32> to vector<16xi32>
    %swap3A_354 = vector.shape_cast %get3A_348 : vector<16xi32> to vector<1x16xi32>
    tpu.vector_store %arg25[%swap3A_350, %swap3A_351], %swap3A_354 {strides = array<i32>} : memref<2x32xi32, #tpu.memory_space<vmem>>, vector<1x16xi32>,
    %get3A_355 = arith.constant 48 : index
    %get3A_356 = tpu.vector_load %arg16[%get3A_355] {strides = array<i32>} : memref<1600xi32, #tpu.memory_space<vmem>>, vector<16xi32>,
    %get3A_357 = vector.shape_cast %get3A_356 : vector<16xi32> to vector<16xi32>
    %ge3A_358 = arith.constant 60000 : i32
    %ge3A_359 = vector.broadcast %ge3A_358 : i32 to vector<16xi32>
    %ge3A_360 = arith.cmpi sge, %get3A_357, %ge3A_359 : vector<16xi32>
    %sub3A_361 = arith.constant 60000 : i32
    %sub3A_362 = vector.broadcast %sub3A_361 : i32 to vector<16xi32>
    %sub3A_363 = arith.subi %get3A_357, %sub3A_362 : vector<16xi32>
    %select_n3A_364 = arith.select %ge3A_360, %sub3A_363, %broadcast_in_dim3A_3 : vector<16xi1>, vector<16xi32>
    %swap3A_365 = arith.constant 48 : index
    %swap3A_366 = tpu.vector_load %arg24[%swap3A_365] {strides = array<i32>} : memref<64xi32, #tpu.memory_space<vmem>>, vector<16xi32>,
    %swap3A_367 = vector.shape_cast %swap3A_366 : vector<16xi32> to vector<16xi32>
    %swap3A_368 = vector.shape_cast %select_n3A_364 : vector<16xi32> to vector<16xi32>
    tpu.vector_store %arg24[%swap3A_365], %swap3A_368 {strides = array<i32>} : memref<64xi32, #tpu.memory_space<vmem>>, vector<16xi32>,
    %get3A_369 = arith.constant 48 : index
    %get3A_370 = tpu.vector_load %arg23[%get3A_369] {strides = array<i32>} : memref<1600xi32, #tpu.memory_space<vmem>>, vector<16xi32>,
    %get3A_371 = vector.shape_cast %get3A_370 : vector<16xi32> to vector<16xi32>
    %swap3A_372 = arith.constant 1 : i32
    %swap3A_373 = arith.index_cast %swap3A_372 : i32 to index
    %swap3A_374 = arith.constant 16 : index
    %swap3A_375 = tpu.vector_load %arg25[%swap3A_373, %swap3A_374] {strides = array<i32>} : memref<2x32xi32, #tpu.memory_space<vmem>>, vector<1x16xi32>,
    %swap3A_376 = vector.shape_cast %swap3A_375 : vector<1x16xi32> to vector<16xi32>
    %swap3A_377 = vector.shape_cast %get3A_371 : vector<16xi32> to vector<1x16xi32>
    tpu.vector_store %arg25[%swap3A_373, %swap3A_374], %swap3A_377 {strides = array<i32>} : memref<2x32xi32, #tpu.memory_space<vmem>>, vector<1x16xi32>,
    %dma_start3A_378 = arith.constant 1 : i32
    %dma_start3A_379 = arith.constant 0 : i32
    %dma_start3A_380 = arith.constant 0 : i32
    %dma_start3A_381 = tpu.memref_slice %arg28[%dma_start3A_378, %dma_start3A_379, %dma_start3A_380] : memref<2x32x256xf32, #tpu.memory_space<vmem>> -> memref<1x32x256xf32, #tpu.memory_space<vmem>>
    %dma_start3A_382 = tpu.memref_squeeze %dma_start3A_381 : memref<1x32x256xf32, #tpu.memory_space<vmem>> -> memref<32x256xf32, #tpu.memory_space<vmem>>
    %dma_start3A_383 = arith.constant 32 : i32
    %dma_start3A_384 = tpu.memref_slice %arg24[%dma_start3A_383] : memref<64xi32, #tpu.memory_space<vmem>> -> memref<32xi32, #tpu.memory_space<vmem>>
    %dma_start3A_385 = arith.constant 0 : i32
    %dma_start3A_386 = arith.constant 0 : i32
    %dma_start3A_387 = tpu.memref_slice %arg12[%dma_start3A_385, %dma_start3A_386] : memref<40000x256xf32, #tpu.memory_space<hbm>> -> memref<40000x256xf32, #tpu.memory_space<hbm>>
    tpu.enqueue_indirect_dma source(%dma_start3A_387 : memref<40000x256xf32, #tpu.memory_space<hbm>>) target(%dma_start3A_382 : memref<32x256xf32, #tpu.memory_space<vmem>>) offsets(%dma_start3A_384 : memref<32xi32, #tpu.memory_space<vmem>>) semaphore(%arg30 : memref<!tpu.dma_semaphore, #tpu.memory_space<semaphore_mem>>)
    %scan3A_388 = arith.constant 0 : i32
    %scan3A_389 = arith.constant 0 : i32
    %scan3A_390 = arith.constant 25 : i32
    %scan3A_391 = arith.addi %scan3A_389, %scan3A_390 : i32
    %scan3A_392 = arith.constant 1 : i32
    %scan3A_393 = scf.for %scan3A_415 = %scan3A_389 to %scan3A_391 step %scan3A_392 iter_args(%scan3A_416 = %scan3A_388) -> (i32)  : i32 {
      %mul3A_417 = arith.constant 2 : i32
      %mul3A_418 = arith.muli %scan3A_415, %mul3A_417 : i32
      %add3A_419 = arith.constant 0 : i32
      %add3A_420 = arith.addi %mul3A_418, %add3A_419 : i32
      %lt3A_421 = arith.constant 50 : i32
      %lt3A_422 = arith.cmpi slt, %add3A_420, %lt3A_421 : i32
      %convert_element_type3A = arith.extui %lt3A_422 : i1 to i32
      %cond3A = arith.constant 0 : i32
      %cond3A_423 = arith.cmpi ne, %convert_element_type3A, %cond3A : i32
      scf.if %cond3A_423 {
        %dma_wait3A_434 = arith.constant 0 : i32
        %dma_wait3A_435 = arith.constant 0 : i32
        %dma_wait3A_436 = arith.constant 0 : i32
        %dma_wait3A_437 = tpu.memref_slice %arg28[%dma_wait3A_434, %dma_wait3A_435, %dma_wait3A_436] : memref<2x32x256xf32, #tpu.memory_space<vmem>> -> memref<1x32x256xf32, #tpu.memory_space<vmem>>
        %dma_wait3A_438 = tpu.memref_squeeze %dma_wait3A_437 : memref<1x32x256xf32, #tpu.memory_space<vmem>> -> memref<32x256xf32, #tpu.memory_space<vmem>>
        %dma_wait3A_439 = arith.constant 0 : i32
        %dma_wait3A_440 = tpu.memref_slice %arg24[%dma_wait3A_439] : memref<64xi32, #tpu.memory_space<vmem>> -> memref<32xi32, #tpu.memory_space<vmem>>
        %dma_wait3A_441 = arith.constant 0 : i32
        %dma_wait3A_442 = arith.constant 0 : i32
        %dma_wait3A_443 = tpu.memref_slice %arg12[%dma_wait3A_441, %dma_wait3A_442] : memref<40000x256xf32, #tpu.memory_space<hbm>> -> memref<40000x256xf32, #tpu.memory_space<hbm>>
        tpu.wait_indirect_dma semaphore(%arg29 : memref<!tpu.dma_semaphore, #tpu.memory_space<semaphore_mem>>) src(%dma_wait3A_443 : memref<40000x256xf32, #tpu.memory_space<hbm>>) dst(%dma_wait3A_438 : memref<32x256xf32, #tpu.memory_space<vmem>>)
        %dma_start3A_444 = arith.constant 0 : i32
        %dma_start3A_445 = arith.constant 0 : i32
        %dma_start3A_446 = arith.constant 0 : i32
        %dma_start3A_447 = arith.constant 0 : i32
        %dma_start3A_448 = tpu.memref_slice %arg28[%dma_start3A_444, %dma_start3A_446, %dma_start3A_447] : memref<2x32x256xf32, #tpu.memory_space<vmem>> -> memref<1x32x256xf32, #tpu.memory_space<vmem>>
        %dma_start3A_449 = tpu.memref_squeeze %dma_start3A_448 : memref<1x32x256xf32, #tpu.memory_space<vmem>> -> memref<32x256xf32, #tpu.memory_space<vmem>>
        %dma_start3A_450 = arith.constant 0 : i32
        %dma_start3A_451 = tpu.memref_slice %arg25[%dma_start3A_445, %dma_start3A_450] : memref<2x32xi32, #tpu.memory_space<vmem>> -> memref<1x32xi32, #tpu.memory_space<vmem>>
        %dma_start3A_452 = tpu.memref_squeeze %dma_start3A_451 : memref<1x32xi32, #tpu.memory_space<vmem>> -> memref<32xi32, #tpu.memory_space<vmem>>
        %dma_start3A_453 = arith.constant 0 : i32
        %dma_start3A_454 = arith.constant 0 : i32
        %dma_start3A_455 = tpu.memref_slice %arg15[%dma_start3A_453, %dma_start3A_454] : memref<51208x256xf32, #tpu.memory_space<hbm>> -> memref<51208x256xf32, #tpu.memory_space<hbm>>
        tpu.enqueue_indirect_dma source(%dma_start3A_449 : memref<32x256xf32, #tpu.memory_space<vmem>>) target(%dma_start3A_455 : memref<51208x256xf32, #tpu.memory_space<hbm>>) offsets(%dma_start3A_452 : memref<32xi32, #tpu.memory_space<vmem>>) semaphore(%arg31 : memref<!tpu.dma_semaphore, #tpu.memory_space<semaphore_mem>>)
        %add3A_456 = arith.constant 2 : i32
        %add3A_457 = arith.addi %add3A_420, %add3A_456 : i32
        %lt3A_458 = arith.constant 50 : i32
        %lt3A_459 = arith.cmpi slt, %add3A_457, %lt3A_458 : i32
        %convert_element_type3A_460 = arith.extui %lt3A_459 : i1 to i32
        %cond3A_461 = arith.constant 0 : i32
        %cond3A_462 = arith.cmpi ne, %convert_element_type3A_460, %cond3A_461 : i32
        scf.if %cond3A_462 {
          %dma_wait3A_463 = arith.constant 0 : i32
          %dma_wait3A_464 = arith.constant 0 : i32
          %dma_wait3A_465 = arith.constant 0 : i32
          %dma_wait3A_466 = tpu.memref_slice %arg28[%dma_wait3A_463, %dma_wait3A_464, %dma_wait3A_465] : memref<2x32x256xf32, #tpu.memory_space<vmem>> -> memref<1x32x256xf32, #tpu.memory_space<vmem>>
          %dma_wait3A_467 = tpu.memref_squeeze %dma_wait3A_466 : memref<1x32x256xf32, #tpu.memory_space<vmem>> -> memref<32x256xf32, #tpu.memory_space<vmem>>
          %dma_wait3A_468 = arith.constant 0 : i32
          %dma_wait3A_469 = tpu.memref_slice %arg24[%dma_wait3A_468] : memref<64xi32, #tpu.memory_space<vmem>> -> memref<32xi32, #tpu.memory_space<vmem>>
          %dma_wait3A_470 = arith.constant 0 : i32
          %dma_wait3A_471 = arith.constant 0 : i32
          %dma_wait3A_472 = tpu.memref_slice %arg12[%dma_wait3A_470, %dma_wait3A_471] : memref<40000x256xf32, #tpu.memory_space<hbm>> -> memref<40000x256xf32, #tpu.memory_space<hbm>>
          tpu.wait_indirect_dma semaphore(%arg31 : memref<!tpu.dma_semaphore, #tpu.memory_space<semaphore_mem>>) src(%dma_wait3A_472 : memref<40000x256xf32, #tpu.memory_space<hbm>>) dst(%dma_wait3A_467 : memref<32x256xf32, #tpu.memory_space<vmem>>)
          %add3A_473 = arith.constant 2 : i32
          %add3A_474 = arith.addi %add3A_420, %add3A_473 : i32
          %mul3A_475 = arith.constant 32 : i32
          %mul3A_476 = arith.muli %add3A_474, %mul3A_475 : i32
          %add3A_477 = arith.constant 0 : i32
          %add3A_478 = arith.addi %mul3A_476, %add3A_477 : i32
          %get3A_479 = arith.index_cast %add3A_478 : i32 to index
          %get3A_480 = tpu.vector_load %arg16[%get3A_479] {strides = array<i32>} : memref<1600xi32, #tpu.memory_space<vmem>>, vector<16xi32>,
          %get3A_481 = vector.shape_cast %get3A_480 : vector<16xi32> to vector<16xi32>
          %ge3A_482 = arith.constant 60000 : i32
          %ge3A_483 = vector.broadcast %ge3A_482 : i32 to vector<16xi32>
          %ge3A_484 = arith.cmpi sge, %get3A_481, %ge3A_483 : vector<16xi32>
          %sub3A_485 = arith.constant 60000 : i32
          %sub3A_486 = vector.broadcast %sub3A_485 : i32 to vector<16xi32>
          %sub3A_487 = arith.subi %get3A_481, %sub3A_486 : vector<16xi32>
          %select_n3A_488 = arith.select %ge3A_484, %sub3A_487, %broadcast_in_dim3A_3 : vector<16xi1>, vector<16xi32>
          %swap3A_489 = arith.constant 0 : index
          %swap3A_490 = tpu.vector_load %arg24[%swap3A_489] {strides = array<i32>} : memref<64xi32, #tpu.memory_space<vmem>>, vector<16xi32>,
          %swap3A_491 = vector.shape_cast %swap3A_490 : vector<16xi32> to vector<16xi32>
          %swap3A_492 = vector.shape_cast %select_n3A_488 : vector<16xi32> to vector<16xi32>
          tpu.vector_store %arg24[%swap3A_489], %swap3A_492 {strides = array<i32>} : memref<64xi32, #tpu.memory_space<vmem>>, vector<16xi32>,
          %mul3A_493 = arith.constant 32 : i32
          %mul3A_494 = arith.muli %add3A_474, %mul3A_493 : i32
          %add3A_495 = arith.constant 0 : i32
          %add3A_496 = arith.addi %mul3A_494, %add3A_495 : i32
          %get3A_497 = arith.index_cast %add3A_496 : i32 to index
          %get3A_498 = tpu.vector_load %arg23[%get3A_497] {strides = array<i32>} : memref<1600xi32, #tpu.memory_space<vmem>>, vector<16xi32>,
          %get3A_499 = vector.shape_cast %get3A_498 : vector<16xi32> to vector<16xi32>
          %swap3A_500 = arith.constant 0 : i32
          %swap3A_501 = arith.index_cast %swap3A_500 : i32 to index
          %swap3A_502 = arith.constant 0 : index
          %swap3A_503 = tpu.vector_load %arg25[%swap3A_501, %swap3A_502] {strides = array<i32>} : memref<2x32xi32, #tpu.memory_space<vmem>>, vector<1x16xi32>,
          %swap3A_504 = vector.shape_cast %swap3A_503 : vector<1x16xi32> to vector<16xi32>
          %swap3A_505 = vector.shape_cast %get3A_499 : vector<16xi32> to vector<1x16xi32>
          tpu.vector_store %arg25[%swap3A_501, %swap3A_502], %swap3A_505 {strides = array<i32>} : memref<2x32xi32, #tpu.memory_space<vmem>>, vector<1x16xi32>,
          %mul3A_506 = arith.constant 32 : i32
          %mul3A_507 = arith.muli %add3A_474, %mul3A_506 : i32
          %add3A_508 = arith.constant 16 : i32
          %add3A_509 = arith.addi %mul3A_507, %add3A_508 : i32
          %get3A_510 = arith.index_cast %add3A_509 : i32 to index
          %get3A_511 = tpu.vector_load %arg16[%get3A_510] {strides = array<i32>} : memref<1600xi32, #tpu.memory_space<vmem>>, vector<16xi32>,
          %get3A_512 = vector.shape_cast %get3A_511 : vector<16xi32> to vector<16xi32>
          %ge3A_513 = arith.constant 60000 : i32
          %ge3A_514 = vector.broadcast %ge3A_513 : i32 to vector<16xi32>
          %ge3A_515 = arith.cmpi sge, %get3A_512, %ge3A_514 : vector<16xi32>
          %sub3A_516 = arith.constant 60000 : i32
          %sub3A_517 = vector.broadcast %sub3A_516 : i32 to vector<16xi32>
          %sub3A_518 = arith.subi %get3A_512, %sub3A_517 : vector<16xi32>
          %select_n3A_519 = arith.select %ge3A_515, %sub3A_518, %broadcast_in_dim3A_3 : vector<16xi1>, vector<16xi32>
          %swap3A_520 = arith.constant 16 : index
          %swap3A_521 = tpu.vector_load %arg24[%swap3A_520] {strides = array<i32>} : memref<64xi32, #tpu.memory_space<vmem>>, vector<16xi32>,
          %swap3A_522 = vector.shape_cast %swap3A_521 : vector<16xi32> to vector<16xi32>
          %swap3A_523 = vector.shape_cast %select_n3A_519 : vector<16xi32> to vector<16xi32>
          tpu.vector_store %arg24[%swap3A_520], %swap3A_523 {strides = array<i32>} : memref<64xi32, #tpu.memory_space<vmem>>, vector<16xi32>,
          %mul3A_524 = arith.constant 32 : i32
          %mul3A_525 = arith.muli %add3A_474, %mul3A_524 : i32
          %add3A_526 = arith.constant 16 : i32
          %add3A_527 = arith.addi %mul3A_525, %add3A_526 : i32
          %get3A_528 = arith.index_cast %add3A_527 : i32 to index
          %get3A_529 = tpu.vector_load %arg23[%get3A_528] {strides = array<i32>} : memref<1600xi32, #tpu.memory_space<vmem>>, vector<16xi32>,
          %get3A_530 = vector.shape_cast %get3A_529 : vector<16xi32> to vector<16xi32>
          %swap3A_531 = arith.constant 0 : i32
          %swap3A_532 = arith.index_cast %swap3A_531 : i32 to index
          %swap3A_533 = arith.constant 16 : index
          %swap3A_534 = tpu.vector_load %arg25[%swap3A_532, %swap3A_533] {strides = array<i32>} : memref<2x32xi32, #tpu.memory_space<vmem>>, vector<1x16xi32>,
          %swap3A_535 = vector.shape_cast %swap3A_534 : vector<1x16xi32> to vector<16xi32>
          %swap3A_536 = vector.shape_cast %get3A_530 : vector<16xi32> to vector<1x16xi32>
          tpu.vector_store %arg25[%swap3A_532, %swap3A_533], %swap3A_536 {strides = array<i32>} : memref<2x32xi32, #tpu.memory_space<vmem>>, vector<1x16xi32>,
          %dma_start3A_537 = arith.constant 0 : i32
          %dma_start3A_538 = arith.constant 0 : i32
          %dma_start3A_539 = arith.constant 0 : i32
          %dma_start3A_540 = tpu.memref_slice %arg28[%dma_start3A_537, %dma_start3A_538, %dma_start3A_539] : memref<2x32x256xf32, #tpu.memory_space<vmem>> -> memref<1x32x256xf32, #tpu.memory_space<vmem>>
          %dma_start3A_541 = tpu.memref_squeeze %dma_start3A_540 : memref<1x32x256xf32, #tpu.memory_space<vmem>> -> memref<32x256xf32, #tpu.memory_space<vmem>>
          %dma_start3A_542 = arith.constant 0 : i32
          %dma_start3A_543 = tpu.memref_slice %arg24[%dma_start3A_542] : memref<64xi32, #tpu.memory_space<vmem>> -> memref<32xi32, #tpu.memory_space<vmem>>
          %dma_start3A_544 = arith.constant 0 : i32
          %dma_start3A_545 = arith.constant 0 : i32
          %dma_start3A_546 = tpu.memref_slice %arg12[%dma_start3A_544, %dma_start3A_545] : memref<40000x256xf32, #tpu.memory_space<hbm>> -> memref<40000x256xf32, #tpu.memory_space<hbm>>
          tpu.enqueue_indirect_dma source(%dma_start3A_546 : memref<40000x256xf32, #tpu.memory_space<hbm>>) target(%dma_start3A_541 : memref<32x256xf32, #tpu.memory_space<vmem>>) offsets(%dma_start3A_543 : memref<32xi32, #tpu.memory_space<vmem>>) semaphore(%arg29 : memref<!tpu.dma_semaphore, #tpu.memory_space<semaphore_mem>>)
        } else {
        }
      } else {
      }
      %mul3A_424 = arith.constant 2 : i32
      %mul3A_425 = arith.muli %scan3A_415, %mul3A_424 : i32
      %add3A_426 = arith.constant 1 : i32
      %add3A_427 = arith.addi %mul3A_425, %add3A_426 : i32
      %lt3A_428 = arith.constant 50 : i32
      %lt3A_429 = arith.cmpi slt, %add3A_427, %lt3A_428 : i32
      %convert_element_type3A_430 = arith.extui %lt3A_429 : i1 to i32
      %cond3A_431 = arith.constant 0 : i32
      %cond3A_432 = arith.cmpi ne, %convert_element_type3A_430, %cond3A_431 : i32
      scf.if %cond3A_432 {
        %dma_wait3A_434 = arith.constant 1 : i32
        %dma_wait3A_435 = arith.constant 0 : i32
        %dma_wait3A_436 = arith.constant 0 : i32
        %dma_wait3A_437 = tpu.memref_slice %arg28[%dma_wait3A_434, %dma_wait3A_435, %dma_wait3A_436] : memref<2x32x256xf32, #tpu.memory_space<vmem>> -> memref<1x32x256xf32, #tpu.memory_space<vmem>>
        %dma_wait3A_438 = tpu.memref_squeeze %dma_wait3A_437 : memref<1x32x256xf32, #tpu.memory_space<vmem>> -> memref<32x256xf32, #tpu.memory_space<vmem>>
        %dma_wait3A_439 = arith.constant 32 : i32
        %dma_wait3A_440 = tpu.memref_slice %arg24[%dma_wait3A_439] : memref<64xi32, #tpu.memory_space<vmem>> -> memref<32xi32, #tpu.memory_space<vmem>>
        %dma_wait3A_441 = arith.constant 0 : i32
        %dma_wait3A_442 = arith.constant 0 : i32
        %dma_wait3A_443 = tpu.memref_slice %arg12[%dma_wait3A_441, %dma_wait3A_442] : memref<40000x256xf32, #tpu.memory_space<hbm>> -> memref<40000x256xf32, #tpu.memory_space<hbm>>
        tpu.wait_indirect_dma semaphore(%arg30 : memref<!tpu.dma_semaphore, #tpu.memory_space<semaphore_mem>>) src(%dma_wait3A_443 : memref<40000x256xf32, #tpu.memory_space<hbm>>) dst(%dma_wait3A_438 : memref<32x256xf32, #tpu.memory_space<vmem>>)
        %dma_start3A_444 = arith.constant 1 : i32
        %dma_start3A_445 = arith.constant 1 : i32
        %dma_start3A_446 = arith.constant 0 : i32
        %dma_start3A_447 = arith.constant 0 : i32
        %dma_start3A_448 = tpu.memref_slice %arg28[%dma_start3A_444, %dma_start3A_446, %dma_start3A_447] : memref<2x32x256xf32, #tpu.memory_space<vmem>> -> memref<1x32x256xf32, #tpu.memory_space<vmem>>
        %dma_start3A_449 = tpu.memref_squeeze %dma_start3A_448 : memref<1x32x256xf32, #tpu.memory_space<vmem>> -> memref<32x256xf32, #tpu.memory_space<vmem>>
        %dma_start3A_450 = arith.constant 0 : i32
        %dma_start3A_451 = tpu.memref_slice %arg25[%dma_start3A_445, %dma_start3A_450] : memref<2x32xi32, #tpu.memory_space<vmem>> -> memref<1x32xi32, #tpu.memory_space<vmem>>
        %dma_start3A_452 = tpu.memref_squeeze %dma_start3A_451 : memref<1x32xi32, #tpu.memory_space<vmem>> -> memref<32xi32, #tpu.memory_space<vmem>>
        %dma_start3A_453 = arith.constant 0 : i32
        %dma_start3A_454 = arith.constant 0 : i32
        %dma_start3A_455 = tpu.memref_slice %arg15[%dma_start3A_453, %dma_start3A_454] : memref<51208x256xf32, #tpu.memory_space<hbm>> -> memref<51208x256xf32, #tpu.memory_space<hbm>>
        tpu.enqueue_indirect_dma source(%dma_start3A_449 : memref<32x256xf32, #tpu.memory_space<vmem>>) target(%dma_start3A_455 : memref<51208x256xf32, #tpu.memory_space<hbm>>) offsets(%dma_start3A_452 : memref<32xi32, #tpu.memory_space<vmem>>) semaphore(%arg32 : memref<!tpu.dma_semaphore, #tpu.memory_space<semaphore_mem>>)
        %add3A_456 = arith.constant 2 : i32
        %add3A_457 = arith.addi %add3A_427, %add3A_456 : i32
        %lt3A_458 = arith.constant 50 : i32
        %lt3A_459 = arith.cmpi slt, %add3A_457, %lt3A_458 : i32
        %convert_element_type3A_460 = arith.extui %lt3A_459 : i1 to i32
        %cond3A_461 = arith.constant 0 : i32
        %cond3A_462 = arith.cmpi ne, %convert_element_type3A_460, %cond3A_461 : i32
        scf.if %cond3A_462 {
          %dma_wait3A_463 = arith.constant 1 : i32
          %dma_wait3A_464 = arith.constant 0 : i32
          %dma_wait3A_465 = arith.constant 0 : i32
          %dma_wait3A_466 = tpu.memref_slice %arg28[%dma_wait3A_463, %dma_wait3A_464, %dma_wait3A_465] : memref<2x32x256xf32, #tpu.memory_space<vmem>> -> memref<1x32x256xf32, #tpu.memory_space<vmem>>
          %dma_wait3A_467 = tpu.memref_squeeze %dma_wait3A_466 : memref<1x32x256xf32, #tpu.memory_space<vmem>> -> memref<32x256xf32, #tpu.memory_space<vmem>>
          %dma_wait3A_468 = arith.constant 32 : i32
          %dma_wait3A_469 = tpu.memref_slice %arg24[%dma_wait3A_468] : memref<64xi32, #tpu.memory_space<vmem>> -> memref<32xi32, #tpu.memory_space<vmem>>
          %dma_wait3A_470 = arith.constant 0 : i32
          %dma_wait3A_471 = arith.constant 0 : i32
          %dma_wait3A_472 = tpu.memref_slice %arg12[%dma_wait3A_470, %dma_wait3A_471] : memref<40000x256xf32, #tpu.memory_space<hbm>> -> memref<40000x256xf32, #tpu.memory_space<hbm>>
          tpu.wait_indirect_dma semaphore(%arg32 : memref<!tpu.dma_semaphore, #tpu.memory_space<semaphore_mem>>) src(%dma_wait3A_472 : memref<40000x256xf32, #tpu.memory_space<hbm>>) dst(%dma_wait3A_467 : memref<32x256xf32, #tpu.memory_space<vmem>>)
          %add3A_473 = arith.constant 2 : i32
          %add3A_474 = arith.addi %add3A_427, %add3A_473 : i32
          %mul3A_475 = arith.constant 32 : i32
          %mul3A_476 = arith.muli %add3A_474, %mul3A_475 : i32
          %add3A_477 = arith.constant 0 : i32
          %add3A_478 = arith.addi %mul3A_476, %add3A_477 : i32
          %get3A_479 = arith.index_cast %add3A_478 : i32 to index
          %get3A_480 = tpu.vector_load %arg16[%get3A_479] {strides = array<i32>} : memref<1600xi32, #tpu.memory_space<vmem>>, vector<16xi32>,
          %get3A_481 = vector.shape_cast %get3A_480 : vector<16xi32> to vector<16xi32>
          %ge3A_482 = arith.constant 60000 : i32
          %ge3A_483 = vector.broadcast %ge3A_482 : i32 to vector<16xi32>
          %ge3A_484 = arith.cmpi sge, %get3A_481, %ge3A_483 : vector<16xi32>
          %sub3A_485 = arith.constant 60000 : i32
          %sub3A_486 = vector.broadcast %sub3A_485 : i32 to vector<16xi32>
          %sub3A_487 = arith.subi %get3A_481, %sub3A_486 : vector<16xi32>
          %select_n3A_488 = arith.select %ge3A_484, %sub3A_487, %broadcast_in_dim3A_3 : vector<16xi1>, vector<16xi32>
          %swap3A_489 = arith.constant 32 : index
          %swap3A_490 = tpu.vector_load %arg24[%swap3A_489] {strides = array<i32>} : memref<64xi32, #tpu.memory_space<vmem>>, vector<16xi32>,
          %swap3A_491 = vector.shape_cast %swap3A_490 : vector<16xi32> to vector<16xi32>
          %swap3A_492 = vector.shape_cast %select_n3A_488 : vector<16xi32> to vector<16xi32>
          tpu.vector_store %arg24[%swap3A_489], %swap3A_492 {strides = array<i32>} : memref<64xi32, #tpu.memory_space<vmem>>, vector<16xi32>,
          %mul3A_493 = arith.constant 32 : i32
          %mul3A_494 = arith.muli %add3A_474, %mul3A_493 : i32
          %add3A_495 = arith.constant 0 : i32
          %add3A_496 = arith.addi %mul3A_494, %add3A_495 : i32
          %get3A_497 = arith.index_cast %add3A_496 : i32 to index
          %get3A_498 = tpu.vector_load %arg23[%get3A_497] {strides = array<i32>} : memref<1600xi32, #tpu.memory_space<vmem>>, vector<16xi32>,
          %get3A_499 = vector.shape_cast %get3A_498 : vector<16xi32> to vector<16xi32>
          %swap3A_500 = arith.constant 1 : i32
          %swap3A_501 = arith.index_cast %swap3A_500 : i32 to index
          %swap3A_502 = arith.constant 0 : index
          %swap3A_503 = tpu.vector_load %arg25[%swap3A_501, %swap3A_502] {strides = array<i32>} : memref<2x32xi32, #tpu.memory_space<vmem>>, vector<1x16xi32>,
          %swap3A_504 = vector.shape_cast %swap3A_503 : vector<1x16xi32> to vector<16xi32>
          %swap3A_505 = vector.shape_cast %get3A_499 : vector<16xi32> to vector<1x16xi32>
          tpu.vector_store %arg25[%swap3A_501, %swap3A_502], %swap3A_505 {strides = array<i32>} : memref<2x32xi32, #tpu.memory_space<vmem>>, vector<1x16xi32>,
          %mul3A_506 = arith.constant 32 : i32
          %mul3A_507 = arith.muli %add3A_474, %mul3A_506 : i32
          %add3A_508 = arith.constant 16 : i32
          %add3A_509 = arith.addi %mul3A_507, %add3A_508 : i32
          %get3A_510 = arith.index_cast %add3A_509 : i32 to index
          %get3A_511 = tpu.vector_load %arg16[%get3A_510] {strides = array<i32>} : memref<1600xi32, #tpu.memory_space<vmem>>, vector<16xi32>,
          %get3A_512 = vector.shape_cast %get3A_511 : vector<16xi32> to vector<16xi32>
          %ge3A_513 = arith.constant 60000 : i32
          %ge3A_514 = vector.broadcast %ge3A_513 : i32 to vector<16xi32>
          %ge3A_515 = arith.cmpi sge, %get3A_512, %ge3A_514 : vector<16xi32>
          %sub3A_516 = arith.constant 60000 : i32
          %sub3A_517 = vector.broadcast %sub3A_516 : i32 to vector<16xi32>
          %sub3A_518 = arith.subi %get3A_512, %sub3A_517 : vector<16xi32>
          %select_n3A_519 = arith.select %ge3A_515, %sub3A_518, %broadcast_in_dim3A_3 : vector<16xi1>, vector<16xi32>
          %swap3A_520 = arith.constant 48 : index
          %swap3A_521 = tpu.vector_load %arg24[%swap3A_520] {strides = array<i32>} : memref<64xi32, #tpu.memory_space<vmem>>, vector<16xi32>,
          %swap3A_522 = vector.shape_cast %swap3A_521 : vector<16xi32> to vector<16xi32>
          %swap3A_523 = vector.shape_cast %select_n3A_519 : vector<16xi32> to vector<16xi32>
          tpu.vector_store %arg24[%swap3A_520], %swap3A_523 {strides = array<i32>} : memref<64xi32, #tpu.memory_space<vmem>>, vector<16xi32>,
          %mul3A_524 = arith.constant 32 : i32
          %mul3A_525 = arith.muli %add3A_474, %mul3A_524 : i32
          %add3A_526 = arith.constant 16 : i32
          %add3A_527 = arith.addi %mul3A_525, %add3A_526 : i32
          %get3A_528 = arith.index_cast %add3A_527 : i32 to index
          %get3A_529 = tpu.vector_load %arg23[%get3A_528] {strides = array<i32>} : memref<1600xi32, #tpu.memory_space<vmem>>, vector<16xi32>,
          %get3A_530 = vector.shape_cast %get3A_529 : vector<16xi32> to vector<16xi32>
          %swap3A_531 = arith.constant 1 : i32
          %swap3A_532 = arith.index_cast %swap3A_531 : i32 to index
          %swap3A_533 = arith.constant 16 : index
          %swap3A_534 = tpu.vector_load %arg25[%swap3A_532, %swap3A_533] {strides = array<i32>} : memref<2x32xi32, #tpu.memory_space<vmem>>, vector<1x16xi32>,
          %swap3A_535 = vector.shape_cast %swap3A_534 : vector<1x16xi32> to vector<16xi32>
          %swap3A_536 = vector.shape_cast %get3A_530 : vector<16xi32> to vector<1x16xi32>
          tpu.vector_store %arg25[%swap3A_532, %swap3A_533], %swap3A_536 {strides = array<i32>} : memref<2x32xi32, #tpu.memory_space<vmem>>, vector<1x16xi32>,
          %dma_start3A_537 = arith.constant 1 : i32
          %dma_start3A_538 = arith.constant 0 : i32
          %dma_start3A_539 = arith.constant 0 : i32
          %dma_start3A_540 = tpu.memref_slice %arg28[%dma_start3A_537, %dma_start3A_538, %dma_start3A_539] : memref<2x32x256xf32, #tpu.memory_space<vmem>> -> memref<1x32x256xf32, #tpu.memory_space<vmem>>
          %dma_start3A_541 = tpu.memref_squeeze %dma_start3A_540 : memref<1x32x256xf32, #tpu.memory_space<vmem>> -> memref<32x256xf32, #tpu.memory_space<vmem>>
          %dma_start3A_542 = arith.constant 32 : i32
          %dma_start3A_543 = tpu.memref_slice %arg24[%dma_start3A_542] : memref<64xi32, #tpu.memory_space<vmem>> -> memref<32xi32, #tpu.memory_space<vmem>>
          %dma_start3A_544 = arith.constant 0 : i32
          %dma_start3A_545 = arith.constant 0 : i32
          %dma_start3A_546 = tpu.memref_slice %arg12[%dma_start3A_544, %dma_start3A_545] : memref<40000x256xf32, #tpu.memory_space<hbm>> -> memref<40000x256xf32, #tpu.memory_space<hbm>>
          tpu.enqueue_indirect_dma source(%dma_start3A_546 : memref<40000x256xf32, #tpu.memory_space<hbm>>) target(%dma_start3A_541 : memref<32x256xf32, #tpu.memory_space<vmem>>) offsets(%dma_start3A_543 : memref<32xi32, #tpu.memory_space<vmem>>) semaphore(%arg30 : memref<!tpu.dma_semaphore, #tpu.memory_space<semaphore_mem>>)
        } else {
        }
      } else {
      }
      %scan3A_433 = arith.constant 0 : i32
      scf.yield %scan3A_433 : i32
    }
    %scan3A_394 = arith.constant 25 : i32
    %dma_wait3A_395 = arith.constant 0 : i32
    %dma_wait3A_396 = arith.constant 0 : i32
    %dma_wait3A_397 = arith.constant 0 : i32
    %dma_wait3A_398 = tpu.memref_slice %arg28[%dma_wait3A_395, %dma_wait3A_396, %dma_wait3A_397] : memref<2x32x256xf32, #tpu.memory_space<vmem>> -> memref<1x32x256xf32, #tpu.memory_space<vmem>>
    %dma_wait3A_399 = tpu.memref_squeeze %dma_wait3A_398 : memref<1x32x256xf32, #tpu.memory_space<vmem>> -> memref<32x256xf32, #tpu.memory_space<vmem>>
    %dma_wait3A_400 = arith.constant 0 : i32
    %dma_wait3A_401 = tpu.memref_slice %arg24[%dma_wait3A_400] : memref<64xi32, #tpu.memory_space<vmem>> -> memref<32xi32, #tpu.memory_space<vmem>>
    %dma_wait3A_402 = arith.constant 0 : i32
    %dma_wait3A_403 = arith.constant 0 : i32
    %dma_wait3A_404 = tpu.memref_slice %arg12[%dma_wait3A_402, %dma_wait3A_403] : memref<40000x256xf32, #tpu.memory_space<hbm>> -> memref<40000x256xf32, #tpu.memory_space<hbm>>
    tpu.wait_indirect_dma semaphore(%arg31 : memref<!tpu.dma_semaphore, #tpu.memory_space<semaphore_mem>>) src(%dma_wait3A_404 : memref<40000x256xf32, #tpu.memory_space<hbm>>) dst(%dma_wait3A_399 : memref<32x256xf32, #tpu.memory_space<vmem>>)
    %dma_wait3A_405 = arith.constant 1 : i32
    %dma_wait3A_406 = arith.constant 0 : i32
    %dma_wait3A_407 = arith.constant 0 : i32
    %dma_wait3A_408 = tpu.memref_slice %arg28[%dma_wait3A_405, %dma_wait3A_406, %dma_wait3A_407] : memref<2x32x256xf32, #tpu.memory_space<vmem>> -> memref<1x32x256xf32, #tpu.memory_space<vmem>>
    %dma_wait3A_409 = tpu.memref_squeeze %dma_wait3A_408 : memref<1x32x256xf32, #tpu.memory_space<vmem>> -> memref<32x256xf32, #tpu.memory_space<vmem>>
    %dma_wait3A_410 = arith.constant 32 : i32
    %dma_wait3A_411 = tpu.memref_slice %arg24[%dma_wait3A_410] : memref<64xi32, #tpu.memory_space<vmem>> -> memref<32xi32, #tpu.memory_space<vmem>>
    %dma_wait3A_412 = arith.constant 0 : i32
    %dma_wait3A_413 = arith.constant 0 : i32
    %dma_wait3A_414 = tpu.memref_slice %arg12[%dma_wait3A_412, %dma_wait3A_413] : memref<40000x256xf32, #tpu.memory_space<hbm>> -> memref<40000x256xf32, #tpu.memory_space<hbm>>
    tpu.wait_indirect_dma semaphore(%arg32 : memref<!tpu.dma_semaphore, #tpu.memory_space<semaphore_mem>>) src(%dma_wait3A_414 : memref<40000x256xf32, #tpu.memory_space<hbm>>) dst(%dma_wait3A_409 : memref<32x256xf32, #tpu.memory_space<vmem>>)
    return
  }
}

module attributes {stable_mosaic.version = 14 : i64} {
  func.func @ck(%arg0: i32, %arg1: memref<1x200x8xi32, #tpu.memory_space<vmem>>, %arg2: memref<1x1x448xi32, #tpu.memory_space<vmem>>, %arg3: memref<1x1x448xi32, #tpu.memory_space<vmem>>, %arg4: memref<1x1x768xi32, #tpu.memory_space<vmem>>, %arg5: memref<1x1x768xi32, #tpu.memory_space<vmem>>, %arg6: memref<1x1x768xi32, #tpu.memory_space<vmem>>, %arg7: memref<1x1x768xi32, #tpu.memory_space<vmem>>, %arg8: memref<1x1x32xi32, #tpu.memory_space<vmem>>) attributes {dimension_semantics = [#tpu.dimension_semantics<arbitrary>], iteration_bounds = array<i64: 32>, scalar_prefetch = 0 : i64, scratch_operands = 0 : i64, tpu.core_type = #tpu.core_type<tc>, window_params = [{transform_indices = @transform_0, window_bounds = array<i64: 1, 200, 8>}, {transform_indices = @transform_1, window_bounds = array<i64: 1, 1, 448>}, {transform_indices = @transform_2, window_bounds = array<i64: 1, 1, 448>}, {transform_indices = @transform_3, window_bounds = array<i64: 1, 1, 768>}, {transform_indices = @transform_4, window_bounds = array<i64: 1, 1, 768>}, {transform_indices = @transform_5, window_bounds = array<i64: 1, 1, 768>}, {transform_indices = @transform_6, window_bounds = array<i64: 1, 1, 768>}, {transform_indices = @transform_7, window_bounds = array<i64: 1, 1, 32>}]} {
    %get3A = arith.constant 0 : index
    %get3A_0 = arith.constant 0 : index
    %get3A_1 = arith.constant 0 : index
    %get3A_2 = vector.load %arg1[%get3A, %get3A_0, %get3A_1] : memref<1x200x8xi32, #tpu.memory_space<vmem>>, vector<1x200x8xi32>
    %get3A_3 = vector.shape_cast %get3A_2 : vector<1x200x8xi32> to vector<200x8xi32>
    %convert_element_type3A = arith.sitofp %get3A_3 : vector<200x8xi32> to vector<200x8xf32>
    %iota3A = tpu.iota {dimensions = array<i32: 0>} : vector<200x8xi32>
    %convert_element_type3A_4 = arith.sitofp %iota3A : vector<200x8xi32> to vector<200x8xf32>
    %iota3A_5 = tpu.iota {dimensions = array<i32: 1>} : vector<200x8xi32>
    %convert_element_type3A_6 = arith.sitofp %iota3A_5 : vector<200x8xi32> to vector<200x8xf32>
    %mul3A = arith.constant 1600 : i32
    %mul3A_7 = arith.muli %arg0, %mul3A : i32
    %mul3A_8 = arith.constant 8.000000e+00 : f32
    %mul3A_9 = vector.broadcast %mul3A_8 : f32 to vector<200x8xf32>
    %mul3A_10 = arith.mulf %convert_element_type3A_4, %mul3A_9 : vector<200x8xf32>
    %convert_element_type3A_11 = arith.sitofp %mul3A_7 : i32 to f32
    %add3A = vector.broadcast %convert_element_type3A_11 : f32 to vector<200x8xf32>
    %add3A_12 = arith.addf %add3A, %mul3A_10 : vector<200x8xf32>
    %add3A_13 = arith.addf %add3A_12, %convert_element_type3A_6 : vector<200x8xf32>
    %iota3A_14 = tpu.iota {dimensions = array<i32: 0>} : vector<200x200xi32>
    %iota3A_15 = tpu.iota {dimensions = array<i32: 1>} : vector<200x200xi32>
    %ge3A = arith.cmpi sge, %iota3A_14, %iota3A_15 : vector<200x200xi32>
    %jit3A = arith.constant 1.000000e+00 : f32
    %jit3A_16 = arith.constant 0.000000e+00 : f32
    %broadcast_in_dim3A = vector.broadcast %jit3A : f32 to vector<200x200xf32>
    %broadcast_in_dim3A_17 = vector.broadcast %jit3A_16 : f32 to vector<200x200xf32>
    %select_n3A = arith.select %ge3A, %broadcast_in_dim3A, %broadcast_in_dim3A_17 : vector<200x200xi1>, vector<200x200xf32>
    %iota3A_18 = tpu.iota {dimensions = array<i32: 0>} : vector<8x8xi32>
    %iota3A_19 = tpu.iota {dimensions = array<i32: 1>} : vector<8x8xi32>
    %lt3A = arith.cmpi slt, %iota3A_18, %iota3A_19 : vector<8x8xi32>
    %jit3A_20 = arith.constant 1.000000e+00 : f32
    %jit3A_21 = arith.constant 0.000000e+00 : f32
    %broadcast_in_dim3A_22 = vector.broadcast %jit3A_20 : f32 to vector<8x8xf32>
    %broadcast_in_dim3A_23 = vector.broadcast %jit3A_21 : f32 to vector<8x8xf32>
    %select_n3A_24 = arith.select %lt3A, %broadcast_in_dim3A_22, %broadcast_in_dim3A_23 : vector<8x8xi1>, vector<8x8xf32>
    %lt3A_25 = arith.constant 20000 : i32
    %lt3A_26 = vector.broadcast %lt3A_25 : i32 to vector<200x8xi32>
    %lt3A_27 = arith.cmpi slt, %get3A_3, %lt3A_26 : vector<200x8xi32>
    %jit3A_28 = arith.constant 1.000000e+00 : f32
    %jit3A_29 = arith.constant 0.000000e+00 : f32
    %broadcast_in_dim3A_30 = vector.broadcast %jit3A_28 : f32 to vector<200x8xf32>
    %broadcast_in_dim3A_31 = vector.broadcast %jit3A_29 : f32 to vector<200x8xf32>
    %select_n3A_32 = arith.select %lt3A_27, %broadcast_in_dim3A_30, %broadcast_in_dim3A_31 : vector<200x8xi1>, vector<200x8xf32>
    %dot_general3A = arith.constant dense<0.000000e+00> : vector<200x8xf32>
    %dot_general3A_33 = tpu.matmul %select_n3A, %select_n3A_32, %dot_general3A {dimension_numbers = #tpu.dot_dimension_numbers<[1], [0], [0], [1], [0, 0, 1, 1], [], []>, transpose_lhs_hint = false} : vector<200x200xf32>, vector<200x8xf32>, vector<200x8xf32> -> vector<200x8xf32>
    %slice3A = vector.extract_strided_slice %dot_general3A_33 {offsets = [199, 0], sizes = [1, 8], strides = [1, 1]} : vector<200x8xf32> to vector<1x8xf32>
    %dot_general3A_34 = arith.constant dense<0.000000e+00> : vector<1x8xf32>
    %dot_general3A_35 = tpu.matmul %slice3A, %select_n3A_24, %dot_general3A_34 {dimension_numbers = #tpu.dot_dimension_numbers<[1], [0], [0], [1], [0, 0, 1, 1], [], []>, precision = #tpu.contract_precision<fp32>, transpose_lhs_hint = false} : vector<1x8xf32>, vector<8x8xf32>, vector<1x8xf32> -> vector<1x8xf32>
    %sub3A = arith.constant 1.000000e+00 : f32
    %sub3A_36 = vector.broadcast %sub3A : f32 to vector<200x8xf32>
    %sub3A_37 = arith.subf %dot_general3A_33, %sub3A_36 : vector<200x8xf32>
    %add3A_38 = vector.broadcast %dot_general3A_35 : vector<1x8xf32> to vector<200x8xf32>
    %add3A_39 = arith.addf %sub3A_37, %add3A_38 : vector<200x8xf32>
    %jit3A_40 = arith.constant -1.000000e+00 : f32
    %broadcast_in_dim3A_41 = vector.broadcast %jit3A_40 : f32 to vector<200x8xf32>
    %select_n3A_42 = arith.select %lt3A_27, %add3A_39, %broadcast_in_dim3A_41 : vector<200x8xi1>, vector<200x8xf32>
    %iota3A_43 = tpu.iota {dimensions = array<i32: 1>} : vector<1x448xi32>
    %convert_element_type3A_44 = arith.sitofp %iota3A_43 : vector<1x448xi32> to vector<1x448xf32>
    %broadcast_in_dim3A_45 = arith.constant 0.000000e+00 : f32
    %broadcast_in_dim3A_46 = vector.broadcast %broadcast_in_dim3A_45 : f32 to vector<1x448xf32>
    %broadcast_in_dim3A_47 = arith.constant 0.000000e+00 : f32
    %broadcast_in_dim3A_48 = vector.broadcast %broadcast_in_dim3A_47 : f32 to vector<1x448xf32>
    %slice3A_49 = vector.extract_strided_slice %select_n3A_42 {offsets = [0, 0], sizes = [200, 1], strides = [1, 1]} : vector<200x8xf32> to vector<200x1xf32>
    %eq3A = vector.broadcast %slice3A_49 : vector<200x1xf32> to vector<200x448xf32>
    %eq3A_50 = vector.broadcast %convert_element_type3A_44 : vector<1x448xf32> to vector<200x448xf32>
    %eq3A_51 = arith.cmpf oeq, %eq3A, %eq3A_50 : vector<200x448xf32>
    %jit3A_52 = arith.constant 1.000000e+00 : f32
    %jit3A_53 = arith.constant 0.000000e+00 : f32
    %broadcast_in_dim3A_54 = vector.broadcast %jit3A_52 : f32 to vector<200x448xf32>
    %broadcast_in_dim3A_55 = vector.broadcast %jit3A_53 : f32 to vector<200x448xf32>
    %select_n3A_56 = arith.select %eq3A_51, %broadcast_in_dim3A_54, %broadcast_in_dim3A_55 : vector<200x448xi1>, vector<200x448xf32>
    %slice3A_57 = vector.extract_strided_slice %convert_element_type3A {offsets = [0, 0], sizes = [200, 1], strides = [1, 1]} : vector<200x8xf32> to vector<200x1xf32>
    %transpose3A = tpu.transpose %slice3A_57, [1, 0] : vector<200x1xf32> -> vector<1x200xf32>
    %slice3A_58 = vector.extract_strided_slice %add3A_13 {offsets = [0, 0], sizes = [200, 1], strides = [1, 1]} : vector<200x8xf32> to vector<200x1xf32>
    %sub3A_59 = arith.constant 5.120000e+04 : f32
    %sub3A_60 = vector.broadcast %sub3A_59 : f32 to vector<200x1xf32>
    %sub3A_61 = arith.subf %slice3A_58, %sub3A_60 : vector<200x1xf32>
    %transpose3A_62 = tpu.transpose %sub3A_61, [1, 0] : vector<200x1xf32> -> vector<1x200xf32>
    %dot_general3A_63 = arith.constant dense<0.000000e+00> : vector<1x448xf32>
    %dot_general3A_64 = tpu.matmul %transpose3A, %select_n3A_56, %dot_general3A_63 {dimension_numbers = #tpu.dot_dimension_numbers<[1], [0], [0], [1], [0, 0, 1, 1], [], []>, precision = #tpu.contract_precision<fp32>, transpose_lhs_hint = false} : vector<1x200xf32>, vector<200x448xf32>, vector<1x448xf32> -> vector<1x448xf32>
    %add3A_65 = arith.addf %broadcast_in_dim3A_46, %dot_general3A_64 : vector<1x448xf32>
    %dot_general3A_66 = arith.constant dense<0.000000e+00> : vector<1x448xf32>
    %dot_general3A_67 = tpu.matmul %transpose3A_62, %select_n3A_56, %dot_general3A_66 {dimension_numbers = #tpu.dot_dimension_numbers<[1], [0], [0], [1], [0, 0, 1, 1], [], []>, precision = #tpu.contract_precision<fp32>, transpose_lhs_hint = false} : vector<1x200xf32>, vector<200x448xf32>, vector<1x448xf32> -> vector<1x448xf32>
    %add3A_68 = arith.addf %broadcast_in_dim3A_48, %dot_general3A_67 : vector<1x448xf32>
    %slice3A_69 = vector.extract_strided_slice %select_n3A_42 {offsets = [0, 1], sizes = [200, 1], strides = [1, 1]} : vector<200x8xf32> to vector<200x1xf32>
    %eq3A_70 = vector.broadcast %slice3A_69 : vector<200x1xf32> to vector<200x448xf32>
    %eq3A_71 = vector.broadcast %convert_element_type3A_44 : vector<1x448xf32> to vector<200x448xf32>
    %eq3A_72 = arith.cmpf oeq, %eq3A_70, %eq3A_71 : vector<200x448xf32>
    %jit3A_73 = arith.constant 1.000000e+00 : f32
    %jit3A_74 = arith.constant 0.000000e+00 : f32
    %broadcast_in_dim3A_75 = vector.broadcast %jit3A_73 : f32 to vector<200x448xf32>
    %broadcast_in_dim3A_76 = vector.broadcast %jit3A_74 : f32 to vector<200x448xf32>
    %select_n3A_77 = arith.select %eq3A_72, %broadcast_in_dim3A_75, %broadcast_in_dim3A_76 : vector<200x448xi1>, vector<200x448xf32>
    %slice3A_78 = vector.extract_strided_slice %convert_element_type3A {offsets = [0, 1], sizes = [200, 1], strides = [1, 1]} : vector<200x8xf32> to vector<200x1xf32>
    %transpose3A_79 = tpu.transpose %slice3A_78, [1, 0] : vector<200x1xf32> -> vector<1x200xf32>
    %slice3A_80 = vector.extract_strided_slice %add3A_13 {offsets = [0, 1], sizes = [200, 1], strides = [1, 1]} : vector<200x8xf32> to vector<200x1xf32>
    %sub3A_81 = arith.constant 5.120000e+04 : f32
    %sub3A_82 = vector.broadcast %sub3A_81 : f32 to vector<200x1xf32>
    %sub3A_83 = arith.subf %slice3A_80, %sub3A_82 : vector<200x1xf32>
    %transpose3A_84 = tpu.transpose %sub3A_83, [1, 0] : vector<200x1xf32> -> vector<1x200xf32>
    %dot_general3A_85 = arith.constant dense<0.000000e+00> : vector<1x448xf32>
    %dot_general3A_86 = tpu.matmul %transpose3A_79, %select_n3A_77, %dot_general3A_85 {dimension_numbers = #tpu.dot_dimension_numbers<[1], [0], [0], [1], [0, 0, 1, 1], [], []>, precision = #tpu.contract_precision<fp32>, transpose_lhs_hint = false} : vector<1x200xf32>, vector<200x448xf32>, vector<1x448xf32> -> vector<1x448xf32>
    %add3A_87 = arith.addf %add3A_65, %dot_general3A_86 : vector<1x448xf32>
    %dot_general3A_88 = arith.constant dense<0.000000e+00> : vector<1x448xf32>
    %dot_general3A_89 = tpu.matmul %transpose3A_84, %select_n3A_77, %dot_general3A_88 {dimension_numbers = #tpu.dot_dimension_numbers<[1], [0], [0], [1], [0, 0, 1, 1], [], []>, precision = #tpu.contract_precision<fp32>, transpose_lhs_hint = false} : vector<1x200xf32>, vector<200x448xf32>, vector<1x448xf32> -> vector<1x448xf32>
    %add3A_90 = arith.addf %add3A_68, %dot_general3A_89 : vector<1x448xf32>
    %slice3A_91 = vector.extract_strided_slice %select_n3A_42 {offsets = [0, 2], sizes = [200, 1], strides = [1, 1]} : vector<200x8xf32> to vector<200x1xf32>
    %eq3A_92 = vector.broadcast %slice3A_91 : vector<200x1xf32> to vector<200x448xf32>
    %eq3A_93 = vector.broadcast %convert_element_type3A_44 : vector<1x448xf32> to vector<200x448xf32>
    %eq3A_94 = arith.cmpf oeq, %eq3A_92, %eq3A_93 : vector<200x448xf32>
    %jit3A_95 = arith.constant 1.000000e+00 : f32
    %jit3A_96 = arith.constant 0.000000e+00 : f32
    %broadcast_in_dim3A_97 = vector.broadcast %jit3A_95 : f32 to vector<200x448xf32>
    %broadcast_in_dim3A_98 = vector.broadcast %jit3A_96 : f32 to vector<200x448xf32>
    %select_n3A_99 = arith.select %eq3A_94, %broadcast_in_dim3A_97, %broadcast_in_dim3A_98 : vector<200x448xi1>, vector<200x448xf32>
    %slice3A_100 = vector.extract_strided_slice %convert_element_type3A {offsets = [0, 2], sizes = [200, 1], strides = [1, 1]} : vector<200x8xf32> to vector<200x1xf32>
    %transpose3A_101 = tpu.transpose %slice3A_100, [1, 0] : vector<200x1xf32> -> vector<1x200xf32>
    %slice3A_102 = vector.extract_strided_slice %add3A_13 {offsets = [0, 2], sizes = [200, 1], strides = [1, 1]} : vector<200x8xf32> to vector<200x1xf32>
    %sub3A_103 = arith.constant 5.120000e+04 : f32
    %sub3A_104 = vector.broadcast %sub3A_103 : f32 to vector<200x1xf32>
    %sub3A_105 = arith.subf %slice3A_102, %sub3A_104 : vector<200x1xf32>
    %transpose3A_106 = tpu.transpose %sub3A_105, [1, 0] : vector<200x1xf32> -> vector<1x200xf32>
    %dot_general3A_107 = arith.constant dense<0.000000e+00> : vector<1x448xf32>
    %dot_general3A_108 = tpu.matmul %transpose3A_101, %select_n3A_99, %dot_general3A_107 {dimension_numbers = #tpu.dot_dimension_numbers<[1], [0], [0], [1], [0, 0, 1, 1], [], []>, precision = #tpu.contract_precision<fp32>, transpose_lhs_hint = false} : vector<1x200xf32>, vector<200x448xf32>, vector<1x448xf32> -> vector<1x448xf32>
    %add3A_109 = arith.addf %add3A_87, %dot_general3A_108 : vector<1x448xf32>
    %dot_general3A_110 = arith.constant dense<0.000000e+00> : vector<1x448xf32>
    %dot_general3A_111 = tpu.matmul %transpose3A_106, %select_n3A_99, %dot_general3A_110 {dimension_numbers = #tpu.dot_dimension_numbers<[1], [0], [0], [1], [0, 0, 1, 1], [], []>, precision = #tpu.contract_precision<fp32>, transpose_lhs_hint = false} : vector<1x200xf32>, vector<200x448xf32>, vector<1x448xf32> -> vector<1x448xf32>
    %add3A_112 = arith.addf %add3A_90, %dot_general3A_111 : vector<1x448xf32>
    %slice3A_113 = vector.extract_strided_slice %select_n3A_42 {offsets = [0, 3], sizes = [200, 1], strides = [1, 1]} : vector<200x8xf32> to vector<200x1xf32>
    %eq3A_114 = vector.broadcast %slice3A_113 : vector<200x1xf32> to vector<200x448xf32>
    %eq3A_115 = vector.broadcast %convert_element_type3A_44 : vector<1x448xf32> to vector<200x448xf32>
    %eq3A_116 = arith.cmpf oeq, %eq3A_114, %eq3A_115 : vector<200x448xf32>
    %jit3A_117 = arith.constant 1.000000e+00 : f32
    %jit3A_118 = arith.constant 0.000000e+00 : f32
    %broadcast_in_dim3A_119 = vector.broadcast %jit3A_117 : f32 to vector<200x448xf32>
    %broadcast_in_dim3A_120 = vector.broadcast %jit3A_118 : f32 to vector<200x448xf32>
    %select_n3A_121 = arith.select %eq3A_116, %broadcast_in_dim3A_119, %broadcast_in_dim3A_120 : vector<200x448xi1>, vector<200x448xf32>
    %slice3A_122 = vector.extract_strided_slice %convert_element_type3A {offsets = [0, 3], sizes = [200, 1], strides = [1, 1]} : vector<200x8xf32> to vector<200x1xf32>
    %transpose3A_123 = tpu.transpose %slice3A_122, [1, 0] : vector<200x1xf32> -> vector<1x200xf32>
    %slice3A_124 = vector.extract_strided_slice %add3A_13 {offsets = [0, 3], sizes = [200, 1], strides = [1, 1]} : vector<200x8xf32> to vector<200x1xf32>
    %sub3A_125 = arith.constant 5.120000e+04 : f32
    %sub3A_126 = vector.broadcast %sub3A_125 : f32 to vector<200x1xf32>
    %sub3A_127 = arith.subf %slice3A_124, %sub3A_126 : vector<200x1xf32>
    %transpose3A_128 = tpu.transpose %sub3A_127, [1, 0] : vector<200x1xf32> -> vector<1x200xf32>
    %dot_general3A_129 = arith.constant dense<0.000000e+00> : vector<1x448xf32>
    %dot_general3A_130 = tpu.matmul %transpose3A_123, %select_n3A_121, %dot_general3A_129 {dimension_numbers = #tpu.dot_dimension_numbers<[1], [0], [0], [1], [0, 0, 1, 1], [], []>, precision = #tpu.contract_precision<fp32>, transpose_lhs_hint = false} : vector<1x200xf32>, vector<200x448xf32>, vector<1x448xf32> -> vector<1x448xf32>
    %add3A_131 = arith.addf %add3A_109, %dot_general3A_130 : vector<1x448xf32>
    %dot_general3A_132 = arith.constant dense<0.000000e+00> : vector<1x448xf32>
    %dot_general3A_133 = tpu.matmul %transpose3A_128, %select_n3A_121, %dot_general3A_132 {dimension_numbers = #tpu.dot_dimension_numbers<[1], [0], [0], [1], [0, 0, 1, 1], [], []>, precision = #tpu.contract_precision<fp32>, transpose_lhs_hint = false} : vector<1x200xf32>, vector<200x448xf32>, vector<1x448xf32> -> vector<1x448xf32>
    %add3A_134 = arith.addf %add3A_112, %dot_general3A_133 : vector<1x448xf32>
    %slice3A_135 = vector.extract_strided_slice %select_n3A_42 {offsets = [0, 4], sizes = [200, 1], strides = [1, 1]} : vector<200x8xf32> to vector<200x1xf32>
    %eq3A_136 = vector.broadcast %slice3A_135 : vector<200x1xf32> to vector<200x448xf32>
    %eq3A_137 = vector.broadcast %convert_element_type3A_44 : vector<1x448xf32> to vector<200x448xf32>
    %eq3A_138 = arith.cmpf oeq, %eq3A_136, %eq3A_137 : vector<200x448xf32>
    %jit3A_139 = arith.constant 1.000000e+00 : f32
    %jit3A_140 = arith.constant 0.000000e+00 : f32
    %broadcast_in_dim3A_141 = vector.broadcast %jit3A_139 : f32 to vector<200x448xf32>
    %broadcast_in_dim3A_142 = vector.broadcast %jit3A_140 : f32 to vector<200x448xf32>
    %select_n3A_143 = arith.select %eq3A_138, %broadcast_in_dim3A_141, %broadcast_in_dim3A_142 : vector<200x448xi1>, vector<200x448xf32>
    %slice3A_144 = vector.extract_strided_slice %convert_element_type3A {offsets = [0, 4], sizes = [200, 1], strides = [1, 1]} : vector<200x8xf32> to vector<200x1xf32>
    %transpose3A_145 = tpu.transpose %slice3A_144, [1, 0] : vector<200x1xf32> -> vector<1x200xf32>
    %slice3A_146 = vector.extract_strided_slice %add3A_13 {offsets = [0, 4], sizes = [200, 1], strides = [1, 1]} : vector<200x8xf32> to vector<200x1xf32>
    %sub3A_147 = arith.constant 5.120000e+04 : f32
    %sub3A_148 = vector.broadcast %sub3A_147 : f32 to vector<200x1xf32>
    %sub3A_149 = arith.subf %slice3A_146, %sub3A_148 : vector<200x1xf32>
    %transpose3A_150 = tpu.transpose %sub3A_149, [1, 0] : vector<200x1xf32> -> vector<1x200xf32>
    %dot_general3A_151 = arith.constant dense<0.000000e+00> : vector<1x448xf32>
    %dot_general3A_152 = tpu.matmul %transpose3A_145, %select_n3A_143, %dot_general3A_151 {dimension_numbers = #tpu.dot_dimension_numbers<[1], [0], [0], [1], [0, 0, 1, 1], [], []>, precision = #tpu.contract_precision<fp32>, transpose_lhs_hint = false} : vector<1x200xf32>, vector<200x448xf32>, vector<1x448xf32> -> vector<1x448xf32>
    %add3A_153 = arith.addf %add3A_131, %dot_general3A_152 : vector<1x448xf32>
    %dot_general3A_154 = arith.constant dense<0.000000e+00> : vector<1x448xf32>
    %dot_general3A_155 = tpu.matmul %transpose3A_150, %select_n3A_143, %dot_general3A_154 {dimension_numbers = #tpu.dot_dimension_numbers<[1], [0], [0], [1], [0, 0, 1, 1], [], []>, precision = #tpu.contract_precision<fp32>, transpose_lhs_hint = false} : vector<1x200xf32>, vector<200x448xf32>, vector<1x448xf32> -> vector<1x448xf32>
    %add3A_156 = arith.addf %add3A_134, %dot_general3A_155 : vector<1x448xf32>
    %slice3A_157 = vector.extract_strided_slice %select_n3A_42 {offsets = [0, 5], sizes = [200, 1], strides = [1, 1]} : vector<200x8xf32> to vector<200x1xf32>
    %eq3A_158 = vector.broadcast %slice3A_157 : vector<200x1xf32> to vector<200x448xf32>
    %eq3A_159 = vector.broadcast %convert_element_type3A_44 : vector<1x448xf32> to vector<200x448xf32>
    %eq3A_160 = arith.cmpf oeq, %eq3A_158, %eq3A_159 : vector<200x448xf32>
    %jit3A_161 = arith.constant 1.000000e+00 : f32
    %jit3A_162 = arith.constant 0.000000e+00 : f32
    %broadcast_in_dim3A_163 = vector.broadcast %jit3A_161 : f32 to vector<200x448xf32>
    %broadcast_in_dim3A_164 = vector.broadcast %jit3A_162 : f32 to vector<200x448xf32>
    %select_n3A_165 = arith.select %eq3A_160, %broadcast_in_dim3A_163, %broadcast_in_dim3A_164 : vector<200x448xi1>, vector<200x448xf32>
    %slice3A_166 = vector.extract_strided_slice %convert_element_type3A {offsets = [0, 5], sizes = [200, 1], strides = [1, 1]} : vector<200x8xf32> to vector<200x1xf32>
    %transpose3A_167 = tpu.transpose %slice3A_166, [1, 0] : vector<200x1xf32> -> vector<1x200xf32>
    %slice3A_168 = vector.extract_strided_slice %add3A_13 {offsets = [0, 5], sizes = [200, 1], strides = [1, 1]} : vector<200x8xf32> to vector<200x1xf32>
    %sub3A_169 = arith.constant 5.120000e+04 : f32
    %sub3A_170 = vector.broadcast %sub3A_169 : f32 to vector<200x1xf32>
    %sub3A_171 = arith.subf %slice3A_168, %sub3A_170 : vector<200x1xf32>
    %transpose3A_172 = tpu.transpose %sub3A_171, [1, 0] : vector<200x1xf32> -> vector<1x200xf32>
    %dot_general3A_173 = arith.constant dense<0.000000e+00> : vector<1x448xf32>
    %dot_general3A_174 = tpu.matmul %transpose3A_167, %select_n3A_165, %dot_general3A_173 {dimension_numbers = #tpu.dot_dimension_numbers<[1], [0], [0], [1], [0, 0, 1, 1], [], []>, precision = #tpu.contract_precision<fp32>, transpose_lhs_hint = false} : vector<1x200xf32>, vector<200x448xf32>, vector<1x448xf32> -> vector<1x448xf32>
    %add3A_175 = arith.addf %add3A_153, %dot_general3A_174 : vector<1x448xf32>
    %dot_general3A_176 = arith.constant dense<0.000000e+00> : vector<1x448xf32>
    %dot_general3A_177 = tpu.matmul %transpose3A_172, %select_n3A_165, %dot_general3A_176 {dimension_numbers = #tpu.dot_dimension_numbers<[1], [0], [0], [1], [0, 0, 1, 1], [], []>, precision = #tpu.contract_precision<fp32>, transpose_lhs_hint = false} : vector<1x200xf32>, vector<200x448xf32>, vector<1x448xf32> -> vector<1x448xf32>
    %add3A_178 = arith.addf %add3A_156, %dot_general3A_177 : vector<1x448xf32>
    %slice3A_179 = vector.extract_strided_slice %select_n3A_42 {offsets = [0, 6], sizes = [200, 1], strides = [1, 1]} : vector<200x8xf32> to vector<200x1xf32>
    %eq3A_180 = vector.broadcast %slice3A_179 : vector<200x1xf32> to vector<200x448xf32>
    %eq3A_181 = vector.broadcast %convert_element_type3A_44 : vector<1x448xf32> to vector<200x448xf32>
    %eq3A_182 = arith.cmpf oeq, %eq3A_180, %eq3A_181 : vector<200x448xf32>
    %jit3A_183 = arith.constant 1.000000e+00 : f32
    %jit3A_184 = arith.constant 0.000000e+00 : f32
    %broadcast_in_dim3A_185 = vector.broadcast %jit3A_183 : f32 to vector<200x448xf32>
    %broadcast_in_dim3A_186 = vector.broadcast %jit3A_184 : f32 to vector<200x448xf32>
    %select_n3A_187 = arith.select %eq3A_182, %broadcast_in_dim3A_185, %broadcast_in_dim3A_186 : vector<200x448xi1>, vector<200x448xf32>
    %slice3A_188 = vector.extract_strided_slice %convert_element_type3A {offsets = [0, 6], sizes = [200, 1], strides = [1, 1]} : vector<200x8xf32> to vector<200x1xf32>
    %transpose3A_189 = tpu.transpose %slice3A_188, [1, 0] : vector<200x1xf32> -> vector<1x200xf32>
    %slice3A_190 = vector.extract_strided_slice %add3A_13 {offsets = [0, 6], sizes = [200, 1], strides = [1, 1]} : vector<200x8xf32> to vector<200x1xf32>
    %sub3A_191 = arith.constant 5.120000e+04 : f32
    %sub3A_192 = vector.broadcast %sub3A_191 : f32 to vector<200x1xf32>
    %sub3A_193 = arith.subf %slice3A_190, %sub3A_192 : vector<200x1xf32>
    %transpose3A_194 = tpu.transpose %sub3A_193, [1, 0] : vector<200x1xf32> -> vector<1x200xf32>
    %dot_general3A_195 = arith.constant dense<0.000000e+00> : vector<1x448xf32>
    %dot_general3A_196 = tpu.matmul %transpose3A_189, %select_n3A_187, %dot_general3A_195 {dimension_numbers = #tpu.dot_dimension_numbers<[1], [0], [0], [1], [0, 0, 1, 1], [], []>, precision = #tpu.contract_precision<fp32>, transpose_lhs_hint = false} : vector<1x200xf32>, vector<200x448xf32>, vector<1x448xf32> -> vector<1x448xf32>
    %add3A_197 = arith.addf %add3A_175, %dot_general3A_196 : vector<1x448xf32>
    %dot_general3A_198 = arith.constant dense<0.000000e+00> : vector<1x448xf32>
    %dot_general3A_199 = tpu.matmul %transpose3A_194, %select_n3A_187, %dot_general3A_198 {dimension_numbers = #tpu.dot_dimension_numbers<[1], [0], [0], [1], [0, 0, 1, 1], [], []>, precision = #tpu.contract_precision<fp32>, transpose_lhs_hint = false} : vector<1x200xf32>, vector<200x448xf32>, vector<1x448xf32> -> vector<1x448xf32>
    %add3A_200 = arith.addf %add3A_178, %dot_general3A_199 : vector<1x448xf32>
    %slice3A_201 = vector.extract_strided_slice %select_n3A_42 {offsets = [0, 7], sizes = [200, 1], strides = [1, 1]} : vector<200x8xf32> to vector<200x1xf32>
    %eq3A_202 = vector.broadcast %slice3A_201 : vector<200x1xf32> to vector<200x448xf32>
    %eq3A_203 = vector.broadcast %convert_element_type3A_44 : vector<1x448xf32> to vector<200x448xf32>
    %eq3A_204 = arith.cmpf oeq, %eq3A_202, %eq3A_203 : vector<200x448xf32>
    %jit3A_205 = arith.constant 1.000000e+00 : f32
    %jit3A_206 = arith.constant 0.000000e+00 : f32
    %broadcast_in_dim3A_207 = vector.broadcast %jit3A_205 : f32 to vector<200x448xf32>
    %broadcast_in_dim3A_208 = vector.broadcast %jit3A_206 : f32 to vector<200x448xf32>
    %select_n3A_209 = arith.select %eq3A_204, %broadcast_in_dim3A_207, %broadcast_in_dim3A_208 : vector<200x448xi1>, vector<200x448xf32>
    %slice3A_210 = vector.extract_strided_slice %convert_element_type3A {offsets = [0, 7], sizes = [200, 1], strides = [1, 1]} : vector<200x8xf32> to vector<200x1xf32>
    %transpose3A_211 = tpu.transpose %slice3A_210, [1, 0] : vector<200x1xf32> -> vector<1x200xf32>
    %slice3A_212 = vector.extract_strided_slice %add3A_13 {offsets = [0, 7], sizes = [200, 1], strides = [1, 1]} : vector<200x8xf32> to vector<200x1xf32>
    %sub3A_213 = arith.constant 5.120000e+04 : f32
    %sub3A_214 = vector.broadcast %sub3A_213 : f32 to vector<200x1xf32>
    %sub3A_215 = arith.subf %slice3A_212, %sub3A_214 : vector<200x1xf32>
    %transpose3A_216 = tpu.transpose %sub3A_215, [1, 0] : vector<200x1xf32> -> vector<1x200xf32>
    %dot_general3A_217 = arith.constant dense<0.000000e+00> : vector<1x448xf32>
    %dot_general3A_218 = tpu.matmul %transpose3A_211, %select_n3A_209, %dot_general3A_217 {dimension_numbers = #tpu.dot_dimension_numbers<[1], [0], [0], [1], [0, 0, 1, 1], [], []>, precision = #tpu.contract_precision<fp32>, transpose_lhs_hint = false} : vector<1x200xf32>, vector<200x448xf32>, vector<1x448xf32> -> vector<1x448xf32>
    %add3A_219 = arith.addf %add3A_197, %dot_general3A_218 : vector<1x448xf32>
    %dot_general3A_220 = arith.constant dense<0.000000e+00> : vector<1x448xf32>
    %dot_general3A_221 = tpu.matmul %transpose3A_216, %select_n3A_209, %dot_general3A_220 {dimension_numbers = #tpu.dot_dimension_numbers<[1], [0], [0], [1], [0, 0, 1, 1], [], []>, precision = #tpu.contract_precision<fp32>, transpose_lhs_hint = false} : vector<1x200xf32>, vector<200x448xf32>, vector<1x448xf32> -> vector<1x448xf32>
    %add3A_222 = arith.addf %add3A_200, %dot_general3A_221 : vector<1x448xf32>
    %convert_element_type3A_223 = arith.fptosi %add3A_219 : vector<1x448xf32> to vector<1x448xi32>
    %swap3A = arith.constant 0 : index
    %swap3A_224 = arith.constant 0 : index
    %swap3A_225 = arith.constant 0 : index
    %swap3A_226 = vector.load %arg2[%swap3A, %swap3A_224, %swap3A_225] : memref<1x1x448xi32, #tpu.memory_space<vmem>>, vector<1x1x448xi32>
    %swap3A_227 = vector.shape_cast %swap3A_226 : vector<1x1x448xi32> to vector<1x448xi32>
    %swap3A_228 = vector.shape_cast %convert_element_type3A_223 : vector<1x448xi32> to vector<1x1x448xi32>
    tpu.vector_store %arg2[%swap3A, %swap3A_224, %swap3A_225], %swap3A_228 {strides = array<i32>} : memref<1x1x448xi32, #tpu.memory_space<vmem>>, vector<1x1x448xi32>,
    %add3A_229 = arith.constant 5.120000e+04 : f32
    %add3A_230 = vector.broadcast %add3A_229 : f32 to vector<1x448xf32>
    %add3A_231 = arith.addf %add3A_222, %add3A_230 : vector<1x448xf32>
    %convert_element_type3A_232 = arith.fptosi %add3A_231 : vector<1x448xf32> to vector<1x448xi32>
    %swap3A_233 = arith.constant 0 : index
    %swap3A_234 = arith.constant 0 : index
    %swap3A_235 = arith.constant 0 : index
    %swap3A_236 = vector.load %arg3[%swap3A_233, %swap3A_234, %swap3A_235] : memref<1x1x448xi32, #tpu.memory_space<vmem>>, vector<1x1x448xi32>
    %swap3A_237 = vector.shape_cast %swap3A_236 : vector<1x1x448xi32> to vector<1x448xi32>
    %swap3A_238 = vector.shape_cast %convert_element_type3A_232 : vector<1x448xi32> to vector<1x1x448xi32>
    tpu.vector_store %arg3[%swap3A_233, %swap3A_234, %swap3A_235], %swap3A_238 {strides = array<i32>} : memref<1x1x448xi32, #tpu.memory_space<vmem>>, vector<1x1x448xi32>,
    %add3A_239 = arith.addf %dot_general3A_35, %slice3A : vector<1x8xf32>
    %ge3A_240 = arith.constant 20000 : i32
    %ge3A_241 = vector.broadcast %ge3A_240 : i32 to vector<200x8xi32>
    %ge3A_242 = arith.cmpi sge, %get3A_3, %ge3A_241 : vector<200x8xi32>
    %lt3A_243 = arith.constant 60000 : i32
    %lt3A_244 = vector.broadcast %lt3A_243 : i32 to vector<200x8xi32>
    %lt3A_245 = arith.cmpi slt, %get3A_3, %lt3A_244 : vector<200x8xi32>
    %and3A = arith.andi %ge3A_242, %lt3A_245 : vector<200x8xi1>
    %sub3A_246 = arith.constant 2.000000e+04 : f32
    %sub3A_247 = vector.broadcast %sub3A_246 : f32 to vector<200x8xf32>
    %sub3A_248 = arith.subf %convert_element_type3A, %sub3A_247 : vector<200x8xf32>
    %jit3A_249 = arith.constant 1.000000e+00 : f32
    %jit3A_250 = arith.constant 0.000000e+00 : f32
    %broadcast_in_dim3A_251 = vector.broadcast %jit3A_249 : f32 to vector<200x8xf32>
    %broadcast_in_dim3A_252 = vector.broadcast %jit3A_250 : f32 to vector<200x8xf32>
    %select_n3A_253 = arith.select %and3A, %broadcast_in_dim3A_251, %broadcast_in_dim3A_252 : vector<200x8xi1>, vector<200x8xf32>
    %dot_general3A_254 = arith.constant dense<0.000000e+00> : vector<200x8xf32>
    %dot_general3A_255 = tpu.matmul %select_n3A, %select_n3A_253, %dot_general3A_254 {dimension_numbers = #tpu.dot_dimension_numbers<[1], [0], [0], [1], [0, 0, 1, 1], [], []>, transpose_lhs_hint = false} : vector<200x200xf32>, vector<200x8xf32>, vector<200x8xf32> -> vector<200x8xf32>
    %slice3A_256 = vector.extract_strided_slice %dot_general3A_255 {offsets = [199, 0], sizes = [1, 8], strides = [1, 1]} : vector<200x8xf32> to vector<1x8xf32>
    %dot_general3A_257 = arith.constant dense<0.000000e+00> : vector<1x8xf32>
    %dot_general3A_258 = tpu.matmul %slice3A_256, %select_n3A_24, %dot_general3A_257 {dimension_numbers = #tpu.dot_dimension_numbers<[1], [0], [0], [1], [0, 0, 1, 1], [], []>, precision = #tpu.contract_precision<fp32>, transpose_lhs_hint = false} : vector<1x8xf32>, vector<8x8xf32>, vector<1x8xf32> -> vector<1x8xf32>
    %sub3A_259 = arith.constant 1.000000e+00 : f32
    %sub3A_260 = vector.broadcast %sub3A_259 : f32 to vector<200x8xf32>
    %sub3A_261 = arith.subf %dot_general3A_255, %sub3A_260 : vector<200x8xf32>
    %add3A_262 = vector.broadcast %dot_general3A_258 : vector<1x8xf32> to vector<200x8xf32>
    %add3A_263 = arith.addf %sub3A_261, %add3A_262 : vector<200x8xf32>
    %jit3A_264 = arith.constant -1.000000e+00 : f32
    %broadcast_in_dim3A_265 = vector.broadcast %jit3A_264 : f32 to vector<200x8xf32>
    %select_n3A_266 = arith.select %and3A, %add3A_263, %broadcast_in_dim3A_265 : vector<200x8xi1>, vector<200x8xf32>
    %iota3A_267 = tpu.iota {dimensions = array<i32: 1>} : vector<1x768xi32>
    %convert_element_type3A_268 = arith.sitofp %iota3A_267 : vector<1x768xi32> to vector<1x768xf32>
    %broadcast_in_dim3A_269 = arith.constant 0.000000e+00 : f32
    %broadcast_in_dim3A_270 = vector.broadcast %broadcast_in_dim3A_269 : f32 to vector<1x768xf32>
    %broadcast_in_dim3A_271 = arith.constant 0.000000e+00 : f32
    %broadcast_in_dim3A_272 = vector.broadcast %broadcast_in_dim3A_271 : f32 to vector<1x768xf32>
    %slice3A_273 = vector.extract_strided_slice %select_n3A_266 {offsets = [0, 0], sizes = [200, 1], strides = [1, 1]} : vector<200x8xf32> to vector<200x1xf32>
    %eq3A_274 = vector.broadcast %slice3A_273 : vector<200x1xf32> to vector<200x768xf32>
    %eq3A_275 = vector.broadcast %convert_element_type3A_268 : vector<1x768xf32> to vector<200x768xf32>
    %eq3A_276 = arith.cmpf oeq, %eq3A_274, %eq3A_275 : vector<200x768xf32>
    %jit3A_277 = arith.constant 1.000000e+00 : f32
    %jit3A_278 = arith.constant 0.000000e+00 : f32
    %broadcast_in_dim3A_279 = vector.broadcast %jit3A_277 : f32 to vector<200x768xf32>
    %broadcast_in_dim3A_280 = vector.broadcast %jit3A_278 : f32 to vector<200x768xf32>
    %select_n3A_281 = arith.select %eq3A_276, %broadcast_in_dim3A_279, %broadcast_in_dim3A_280 : vector<200x768xi1>, vector<200x768xf32>
    %slice3A_282 = vector.extract_strided_slice %sub3A_248 {offsets = [0, 0], sizes = [200, 1], strides = [1, 1]} : vector<200x8xf32> to vector<200x1xf32>
    %transpose3A_283 = tpu.transpose %slice3A_282, [1, 0] : vector<200x1xf32> -> vector<1x200xf32>
    %slice3A_284 = vector.extract_strided_slice %add3A_13 {offsets = [0, 0], sizes = [200, 1], strides = [1, 1]} : vector<200x8xf32> to vector<200x1xf32>
    %sub3A_285 = arith.constant 5.120000e+04 : f32
    %sub3A_286 = vector.broadcast %sub3A_285 : f32 to vector<200x1xf32>
    %sub3A_287 = arith.subf %slice3A_284, %sub3A_286 : vector<200x1xf32>
    %transpose3A_288 = tpu.transpose %sub3A_287, [1, 0] : vector<200x1xf32> -> vector<1x200xf32>
    %dot_general3A_289 = arith.constant dense<0.000000e+00> : vector<1x768xf32>
    %dot_general3A_290 = tpu.matmul %transpose3A_283, %select_n3A_281, %dot_general3A_289 {dimension_numbers = #tpu.dot_dimension_numbers<[1], [0], [0], [1], [0, 0, 1, 1], [], []>, precision = #tpu.contract_precision<fp32>, transpose_lhs_hint = false} : vector<1x200xf32>, vector<200x768xf32>, vector<1x768xf32> -> vector<1x768xf32>
    %add3A_291 = arith.addf %broadcast_in_dim3A_270, %dot_general3A_290 : vector<1x768xf32>
    %dot_general3A_292 = arith.constant dense<0.000000e+00> : vector<1x768xf32>
    %dot_general3A_293 = tpu.matmul %transpose3A_288, %select_n3A_281, %dot_general3A_292 {dimension_numbers = #tpu.dot_dimension_numbers<[1], [0], [0], [1], [0, 0, 1, 1], [], []>, precision = #tpu.contract_precision<fp32>, transpose_lhs_hint = false} : vector<1x200xf32>, vector<200x768xf32>, vector<1x768xf32> -> vector<1x768xf32>
    %add3A_294 = arith.addf %broadcast_in_dim3A_272, %dot_general3A_293 : vector<1x768xf32>
    %slice3A_295 = vector.extract_strided_slice %select_n3A_266 {offsets = [0, 1], sizes = [200, 1], strides = [1, 1]} : vector<200x8xf32> to vector<200x1xf32>
    %eq3A_296 = vector.broadcast %slice3A_295 : vector<200x1xf32> to vector<200x768xf32>
    %eq3A_297 = vector.broadcast %convert_element_type3A_268 : vector<1x768xf32> to vector<200x768xf32>
    %eq3A_298 = arith.cmpf oeq, %eq3A_296, %eq3A_297 : vector<200x768xf32>
    %jit3A_299 = arith.constant 1.000000e+00 : f32
    %jit3A_300 = arith.constant 0.000000e+00 : f32
    %broadcast_in_dim3A_301 = vector.broadcast %jit3A_299 : f32 to vector<200x768xf32>
    %broadcast_in_dim3A_302 = vector.broadcast %jit3A_300 : f32 to vector<200x768xf32>
    %select_n3A_303 = arith.select %eq3A_298, %broadcast_in_dim3A_301, %broadcast_in_dim3A_302 : vector<200x768xi1>, vector<200x768xf32>
    %slice3A_304 = vector.extract_strided_slice %sub3A_248 {offsets = [0, 1], sizes = [200, 1], strides = [1, 1]} : vector<200x8xf32> to vector<200x1xf32>
    %transpose3A_305 = tpu.transpose %slice3A_304, [1, 0] : vector<200x1xf32> -> vector<1x200xf32>
    %slice3A_306 = vector.extract_strided_slice %add3A_13 {offsets = [0, 1], sizes = [200, 1], strides = [1, 1]} : vector<200x8xf32> to vector<200x1xf32>
    %sub3A_307 = arith.constant 5.120000e+04 : f32
    %sub3A_308 = vector.broadcast %sub3A_307 : f32 to vector<200x1xf32>
    %sub3A_309 = arith.subf %slice3A_306, %sub3A_308 : vector<200x1xf32>
    %transpose3A_310 = tpu.transpose %sub3A_309, [1, 0] : vector<200x1xf32> -> vector<1x200xf32>
    %dot_general3A_311 = arith.constant dense<0.000000e+00> : vector<1x768xf32>
    %dot_general3A_312 = tpu.matmul %transpose3A_305, %select_n3A_303, %dot_general3A_311 {dimension_numbers = #tpu.dot_dimension_numbers<[1], [0], [0], [1], [0, 0, 1, 1], [], []>, precision = #tpu.contract_precision<fp32>, transpose_lhs_hint = false} : vector<1x200xf32>, vector<200x768xf32>, vector<1x768xf32> -> vector<1x768xf32>
    %add3A_313 = arith.addf %add3A_291, %dot_general3A_312 : vector<1x768xf32>
    %dot_general3A_314 = arith.constant dense<0.000000e+00> : vector<1x768xf32>
    %dot_general3A_315 = tpu.matmul %transpose3A_310, %select_n3A_303, %dot_general3A_314 {dimension_numbers = #tpu.dot_dimension_numbers<[1], [0], [0], [1], [0, 0, 1, 1], [], []>, precision = #tpu.contract_precision<fp32>, transpose_lhs_hint = false} : vector<1x200xf32>, vector<200x768xf32>, vector<1x768xf32> -> vector<1x768xf32>
    %add3A_316 = arith.addf %add3A_294, %dot_general3A_315 : vector<1x768xf32>
    %slice3A_317 = vector.extract_strided_slice %select_n3A_266 {offsets = [0, 2], sizes = [200, 1], strides = [1, 1]} : vector<200x8xf32> to vector<200x1xf32>
    %eq3A_318 = vector.broadcast %slice3A_317 : vector<200x1xf32> to vector<200x768xf32>
    %eq3A_319 = vector.broadcast %convert_element_type3A_268 : vector<1x768xf32> to vector<200x768xf32>
    %eq3A_320 = arith.cmpf oeq, %eq3A_318, %eq3A_319 : vector<200x768xf32>
    %jit3A_321 = arith.constant 1.000000e+00 : f32
    %jit3A_322 = arith.constant 0.000000e+00 : f32
    %broadcast_in_dim3A_323 = vector.broadcast %jit3A_321 : f32 to vector<200x768xf32>
    %broadcast_in_dim3A_324 = vector.broadcast %jit3A_322 : f32 to vector<200x768xf32>
    %select_n3A_325 = arith.select %eq3A_320, %broadcast_in_dim3A_323, %broadcast_in_dim3A_324 : vector<200x768xi1>, vector<200x768xf32>
    %slice3A_326 = vector.extract_strided_slice %sub3A_248 {offsets = [0, 2], sizes = [200, 1], strides = [1, 1]} : vector<200x8xf32> to vector<200x1xf32>
    %transpose3A_327 = tpu.transpose %slice3A_326, [1, 0] : vector<200x1xf32> -> vector<1x200xf32>
    %slice3A_328 = vector.extract_strided_slice %add3A_13 {offsets = [0, 2], sizes = [200, 1], strides = [1, 1]} : vector<200x8xf32> to vector<200x1xf32>
    %sub3A_329 = arith.constant 5.120000e+04 : f32
    %sub3A_330 = vector.broadcast %sub3A_329 : f32 to vector<200x1xf32>
    %sub3A_331 = arith.subf %slice3A_328, %sub3A_330 : vector<200x1xf32>
    %transpose3A_332 = tpu.transpose %sub3A_331, [1, 0] : vector<200x1xf32> -> vector<1x200xf32>
    %dot_general3A_333 = arith.constant dense<0.000000e+00> : vector<1x768xf32>
    %dot_general3A_334 = tpu.matmul %transpose3A_327, %select_n3A_325, %dot_general3A_333 {dimension_numbers = #tpu.dot_dimension_numbers<[1], [0], [0], [1], [0, 0, 1, 1], [], []>, precision = #tpu.contract_precision<fp32>, transpose_lhs_hint = false} : vector<1x200xf32>, vector<200x768xf32>, vector<1x768xf32> -> vector<1x768xf32>
    %add3A_335 = arith.addf %add3A_313, %dot_general3A_334 : vector<1x768xf32>
    %dot_general3A_336 = arith.constant dense<0.000000e+00> : vector<1x768xf32>
    %dot_general3A_337 = tpu.matmul %transpose3A_332, %select_n3A_325, %dot_general3A_336 {dimension_numbers = #tpu.dot_dimension_numbers<[1], [0], [0], [1], [0, 0, 1, 1], [], []>, precision = #tpu.contract_precision<fp32>, transpose_lhs_hint = false} : vector<1x200xf32>, vector<200x768xf32>, vector<1x768xf32> -> vector<1x768xf32>
    %add3A_338 = arith.addf %add3A_316, %dot_general3A_337 : vector<1x768xf32>
    %slice3A_339 = vector.extract_strided_slice %select_n3A_266 {offsets = [0, 3], sizes = [200, 1], strides = [1, 1]} : vector<200x8xf32> to vector<200x1xf32>
    %eq3A_340 = vector.broadcast %slice3A_339 : vector<200x1xf32> to vector<200x768xf32>
    %eq3A_341 = vector.broadcast %convert_element_type3A_268 : vector<1x768xf32> to vector<200x768xf32>
    %eq3A_342 = arith.cmpf oeq, %eq3A_340, %eq3A_341 : vector<200x768xf32>
    %jit3A_343 = arith.constant 1.000000e+00 : f32
    %jit3A_344 = arith.constant 0.000000e+00 : f32
    %broadcast_in_dim3A_345 = vector.broadcast %jit3A_343 : f32 to vector<200x768xf32>
    %broadcast_in_dim3A_346 = vector.broadcast %jit3A_344 : f32 to vector<200x768xf32>
    %select_n3A_347 = arith.select %eq3A_342, %broadcast_in_dim3A_345, %broadcast_in_dim3A_346 : vector<200x768xi1>, vector<200x768xf32>
    %slice3A_348 = vector.extract_strided_slice %sub3A_248 {offsets = [0, 3], sizes = [200, 1], strides = [1, 1]} : vector<200x8xf32> to vector<200x1xf32>
    %transpose3A_349 = tpu.transpose %slice3A_348, [1, 0] : vector<200x1xf32> -> vector<1x200xf32>
    %slice3A_350 = vector.extract_strided_slice %add3A_13 {offsets = [0, 3], sizes = [200, 1], strides = [1, 1]} : vector<200x8xf32> to vector<200x1xf32>
    %sub3A_351 = arith.constant 5.120000e+04 : f32
    %sub3A_352 = vector.broadcast %sub3A_351 : f32 to vector<200x1xf32>
    %sub3A_353 = arith.subf %slice3A_350, %sub3A_352 : vector<200x1xf32>
    %transpose3A_354 = tpu.transpose %sub3A_353, [1, 0] : vector<200x1xf32> -> vector<1x200xf32>
    %dot_general3A_355 = arith.constant dense<0.000000e+00> : vector<1x768xf32>
    %dot_general3A_356 = tpu.matmul %transpose3A_349, %select_n3A_347, %dot_general3A_355 {dimension_numbers = #tpu.dot_dimension_numbers<[1], [0], [0], [1], [0, 0, 1, 1], [], []>, precision = #tpu.contract_precision<fp32>, transpose_lhs_hint = false} : vector<1x200xf32>, vector<200x768xf32>, vector<1x768xf32> -> vector<1x768xf32>
    %add3A_357 = arith.addf %add3A_335, %dot_general3A_356 : vector<1x768xf32>
    %dot_general3A_358 = arith.constant dense<0.000000e+00> : vector<1x768xf32>
    %dot_general3A_359 = tpu.matmul %transpose3A_354, %select_n3A_347, %dot_general3A_358 {dimension_numbers = #tpu.dot_dimension_numbers<[1], [0], [0], [1], [0, 0, 1, 1], [], []>, precision = #tpu.contract_precision<fp32>, transpose_lhs_hint = false} : vector<1x200xf32>, vector<200x768xf32>, vector<1x768xf32> -> vector<1x768xf32>
    %add3A_360 = arith.addf %add3A_338, %dot_general3A_359 : vector<1x768xf32>
    %slice3A_361 = vector.extract_strided_slice %select_n3A_266 {offsets = [0, 4], sizes = [200, 1], strides = [1, 1]} : vector<200x8xf32> to vector<200x1xf32>
    %eq3A_362 = vector.broadcast %slice3A_361 : vector<200x1xf32> to vector<200x768xf32>
    %eq3A_363 = vector.broadcast %convert_element_type3A_268 : vector<1x768xf32> to vector<200x768xf32>
    %eq3A_364 = arith.cmpf oeq, %eq3A_362, %eq3A_363 : vector<200x768xf32>
    %jit3A_365 = arith.constant 1.000000e+00 : f32
    %jit3A_366 = arith.constant 0.000000e+00 : f32
    %broadcast_in_dim3A_367 = vector.broadcast %jit3A_365 : f32 to vector<200x768xf32>
    %broadcast_in_dim3A_368 = vector.broadcast %jit3A_366 : f32 to vector<200x768xf32>
    %select_n3A_369 = arith.select %eq3A_364, %broadcast_in_dim3A_367, %broadcast_in_dim3A_368 : vector<200x768xi1>, vector<200x768xf32>
    %slice3A_370 = vector.extract_strided_slice %sub3A_248 {offsets = [0, 4], sizes = [200, 1], strides = [1, 1]} : vector<200x8xf32> to vector<200x1xf32>
    %transpose3A_371 = tpu.transpose %slice3A_370, [1, 0] : vector<200x1xf32> -> vector<1x200xf32>
    %slice3A_372 = vector.extract_strided_slice %add3A_13 {offsets = [0, 4], sizes = [200, 1], strides = [1, 1]} : vector<200x8xf32> to vector<200x1xf32>
    %sub3A_373 = arith.constant 5.120000e+04 : f32
    %sub3A_374 = vector.broadcast %sub3A_373 : f32 to vector<200x1xf32>
    %sub3A_375 = arith.subf %slice3A_372, %sub3A_374 : vector<200x1xf32>
    %transpose3A_376 = tpu.transpose %sub3A_375, [1, 0] : vector<200x1xf32> -> vector<1x200xf32>
    %dot_general3A_377 = arith.constant dense<0.000000e+00> : vector<1x768xf32>
    %dot_general3A_378 = tpu.matmul %transpose3A_371, %select_n3A_369, %dot_general3A_377 {dimension_numbers = #tpu.dot_dimension_numbers<[1], [0], [0], [1], [0, 0, 1, 1], [], []>, precision = #tpu.contract_precision<fp32>, transpose_lhs_hint = false} : vector<1x200xf32>, vector<200x768xf32>, vector<1x768xf32> -> vector<1x768xf32>
    %add3A_379 = arith.addf %add3A_357, %dot_general3A_378 : vector<1x768xf32>
    %dot_general3A_380 = arith.constant dense<0.000000e+00> : vector<1x768xf32>
    %dot_general3A_381 = tpu.matmul %transpose3A_376, %select_n3A_369, %dot_general3A_380 {dimension_numbers = #tpu.dot_dimension_numbers<[1], [0], [0], [1], [0, 0, 1, 1], [], []>, precision = #tpu.contract_precision<fp32>, transpose_lhs_hint = false} : vector<1x200xf32>, vector<200x768xf32>, vector<1x768xf32> -> vector<1x768xf32>
    %add3A_382 = arith.addf %add3A_360, %dot_general3A_381 : vector<1x768xf32>
    %slice3A_383 = vector.extract_strided_slice %select_n3A_266 {offsets = [0, 5], sizes = [200, 1], strides = [1, 1]} : vector<200x8xf32> to vector<200x1xf32>
    %eq3A_384 = vector.broadcast %slice3A_383 : vector<200x1xf32> to vector<200x768xf32>
    %eq3A_385 = vector.broadcast %convert_element_type3A_268 : vector<1x768xf32> to vector<200x768xf32>
    %eq3A_386 = arith.cmpf oeq, %eq3A_384, %eq3A_385 : vector<200x768xf32>
    %jit3A_387 = arith.constant 1.000000e+00 : f32
    %jit3A_388 = arith.constant 0.000000e+00 : f32
    %broadcast_in_dim3A_389 = vector.broadcast %jit3A_387 : f32 to vector<200x768xf32>
    %broadcast_in_dim3A_390 = vector.broadcast %jit3A_388 : f32 to vector<200x768xf32>
    %select_n3A_391 = arith.select %eq3A_386, %broadcast_in_dim3A_389, %broadcast_in_dim3A_390 : vector<200x768xi1>, vector<200x768xf32>
    %slice3A_392 = vector.extract_strided_slice %sub3A_248 {offsets = [0, 5], sizes = [200, 1], strides = [1, 1]} : vector<200x8xf32> to vector<200x1xf32>
    %transpose3A_393 = tpu.transpose %slice3A_392, [1, 0] : vector<200x1xf32> -> vector<1x200xf32>
    %slice3A_394 = vector.extract_strided_slice %add3A_13 {offsets = [0, 5], sizes = [200, 1], strides = [1, 1]} : vector<200x8xf32> to vector<200x1xf32>
    %sub3A_395 = arith.constant 5.120000e+04 : f32
    %sub3A_396 = vector.broadcast %sub3A_395 : f32 to vector<200x1xf32>
    %sub3A_397 = arith.subf %slice3A_394, %sub3A_396 : vector<200x1xf32>
    %transpose3A_398 = tpu.transpose %sub3A_397, [1, 0] : vector<200x1xf32> -> vector<1x200xf32>
    %dot_general3A_399 = arith.constant dense<0.000000e+00> : vector<1x768xf32>
    %dot_general3A_400 = tpu.matmul %transpose3A_393, %select_n3A_391, %dot_general3A_399 {dimension_numbers = #tpu.dot_dimension_numbers<[1], [0], [0], [1], [0, 0, 1, 1], [], []>, precision = #tpu.contract_precision<fp32>, transpose_lhs_hint = false} : vector<1x200xf32>, vector<200x768xf32>, vector<1x768xf32> -> vector<1x768xf32>
    %add3A_401 = arith.addf %add3A_379, %dot_general3A_400 : vector<1x768xf32>
    %dot_general3A_402 = arith.constant dense<0.000000e+00> : vector<1x768xf32>
    %dot_general3A_403 = tpu.matmul %transpose3A_398, %select_n3A_391, %dot_general3A_402 {dimension_numbers = #tpu.dot_dimension_numbers<[1], [0], [0], [1], [0, 0, 1, 1], [], []>, precision = #tpu.contract_precision<fp32>, transpose_lhs_hint = false} : vector<1x200xf32>, vector<200x768xf32>, vector<1x768xf32> -> vector<1x768xf32>
    %add3A_404 = arith.addf %add3A_382, %dot_general3A_403 : vector<1x768xf32>
    %slice3A_405 = vector.extract_strided_slice %select_n3A_266 {offsets = [0, 6], sizes = [200, 1], strides = [1, 1]} : vector<200x8xf32> to vector<200x1xf32>
    %eq3A_406 = vector.broadcast %slice3A_405 : vector<200x1xf32> to vector<200x768xf32>
    %eq3A_407 = vector.broadcast %convert_element_type3A_268 : vector<1x768xf32> to vector<200x768xf32>
    %eq3A_408 = arith.cmpf oeq, %eq3A_406, %eq3A_407 : vector<200x768xf32>
    %jit3A_409 = arith.constant 1.000000e+00 : f32
    %jit3A_410 = arith.constant 0.000000e+00 : f32
    %broadcast_in_dim3A_411 = vector.broadcast %jit3A_409 : f32 to vector<200x768xf32>
    %broadcast_in_dim3A_412 = vector.broadcast %jit3A_410 : f32 to vector<200x768xf32>
    %select_n3A_413 = arith.select %eq3A_408, %broadcast_in_dim3A_411, %broadcast_in_dim3A_412 : vector<200x768xi1>, vector<200x768xf32>
    %slice3A_414 = vector.extract_strided_slice %sub3A_248 {offsets = [0, 6], sizes = [200, 1], strides = [1, 1]} : vector<200x8xf32> to vector<200x1xf32>
    %transpose3A_415 = tpu.transpose %slice3A_414, [1, 0] : vector<200x1xf32> -> vector<1x200xf32>
    %slice3A_416 = vector.extract_strided_slice %add3A_13 {offsets = [0, 6], sizes = [200, 1], strides = [1, 1]} : vector<200x8xf32> to vector<200x1xf32>
    %sub3A_417 = arith.constant 5.120000e+04 : f32
    %sub3A_418 = vector.broadcast %sub3A_417 : f32 to vector<200x1xf32>
    %sub3A_419 = arith.subf %slice3A_416, %sub3A_418 : vector<200x1xf32>
    %transpose3A_420 = tpu.transpose %sub3A_419, [1, 0] : vector<200x1xf32> -> vector<1x200xf32>
    %dot_general3A_421 = arith.constant dense<0.000000e+00> : vector<1x768xf32>
    %dot_general3A_422 = tpu.matmul %transpose3A_415, %select_n3A_413, %dot_general3A_421 {dimension_numbers = #tpu.dot_dimension_numbers<[1], [0], [0], [1], [0, 0, 1, 1], [], []>, precision = #tpu.contract_precision<fp32>, transpose_lhs_hint = false} : vector<1x200xf32>, vector<200x768xf32>, vector<1x768xf32> -> vector<1x768xf32>
    %add3A_423 = arith.addf %add3A_401, %dot_general3A_422 : vector<1x768xf32>
    %dot_general3A_424 = arith.constant dense<0.000000e+00> : vector<1x768xf32>
    %dot_general3A_425 = tpu.matmul %transpose3A_420, %select_n3A_413, %dot_general3A_424 {dimension_numbers = #tpu.dot_dimension_numbers<[1], [0], [0], [1], [0, 0, 1, 1], [], []>, precision = #tpu.contract_precision<fp32>, transpose_lhs_hint = false} : vector<1x200xf32>, vector<200x768xf32>, vector<1x768xf32> -> vector<1x768xf32>
    %add3A_426 = arith.addf %add3A_404, %dot_general3A_425 : vector<1x768xf32>
    %slice3A_427 = vector.extract_strided_slice %select_n3A_266 {offsets = [0, 7], sizes = [200, 1], strides = [1, 1]} : vector<200x8xf32> to vector<200x1xf32>
    %eq3A_428 = vector.broadcast %slice3A_427 : vector<200x1xf32> to vector<200x768xf32>
    %eq3A_429 = vector.broadcast %convert_element_type3A_268 : vector<1x768xf32> to vector<200x768xf32>
    %eq3A_430 = arith.cmpf oeq, %eq3A_428, %eq3A_429 : vector<200x768xf32>
    %jit3A_431 = arith.constant 1.000000e+00 : f32
    %jit3A_432 = arith.constant 0.000000e+00 : f32
    %broadcast_in_dim3A_433 = vector.broadcast %jit3A_431 : f32 to vector<200x768xf32>
    %broadcast_in_dim3A_434 = vector.broadcast %jit3A_432 : f32 to vector<200x768xf32>
    %select_n3A_435 = arith.select %eq3A_430, %broadcast_in_dim3A_433, %broadcast_in_dim3A_434 : vector<200x768xi1>, vector<200x768xf32>
    %slice3A_436 = vector.extract_strided_slice %sub3A_248 {offsets = [0, 7], sizes = [200, 1], strides = [1, 1]} : vector<200x8xf32> to vector<200x1xf32>
    %transpose3A_437 = tpu.transpose %slice3A_436, [1, 0] : vector<200x1xf32> -> vector<1x200xf32>
    %slice3A_438 = vector.extract_strided_slice %add3A_13 {offsets = [0, 7], sizes = [200, 1], strides = [1, 1]} : vector<200x8xf32> to vector<200x1xf32>
    %sub3A_439 = arith.constant 5.120000e+04 : f32
    %sub3A_440 = vector.broadcast %sub3A_439 : f32 to vector<200x1xf32>
    %sub3A_441 = arith.subf %slice3A_438, %sub3A_440 : vector<200x1xf32>
    %transpose3A_442 = tpu.transpose %sub3A_441, [1, 0] : vector<200x1xf32> -> vector<1x200xf32>
    %dot_general3A_443 = arith.constant dense<0.000000e+00> : vector<1x768xf32>
    %dot_general3A_444 = tpu.matmul %transpose3A_437, %select_n3A_435, %dot_general3A_443 {dimension_numbers = #tpu.dot_dimension_numbers<[1], [0], [0], [1], [0, 0, 1, 1], [], []>, precision = #tpu.contract_precision<fp32>, transpose_lhs_hint = false} : vector<1x200xf32>, vector<200x768xf32>, vector<1x768xf32> -> vector<1x768xf32>
    %add3A_445 = arith.addf %add3A_423, %dot_general3A_444 : vector<1x768xf32>
    %dot_general3A_446 = arith.constant dense<0.000000e+00> : vector<1x768xf32>
    %dot_general3A_447 = tpu.matmul %transpose3A_442, %select_n3A_435, %dot_general3A_446 {dimension_numbers = #tpu.dot_dimension_numbers<[1], [0], [0], [1], [0, 0, 1, 1], [], []>, precision = #tpu.contract_precision<fp32>, transpose_lhs_hint = false} : vector<1x200xf32>, vector<200x768xf32>, vector<1x768xf32> -> vector<1x768xf32>
    %add3A_448 = arith.addf %add3A_426, %dot_general3A_447 : vector<1x768xf32>
    %convert_element_type3A_449 = arith.fptosi %add3A_445 : vector<1x768xf32> to vector<1x768xi32>
    %swap3A_450 = arith.constant 0 : index
    %swap3A_451 = arith.constant 0 : index
    %swap3A_452 = arith.constant 0 : index
    %swap3A_453 = vector.load %arg4[%swap3A_450, %swap3A_451, %swap3A_452] : memref<1x1x768xi32, #tpu.memory_space<vmem>>, vector<1x1x768xi32>
    %swap3A_454 = vector.shape_cast %swap3A_453 : vector<1x1x768xi32> to vector<1x768xi32>
    %swap3A_455 = vector.shape_cast %convert_element_type3A_449 : vector<1x768xi32> to vector<1x1x768xi32>
    tpu.vector_store %arg4[%swap3A_450, %swap3A_451, %swap3A_452], %swap3A_455 {strides = array<i32>} : memref<1x1x768xi32, #tpu.memory_space<vmem>>, vector<1x1x768xi32>,
    %add3A_456 = arith.constant 5.120000e+04 : f32
    %add3A_457 = vector.broadcast %add3A_456 : f32 to vector<1x768xf32>
    %add3A_458 = arith.addf %add3A_448, %add3A_457 : vector<1x768xf32>
    %convert_element_type3A_459 = arith.fptosi %add3A_458 : vector<1x768xf32> to vector<1x768xi32>
    %swap3A_460 = arith.constant 0 : index
    %swap3A_461 = arith.constant 0 : index
    %swap3A_462 = arith.constant 0 : index
    %swap3A_463 = vector.load %arg5[%swap3A_460, %swap3A_461, %swap3A_462] : memref<1x1x768xi32, #tpu.memory_space<vmem>>, vector<1x1x768xi32>
    %swap3A_464 = vector.shape_cast %swap3A_463 : vector<1x1x768xi32> to vector<1x768xi32>
    %swap3A_465 = vector.shape_cast %convert_element_type3A_459 : vector<1x768xi32> to vector<1x1x768xi32>
    tpu.vector_store %arg5[%swap3A_460, %swap3A_461, %swap3A_462], %swap3A_465 {strides = array<i32>} : memref<1x1x768xi32, #tpu.memory_space<vmem>>, vector<1x1x768xi32>,
    %add3A_466 = arith.addf %dot_general3A_258, %slice3A_256 : vector<1x8xf32>
    %ge3A_467 = arith.constant 60000 : i32
    %ge3A_468 = vector.broadcast %ge3A_467 : i32 to vector<200x8xi32>
    %ge3A_469 = arith.cmpi sge, %get3A_3, %ge3A_468 : vector<200x8xi32>
    %sub3A_470 = arith.constant 6.000000e+04 : f32
    %sub3A_471 = vector.broadcast %sub3A_470 : f32 to vector<200x8xf32>
    %sub3A_472 = arith.subf %convert_element_type3A, %sub3A_471 : vector<200x8xf32>
    %jit3A_473 = arith.constant 1.000000e+00 : f32
    %jit3A_474 = arith.constant 0.000000e+00 : f32
    %broadcast_in_dim3A_475 = vector.broadcast %jit3A_473 : f32 to vector<200x8xf32>
    %broadcast_in_dim3A_476 = vector.broadcast %jit3A_474 : f32 to vector<200x8xf32>
    %select_n3A_477 = arith.select %ge3A_469, %broadcast_in_dim3A_475, %broadcast_in_dim3A_476 : vector<200x8xi1>, vector<200x8xf32>
    %dot_general3A_478 = arith.constant dense<0.000000e+00> : vector<200x8xf32>
    %dot_general3A_479 = tpu.matmul %select_n3A, %select_n3A_477, %dot_general3A_478 {dimension_numbers = #tpu.dot_dimension_numbers<[1], [0], [0], [1], [0, 0, 1, 1], [], []>, transpose_lhs_hint = false} : vector<200x200xf32>, vector<200x8xf32>, vector<200x8xf32> -> vector<200x8xf32>
    %slice3A_480 = vector.extract_strided_slice %dot_general3A_479 {offsets = [199, 0], sizes = [1, 8], strides = [1, 1]} : vector<200x8xf32> to vector<1x8xf32>
    %dot_general3A_481 = arith.constant dense<0.000000e+00> : vector<1x8xf32>
    %dot_general3A_482 = tpu.matmul %slice3A_480, %select_n3A_24, %dot_general3A_481 {dimension_numbers = #tpu.dot_dimension_numbers<[1], [0], [0], [1], [0, 0, 1, 1], [], []>, precision = #tpu.contract_precision<fp32>, transpose_lhs_hint = false} : vector<1x8xf32>, vector<8x8xf32>, vector<1x8xf32> -> vector<1x8xf32>
    %sub3A_483 = arith.constant 1.000000e+00 : f32
    %sub3A_484 = vector.broadcast %sub3A_483 : f32 to vector<200x8xf32>
    %sub3A_485 = arith.subf %dot_general3A_479, %sub3A_484 : vector<200x8xf32>
    %add3A_486 = vector.broadcast %dot_general3A_482 : vector<1x8xf32> to vector<200x8xf32>
    %add3A_487 = arith.addf %sub3A_485, %add3A_486 : vector<200x8xf32>
    %jit3A_488 = arith.constant -1.000000e+00 : f32
    %broadcast_in_dim3A_489 = vector.broadcast %jit3A_488 : f32 to vector<200x8xf32>
    %select_n3A_490 = arith.select %ge3A_469, %add3A_487, %broadcast_in_dim3A_489 : vector<200x8xi1>, vector<200x8xf32>
    %iota3A_491 = tpu.iota {dimensions = array<i32: 1>} : vector<1x768xi32>
    %convert_element_type3A_492 = arith.sitofp %iota3A_491 : vector<1x768xi32> to vector<1x768xf32>
    %broadcast_in_dim3A_493 = arith.constant 0.000000e+00 : f32
    %broadcast_in_dim3A_494 = vector.broadcast %broadcast_in_dim3A_493 : f32 to vector<1x768xf32>
    %broadcast_in_dim3A_495 = arith.constant 0.000000e+00 : f32
    %broadcast_in_dim3A_496 = vector.broadcast %broadcast_in_dim3A_495 : f32 to vector<1x768xf32>
    %slice3A_497 = vector.extract_strided_slice %select_n3A_490 {offsets = [0, 0], sizes = [200, 1], strides = [1, 1]} : vector<200x8xf32> to vector<200x1xf32>
    %eq3A_498 = vector.broadcast %slice3A_497 : vector<200x1xf32> to vector<200x768xf32>
    %eq3A_499 = vector.broadcast %convert_element_type3A_492 : vector<1x768xf32> to vector<200x768xf32>
    %eq3A_500 = arith.cmpf oeq, %eq3A_498, %eq3A_499 : vector<200x768xf32>
    %jit3A_501 = arith.constant 1.000000e+00 : f32
    %jit3A_502 = arith.constant 0.000000e+00 : f32
    %broadcast_in_dim3A_503 = vector.broadcast %jit3A_501 : f32 to vector<200x768xf32>
    %broadcast_in_dim3A_504 = vector.broadcast %jit3A_502 : f32 to vector<200x768xf32>
    %select_n3A_505 = arith.select %eq3A_500, %broadcast_in_dim3A_503, %broadcast_in_dim3A_504 : vector<200x768xi1>, vector<200x768xf32>
    %slice3A_506 = vector.extract_strided_slice %sub3A_472 {offsets = [0, 0], sizes = [200, 1], strides = [1, 1]} : vector<200x8xf32> to vector<200x1xf32>
    %transpose3A_507 = tpu.transpose %slice3A_506, [1, 0] : vector<200x1xf32> -> vector<1x200xf32>
    %slice3A_508 = vector.extract_strided_slice %add3A_13 {offsets = [0, 0], sizes = [200, 1], strides = [1, 1]} : vector<200x8xf32> to vector<200x1xf32>
    %sub3A_509 = arith.constant 5.120000e+04 : f32
    %sub3A_510 = vector.broadcast %sub3A_509 : f32 to vector<200x1xf32>
    %sub3A_511 = arith.subf %slice3A_508, %sub3A_510 : vector<200x1xf32>
    %transpose3A_512 = tpu.transpose %sub3A_511, [1, 0] : vector<200x1xf32> -> vector<1x200xf32>
    %dot_general3A_513 = arith.constant dense<0.000000e+00> : vector<1x768xf32>
    %dot_general3A_514 = tpu.matmul %transpose3A_507, %select_n3A_505, %dot_general3A_513 {dimension_numbers = #tpu.dot_dimension_numbers<[1], [0], [0], [1], [0, 0, 1, 1], [], []>, precision = #tpu.contract_precision<fp32>, transpose_lhs_hint = false} : vector<1x200xf32>, vector<200x768xf32>, vector<1x768xf32> -> vector<1x768xf32>
    %add3A_515 = arith.addf %broadcast_in_dim3A_494, %dot_general3A_514 : vector<1x768xf32>
    %dot_general3A_516 = arith.constant dense<0.000000e+00> : vector<1x768xf32>
    %dot_general3A_517 = tpu.matmul %transpose3A_512, %select_n3A_505, %dot_general3A_516 {dimension_numbers = #tpu.dot_dimension_numbers<[1], [0], [0], [1], [0, 0, 1, 1], [], []>, precision = #tpu.contract_precision<fp32>, transpose_lhs_hint = false} : vector<1x200xf32>, vector<200x768xf32>, vector<1x768xf32> -> vector<1x768xf32>
    %add3A_518 = arith.addf %broadcast_in_dim3A_496, %dot_general3A_517 : vector<1x768xf32>
    %slice3A_519 = vector.extract_strided_slice %select_n3A_490 {offsets = [0, 1], sizes = [200, 1], strides = [1, 1]} : vector<200x8xf32> to vector<200x1xf32>
    %eq3A_520 = vector.broadcast %slice3A_519 : vector<200x1xf32> to vector<200x768xf32>
    %eq3A_521 = vector.broadcast %convert_element_type3A_492 : vector<1x768xf32> to vector<200x768xf32>
    %eq3A_522 = arith.cmpf oeq, %eq3A_520, %eq3A_521 : vector<200x768xf32>
    %jit3A_523 = arith.constant 1.000000e+00 : f32
    %jit3A_524 = arith.constant 0.000000e+00 : f32
    %broadcast_in_dim3A_525 = vector.broadcast %jit3A_523 : f32 to vector<200x768xf32>
    %broadcast_in_dim3A_526 = vector.broadcast %jit3A_524 : f32 to vector<200x768xf32>
    %select_n3A_527 = arith.select %eq3A_522, %broadcast_in_dim3A_525, %broadcast_in_dim3A_526 : vector<200x768xi1>, vector<200x768xf32>
    %slice3A_528 = vector.extract_strided_slice %sub3A_472 {offsets = [0, 1], sizes = [200, 1], strides = [1, 1]} : vector<200x8xf32> to vector<200x1xf32>
    %transpose3A_529 = tpu.transpose %slice3A_528, [1, 0] : vector<200x1xf32> -> vector<1x200xf32>
    %slice3A_530 = vector.extract_strided_slice %add3A_13 {offsets = [0, 1], sizes = [200, 1], strides = [1, 1]} : vector<200x8xf32> to vector<200x1xf32>
    %sub3A_531 = arith.constant 5.120000e+04 : f32
    %sub3A_532 = vector.broadcast %sub3A_531 : f32 to vector<200x1xf32>
    %sub3A_533 = arith.subf %slice3A_530, %sub3A_532 : vector<200x1xf32>
    %transpose3A_534 = tpu.transpose %sub3A_533, [1, 0] : vector<200x1xf32> -> vector<1x200xf32>
    %dot_general3A_535 = arith.constant dense<0.000000e+00> : vector<1x768xf32>
    %dot_general3A_536 = tpu.matmul %transpose3A_529, %select_n3A_527, %dot_general3A_535 {dimension_numbers = #tpu.dot_dimension_numbers<[1], [0], [0], [1], [0, 0, 1, 1], [], []>, precision = #tpu.contract_precision<fp32>, transpose_lhs_hint = false} : vector<1x200xf32>, vector<200x768xf32>, vector<1x768xf32> -> vector<1x768xf32>
    %add3A_537 = arith.addf %add3A_515, %dot_general3A_536 : vector<1x768xf32>
    %dot_general3A_538 = arith.constant dense<0.000000e+00> : vector<1x768xf32>
    %dot_general3A_539 = tpu.matmul %transpose3A_534, %select_n3A_527, %dot_general3A_538 {dimension_numbers = #tpu.dot_dimension_numbers<[1], [0], [0], [1], [0, 0, 1, 1], [], []>, precision = #tpu.contract_precision<fp32>, transpose_lhs_hint = false} : vector<1x200xf32>, vector<200x768xf32>, vector<1x768xf32> -> vector<1x768xf32>
    %add3A_540 = arith.addf %add3A_518, %dot_general3A_539 : vector<1x768xf32>
    %slice3A_541 = vector.extract_strided_slice %select_n3A_490 {offsets = [0, 2], sizes = [200, 1], strides = [1, 1]} : vector<200x8xf32> to vector<200x1xf32>
    %eq3A_542 = vector.broadcast %slice3A_541 : vector<200x1xf32> to vector<200x768xf32>
    %eq3A_543 = vector.broadcast %convert_element_type3A_492 : vector<1x768xf32> to vector<200x768xf32>
    %eq3A_544 = arith.cmpf oeq, %eq3A_542, %eq3A_543 : vector<200x768xf32>
    %jit3A_545 = arith.constant 1.000000e+00 : f32
    %jit3A_546 = arith.constant 0.000000e+00 : f32
    %broadcast_in_dim3A_547 = vector.broadcast %jit3A_545 : f32 to vector<200x768xf32>
    %broadcast_in_dim3A_548 = vector.broadcast %jit3A_546 : f32 to vector<200x768xf32>
    %select_n3A_549 = arith.select %eq3A_544, %broadcast_in_dim3A_547, %broadcast_in_dim3A_548 : vector<200x768xi1>, vector<200x768xf32>
    %slice3A_550 = vector.extract_strided_slice %sub3A_472 {offsets = [0, 2], sizes = [200, 1], strides = [1, 1]} : vector<200x8xf32> to vector<200x1xf32>
    %transpose3A_551 = tpu.transpose %slice3A_550, [1, 0] : vector<200x1xf32> -> vector<1x200xf32>
    %slice3A_552 = vector.extract_strided_slice %add3A_13 {offsets = [0, 2], sizes = [200, 1], strides = [1, 1]} : vector<200x8xf32> to vector<200x1xf32>
    %sub3A_553 = arith.constant 5.120000e+04 : f32
    %sub3A_554 = vector.broadcast %sub3A_553 : f32 to vector<200x1xf32>
    %sub3A_555 = arith.subf %slice3A_552, %sub3A_554 : vector<200x1xf32>
    %transpose3A_556 = tpu.transpose %sub3A_555, [1, 0] : vector<200x1xf32> -> vector<1x200xf32>
    %dot_general3A_557 = arith.constant dense<0.000000e+00> : vector<1x768xf32>
    %dot_general3A_558 = tpu.matmul %transpose3A_551, %select_n3A_549, %dot_general3A_557 {dimension_numbers = #tpu.dot_dimension_numbers<[1], [0], [0], [1], [0, 0, 1, 1], [], []>, precision = #tpu.contract_precision<fp32>, transpose_lhs_hint = false} : vector<1x200xf32>, vector<200x768xf32>, vector<1x768xf32> -> vector<1x768xf32>
    %add3A_559 = arith.addf %add3A_537, %dot_general3A_558 : vector<1x768xf32>
    %dot_general3A_560 = arith.constant dense<0.000000e+00> : vector<1x768xf32>
    %dot_general3A_561 = tpu.matmul %transpose3A_556, %select_n3A_549, %dot_general3A_560 {dimension_numbers = #tpu.dot_dimension_numbers<[1], [0], [0], [1], [0, 0, 1, 1], [], []>, precision = #tpu.contract_precision<fp32>, transpose_lhs_hint = false} : vector<1x200xf32>, vector<200x768xf32>, vector<1x768xf32> -> vector<1x768xf32>
    %add3A_562 = arith.addf %add3A_540, %dot_general3A_561 : vector<1x768xf32>
    %slice3A_563 = vector.extract_strided_slice %select_n3A_490 {offsets = [0, 3], sizes = [200, 1], strides = [1, 1]} : vector<200x8xf32> to vector<200x1xf32>
    %eq3A_564 = vector.broadcast %slice3A_563 : vector<200x1xf32> to vector<200x768xf32>
    %eq3A_565 = vector.broadcast %convert_element_type3A_492 : vector<1x768xf32> to vector<200x768xf32>
    %eq3A_566 = arith.cmpf oeq, %eq3A_564, %eq3A_565 : vector<200x768xf32>
    %jit3A_567 = arith.constant 1.000000e+00 : f32
    %jit3A_568 = arith.constant 0.000000e+00 : f32
    %broadcast_in_dim3A_569 = vector.broadcast %jit3A_567 : f32 to vector<200x768xf32>
    %broadcast_in_dim3A_570 = vector.broadcast %jit3A_568 : f32 to vector<200x768xf32>
    %select_n3A_571 = arith.select %eq3A_566, %broadcast_in_dim3A_569, %broadcast_in_dim3A_570 : vector<200x768xi1>, vector<200x768xf32>
    %slice3A_572 = vector.extract_strided_slice %sub3A_472 {offsets = [0, 3], sizes = [200, 1], strides = [1, 1]} : vector<200x8xf32> to vector<200x1xf32>
    %transpose3A_573 = tpu.transpose %slice3A_572, [1, 0] : vector<200x1xf32> -> vector<1x200xf32>
    %slice3A_574 = vector.extract_strided_slice %add3A_13 {offsets = [0, 3], sizes = [200, 1], strides = [1, 1]} : vector<200x8xf32> to vector<200x1xf32>
    %sub3A_575 = arith.constant 5.120000e+04 : f32
    %sub3A_576 = vector.broadcast %sub3A_575 : f32 to vector<200x1xf32>
    %sub3A_577 = arith.subf %slice3A_574, %sub3A_576 : vector<200x1xf32>
    %transpose3A_578 = tpu.transpose %sub3A_577, [1, 0] : vector<200x1xf32> -> vector<1x200xf32>
    %dot_general3A_579 = arith.constant dense<0.000000e+00> : vector<1x768xf32>
    %dot_general3A_580 = tpu.matmul %transpose3A_573, %select_n3A_571, %dot_general3A_579 {dimension_numbers = #tpu.dot_dimension_numbers<[1], [0], [0], [1], [0, 0, 1, 1], [], []>, precision = #tpu.contract_precision<fp32>, transpose_lhs_hint = false} : vector<1x200xf32>, vector<200x768xf32>, vector<1x768xf32> -> vector<1x768xf32>
    %add3A_581 = arith.addf %add3A_559, %dot_general3A_580 : vector<1x768xf32>
    %dot_general3A_582 = arith.constant dense<0.000000e+00> : vector<1x768xf32>
    %dot_general3A_583 = tpu.matmul %transpose3A_578, %select_n3A_571, %dot_general3A_582 {dimension_numbers = #tpu.dot_dimension_numbers<[1], [0], [0], [1], [0, 0, 1, 1], [], []>, precision = #tpu.contract_precision<fp32>, transpose_lhs_hint = false} : vector<1x200xf32>, vector<200x768xf32>, vector<1x768xf32> -> vector<1x768xf32>
    %add3A_584 = arith.addf %add3A_562, %dot_general3A_583 : vector<1x768xf32>
    %slice3A_585 = vector.extract_strided_slice %select_n3A_490 {offsets = [0, 4], sizes = [200, 1], strides = [1, 1]} : vector<200x8xf32> to vector<200x1xf32>
    %eq3A_586 = vector.broadcast %slice3A_585 : vector<200x1xf32> to vector<200x768xf32>
    %eq3A_587 = vector.broadcast %convert_element_type3A_492 : vector<1x768xf32> to vector<200x768xf32>
    %eq3A_588 = arith.cmpf oeq, %eq3A_586, %eq3A_587 : vector<200x768xf32>
    %jit3A_589 = arith.constant 1.000000e+00 : f32
    %jit3A_590 = arith.constant 0.000000e+00 : f32
    %broadcast_in_dim3A_591 = vector.broadcast %jit3A_589 : f32 to vector<200x768xf32>
    %broadcast_in_dim3A_592 = vector.broadcast %jit3A_590 : f32 to vector<200x768xf32>
    %select_n3A_593 = arith.select %eq3A_588, %broadcast_in_dim3A_591, %broadcast_in_dim3A_592 : vector<200x768xi1>, vector<200x768xf32>
    %slice3A_594 = vector.extract_strided_slice %sub3A_472 {offsets = [0, 4], sizes = [200, 1], strides = [1, 1]} : vector<200x8xf32> to vector<200x1xf32>
    %transpose3A_595 = tpu.transpose %slice3A_594, [1, 0] : vector<200x1xf32> -> vector<1x200xf32>
    %slice3A_596 = vector.extract_strided_slice %add3A_13 {offsets = [0, 4], sizes = [200, 1], strides = [1, 1]} : vector<200x8xf32> to vector<200x1xf32>
    %sub3A_597 = arith.constant 5.120000e+04 : f32
    %sub3A_598 = vector.broadcast %sub3A_597 : f32 to vector<200x1xf32>
    %sub3A_599 = arith.subf %slice3A_596, %sub3A_598 : vector<200x1xf32>
    %transpose3A_600 = tpu.transpose %sub3A_599, [1, 0] : vector<200x1xf32> -> vector<1x200xf32>
    %dot_general3A_601 = arith.constant dense<0.000000e+00> : vector<1x768xf32>
    %dot_general3A_602 = tpu.matmul %transpose3A_595, %select_n3A_593, %dot_general3A_601 {dimension_numbers = #tpu.dot_dimension_numbers<[1], [0], [0], [1], [0, 0, 1, 1], [], []>, precision = #tpu.contract_precision<fp32>, transpose_lhs_hint = false} : vector<1x200xf32>, vector<200x768xf32>, vector<1x768xf32> -> vector<1x768xf32>
    %add3A_603 = arith.addf %add3A_581, %dot_general3A_602 : vector<1x768xf32>
    %dot_general3A_604 = arith.constant dense<0.000000e+00> : vector<1x768xf32>
    %dot_general3A_605 = tpu.matmul %transpose3A_600, %select_n3A_593, %dot_general3A_604 {dimension_numbers = #tpu.dot_dimension_numbers<[1], [0], [0], [1], [0, 0, 1, 1], [], []>, precision = #tpu.contract_precision<fp32>, transpose_lhs_hint = false} : vector<1x200xf32>, vector<200x768xf32>, vector<1x768xf32> -> vector<1x768xf32>
    %add3A_606 = arith.addf %add3A_584, %dot_general3A_605 : vector<1x768xf32>
    %slice3A_607 = vector.extract_strided_slice %select_n3A_490 {offsets = [0, 5], sizes = [200, 1], strides = [1, 1]} : vector<200x8xf32> to vector<200x1xf32>
    %eq3A_608 = vector.broadcast %slice3A_607 : vector<200x1xf32> to vector<200x768xf32>
    %eq3A_609 = vector.broadcast %convert_element_type3A_492 : vector<1x768xf32> to vector<200x768xf32>
    %eq3A_610 = arith.cmpf oeq, %eq3A_608, %eq3A_609 : vector<200x768xf32>
    %jit3A_611 = arith.constant 1.000000e+00 : f32
    %jit3A_612 = arith.constant 0.000000e+00 : f32
    %broadcast_in_dim3A_613 = vector.broadcast %jit3A_611 : f32 to vector<200x768xf32>
    %broadcast_in_dim3A_614 = vector.broadcast %jit3A_612 : f32 to vector<200x768xf32>
    %select_n3A_615 = arith.select %eq3A_610, %broadcast_in_dim3A_613, %broadcast_in_dim3A_614 : vector<200x768xi1>, vector<200x768xf32>
    %slice3A_616 = vector.extract_strided_slice %sub3A_472 {offsets = [0, 5], sizes = [200, 1], strides = [1, 1]} : vector<200x8xf32> to vector<200x1xf32>
    %transpose3A_617 = tpu.transpose %slice3A_616, [1, 0] : vector<200x1xf32> -> vector<1x200xf32>
    %slice3A_618 = vector.extract_strided_slice %add3A_13 {offsets = [0, 5], sizes = [200, 1], strides = [1, 1]} : vector<200x8xf32> to vector<200x1xf32>
    %sub3A_619 = arith.constant 5.120000e+04 : f32
    %sub3A_620 = vector.broadcast %sub3A_619 : f32 to vector<200x1xf32>
    %sub3A_621 = arith.subf %slice3A_618, %sub3A_620 : vector<200x1xf32>
    %transpose3A_622 = tpu.transpose %sub3A_621, [1, 0] : vector<200x1xf32> -> vector<1x200xf32>
    %dot_general3A_623 = arith.constant dense<0.000000e+00> : vector<1x768xf32>
    %dot_general3A_624 = tpu.matmul %transpose3A_617, %select_n3A_615, %dot_general3A_623 {dimension_numbers = #tpu.dot_dimension_numbers<[1], [0], [0], [1], [0, 0, 1, 1], [], []>, precision = #tpu.contract_precision<fp32>, transpose_lhs_hint = false} : vector<1x200xf32>, vector<200x768xf32>, vector<1x768xf32> -> vector<1x768xf32>
    %add3A_625 = arith.addf %add3A_603, %dot_general3A_624 : vector<1x768xf32>
    %dot_general3A_626 = arith.constant dense<0.000000e+00> : vector<1x768xf32>
    %dot_general3A_627 = tpu.matmul %transpose3A_622, %select_n3A_615, %dot_general3A_626 {dimension_numbers = #tpu.dot_dimension_numbers<[1], [0], [0], [1], [0, 0, 1, 1], [], []>, precision = #tpu.contract_precision<fp32>, transpose_lhs_hint = false} : vector<1x200xf32>, vector<200x768xf32>, vector<1x768xf32> -> vector<1x768xf32>
    %add3A_628 = arith.addf %add3A_606, %dot_general3A_627 : vector<1x768xf32>
    %slice3A_629 = vector.extract_strided_slice %select_n3A_490 {offsets = [0, 6], sizes = [200, 1], strides = [1, 1]} : vector<200x8xf32> to vector<200x1xf32>
    %eq3A_630 = vector.broadcast %slice3A_629 : vector<200x1xf32> to vector<200x768xf32>
    %eq3A_631 = vector.broadcast %convert_element_type3A_492 : vector<1x768xf32> to vector<200x768xf32>
    %eq3A_632 = arith.cmpf oeq, %eq3A_630, %eq3A_631 : vector<200x768xf32>
    %jit3A_633 = arith.constant 1.000000e+00 : f32
    %jit3A_634 = arith.constant 0.000000e+00 : f32
    %broadcast_in_dim3A_635 = vector.broadcast %jit3A_633 : f32 to vector<200x768xf32>
    %broadcast_in_dim3A_636 = vector.broadcast %jit3A_634 : f32 to vector<200x768xf32>
    %select_n3A_637 = arith.select %eq3A_632, %broadcast_in_dim3A_635, %broadcast_in_dim3A_636 : vector<200x768xi1>, vector<200x768xf32>
    %slice3A_638 = vector.extract_strided_slice %sub3A_472 {offsets = [0, 6], sizes = [200, 1], strides = [1, 1]} : vector<200x8xf32> to vector<200x1xf32>
    %transpose3A_639 = tpu.transpose %slice3A_638, [1, 0] : vector<200x1xf32> -> vector<1x200xf32>
    %slice3A_640 = vector.extract_strided_slice %add3A_13 {offsets = [0, 6], sizes = [200, 1], strides = [1, 1]} : vector<200x8xf32> to vector<200x1xf32>
    %sub3A_641 = arith.constant 5.120000e+04 : f32
    %sub3A_642 = vector.broadcast %sub3A_641 : f32 to vector<200x1xf32>
    %sub3A_643 = arith.subf %slice3A_640, %sub3A_642 : vector<200x1xf32>
    %transpose3A_644 = tpu.transpose %sub3A_643, [1, 0] : vector<200x1xf32> -> vector<1x200xf32>
    %dot_general3A_645 = arith.constant dense<0.000000e+00> : vector<1x768xf32>
    %dot_general3A_646 = tpu.matmul %transpose3A_639, %select_n3A_637, %dot_general3A_645 {dimension_numbers = #tpu.dot_dimension_numbers<[1], [0], [0], [1], [0, 0, 1, 1], [], []>, precision = #tpu.contract_precision<fp32>, transpose_lhs_hint = false} : vector<1x200xf32>, vector<200x768xf32>, vector<1x768xf32> -> vector<1x768xf32>
    %add3A_647 = arith.addf %add3A_625, %dot_general3A_646 : vector<1x768xf32>
    %dot_general3A_648 = arith.constant dense<0.000000e+00> : vector<1x768xf32>
    %dot_general3A_649 = tpu.matmul %transpose3A_644, %select_n3A_637, %dot_general3A_648 {dimension_numbers = #tpu.dot_dimension_numbers<[1], [0], [0], [1], [0, 0, 1, 1], [], []>, precision = #tpu.contract_precision<fp32>, transpose_lhs_hint = false} : vector<1x200xf32>, vector<200x768xf32>, vector<1x768xf32> -> vector<1x768xf32>
    %add3A_650 = arith.addf %add3A_628, %dot_general3A_649 : vector<1x768xf32>
    %slice3A_651 = vector.extract_strided_slice %select_n3A_490 {offsets = [0, 7], sizes = [200, 1], strides = [1, 1]} : vector<200x8xf32> to vector<200x1xf32>
    %eq3A_652 = vector.broadcast %slice3A_651 : vector<200x1xf32> to vector<200x768xf32>
    %eq3A_653 = vector.broadcast %convert_element_type3A_492 : vector<1x768xf32> to vector<200x768xf32>
    %eq3A_654 = arith.cmpf oeq, %eq3A_652, %eq3A_653 : vector<200x768xf32>
    %jit3A_655 = arith.constant 1.000000e+00 : f32
    %jit3A_656 = arith.constant 0.000000e+00 : f32
    %broadcast_in_dim3A_657 = vector.broadcast %jit3A_655 : f32 to vector<200x768xf32>
    %broadcast_in_dim3A_658 = vector.broadcast %jit3A_656 : f32 to vector<200x768xf32>
    %select_n3A_659 = arith.select %eq3A_654, %broadcast_in_dim3A_657, %broadcast_in_dim3A_658 : vector<200x768xi1>, vector<200x768xf32>
    %slice3A_660 = vector.extract_strided_slice %sub3A_472 {offsets = [0, 7], sizes = [200, 1], strides = [1, 1]} : vector<200x8xf32> to vector<200x1xf32>
    %transpose3A_661 = tpu.transpose %slice3A_660, [1, 0] : vector<200x1xf32> -> vector<1x200xf32>
    %slice3A_662 = vector.extract_strided_slice %add3A_13 {offsets = [0, 7], sizes = [200, 1], strides = [1, 1]} : vector<200x8xf32> to vector<200x1xf32>
    %sub3A_663 = arith.constant 5.120000e+04 : f32
    %sub3A_664 = vector.broadcast %sub3A_663 : f32 to vector<200x1xf32>
    %sub3A_665 = arith.subf %slice3A_662, %sub3A_664 : vector<200x1xf32>
    %transpose3A_666 = tpu.transpose %sub3A_665, [1, 0] : vector<200x1xf32> -> vector<1x200xf32>
    %dot_general3A_667 = arith.constant dense<0.000000e+00> : vector<1x768xf32>
    %dot_general3A_668 = tpu.matmul %transpose3A_661, %select_n3A_659, %dot_general3A_667 {dimension_numbers = #tpu.dot_dimension_numbers<[1], [0], [0], [1], [0, 0, 1, 1], [], []>, precision = #tpu.contract_precision<fp32>, transpose_lhs_hint = false} : vector<1x200xf32>, vector<200x768xf32>, vector<1x768xf32> -> vector<1x768xf32>
    %add3A_669 = arith.addf %add3A_647, %dot_general3A_668 : vector<1x768xf32>
    %dot_general3A_670 = arith.constant dense<0.000000e+00> : vector<1x768xf32>
    %dot_general3A_671 = tpu.matmul %transpose3A_666, %select_n3A_659, %dot_general3A_670 {dimension_numbers = #tpu.dot_dimension_numbers<[1], [0], [0], [1], [0, 0, 1, 1], [], []>, precision = #tpu.contract_precision<fp32>, transpose_lhs_hint = false} : vector<1x200xf32>, vector<200x768xf32>, vector<1x768xf32> -> vector<1x768xf32>
    %add3A_672 = arith.addf %add3A_650, %dot_general3A_671 : vector<1x768xf32>
    %convert_element_type3A_673 = arith.fptosi %add3A_669 : vector<1x768xf32> to vector<1x768xi32>
    %swap3A_674 = arith.constant 0 : index
    %swap3A_675 = arith.constant 0 : index
    %swap3A_676 = arith.constant 0 : index
    %swap3A_677 = vector.load %arg6[%swap3A_674, %swap3A_675, %swap3A_676] : memref<1x1x768xi32, #tpu.memory_space<vmem>>, vector<1x1x768xi32>
    %swap3A_678 = vector.shape_cast %swap3A_677 : vector<1x1x768xi32> to vector<1x768xi32>
    %swap3A_679 = vector.shape_cast %convert_element_type3A_673 : vector<1x768xi32> to vector<1x1x768xi32>
    tpu.vector_store %arg6[%swap3A_674, %swap3A_675, %swap3A_676], %swap3A_679 {strides = array<i32>} : memref<1x1x768xi32, #tpu.memory_space<vmem>>, vector<1x1x768xi32>,
    %add3A_680 = arith.constant 5.120000e+04 : f32
    %add3A_681 = vector.broadcast %add3A_680 : f32 to vector<1x768xf32>
    %add3A_682 = arith.addf %add3A_672, %add3A_681 : vector<1x768xf32>
    %convert_element_type3A_683 = arith.fptosi %add3A_682 : vector<1x768xf32> to vector<1x768xi32>
    %swap3A_684 = arith.constant 0 : index
    %swap3A_685 = arith.constant 0 : index
    %swap3A_686 = arith.constant 0 : index
    %swap3A_687 = vector.load %arg7[%swap3A_684, %swap3A_685, %swap3A_686] : memref<1x1x768xi32, #tpu.memory_space<vmem>>, vector<1x1x768xi32>
    %swap3A_688 = vector.shape_cast %swap3A_687 : vector<1x1x768xi32> to vector<1x768xi32>
    %swap3A_689 = vector.shape_cast %convert_element_type3A_683 : vector<1x768xi32> to vector<1x1x768xi32>
    tpu.vector_store %arg7[%swap3A_684, %swap3A_685, %swap3A_686], %swap3A_689 {strides = array<i32>} : memref<1x1x768xi32, #tpu.memory_space<vmem>>, vector<1x1x768xi32>,
    %add3A_690 = arith.addf %dot_general3A_482, %slice3A_480 : vector<1x8xf32>
    %concatenate3A = tpu.concatenate %add3A_239, %add3A_466, %add3A_690, %add3A_239 in 1 : vector<1x8xf32>, vector<1x8xf32>, vector<1x8xf32>, vector<1x8xf32> -> vector<1x32xf32>
    %convert_element_type3A_691 = arith.fptosi %concatenate3A : vector<1x32xf32> to vector<1x32xi32>
    %swap3A_692 = arith.constant 0 : index
    %swap3A_693 = arith.constant 0 : index
    %swap3A_694 = arith.constant 0 : index
    %swap3A_695 = vector.load %arg8[%swap3A_692, %swap3A_693, %swap3A_694] : memref<1x1x32xi32, #tpu.memory_space<vmem>>, vector<1x1x32xi32>
    %swap3A_696 = vector.shape_cast %swap3A_695 : vector<1x1x32xi32> to vector<1x32xi32>
    %swap3A_697 = vector.shape_cast %convert_element_type3A_691 : vector<1x32xi32> to vector<1x1x32xi32>
    tpu.vector_store %arg8[%swap3A_692, %swap3A_693, %swap3A_694], %swap3A_697 {strides = array<i32>} : memref<1x1x32xi32, #tpu.memory_space<vmem>>, vector<1x1x32xi32>,
    return
  }
  func.func @transform_0(%arg0: i32) -> (i32, i32, i32) {
    %c0_i32 = arith.constant 0 : i32
    %c0_i32_0 = arith.constant 0 : i32
    %c0_i32_1 = arith.constant 0 : i32
    return %arg0, %c0_i32, %c0_i32_0 : i32, i32, i32
  }
  func.func @transform_1(%arg0: i32) -> (i32, i32, i32) {
    %c0_i32 = arith.constant 0 : i32
    %c0_i32_0 = arith.constant 0 : i32
    %c0_i32_1 = arith.constant 0 : i32
    return %arg0, %c0_i32, %c0_i32_0 : i32, i32, i32
  }
  func.func @transform_2(%arg0: i32) -> (i32, i32, i32) {
    %c0_i32 = arith.constant 0 : i32
    %c0_i32_0 = arith.constant 0 : i32
    %c0_i32_1 = arith.constant 0 : i32
    return %arg0, %c0_i32, %c0_i32_0 : i32, i32, i32
  }
  func.func @transform_3(%arg0: i32) -> (i32, i32, i32) {
    %c0_i32 = arith.constant 0 : i32
    %c0_i32_0 = arith.constant 0 : i32
    %c0_i32_1 = arith.constant 0 : i32
    return %arg0, %c0_i32, %c0_i32_0 : i32, i32, i32
  }
  func.func @transform_4(%arg0: i32) -> (i32, i32, i32) {
    %c0_i32 = arith.constant 0 : i32
    %c0_i32_0 = arith.constant 0 : i32
    %c0_i32_1 = arith.constant 0 : i32
    return %arg0, %c0_i32, %c0_i32_0 : i32, i32, i32
  }
  func.func @transform_5(%arg0: i32) -> (i32, i32, i32) {
    %c0_i32 = arith.constant 0 : i32
    %c0_i32_0 = arith.constant 0 : i32
    %c0_i32_1 = arith.constant 0 : i32
    return %arg0, %c0_i32, %c0_i32_0 : i32, i32, i32
  }
  func.func @transform_6(%arg0: i32) -> (i32, i32, i32) {
    %c0_i32 = arith.constant 0 : i32
    %c0_i32_0 = arith.constant 0 : i32
    %c0_i32_1 = arith.constant 0 : i32
    return %arg0, %c0_i32, %c0_i32_0 : i32, i32, i32
  }
  func.func @transform_7(%arg0: i32) -> (i32, i32, i32) {
    %c0_i32 = arith.constant 0 : i32
    %c0_i32_0 = arith.constant 0 : i32
    %c0_i32_1 = arith.constant 0 : i32
    return %arg0, %c0_i32, %c0_i32_0 : i32, i32, i32
  }
}

module attributes {stable_mosaic.version = 14 : i64} {
  func.func @mm_kernel(%arg0: i32, %arg1: memref<512x1xi32, #tpu.memory_space<vmem>>, %arg2: memref<512x1024xf32, #tpu.memory_space<vmem>>, %arg3: memref<512x256xf32, #tpu.memory_space<vmem>>, %arg4: memref<512x256xf32, #tpu.memory_space<vmem>>, %arg5: memref<1024x1024xf32, #tpu.memory_space<vmem>>, %arg6: memref<1024x256xf32, #tpu.memory_space<vmem>>, %arg7: memref<1024x256xf32, #tpu.memory_space<vmem>>, %arg8: memref<512x1024xf32, #tpu.memory_space<vmem>>) attributes {dimension_semantics = [#tpu.dimension_semantics<arbitrary>], iteration_bounds = array<i64: 100>, scalar_prefetch = 0 : i64, scratch_operands = 0 : i64, tpu.core_type = #tpu.core_type<tc>, window_params = [{transform_indices = @transform_0, window_bounds = array<i64: 512, 1>}, {transform_indices = @transform_1, window_bounds = array<i64: 512, 1024>}, {transform_indices = @transform_2, window_bounds = array<i64: 512, 256>}, {transform_indices = @transform_3, window_bounds = array<i64: 512, 256>}, {pipeline_mode = #tpu.pipeline_mode<synchronous>, transform_indices = @transform_4, window_bounds = array<i64: 1024, 1024>}, {pipeline_mode = #tpu.pipeline_mode<synchronous>, transform_indices = @transform_5, window_bounds = array<i64: 1024, 256>}, {pipeline_mode = #tpu.pipeline_mode<synchronous>, transform_indices = @transform_6, window_bounds = array<i64: 1024, 256>}, {transform_indices = @transform_7, window_bounds = array<i64: 512, 1024>}]} {
    %get3A = arith.constant 0 : index
    %get3A_0 = arith.constant 0 : index
    %get3A_1 = vector.load %arg1[%get3A, %get3A_0] : memref<512x1xi32, #tpu.memory_space<vmem>>, vector<512x1xi32>
    %get3A_2 = arith.constant 0 : index
    %get3A_3 = arith.constant 0 : index
    %get3A_4 = vector.load %arg2[%get3A_2, %get3A_3] : memref<512x1024xf32, #tpu.memory_space<vmem>>, vector<512x1024xf32>
    %get3A_5 = arith.constant 0 : index
    %get3A_6 = arith.constant 0 : index
    %get3A_7 = vector.load %arg5[%get3A_5, %get3A_6] : memref<1024x1024xf32, #tpu.memory_space<vmem>>, vector<1024x1024xf32>
    %dot_general3A = arith.constant dense<0.000000e+00> : vector<512x1024xf32>
    %dot_general3A_8 = tpu.matmul %get3A_4, %get3A_7, %dot_general3A {dimension_numbers = #tpu.dot_dimension_numbers<[1], [1], [0], [0], [0, 0, 1, 0], [], []>, transpose_lhs_hint = false} : vector<512x1024xf32>, vector<1024x1024xf32>, vector<512x1024xf32> -> vector<512x1024xf32>
    %get3A_9 = arith.constant 0 : index
    %get3A_10 = arith.constant 0 : index
    %get3A_11 = vector.load %arg3[%get3A_9, %get3A_10] : memref<512x256xf32, #tpu.memory_space<vmem>>, vector<512x256xf32>
    %get3A_12 = arith.constant 0 : index
    %get3A_13 = arith.constant 0 : index
    %get3A_14 = vector.load %arg6[%get3A_12, %get3A_13] : memref<1024x256xf32, #tpu.memory_space<vmem>>, vector<1024x256xf32>
    %dot_general3A_15 = arith.constant dense<0.000000e+00> : vector<512x1024xf32>
    %dot_general3A_16 = tpu.matmul %get3A_11, %get3A_14, %dot_general3A_15 {dimension_numbers = #tpu.dot_dimension_numbers<[1], [1], [0], [0], [0, 0, 1, 0], [], []>, transpose_lhs_hint = false} : vector<512x256xf32>, vector<1024x256xf32>, vector<512x1024xf32> -> vector<512x1024xf32>
    %get3A_17 = arith.constant 0 : index
    %get3A_18 = arith.constant 0 : index
    %get3A_19 = vector.load %arg4[%get3A_17, %get3A_18] : memref<512x256xf32, #tpu.memory_space<vmem>>, vector<512x256xf32>
    %get3A_20 = arith.constant 0 : index
    %get3A_21 = arith.constant 0 : index
    %get3A_22 = vector.load %arg7[%get3A_20, %get3A_21] : memref<1024x256xf32, #tpu.memory_space<vmem>>, vector<1024x256xf32>
    %dot_general3A_23 = arith.constant dense<0.000000e+00> : vector<512x1024xf32>
    %dot_general3A_24 = tpu.matmul %get3A_19, %get3A_22, %dot_general3A_23 {dimension_numbers = #tpu.dot_dimension_numbers<[1], [1], [0], [0], [0, 0, 1, 0], [], []>, transpose_lhs_hint = false} : vector<512x256xf32>, vector<1024x256xf32>, vector<512x1024xf32> -> vector<512x1024xf32>
    %lt3A = arith.constant 20000 : i32
    %lt3A_25 = vector.broadcast %lt3A : i32 to vector<512x1xi32>
    %lt3A_26 = arith.cmpi slt, %get3A_1, %lt3A_25 : vector<512x1xi32>
    %ge3A = arith.constant 20000 : i32
    %ge3A_27 = vector.broadcast %ge3A : i32 to vector<512x1xi32>
    %ge3A_28 = arith.cmpi sge, %get3A_1, %ge3A_27 : vector<512x1xi32>
    %lt3A_29 = arith.constant 60000 : i32
    %lt3A_30 = vector.broadcast %lt3A_29 : i32 to vector<512x1xi32>
    %lt3A_31 = arith.cmpi slt, %get3A_1, %lt3A_30 : vector<512x1xi32>
    %and3A = arith.andi %ge3A_28, %lt3A_31 : vector<512x1xi1>
    %broadcast_in_dim3A = vector.shape_cast %and3A : vector<512x1xi1> to vector<512x1xi1>
    %broadcast_in_dim3A_32 = vector.broadcast %broadcast_in_dim3A : vector<512x1xi1> to vector<512x1024xi1>
    %select_n3A = arith.select %broadcast_in_dim3A_32, %dot_general3A_16, %dot_general3A_24 : vector<512x1024xi1>, vector<512x1024xf32>
    %broadcast_in_dim3A_33 = vector.shape_cast %lt3A_26 : vector<512x1xi1> to vector<512x1xi1>
    %broadcast_in_dim3A_34 = vector.broadcast %broadcast_in_dim3A_33 : vector<512x1xi1> to vector<512x1024xi1>
    %select_n3A_35 = arith.select %broadcast_in_dim3A_34, %dot_general3A_8, %select_n3A : vector<512x1024xi1>, vector<512x1024xf32>
    %mul3A = arith.constant 3.200000e+01 : f32
    %mul3A_36 = vector.broadcast %mul3A : f32 to vector<512x1024xf32>
    %mul3A_37 = arith.mulf %mul3A_36, %select_n3A_35 : vector<512x1024xf32>
    %swap3A = arith.constant 0 : index
    %swap3A_38 = arith.constant 0 : index
    %swap3A_39 = vector.load %arg8[%swap3A, %swap3A_38] : memref<512x1024xf32, #tpu.memory_space<vmem>>, vector<512x1024xf32>
    tpu.vector_store %arg8[%swap3A, %swap3A_38], %mul3A_37 {strides = array<i32>} : memref<512x1024xf32, #tpu.memory_space<vmem>>, vector<512x1024xf32>,
    return
  }
  func.func @transform_0(%arg0: i32) -> (i32, i32) {
    %c0_i32 = arith.constant 0 : i32
    %c0_i32_0 = arith.constant 0 : i32
    return %arg0, %c0_i32 : i32, i32
  }
  func.func @transform_1(%arg0: i32) -> (i32, i32) {
    %c0_i32 = arith.constant 0 : i32
    %c0_i32_0 = arith.constant 0 : i32
    return %arg0, %c0_i32 : i32, i32
  }
  func.func @transform_2(%arg0: i32) -> (i32, i32) {
    %c0_i32 = arith.constant 0 : i32
    %c0_i32_0 = arith.constant 0 : i32
    return %arg0, %c0_i32 : i32, i32
  }
  func.func @transform_3(%arg0: i32) -> (i32, i32) {
    %c0_i32 = arith.constant 0 : i32
    %c0_i32_0 = arith.constant 0 : i32
    return %arg0, %c0_i32 : i32, i32
  }
  func.func @transform_4(%arg0: i32) -> (i32, i32) {
    %c0_i32 = arith.constant 0 : i32
    %c0_i32_0 = arith.constant 0 : i32
    %c0_i32_1 = arith.constant 0 : i32
    return %c0_i32, %c0_i32_0 : i32, i32
  }
  func.func @transform_5(%arg0: i32) -> (i32, i32) {
    %c0_i32 = arith.constant 0 : i32
    %c0_i32_0 = arith.constant 0 : i32
    %c0_i32_1 = arith.constant 0 : i32
    return %c0_i32, %c0_i32_0 : i32, i32
  }
  func.func @transform_6(%arg0: i32) -> (i32, i32) {
    %c0_i32 = arith.constant 0 : i32
    %c0_i32_0 = arith.constant 0 : i32
    %c0_i32_1 = arith.constant 0 : i32
    return %c0_i32, %c0_i32_0 : i32, i32
  }
  func.func @transform_7(%arg0: i32) -> (i32, i32) {
    %c0_i32 = arith.constant 0 : i32
    %c0_i32_0 = arith.constant 0 : i32
    return %arg0, %c0_i32 : i32, i32
  }
}

</mosaic_0001>

<sc_bundles>
// kernel: branch_0_fun.3.cloned.1.call-start
scs
__scs_entry_jumppad:
0x0: {  	(pc) =	sbr.rel $0x88, $3  }
0x1: {  	(tag) =	ssettag $0x0;
	lr =	simm.s32 $0x1  }
0x2: {  	[smem:$0x3F9A] =	sst lr;
	_ =	strace $0xD0000000  }
0x3: {  	_ = 	snop  }
0x4: {  	_ = 	snop  }
0x5: {  	_ = 	snop  }
0x6: {  	_ = 	snop  }
0x7: {  	_ = 	snop  }
__scs_overlays_trampoline_lowered:
0x8: {  	[smem:$0x3FA9] =	sst s0  }
0x9: {  	[smem:$0x3FAA] =	sst s1  }
0xa: {  	[smem:$0x3FAB] =	sst s2  }
0xb: {  	[smem:$0x3FAC] =	sst s3  }
0xc: {  	[smem:$0x3FAD] =	sst s4  }
0xd: {  	[smem:$0x3FAE] =	sst s5  }
0xe: {  	[smem:$0x3FAF] =	sst s6  }
0xf: {  	[smem:$0x3FB0] =	sst s7  }
0x10: {  	[smem:$0x3FB1] =	sst s8  }
0x11: {  	[smem:$0x3FB2] =	sst s9;
	s0 =	simm.s32 @!p0 $0x0  }
0x12: {  	s1 =	sld [smem:$0x3F98];
	s0 =	simm.s32 @p0 $0x1  }
0x13: {  	[smem:$0x3FB3] =	sst s0;
	s0 =	simm.s32 @!p1 $0x0  }
0x14: {  	s2 =	sld [smem:$0x3F97];
	s0 =	simm.s32 @p1 $0x1  }
0x15: {  	[smem:$0x3FB4] =	sst s0;
	s0 =	simm.s32 @!p2 $0x0  }
0x16: {  	s3 =	sld [smem:$0x3FDB];
	s0 =	simm.s32 @p2 $0x1  }
0x17: {  	s4 =	simm.s32 $0x1BF5;
	[smem:$0x3FB6] =	sst s0  }
0x18: {  	s0 =	sld [smem:$0x3F99];
	_ =	swait.ge [sflag:s4], $0x0  }
0x19: {  	s7 =	sld [smem:$0x3F9A]  }
0x1a: {  	s8 =	sadd.s32 $0xFFFFE003, lr  }
0x1b: {  	s9 =	sadd.s32 $0xFFFFFEF7, lr;
	s5 =	simm.s32 $0xFFFFFFFF;
	p2 =	slt.u32 s8, $0xFFFFF086  }
0x1c: {  	p1 =	slt.u32 s9, $0xF7A;
	s5 =	simm.s32 @!p2 $0x0  }
0x1d: {  	s5 =	simm.s32 @p1 $0x1;
	p0 =	seq.s32 s7, s2  }
0x1e: {  	s7 =	smul.u32 @!p0 $0xF7A, s2;
	p2 =	seq.s32 @!p0 s5, $0x0  }
0x1f: {  	s9 =	smul.u32 $0xF7A, s1;
	s8 =	simm.s32 @!p0 $0x1BF5;
	p2 =	por !p2, p0  }
0x20: {  	[sflag:s8] =	ssyncset.s32 @!p0 $0xFFFFF086;
	s6 =	sadd.s32 @!p0 s3, s7;
	s7 =	simm.s32 @!p0 $0x108  }
0x21: {  	s3 =	sadd.s32 s3, s9;
	s6 =	sadd.s32 @!p0 $0x88, s6;
	s7 =	simm.s32 @p2 $0x1082  }
0x22: {  	[simem:s7], [sflag:s8] =	dma.local @!p0 [hbm:s6], $0xF7A  }
0x23: {  	s9 =	sor.u32 $0xD0000000, s2;
	s6 =	simm.s32 $0x108;
	_ =	swait.ge @!p0 [sflag:s8], $0x0  }
0x24: {  	s3 =	sadd.s32 $0x88, s3;
	s6 =	simm.s32 @!p1 $0x1082;
	[sflag:s4] =	ssyncset.s32 $0xFFFFF086  }
0x25: {  	[simem:s6], [sflag:s4] =	dma.local [hbm:s3], $0xF7A  }
0x26: {  	[smem:$0x3F9A] =	sst s1;
	(tag) =	ssettag s2;
	_ =	strace s9  }
0x27: {  	s1 =	sld [smem:$0x3FAA]  }
0x28: {  	s2 =	sld [smem:$0x3FAB]  }
0x29: {  	s4 =	sld [smem:$0x3FAD]  }
0x2a: {  	p0 =	seq.s32 s5, $0x0;
	s5 =	sld [smem:$0x3FAE]  }
0x2b: {  	s6 =	sld [smem:$0x3FAF]  }
0x2c: {  	s7 =	sld [smem:$0x3FB0]  }
0x2d: {  	s3 =	simm.s32 $0x108;
	s8 =	sld [smem:$0x3FB1]  }
0x2e: {  	s3 =	simm.s32 @!p0 $0x1082;
	s9 =	sld [smem:$0x3FB2]  }
0x2f: {  	lr =	sadd.s32 s0, s3;
	s0 =	sld [smem:$0x3FA9]  }
0x30: {  	s3 =	sld [smem:$0x3FAC]  }
0x31: {  	[smem:$0x3FB5] =	sst s10  }
0x32: {  	s10 =	sld [smem:$0x3FB3];
	_ =	sdelay $0x3  }
0x33: {  	p0 =	seq.s32 s10, $0x1;
	s10 =	sld [smem:$0x3FB5];
	_ =	sdelay $0x3  }
0x34: {  	[smem:$0x3FB5] =	sst s10  }
0x35: {  	s10 =	sld [smem:$0x3FB4];
	_ =	sdelay $0x3  }
0x36: {  	p1 =	seq.s32 s10, $0x1;
	s10 =	sld [smem:$0x3FB5];
	_ =	sdelay $0x3  }
0x37: {  	[smem:$0x3FB5] =	sst s10  }
0x38: {  	s10 =	sld [smem:$0x3FB6]  }
0x39: {  	_ = 	snop;
	(pc) =	sbr.ind lr, $3  }
0x3a: {  	_ = 	snop  }
0x3b: {  	_ = 	snop  }
0x3c: {  	p2 =	seq.s32 s10, $0x1;
	s10 =	sld [smem:$0x3FB5]  }
0x3d: {  	_ =	shalt  }
0x3e: {  	_ =	shalt  }
0x3f: {  	_ =	shalt  }
0x40: {  	_ =	shalt  }
0x41: {  	_ =	shalt  }
0x42: {  	_ =	shalt  }
0x43: {  	_ =	shalt  }
0x44: {  	_ =	shalt  }
0x45: {  	_ =	shalt  }
0x46: {  	_ =	shalt  }
0x47: {  	_ =	shalt  }
0x48: {  	_ =	shalt  }
0x49: {  	_ =	shalt  }
0x4a: {  	_ =	shalt  }
0x4b: {  	_ =	shalt  }
0x4c: {  	_ =	shalt  }
0x4d: {  	_ =	shalt  }
0x4e: {  	_ =	shalt  }
0x4f: {  	_ =	shalt  }
0x50: {  	_ =	shalt  }
0x51: {  	_ =	shalt  }
0x52: {  	_ =	shalt  }
0x53: {  	_ =	shalt  }
0x54: {  	_ =	shalt  }
0x55: {  	_ =	shalt  }
0x56: {  	_ =	shalt  }
0x57: {  	_ =	shalt  }
0x58: {  	_ =	shalt  }
0x59: {  	_ =	shalt  }
0x5a: {  	_ =	shalt  }
0x5b: {  	_ =	shalt  }
0x5c: {  	_ =	shalt  }
0x5d: {  	_ =	shalt  }
0x5e: {  	_ =	shalt  }
0x5f: {  	_ =	shalt  }
0x60: {  	_ =	shalt  }
0x61: {  	_ =	shalt  }
0x62: {  	_ =	shalt  }
0x63: {  	_ =	shalt  }
0x64: {  	_ =	shalt  }
0x65: {  	_ =	shalt  }
0x66: {  	_ =	shalt  }
0x67: {  	_ =	shalt  }
0x68: {  	_ =	shalt  }
0x69: {  	_ =	shalt  }
0x6a: {  	_ =	shalt  }
0x6b: {  	_ =	shalt  }
0x6c: {  	_ =	shalt  }
0x6d: {  	_ =	shalt  }
0x6e: {  	_ =	shalt  }
0x6f: {  	_ =	shalt  }
0x70: {  	_ =	shalt  }
0x71: {  	_ =	shalt  }
0x72: {  	_ =	shalt  }
0x73: {  	_ =	shalt  }
0x74: {  	_ =	shalt  }
0x75: {  	_ =	shalt  }
0x76: {  	_ =	shalt  }
0x77: {  	_ =	shalt  }
0x78: {  	_ =	shalt  }
0x79: {  	_ =	shalt  }
0x7a: {  	_ =	shalt  }
0x7b: {  	_ =	shalt  }
0x7c: {  	_ =	shalt  }
0x7d: {  	_ =	shalt  }
0x7e: {  	_ =	shalt  }
0x7f: {  	_ =	shalt  }
0x80: {  	_ =	shalt  }
0x81: {  	_ =	shalt  }
0x82: {  	_ =	shalt  }
0x83: {  	_ =	shalt  }
0x84: {  	_ =	shalt  }
0x85: {  	_ =	shalt  }
0x86: {  	_ =	shalt  }
0x87: {  	_ =	shalt  }
.Lfunc_end0:
.L_simem_size_0:
called_computation.1_lowered:
.L_overlay_start_0:
0x88: {  	s2 =	sld [smem:$0x3FD9]  }
0x89: {  	s3 =	sld [smem:$0x3FFE];
	_ =	sdelay $0x1  }
0x8a: {  	s1 =	srdreg.scid  }
0x8b: {  	s0 =	sand.u32 $0x1, s1  }
0x8c: {  	s17 =	sshll.u32 s0, $0xA;
	s2 =	sadd.s32 s3, s2  }
0x8d: {  	s2 =	sadd.s32 s2, s17  }
0x8e: {  	[smem:$0x3FC1] =	sst s2  }
0x8f: {  	_ = 	snop  }
0x90: {  	s2 =	sld [smem:$0x3FC8]  }
0x91: {  	s18 =	sld [smem:$0x3FC6]  }
0x92: {  	s4 =	sld [smem:$0x3FD0];
	(tm) =	ssettm $0x1  }
0x93: {  	s5 =	sld [smem:$0x3FFB];
	_ =	sdelay $0x3  }
0x94: {  	_ =	strace s5  }
0x95: {  	s5 =	sld [smem:$0x3FFC];
	_ =	sdelay $0x3  }
0x96: {  	_ =	strace s5  }
0x97: {  	s5 =	sld [smem:$0x3FFD];
	_ =	sdelay $0x3  }
0x98: {  	_ =	strace s5  }
0x99: {  	_ =	strace $0x8FFFFFFF  }
0x9a: {  	s19 =	sld [smem:$0x3FDB];
	_ =	sdelay $0x1  }
0x9b: {  	s6 =	simm.s32 $_scs_section_size  }
0x9c: {  	s7 =	simm.s32 $_size__tile_overlayer_lowered;
	s8 =	simm.s32 $_tile_overlayer_lowered  }
0x9d: {  	s22 =	simm.s32 $0x1BFF;
	s21 =	sshll.u32 s8, $0x1;
	s5 =	sadd.s32 s6, s19  }
0x9e: {  	s9 =	simm.s32 $0x0;
	s20 =	sshll.u32 s7, $0x1;
	s7 =	sadd.s32 s21, s5  }
0x9f: {  	[timem:s9], [sflag:s22] =	dma.local [hbm:s7], s20  }
0xa0: {  	_ =	swait.ge [sflag:s22], s20  }
0xa1: {  	s6 =	ssub.s32 $0x0, s20;
	[sflag:s22] =	ssyncset.done $0x0  }
0xa2: {  	[sflag:s22] =	ssyncadd.s32 s6;
	_ =	sdelay $0x1  }
0xa3: {  	s23 =	simm.s32 $0x1B8B  }
0xa4: {  	_ =	swait.ge [sflag:s23], $0x1  }
0xa5: {  	[sflag:s23] =	ssyncset.done $0x0  }
0xa6: {  	s25 =	simm.s32 $0x1B8E;
	s24 =	sld [smem:$0x3FFE];
	[sflag:s23] =	ssyncadd.s32 $0xFFFFFFFF  }
0xa7: {  	s26 =	simm.s32 $execute0_lowered;
	[smem:$0x3FD2] =	sst s25  }
0xa8: {  	s7 =	sshll.u32 s26, $0x1;
	_ =	strace $0x80000046;
	[dreg:$0x1] =	wrdreg $0xFFFFFFFF  }
0xa9: {  	s28 =	simm.s32 $_size_execute0_lowered;
	s5 =	sadd.s32 s5, s7;
	[dreg:$0x0] =	wrdreg $0x0  }
0xaa: {  	s7 =	sshll.u32 s28, $0x1;
	[dreg:$0x2] =	wrdreg s5  }
0xab: {  	[dreg:$0x3] =	wrdreg s7  }
0xac: {  	[dreg:$0x4] =	wrdreg $0xC0  }
0xad: {  	_ =	task [dreg:s9], $0x5FFFF  }
0xae: {  	[dreg:$0x1] =	wrdreg $0xFFFFFFFF  }
0xaf: {  	[dreg:$0x0] =	wrdreg $0x60  }
0xb0: {  	[dreg:$0x2] =	wrdreg s24  }
0xb1: {  	[dreg:$0x3] =	wrdreg s2  }
0xb2: {  	[dreg:$0x4] =	wrdreg s18  }
0xb3: {  	[dreg:$0x5] =	wrdreg s4  }
0xb4: {  	[dreg:$0x6] =	wrdreg $0x9  }
0xb5: {  	_ =	task.clear_ibuf [dreg:s9], $0x7FFFF;
	_ =	strace $0x90000046  }
0xb6: {  	s29 =	simm.s32 $0x9;
	_ =	strace $0x80000048  }
0xb7: {  	_ =	swait.ge [sflag:s29], $0x1  }
0xb8: {  	[sflag:s29] =	ssyncadd.s32 $0xFFFFFFFF  }
0xb9: {  	_ =	strace $0x90000048  }
0xba: {  	_ =	sfence  }
0xbb: {  	s30 =	sld [smem:$0x0];
	_ =	sdelay $0x2  }
0xbc: {  	s31 =	sshll.u32 s1, $0xD;
	s1 =	sshrl.u32 s1, $0x2  }
0xbd: {  	s3 =	sand.u32 $0x4000, s31;
	s1 =	sadd.s32 s1, s30  }
0xbe: {  	s0 =	sor.u32 s3, s0;
	s1 =	sshll.u32 s1, $0x11  }
0xbf: {  	s0 =	sor.u32 s1, s0  }
0xc0: {  	s0 =	sadd.s32 $0x8F2B, s0  }
0xc1: {  	[sflag:s0] =	ssyncadd.remote.s32 $0x1  }
0xc2: {  	_ =	sfence.sel $0xFFFF  }
0xc3: {  	[dreg:$0x0] =	wrdreg $0xFFFFFFFF;
	(pc) =	sbr.abs _section_cstart, $3  }
0xc4: {  	[dreg:$0x1] =	wrdreg $0xFFFFFFFF  }
0xc5: {  	_ =	task.clear_ibuf [dreg:s9], $0x2FFFF;
	_ =	strace $0x9FFFFFFF  }
0xc6: {  	(tm) =	ssettm $0x7FFFFFFF  }
0xc7: {  	_ =	shalt  }
tec
execute0_lowered:
.L_overlay_start_1:
0x0: {  	(tag) =	ssettag $0x1  }
0x1: {  	s0 =	rddreg [dreg:$0x0]  }
0x2: {  	s1 =	rddreg [dreg:$0x1];
	s2 =	srdreg.scid  }
0x3: {  	s4 =	stileid.u32;
	s31 =	simm.s32 $0x9680;
	s25 =	simm.s32 $0x9E80  }
0x4: {  	s19 =	simm.s32 $0xAE80;
	s18 =	simm.s32 $0xB680;
	s20 =	simm.s32 $0xBE80  }
0x5: {  	s21 =	simm.s32 $0xC680;
	s23 =	simm.s32 $0xCE80;
	s3 =	simm.s32 $0xE680  }
0x6: {  	s22 =	simm.s32 $0xEE80;
	s24 =	simm.s32 $0x10680;
	s17 =	simm.s32 $0x4  }
0x7: {  	s2 =	sand.u32 $0x1, s2;
	s5 =	sshll.u32 s4, $0x1;
	s7 =	sadd.s32 $0x719000, s0  }
0x8: {  	s8 =	sadd.s32 $0x8A9200, s0;
	s11 =	sadd.s32 $0x100, s1;
	s12 =	sadd.s32 $0x200, s1  }
0x9: {  	s13 =	sadd.s32 $0x300, s1;
	s14 =	sadd.s32 $0xD8D00, s0;
	s15 =	sadd.s32 $0xD8E00, s0  }
0xa: {  	s16 =	sadd.s32 $0xD8F00, s0;
	s4 =	simm.s32 $0xD680;
	s1 =	simm.s32 $0x0  }
0xb: {  	s6 =	sor.u32 s2, s5;
	s5 =	simm.s32 $0x0;
	s2 =	ssub.s32 $0x2, s2  }
0xc: {  	s6 =	smul.u32 $0xC8, s6;
	[smem:$0x7FF] =	sst s5;
	s10 =	sshrl.u32 s2, $0x1  }
.Ltmp0:
0xd: {  	_ =	strace $0x80000047;
	s2 =	ssub.s32 s2, s10;
	(pc) =	sbr.rel .LBB2_1-.Ltmp0, $4  }
0xe: {  	s10 =	simm.s32 $0x2;
	s9 =	sadd.s32 s6, s0;
	s30 =	smax.u32 s2, $0x1  }
0xf: {  	v2 =	vlaneseq.u32;
	s6 =	sadd.s32 $0xD8C00, s0;
	s29 =	sadd.s32 $0xD4800, s9;
	[dreg:$0x7] =	wrdreg s30  }
0x10: {  	vm0 =	vmmov $0xffff;
	v1 =	vshrl.u32 v2, $0x3;
	s0 =	simm.s32 $0xA680;
	s9 =	sadd.s32 $0xD6200, s9;
	[dreg:$0x5] =	wrdreg s29  }
0x11: {  	v0 =	vand.u32 $0x7, v2;
	v2 =	vor.u32 $0x8, v2;
	v1 =	vmul.u32 $0x8, v1;
	s2 =	simm.s32 $0xDE80;
	[dreg:$0x6] =	wrdreg s9;
	s9 =	simm.s32 $0x1  }
.LBB2_12:
0x12: {  	s1 =	simm.s32 $0x3  }
0x13: {  	_ =	swait.ge [sflag:s1], $0x2000  }
0x14: {  	[sflag:s1] =	ssyncset.done $0x0  }
0x15: {  	[sflag:s1] =	ssyncadd.s32 $0xFFFFE000  }
0x16: {  	_ =	swait.ge [sflag:s17], $0x2000  }
0x17: {  	s30 =	rddreg [dreg:$0x8]  }
0x18: {  	s28 =	rddreg [dreg:$0x7];
	s1 =	sadd.s32 $0x1, s30  }
0x19: {  	p0 =	sne.s32 s1, s28  }
.Ltmp1:
0x1a: {  	_ = 	snop;
	(pc) =	sbr.rel @!p0 .LBB2_13-.Ltmp1, $4  }
0x1b: {  	_ = 	snop  }
0x1c: {  	s2 =	simm.s32 $0xDE80;
	s3 =	simm.s32 $0xE680;
	s4 =	simm.s32 $0xD680  }
0x1d: {  	s22 =	simm.s32 $0xEE80;
	s23 =	simm.s32 $0xCE80;
	[sflag:s17] =	ssyncset.done $0x0  }
0x1e: {  	s24 =	simm.s32 $0x10680;
	s25 =	simm.s32 $0x9E80;
	[sflag:s17] =	ssyncadd.s32 $0xFFFFE000  }
.LBB2_1:
0x1f: {  	[dreg:$0x8] =	wrdreg s1  }
0x20: {  	s28 =	rddreg [dreg:$0x5];
	s29 =	simm.s32 $0x5  }
0x21: {  	[tilespmem:s5], [sflag:$0x5] =	stream.linear.gather [hbm4b:s28+s5], $0x640, $0x38;
	[tilespmem:$0x18E80] =	vst v63  }
0x22: {  	_ =	swait.ge [sflag:s29], $0x640  }
0x23: {  	[sflag:s29] =	ssyncset.done $0x0  }
0x24: {  	s30 =	simm.s32 $0x680;
	s28 =	rddreg [dreg:$0x6];
	[sflag:s29] =	ssyncadd.s32 $0xFFFFF9C0  }
0x25: {  	[tilespmem:s30], [sflag:$0x5] =	stream.linear.gather [hbm4b:s28+s5], $0x640, $0x38;
	[tilespmem:$0x18E80] =	vst v63  }
0x26: {  	_ =	swait.ge [sflag:s29], $0x640  }
0x27: {  	[sflag:s29] =	ssyncset.done $0x0  }
0x28: {  	[sflag:s29] =	ssyncadd.s32 $0xFFFFF9C0  }
0x29: {  	v3 =	vld [tilespmem:$0x0];
	_ =	sdelay $0x4  }
0x2a: {  	vm1 =	vlt.s32 v3, $0x4E20  }
0x2b: {  	v3 =	vnsel vm1, $0x0, v3  }
0x2c: {  	[tilespmem:$0xD00] =	vst v3  }
0x2d: {  	v3 =	vld [tilespmem:$0xD00];
	_ =	sdelay $0x4  }
0x2e: {  	v4 =	vshll.u32 v3, $0x3  }
0x2f: {  	v5 =	vld [tilespmem:$0x10];
	v3 =	vand.u32 $0x7, v3;
	v4 =	vand.u32 $0xFFFFFFC0, v4  }
0x30: {  	v6 =	vld [tilespmem:$0x680];
	v3 =	vor.u32 v3, v4  }
0x31: {  	v7 =	vld [tilespmem:$0x690];
	v4 =	vperm.xlane v3, v0;
	_ =	sdelay $0x1  }
0x32: {  	v4 =	vadd.s32 v1, v4;
	_ =	sdelay $0x1  }
0x33: {  	[tilespmem:$0xD80] =	vst v6;
	vm1 =	vlt.s32 v5, $0x4E20  }
0x34: {  	[tilespmem:$0xD90] =	vst v7;
	v5 =	vnsel vm1, $0x0, v5  }
0x35: {  	s26 =	simm.s32 $0xE80;
	s29 =	rddreg [dreg:$0x1];
	[tilespmem:$0xD10] =	vst v5  }
0x36: {  	[tilespmem:s26], [sflag:$0x1] =	stream.indirect_vreg.gather [hbm4b:s29+s5], $0x80, v4, vm0, $0xb8;
	[tilespmem:$0x18E80] =	vst v63  }
0x37: {  	s28 =	simm.s32 $0x1680;
	v3 =	vperm.xlane v3, v2  }
0x38: {  	[tilespmem:s28], [sflag:$0x1] =	stream.indirect_vreg.gather [hbm4b:s11+s5], $0x80, v4, vm0, $0xb8;
	[tilespmem:$0x18E80] =	vst v63  }
0x39: {  	v3 =	vadd.s32 v1, v3;
	s28 =	simm.s32 $0x1E80  }
0x3a: {  	[tilespmem:s28], [sflag:$0x1] =	stream.indirect_vreg.gather [hbm4b:s12+s5], $0x80, v4, vm0, $0xb8;
	[tilespmem:$0x18E80] =	vst v63  }
0x3b: {  	s28 =	simm.s32 $0x2680  }
0x3c: {  	[tilespmem:s28], [sflag:$0x1] =	stream.indirect_vreg.gather [hbm4b:s13+s5], $0x80, v4, vm0, $0xb8;
	[tilespmem:$0x18E80] =	vst v63  }
0x3d: {  	s28 =	simm.s32 $0x2E80  }
0x3e: {  	[tilespmem:s28], [sflag:$0x1] =	stream.indirect_vreg.gather [hbm4b:s29+s5], $0x80, v3, vm0, $0xb8;
	[tilespmem:$0x18E80] =	vst v63  }
0x3f: {  	s28 =	simm.s32 $0x3680  }
0x40: {  	[tilespmem:s28], [sflag:$0x1] =	stream.indirect_vreg.gather [hbm4b:s11+s5], $0x80, v3, vm0, $0xb8;
	[tilespmem:$0x18E80] =	vst v63  }
0x41: {  	s28 =	simm.s32 $0x3E80  }
0x42: {  	[tilespmem:s28], [sflag:$0x1] =	stream.indirect_vreg.gather [hbm4b:s12+s5], $0x80, v3, vm0, $0xb8;
	[tilespmem:$0x18E80] =	vst v63  }
0x43: {  	s28 =	simm.s32 $0x4680  }
0x44: {  	[tilespmem:s28], [sflag:$0x1] =	stream.indirect_vreg.gather [hbm4b:s13+s5], $0x80, v3, vm0, $0xb8;
	[tilespmem:$0x18E80] =	vst v63  }
0x45: {  	v3 =	vld [tilespmem:$0xD10];
	_ =	sdelay $0x4  }
0x46: {  	v58 =	vshll.u32 v3, $0x3  }
0x47: {  	v3 =	vand.u32 $0x7, v3;
	v4 =	vand.u32 $0xFFFFFFC0, v58  }
0x48: {  	v3 =	vor.u32 v3, v4  }
0x49: {  	v4 =	vperm.xlane v3, v0;
	_ =	sdelay $0x1  }
0x4a: {  	v4 =	vadd.s32 v1, v4;
	_ =	sdelay $0x3  }
0x4b: {  	s28 =	simm.s32 $0x4E80  }
0x4c: {  	[tilespmem:s28], [sflag:$0x1] =	stream.indirect_vreg.gather [hbm4b:s29+s5], $0x80, v4, vm0, $0xb8;
	[tilespmem:$0x18E80] =	vst v63  }
0x4d: {  	v3 =	vperm.xlane v3, v2;
	s28 =	simm.s32 $0x5680  }
0x4e: {  	[tilespmem:s28], [sflag:$0x1] =	stream.indirect_vreg.gather [hbm4b:s11+s5], $0x80, v4, vm0, $0xb8;
	[tilespmem:$0x18E80] =	vst v63  }
0x4f: {  	v3 =	vadd.s32 v1, v3;
	s28 =	simm.s32 $0x5E80  }
0x50: {  	[tilespmem:s28], [sflag:$0x1] =	stream.indirect_vreg.gather [hbm4b:s12+s5], $0x80, v4, vm0, $0xb8;
	[tilespmem:$0x18E80] =	vst v63  }
0x51: {  	s28 =	simm.s32 $0x6680  }
0x52: {  	[tilespmem:s28], [sflag:$0x1] =	stream.indirect_vreg.gather [hbm4b:s13+s5], $0x80, v4, vm0, $0xb8;
	[tilespmem:$0x18E80] =	vst v63  }
0x53: {  	s28 =	simm.s32 $0x6E80  }
0x54: {  	[tilespmem:s28], [sflag:$0x1] =	stream.indirect_vreg.gather [hbm4b:s29+s5], $0x80, v3, vm0, $0xb8;
	[tilespmem:$0x18E80] =	vst v63  }
0x55: {  	s28 =	simm.s32 $0x7680  }
0x56: {  	[tilespmem:s28], [sflag:$0x1] =	stream.indirect_vreg.gather [hbm4b:s11+s5], $0x80, v3, vm0, $0xb8;
	[tilespmem:$0x18E80] =	vst v63  }
0x57: {  	s28 =	simm.s32 $0x7E80  }
0x58: {  	[tilespmem:s28], [sflag:$0x1] =	stream.indirect_vreg.gather [hbm4b:s12+s5], $0x80, v3, vm0, $0xb8;
	[tilespmem:$0x18E80] =	vst v63  }
0x59: {  	s28 =	simm.s32 $0x8680  }
0x5a: {  	[tilespmem:s28], [sflag:$0x1] =	stream.indirect_vreg.gather [hbm4b:s13+s5], $0x80, v3, vm0, $0xb8;
	[tilespmem:$0x18E80] =	vst v63  }
0x5b: {  	v3 =	vld [tilespmem:$0x20];
	_ =	sdelay $0x4  }
0x5c: {  	vm1 =	vlt.s32 v3, $0x4E20  }
0x5d: {  	v3 =	vnsel vm1, $0x0, v3  }
0x5e: {  	[tilespmem:$0xD20] =	vst v3  }
0x5f: {  	v3 =	vld [tilespmem:$0xD20];
	_ =	sdelay $0x4  }
0x60: {  	v59 =	vshll.u32 v3, $0x3  }
0x61: {  	v60 =	vld [tilespmem:$0x30];
	v3 =	vand.u32 $0x7, v3;
	v4 =	vand.u32 $0xFFFFFFC0, v59  }
0x62: {  	v61 =	vld [tilespmem:$0x6A0];
	v3 =	vor.u32 v3, v4  }
0x63: {  	v62 =	vld [tilespmem:$0x6B0];
	v4 =	vperm.xlane v3, v0;
	_ =	sdelay $0x1  }
0x64: {  	v4 =	vadd.s32 v1, v4;
	_ =	sdelay $0x1  }
0x65: {  	[tilespmem:$0xE00] =	vst v61;
	vm1 =	vlt.s32 v60, $0x4E20  }
0x66: {  	[tilespmem:$0xE10] =	vst v62;
	v5 =	vnsel vm1, $0x0, v60  }
0x67: {  	s28 =	simm.s32 $0x8E80;
	[tilespmem:$0xD30] =	vst v5  }
0x68: {  	[tilespmem:s28], [sflag:$0x2] =	stream.indirect_vreg.gather [hbm4b:s29+s5], $0x80, v4, vm0, $0xb8;
	[tilespmem:$0x18E80] =	vst v63  }
0x69: {  	v3 =	vperm.xlane v3, v2  }
0x6a: {  	[tilespmem:s31], [sflag:$0x2] =	stream.indirect_vreg.gather [hbm4b:s11+s5], $0x80, v4, vm0, $0xb8;
	[tilespmem:$0x18E80] =	vst v63  }
0x6b: {  	v3 =	vadd.s32 v1, v3  }
0x6c: {  	[tilespmem:s25], [sflag:$0x2] =	stream.indirect_vreg.gather [hbm4b:s12+s5], $0x80, v4, vm0, $0xb8;
	[tilespmem:$0x18E80] =	vst v63  }
0x6d: {  	_ = 	snop  }
0x6e: {  	[tilespmem:s0], [sflag:$0x2] =	stream.indirect_vreg.gather [hbm4b:s13+s5], $0x80, v4, vm0, $0xb8;
	[tilespmem:$0x18E80] =	vst v63  }
0x6f: {  	_ = 	snop  }
0x70: {  	[tilespmem:s19], [sflag:$0x2] =	stream.indirect_vreg.gather [hbm4b:s29+s5], $0x80, v3, vm0, $0xb8;
	[tilespmem:$0x18E80] =	vst v63  }
0x71: {  	_ = 	snop  }
0x72: {  	[tilespmem:s18], [sflag:$0x2] =	stream.indirect_vreg.gather [hbm4b:s11+s5], $0x80, v3, vm0, $0xb8;
	[tilespmem:$0x18E80] =	vst v63  }
0x73: {  	_ = 	snop  }
0x74: {  	[tilespmem:s20], [sflag:$0x2] =	stream.indirect_vreg.gather [hbm4b:s12+s5], $0x80, v3, vm0, $0xb8;
	[tilespmem:$0x18E80] =	vst v63  }
0x75: {  	_ = 	snop  }
0x76: {  	[tilespmem:s21], [sflag:$0x2] =	stream.indirect_vreg.gather [hbm4b:s13+s5], $0x80, v3, vm0, $0xb8;
	[tilespmem:$0x18E80] =	vst v63  }
0x77: {  	v3 =	vld [tilespmem:$0xD30];
	_ =	sdelay $0x4  }
0x78: {  	v63 =	vshll.u32 v3, $0x3  }
0x79: {  	v3 =	vand.u32 $0x7, v3;
	v4 =	vand.u32 $0xFFFFFFC0, v63  }
0x7a: {  	v3 =	vor.u32 v3, v4  }
0x7b: {  	v4 =	vperm.xlane v3, v0;
	_ =	sdelay $0x1  }
0x7c: {  	v4 =	vadd.s32 v1, v4;
	_ =	sdelay $0x4  }
0x7d: {  	[tilespmem:s23], [sflag:$0x2] =	stream.indirect_vreg.gather [hbm4b:s29+s5], $0x80, v4, vm0, $0xb8;
	[tilespmem:$0x18E80] =	vst v63  }
0x7e: {  	v3 =	vperm.xlane v3, v2  }
0x7f: {  	[tilespmem:s4], [sflag:$0x2] =	stream.indirect_vreg.gather [hbm4b:s11+s5], $0x80, v4, vm0, $0xb8;
	[tilespmem:$0x18E80] =	vst v63  }
0x80: {  	v3 =	vadd.s32 v1, v3  }
0x81: {  	[tilespmem:s2], [sflag:$0x2] =	stream.indirect_vreg.gather [hbm4b:s12+s5], $0x80, v4, vm0, $0xb8;
	[tilespmem:$0x18E80] =	vst v63  }
0x82: {  	_ = 	snop  }
0x83: {  	[tilespmem:s3], [sflag:$0x2] =	stream.indirect_vreg.gather [hbm4b:s13+s5], $0x80, v4, vm0, $0xb8;
	[tilespmem:$0x18E80] =	vst v63  }
0x84: {  	_ = 	snop  }
0x85: {  	[tilespmem:s22], [sflag:$0x2] =	stream.indirect_vreg.gather [hbm4b:s29+s5], $0x80, v3, vm0, $0xb8;
	[tilespmem:$0x18E80] =	vst v63  }
0x86: {  	s30 =	simm.s32 $0xF680  }
0x87: {  	[tilespmem:s30], [sflag:$0x2] =	stream.indirect_vreg.gather [hbm4b:s11+s5], $0x80, v3, vm0, $0xb8;
	[tilespmem:$0x18E80] =	vst v63  }
0x88: {  	s31 =	simm.s32 $0xFE80  }
0x89: {  	[tilespmem:s31], [sflag:$0x2] =	stream.indirect_vreg.gather [hbm4b:s12+s5], $0x80, v3, vm0, $0xb8;
	[tilespmem:$0x18E80] =	vst v63  }
0x8a: {  	s28 =	simm.s32 $0x1C0  }
0x8b: {  	[tilespmem:s24], [sflag:$0x2] =	stream.indirect_vreg.gather [hbm4b:s13+s5], $0x80, v3, vm0, $0xb8;
	[tilespmem:$0x18E80] =	vst v63  }
.LBB2_2:
0x8c: {  	_ =	swait.ge [sflag:s9], $0x8000  }
0x8d: {  	[sflag:s9] =	ssyncset.done $0x0  }
0x8e: {  	[sflag:s9] =	ssyncadd.s32 $0xFFFF8000  }
0x8f: {  	v3 =	vld [tilespmem:$0xD80];
	_ =	sdelay $0x4  }
0x90: {  	v4 =	vshll.u32 v3, $0x3  }
0x91: {  	v3 =	vand.u32 $0x7, v3;
	v4 =	vand.u32 $0xFFFFFFC0, v4  }
0x92: {  	v3 =	vor.u32 v3, v4  }
0x93: {  	v4 =	vperm.xlane v3, v0;
	_ =	sdelay $0x1  }
0x94: {  	v4 =	vadd.s32 v1, v4;
	_ =	sdelay $0x3  }
0x95: {  	s0 =	simm.s32 $0xE80  }
0x96: {  	[hbm4b:s6+s5] =	stream.indirect_vreg.scatter [tilespmem:s0], [sflag:$0x3], $0x80, v4, vm0, $0xb8;
	[tilespmem:$0x18E80] =	vst v63  }
0x97: {  	s29 =	simm.s32 $0x1680;
	v3 =	vperm.xlane v3, v2  }
0x98: {  	[hbm4b:s14+s5] =	stream.indirect_vreg.scatter [tilespmem:s29], [sflag:$0x3], $0x80, v4, vm0, $0xb8;
	[tilespmem:$0x18E80] =	vst v63  }
0x99: {  	s2 =	simm.s32 $0x1E80;
	v3 =	vadd.s32 v1, v3  }
0x9a: {  	[hbm4b:s15+s5] =	stream.indirect_vreg.scatter [tilespmem:s2], [sflag:$0x3], $0x80, v4, vm0, $0xb8;
	[tilespmem:$0x18E80] =	vst v63  }
0x9b: {  	s3 =	simm.s32 $0x2680  }
0x9c: {  	[hbm4b:s16+s5] =	stream.indirect_vreg.scatter [tilespmem:s3], [sflag:$0x3], $0x80, v4, vm0, $0xb8;
	[tilespmem:$0x18E80] =	vst v63  }
0x9d: {  	s4 =	simm.s32 $0x2E80  }
0x9e: {  	[hbm4b:s6+s5] =	stream.indirect_vreg.scatter [tilespmem:s4], [sflag:$0x3], $0x80, v3, vm0, $0xb8;
	[tilespmem:$0x18E80] =	vst v63  }
0x9f: {  	s18 =	simm.s32 $0x3680  }
0xa0: {  	[hbm4b:s14+s5] =	stream.indirect_vreg.scatter [tilespmem:s18], [sflag:$0x3], $0x80, v3, vm0, $0xb8;
	[tilespmem:$0x18E80] =	vst v63  }
0xa1: {  	s19 =	simm.s32 $0x3E80  }
0xa2: {  	[hbm4b:s15+s5] =	stream.indirect_vreg.scatter [tilespmem:s19], [sflag:$0x3], $0x80, v3, vm0, $0xb8;
	[tilespmem:$0x18E80] =	vst v63  }
0xa3: {  	s20 =	simm.s32 $0x4680  }
0xa4: {  	[hbm4b:s16+s5] =	stream.indirect_vreg.scatter [tilespmem:s20], [sflag:$0x3], $0x80, v3, vm0, $0xb8;
	[tilespmem:$0x18E80] =	vst v63  }
0xa5: {  	v3 =	vld [tilespmem:$0xD90];
	_ =	sdelay $0x4  }
0xa6: {  	v63 =	vshll.u32 v3, $0x3  }
0xa7: {  	v3 =	vand.u32 $0x7, v3;
	v4 =	vand.u32 $0xFFFFFFC0, v63  }
0xa8: {  	v3 =	vor.u32 v3, v4  }
0xa9: {  	v4 =	vperm.xlane v3, v0;
	_ =	sdelay $0x1  }
0xaa: {  	v4 =	vadd.s32 v1, v4;
	_ =	sdelay $0x3  }
0xab: {  	s21 =	simm.s32 $0x4E80  }
0xac: {  	[hbm4b:s6+s5] =	stream.indirect_vreg.scatter [tilespmem:s21], [sflag:$0x3], $0x80, v4, vm0, $0xb8;
	[tilespmem:$0x18E80] =	vst v63  }
0xad: {  	s22 =	simm.s32 $0x5680;
	v3 =	vperm.xlane v3, v2  }
0xae: {  	[hbm4b:s14+s5] =	stream.indirect_vreg.scatter [tilespmem:s22], [sflag:$0x3], $0x80, v4, vm0, $0xb8;
	[tilespmem:$0x18E80] =	vst v63  }
0xaf: {  	s23 =	simm.s32 $0x5E80;
	v3 =	vadd.s32 v1, v3  }
0xb0: {  	[hbm4b:s15+s5] =	stream.indirect_vreg.scatter [tilespmem:s23], [sflag:$0x3], $0x80, v4, vm0, $0xb8;
	[tilespmem:$0x18E80] =	vst v63  }
0xb1: {  	s24 =	simm.s32 $0x6680  }
0xb2: {  	[hbm4b:s16+s5] =	stream.indirect_vreg.scatter [tilespmem:s24], [sflag:$0x3], $0x80, v4, vm0, $0xb8;
	[tilespmem:$0x18E80] =	vst v63  }
0xb3: {  	s25 =	simm.s32 $0x6E80  }
0xb4: {  	[hbm4b:s6+s5] =	stream.indirect_vreg.scatter [tilespmem:s25], [sflag:$0x3], $0x80, v3, vm0, $0xb8;
	[tilespmem:$0x18E80] =	vst v63  }
0xb5: {  	s26 =	simm.s32 $0x7680;
	p0 =	seq.s32 s28, $0x19C0  }
0xb6: {  	[hbm4b:s14+s5] =	stream.indirect_vreg.scatter [tilespmem:s26], [sflag:$0x3], $0x80, v3, vm0, $0xb8;
	[tilespmem:$0x18E80] =	vst v63  }
.Ltmp2:
0xb7: {  	_ = 	snop;
	(pc) =	sbr.rel @p0 .LBB2_4-.Ltmp2, $4  }
0xb8: {  	s30 =	simm.s32 $0x7E80  }
0xb9: {  	[hbm4b:s15+s5] =	stream.indirect_vreg.scatter [tilespmem:s30], [sflag:$0x3], $0x80, v3, vm0, $0xb8;
	[tilespmem:$0x18E80] =	vst v63  }
0xba: {  	s31 =	simm.s32 $0x8680  }
0xbb: {  	[hbm4b:s16+s5] =	stream.indirect_vreg.scatter [tilespmem:s31], [sflag:$0x3], $0x80, v3, vm0, $0xb8;
	[tilespmem:$0x18E80] =	vst v63  }
0xbc: {  	s0 =	simm.s32 $0x3  }
0xbd: {  	_ =	swait.ge [sflag:s0], $0x8000  }
0xbe: {  	[sflag:s0] =	ssyncset.done $0x0  }
0xbf: {  	s29 =	sshra.s32 s28, $0x2;
	[sflag:s0] =	ssyncadd.s32 $0xFFFF8000  }
0xc0: {  	v3 =	vld [tilespmem:s29+$0xFFFFFFD0];
	_ =	sdelay $0x4  }
0xc1: {  	vm1 =	vlt.s32 v3, $0x4E20  }
0xc2: {  	v3 =	vnsel vm1, $0x0, v3  }
0xc3: {  	[tilespmem:$0xD00] =	vst v3  }
0xc4: {  	v3 =	vld [tilespmem:s29+$0x650];
	_ =	sdelay $0x4  }
0xc5: {  	[tilespmem:$0xD80] =	vst v3;
	v3 =	vld [tilespmem:$0xD00]  }
0xc6: {  	v4 =	vld [tilespmem:s29+$0xFFFFFFE0];
	_ =	sdelay $0x3  }
0xc7: {  	v5 =	vshll.u32 v3, $0x3  }
0xc8: {  	v3 =	vand.u32 $0x7, v3;
	vm1 =	vlt.s32 v4, $0x4E20;
	v5 =	vand.u32 $0xFFFFFFC0, v5  }
0xc9: {  	v4 =	vnsel vm1, $0x0, v4;
	v3 =	vor.u32 v3, v5  }
0xca: {  	[tilespmem:$0xD10] =	vst v4;
	v61 =	vperm.xlane v3, v0  }
0xcb: {  	v62 =	vld [tilespmem:s29+$0x660]  }
0xcc: {  	v4 =	vadd.s32 v1, v61;
	_ =	sdelay $0x3  }
0xcd: {  	s1 =	simm.s32 $0xE80;
	s0 =	rddreg [dreg:$0x1];
	[tilespmem:$0xD90] =	vst v62  }
0xce: {  	[tilespmem:s1], [sflag:$0x1] =	stream.indirect_vreg.gather [hbm4b:s0+s5], $0x80, v4, vm0, $0xb8;
	[tilespmem:$0x18E80] =	vst v63  }
0xcf: {  	v3 =	vperm.xlane v3, v2;
	s1 =	simm.s32 $0x1680  }
0xd0: {  	[tilespmem:s1], [sflag:$0x1] =	stream.indirect_vreg.gather [hbm4b:s11+s5], $0x80, v4, vm0, $0xb8;
	[tilespmem:$0x18E80] =	vst v63  }
0xd1: {  	s2 =	simm.s32 $0x1E80;
	v3 =	vadd.s32 v1, v3  }
0xd2: {  	[tilespmem:s2], [sflag:$0x1] =	stream.indirect_vreg.gather [hbm4b:s12+s5], $0x80, v4, vm0, $0xb8;
	[tilespmem:$0x18E80] =	vst v63  }
0xd3: {  	s3 =	simm.s32 $0x2680  }
0xd4: {  	[tilespmem:s3], [sflag:$0x1] =	stream.indirect_vreg.gather [hbm4b:s13+s5], $0x80, v4, vm0, $0xb8;
	[tilespmem:$0x18E80] =	vst v63  }
0xd5: {  	s4 =	simm.s32 $0x2E80  }
0xd6: {  	[tilespmem:s4], [sflag:$0x1] =	stream.indirect_vreg.gather [hbm4b:s0+s5], $0x80, v3, vm0, $0xb8;
	[tilespmem:$0x18E80] =	vst v63  }
0xd7: {  	s18 =	simm.s32 $0x3680  }
0xd8: {  	[tilespmem:s18], [sflag:$0x1] =	stream.indirect_vreg.gather [hbm4b:s11+s5], $0x80, v3, vm0, $0xb8;
	[tilespmem:$0x18E80] =	vst v63  }
0xd9: {  	s19 =	simm.s32 $0x3E80  }
0xda: {  	[tilespmem:s19], [sflag:$0x1] =	stream.indirect_vreg.gather [hbm4b:s12+s5], $0x80, v3, vm0, $0xb8;
	[tilespmem:$0x18E80] =	vst v63  }
0xdb: {  	s20 =	simm.s32 $0x4680  }
0xdc: {  	[tilespmem:s20], [sflag:$0x1] =	stream.indirect_vreg.gather [hbm4b:s13+s5], $0x80, v3, vm0, $0xb8;
	[tilespmem:$0x18E80] =	vst v63  }
0xdd: {  	v3 =	vld [tilespmem:$0xD10];
	_ =	sdelay $0x4  }
0xde: {  	v63 =	vshll.u32 v3, $0x3  }
0xdf: {  	v3 =	vand.u32 $0x7, v3;
	v4 =	vand.u32 $0xFFFFFFC0, v63  }
0xe0: {  	v3 =	vor.u32 v3, v4  }
0xe1: {  	v4 =	vperm.xlane v3, v0;
	_ =	sdelay $0x1  }
0xe2: {  	v4 =	vadd.s32 v1, v4;
	_ =	sdelay $0x3  }
0xe3: {  	s21 =	simm.s32 $0x4E80  }
0xe4: {  	[tilespmem:s21], [sflag:$0x1] =	stream.indirect_vreg.gather [hbm4b:s0+s5], $0x80, v4, vm0, $0xb8;
	[tilespmem:$0x18E80] =	vst v63  }
0xe5: {  	s22 =	simm.s32 $0x5680;
	v3 =	vperm.xlane v3, v2  }
0xe6: {  	[tilespmem:s22], [sflag:$0x1] =	stream.indirect_vreg.gather [hbm4b:s11+s5], $0x80, v4, vm0, $0xb8;
	[tilespmem:$0x18E80] =	vst v63  }
0xe7: {  	s23 =	simm.s32 $0x5E80;
	v3 =	vadd.s32 v1, v3  }
0xe8: {  	[tilespmem:s23], [sflag:$0x1] =	stream.indirect_vreg.gather [hbm4b:s12+s5], $0x80, v4, vm0, $0xb8;
	[tilespmem:$0x18E80] =	vst v63  }
0xe9: {  	s24 =	simm.s32 $0x6680  }
0xea: {  	[tilespmem:s24], [sflag:$0x1] =	stream.indirect_vreg.gather [hbm4b:s13+s5], $0x80, v4, vm0, $0xb8;
	[tilespmem:$0x18E80] =	vst v63  }
0xeb: {  	s25 =	simm.s32 $0x6E80  }
0xec: {  	[tilespmem:s25], [sflag:$0x1] =	stream.indirect_vreg.gather [hbm4b:s0+s5], $0x80, v3, vm0, $0xb8;
	[tilespmem:$0x18E80] =	vst v63  }
0xed: {  	s26 =	simm.s32 $0x7680  }
0xee: {  	[tilespmem:s26], [sflag:$0x1] =	stream.indirect_vreg.gather [hbm4b:s11+s5], $0x80, v3, vm0, $0xb8;
	[tilespmem:$0x18E80] =	vst v63  }
0xef: {  	s30 =	simm.s32 $0x7E80  }
0xf0: {  	[tilespmem:s30], [sflag:$0x1] =	stream.indirect_vreg.gather [hbm4b:s12+s5], $0x80, v3, vm0, $0xb8;
	[tilespmem:$0x18E80] =	vst v63  }
0xf1: {  	s31 =	simm.s32 $0x8680  }
0xf2: {  	[tilespmem:s31], [sflag:$0x1] =	stream.indirect_vreg.gather [hbm4b:s13+s5], $0x80, v3, vm0, $0xb8;
	[tilespmem:$0x18E80] =	vst v63  }
.LBB2_4:
0xf3: {  	_ =	swait.ge [sflag:s10], $0x8000  }
0xf4: {  	[sflag:s10] =	ssyncset.done $0x0  }
0xf5: {  	[sflag:s10] =	ssyncadd.s32 $0xFFFF8000  }
0xf6: {  	v3 =	vld [tilespmem:$0xE00];
	_ =	sdelay $0x4  }
0xf7: {  	v4 =	vshll.u32 v3, $0x3  }
0xf8: {  	v3 =	vand.u32 $0x7, v3;
	v4 =	vand.u32 $0xFFFFFFC0, v4  }
0xf9: {  	v3 =	vor.u32 v3, v4  }
0xfa: {  	v4 =	vperm.xlane v3, v0;
	_ =	sdelay $0x1  }
0xfb: {  	v4 =	vadd.s32 v1, v4;
	_ =	sdelay $0x3  }
0xfc: {  	s31 =	simm.s32 $0x8E80  }
0xfd: {  	[hbm4b:s6+s5] =	stream.indirect_vreg.scatter [tilespmem:s31], [sflag:$0x4], $0x80, v4, vm0, $0xb8;
	[tilespmem:$0x18E80] =	vst v63  }
0xfe: {  	s2 =	simm.s32 $0x9680;
	v3 =	vperm.xlane v3, v2  }
0xff: {  	[hbm4b:s14+s5] =	stream.indirect_vreg.scatter [tilespmem:s2], [sflag:$0x4], $0x80, v4, vm0, $0xb8;
	[tilespmem:$0x18E80] =	vst v63  }
0x100: {  	s0 =	simm.s32 $0x9E80;
	v3 =	vadd.s32 v1, v3  }
0x101: {  	[hbm4b:s15+s5] =	stream.indirect_vreg.scatter [tilespmem:s0], [sflag:$0x4], $0x80, v4, vm0, $0xb8;
	[tilespmem:$0x18E80] =	vst v63  }
0x102: {  	s19 =	simm.s32 $0xA680  }
0x103: {  	[hbm4b:s16+s5] =	stream.indirect_vreg.scatter [tilespmem:s19], [sflag:$0x4], $0x80, v4, vm0, $0xb8;
	[tilespmem:$0x18E80] =	vst v63  }
0x104: {  	s18 =	simm.s32 $0xAE80  }
0x105: {  	[hbm4b:s6+s5] =	stream.indirect_vreg.scatter [tilespmem:s18], [sflag:$0x4], $0x80, v3, vm0, $0xb8;
	[tilespmem:$0x18E80] =	vst v63  }
0x106: {  	s20 =	simm.s32 $0xB680  }
0x107: {  	[hbm4b:s14+s5] =	stream.indirect_vreg.scatter [tilespmem:s20], [sflag:$0x4], $0x80, v3, vm0, $0xb8;
	[tilespmem:$0x18E80] =	vst v63  }
0x108: {  	s21 =	simm.s32 $0xBE80  }
0x109: {  	[hbm4b:s15+s5] =	stream.indirect_vreg.scatter [tilespmem:s21], [sflag:$0x4], $0x80, v3, vm0, $0xb8;
	[tilespmem:$0x18E80] =	vst v63  }
0x10a: {  	s22 =	simm.s32 $0xC680  }
0x10b: {  	[hbm4b:s16+s5] =	stream.indirect_vreg.scatter [tilespmem:s22], [sflag:$0x4], $0x80, v3, vm0, $0xb8;
	[tilespmem:$0x18E80] =	vst v63  }
0x10c: {  	v3 =	vld [tilespmem:$0xE10];
	_ =	sdelay $0x4  }
0x10d: {  	v63 =	vshll.u32 v3, $0x3  }
0x10e: {  	v3 =	vand.u32 $0x7, v3;
	v4 =	vand.u32 $0xFFFFFFC0, v63  }
0x10f: {  	v3 =	vor.u32 v3, v4  }
0x110: {  	v4 =	vperm.xlane v3, v0;
	_ =	sdelay $0x1  }
0x111: {  	v4 =	vadd.s32 v1, v4;
	_ =	sdelay $0x3  }
0x112: {  	s23 =	simm.s32 $0xCE80  }
0x113: {  	[hbm4b:s6+s5] =	stream.indirect_vreg.scatter [tilespmem:s23], [sflag:$0x4], $0x80, v4, vm0, $0xb8;
	[tilespmem:$0x18E80] =	vst v63  }
0x114: {  	s24 =	simm.s32 $0xD680;
	v3 =	vperm.xlane v3, v2  }
0x115: {  	[hbm4b:s14+s5] =	stream.indirect_vreg.scatter [tilespmem:s24], [sflag:$0x4], $0x80, v4, vm0, $0xb8;
	[tilespmem:$0x18E80] =	vst v63  }
0x116: {  	s25 =	simm.s32 $0xDE80;
	v3 =	vadd.s32 v1, v3  }
0x117: {  	[hbm4b:s15+s5] =	stream.indirect_vreg.scatter [tilespmem:s25], [sflag:$0x4], $0x80, v4, vm0, $0xb8;
	[tilespmem:$0x18E80] =	vst v63  }
0x118: {  	s26 =	simm.s32 $0xE680  }
0x119: {  	[hbm4b:s16+s5] =	stream.indirect_vreg.scatter [tilespmem:s26], [sflag:$0x4], $0x80, v4, vm0, $0xb8;
	[tilespmem:$0x18E80] =	vst v63  }
0x11a: {  	s30 =	simm.s32 $0xEE80  }
0x11b: {  	[hbm4b:s6+s5] =	stream.indirect_vreg.scatter [tilespmem:s30], [sflag:$0x4], $0x80, v3, vm0, $0xb8;
	[tilespmem:$0x18E80] =	vst v63  }
0x11c: {  	s1 =	simm.s32 $0xF680  }
0x11d: {  	[hbm4b:s14+s5] =	stream.indirect_vreg.scatter [tilespmem:s1], [sflag:$0x4], $0x80, v3, vm0, $0xb8;
	[tilespmem:$0x18E80] =	vst v63  }
.Ltmp3:
0x11e: {  	_ = 	snop;
	(pc) =	sbr.rel @p0 .LBB2_6-.Ltmp3, $4  }
0x11f: {  	s3 =	simm.s32 $0xFE80  }
0x120: {  	[hbm4b:s15+s5] =	stream.indirect_vreg.scatter [tilespmem:s3], [sflag:$0x4], $0x80, v3, vm0, $0xb8;
	[tilespmem:$0x18E80] =	vst v63  }
0x121: {  	s4 =	simm.s32 $0x10680  }
0x122: {  	[hbm4b:s16+s5] =	stream.indirect_vreg.scatter [tilespmem:s4], [sflag:$0x4], $0x80, v3, vm0, $0xb8;
	[tilespmem:$0x18E80] =	vst v63  }
0x123: {  	_ =	swait.ge [sflag:s17], $0x8000  }
0x124: {  	[sflag:s17] =	ssyncset.done $0x0  }
0x125: {  	s29 =	sshra.s32 s28, $0x2;
	[sflag:s17] =	ssyncadd.s32 $0xFFFF8000  }
0x126: {  	v3 =	vld [tilespmem:s29+$0xFFFFFFF0];
	_ =	sdelay $0x4  }
0x127: {  	vm1 =	vlt.s32 v3, $0x4E20  }
0x128: {  	v3 =	vnsel vm1, $0x0, v3  }
0x129: {  	[tilespmem:$0xD20] =	vst v3  }
0x12a: {  	v3 =	vld [tilespmem:s29+$0x670];
	_ =	sdelay $0x4  }
0x12b: {  	[tilespmem:$0xE00] =	vst v3;
	v3 =	vld [tilespmem:$0xD20]  }
0x12c: {  	v4 =	vld [tilespmem:s29+$0x0];
	_ =	sdelay $0x3  }
0x12d: {  	v5 =	vshll.u32 v3, $0x3  }
0x12e: {  	v3 =	vand.u32 $0x7, v3;
	vm1 =	vlt.s32 v4, $0x4E20;
	v5 =	vand.u32 $0xFFFFFFC0, v5  }
0x12f: {  	v4 =	vnsel vm1, $0x0, v4;
	v3 =	vor.u32 v3, v5  }
0x130: {  	[tilespmem:$0xD30] =	vst v4;
	v61 =	vperm.xlane v3, v0  }
0x131: {  	v62 =	vld [tilespmem:s29+$0x680]  }
0x132: {  	v4 =	vadd.s32 v1, v61;
	_ =	sdelay $0x3  }
0x133: {  	s29 =	rddreg [dreg:$0x1];
	[tilespmem:$0xE10] =	vst v62  }
0x134: {  	[tilespmem:s31], [sflag:$0x2] =	stream.indirect_vreg.gather [hbm4b:s29+s5], $0x80, v4, vm0, $0xb8;
	[tilespmem:$0x18E80] =	vst v63  }
0x135: {  	v3 =	vperm.xlane v3, v2  }
0x136: {  	[tilespmem:s2], [sflag:$0x2] =	stream.indirect_vreg.gather [hbm4b:s11+s5], $0x80, v4, vm0, $0xb8;
	[tilespmem:$0x18E80] =	vst v63  }
0x137: {  	v3 =	vadd.s32 v1, v3  }
0x138: {  	[tilespmem:s0], [sflag:$0x2] =	stream.indirect_vreg.gather [hbm4b:s12+s5], $0x80, v4, vm0, $0xb8;
	[tilespmem:$0x18E80] =	vst v63  }
0x139: {  	_ = 	snop  }
0x13a: {  	[tilespmem:s19], [sflag:$0x2] =	stream.indirect_vreg.gather [hbm4b:s13+s5], $0x80, v4, vm0, $0xb8;
	[tilespmem:$0x18E80] =	vst v63  }
0x13b: {  	_ = 	snop  }
0x13c: {  	[tilespmem:s18], [sflag:$0x2] =	stream.indirect_vreg.gather [hbm4b:s29+s5], $0x80, v3, vm0, $0xb8;
	[tilespmem:$0x18E80] =	vst v63  }
0x13d: {  	_ = 	snop  }
0x13e: {  	[tilespmem:s20], [sflag:$0x2] =	stream.indirect_vreg.gather [hbm4b:s11+s5], $0x80, v3, vm0, $0xb8;
	[tilespmem:$0x18E80] =	vst v63  }
0x13f: {  	_ = 	snop  }
0x140: {  	[tilespmem:s21], [sflag:$0x2] =	stream.indirect_vreg.gather [hbm4b:s12+s5], $0x80, v3, vm0, $0xb8;
	[tilespmem:$0x18E80] =	vst v63  }
0x141: {  	_ = 	snop  }
0x142: {  	[tilespmem:s22], [sflag:$0x2] =	stream.indirect_vreg.gather [hbm4b:s13+s5], $0x80, v3, vm0, $0xb8;
	[tilespmem:$0x18E80] =	vst v63  }
0x143: {  	v3 =	vld [tilespmem:$0xD30];
	_ =	sdelay $0x4  }
0x144: {  	v63 =	vshll.u32 v3, $0x3  }
0x145: {  	v3 =	vand.u32 $0x7, v3;
	v4 =	vand.u32 $0xFFFFFFC0, v63  }
0x146: {  	v3 =	vor.u32 v3, v4  }
0x147: {  	v4 =	vperm.xlane v3, v0;
	_ =	sdelay $0x1  }
0x148: {  	v4 =	vadd.s32 v1, v4;
	_ =	sdelay $0x4  }
0x149: {  	[tilespmem:s23], [sflag:$0x2] =	stream.indirect_vreg.gather [hbm4b:s29+s5], $0x80, v4, vm0, $0xb8;
	[tilespmem:$0x18E80] =	vst v63  }
0x14a: {  	v3 =	vperm.xlane v3, v2  }
0x14b: {  	[tilespmem:s24], [sflag:$0x2] =	stream.indirect_vreg.gather [hbm4b:s11+s5], $0x80, v4, vm0, $0xb8;
	[tilespmem:$0x18E80] =	vst v63  }
0x14c: {  	v3 =	vadd.s32 v1, v3  }
0x14d: {  	[tilespmem:s25], [sflag:$0x2] =	stream.indirect_vreg.gather [hbm4b:s12+s5], $0x80, v4, vm0, $0xb8;
	[tilespmem:$0x18E80] =	vst v63  }
0x14e: {  	_ = 	snop  }
0x14f: {  	[tilespmem:s26], [sflag:$0x2] =	stream.indirect_vreg.gather [hbm4b:s13+s5], $0x80, v4, vm0, $0xb8;
	[tilespmem:$0x18E80] =	vst v63  }
0x150: {  	_ = 	snop  }
0x151: {  	[tilespmem:s30], [sflag:$0x2] =	stream.indirect_vreg.gather [hbm4b:s29+s5], $0x80, v3, vm0, $0xb8;
	[tilespmem:$0x18E80] =	vst v63  }
0x152: {  	_ = 	snop  }
0x153: {  	[tilespmem:s1], [sflag:$0x2] =	stream.indirect_vreg.gather [hbm4b:s11+s5], $0x80, v3, vm0, $0xb8;
	[tilespmem:$0x18E80] =	vst v63  }
.Ltmp4:
0x154: {  	_ = 	snop;
	(pc) =	sbr.rel .LBB2_2-.Ltmp4, $4  }
0x155: {  	_ = 	snop  }
0x156: {  	[tilespmem:s3], [sflag:$0x2] =	stream.indirect_vreg.gather [hbm4b:s12+s5], $0x80, v3, vm0, $0xb8;
	[tilespmem:$0x18E80] =	vst v63  }
0x157: {  	s28 =	sadd.s32 $0x100, s28  }
0x158: {  	[tilespmem:s4], [sflag:$0x2] =	stream.indirect_vreg.gather [hbm4b:s13+s5], $0x80, v3, vm0, $0xb8;
	[tilespmem:$0x18E80] =	vst v63  }
.LBB2_6:
0x159: {  	s0 =	simm.s32 $0x3  }
0x15a: {  	_ =	swait.ge [sflag:s0], $0x8000  }
0x15b: {  	[sflag:s0] =	ssyncset.done $0x0  }
0x15c: {  	[sflag:s0] =	ssyncadd.s32 $0xFFFF8000  }
0x15d: {  	_ =	swait.ge [sflag:s17], $0x8000  }
0x15e: {  	[sflag:s17] =	ssyncset.done $0x0  }
0x15f: {  	[sflag:s17] =	ssyncadd.s32 $0xFFFF8000  }
0x160: {  	v3 =	vld [tilespmem:$0x0];
	_ =	sdelay $0x4  }
0x161: {  	v3 =	vadd.s32 $0xFFFFB1E0, v3  }
0x162: {  	vm1 =	vlt.u32 v3, $0x9C40  }
0x163: {  	v3 =	vnsel vm1, $0x0, v3  }
0x164: {  	[tilespmem:$0xD00] =	vst v3  }
0x165: {  	v3 =	vld [tilespmem:$0xD00];
	_ =	sdelay $0x4  }
0x166: {  	v5 =	vshll.u32 v3, $0x1  }
0x167: {  	v4 =	vld [tilespmem:$0x10];
	v3 =	vand.u32 $0x7, v3;
	v5 =	vand.u32 $0xFFFFFFF0, v5  }
0x168: {  	v6 =	vld [tilespmem:$0x680];
	v3 =	vor.u32 v3, v5  }
0x169: {  	v7 =	vld [tilespmem:$0x690];
	v5 =	vperm.xlane v3, v0;
	_ =	sdelay $0x1  }
0x16a: {  	v3 =	vperm.xlane v3, v2;
	v5 =	vadd.s32 v1, v5  }
0x16b: {  	v4 =	vadd.s32 $0xFFFFB1E0, v4  }
0x16c: {  	[tilespmem:$0xD80] =	vst v6;
	vm1 =	vlt.u32 v4, $0x9C40;
	v3 =	vadd.s32 v1, v3  }
0x16d: {  	[tilespmem:$0xD90] =	vst v7;
	v4 =	vnsel vm1, $0x0, v4  }
0x16e: {  	s25 =	simm.s32 $0x10E80;
	s1 =	rddreg [dreg:$0x2];
	[tilespmem:$0xD10] =	vst v4  }
0x16f: {  	[tilespmem:s25], [sflag:$0x1] =	stream.indirect_vreg.gather [hbm4b:s1+s5], $0x80, v5, vm0, $0xb8;
	[tilespmem:$0x18E80] =	vst v63  }
0x170: {  	s26 =	simm.s32 $0x11680  }
0x171: {  	[tilespmem:s26], [sflag:$0x1] =	stream.indirect_vreg.gather [hbm4b:s1+s5], $0x80, v3, vm0, $0xb8;
	[tilespmem:$0x18E80] =	vst v63  }
0x172: {  	v3 =	vld [tilespmem:$0xD10];
	_ =	sdelay $0x4  }
0x173: {  	v59 =	vshll.u32 v3, $0x1  }
0x174: {  	v3 =	vand.u32 $0x7, v3;
	v4 =	vand.u32 $0xFFFFFFF0, v59  }
0x175: {  	v3 =	vor.u32 v3, v4  }
0x176: {  	v4 =	vperm.xlane v3, v0;
	_ =	sdelay $0x1  }
0x177: {  	v3 =	vperm.xlane v3, v2;
	v4 =	vadd.s32 v1, v4;
	_ =	sdelay $0x1  }
0x178: {  	v3 =	vadd.s32 v1, v3;
	_ =	sdelay $0x1  }
0x179: {  	s29 =	simm.s32 $0x11E80  }
0x17a: {  	[tilespmem:s29], [sflag:$0x1] =	stream.indirect_vreg.gather [hbm4b:s1+s5], $0x80, v4, vm0, $0xb8;
	[tilespmem:$0x18E80] =	vst v63  }
0x17b: {  	s30 =	simm.s32 $0x12680  }
0x17c: {  	[tilespmem:s30], [sflag:$0x1] =	stream.indirect_vreg.gather [hbm4b:s1+s5], $0x80, v3, vm0, $0xb8;
	[tilespmem:$0x18E80] =	vst v63  }
0x17d: {  	v3 =	vld [tilespmem:$0x20];
	_ =	sdelay $0x4  }
0x17e: {  	v3 =	vadd.s32 $0xFFFFB1E0, v3  }
0x17f: {  	vm1 =	vlt.u32 v3, $0x9C40  }
0x180: {  	v3 =	vnsel vm1, $0x0, v3  }
0x181: {  	[tilespmem:$0xD20] =	vst v3  }
0x182: {  	v3 =	vld [tilespmem:$0xD20];
	_ =	sdelay $0x4  }
0x183: {  	v60 =	vshll.u32 v3, $0x1  }
0x184: {  	v4 =	vld [tilespmem:$0x30];
	v3 =	vand.u32 $0x7, v3;
	v5 =	vand.u32 $0xFFFFFFF0, v60  }
0x185: {  	v61 =	vld [tilespmem:$0x6A0];
	v3 =	vor.u32 v3, v5  }
0x186: {  	v62 =	vld [tilespmem:$0x6B0];
	v5 =	vperm.xlane v3, v0;
	_ =	sdelay $0x1  }
0x187: {  	v3 =	vperm.xlane v3, v2;
	v5 =	vadd.s32 v1, v5  }
0x188: {  	v4 =	vadd.s32 $0xFFFFB1E0, v4  }
0x189: {  	[tilespmem:$0xE00] =	vst v61;
	vm1 =	vlt.u32 v4, $0x9C40;
	v3 =	vadd.s32 v1, v3  }
0x18a: {  	[tilespmem:$0xE10] =	vst v62;
	v4 =	vnsel vm1, $0x0, v4  }
0x18b: {  	s24 =	simm.s32 $0x12E80;
	[tilespmem:$0xD30] =	vst v4  }
0x18c: {  	[tilespmem:s24], [sflag:$0x2] =	stream.indirect_vreg.gather [hbm4b:s1+s5], $0x80, v5, vm0, $0xb8;
	[tilespmem:$0x18E80] =	vst v63  }
0x18d: {  	s25 =	simm.s32 $0x13680  }
0x18e: {  	[tilespmem:s25], [sflag:$0x2] =	stream.indirect_vreg.gather [hbm4b:s1+s5], $0x80, v3, vm0, $0xb8;
	[tilespmem:$0x18E80] =	vst v63  }
0x18f: {  	v3 =	vld [tilespmem:$0xD30];
	_ =	sdelay $0x4  }
0x190: {  	v63 =	vshll.u32 v3, $0x1  }
0x191: {  	v3 =	vand.u32 $0x7, v3;
	v4 =	vand.u32 $0xFFFFFFF0, v63  }
0x192: {  	v3 =	vor.u32 v3, v4  }
0x193: {  	v4 =	vperm.xlane v3, v0;
	_ =	sdelay $0x1  }
0x194: {  	v3 =	vperm.xlane v3, v2;
	v4 =	vadd.s32 v1, v4;
	_ =	sdelay $0x1  }
0x195: {  	s23 =	simm.s32 $0x13E80;
	v3 =	vadd.s32 v1, v3  }
0x196: {  	s28 =	simm.s32 $0x1C0;
	s31 =	simm.s32 $0x9680;
	s19 =	simm.s32 $0xAE80  }
0x197: {  	s18 =	simm.s32 $0xB680;
	s20 =	simm.s32 $0xBE80;
	s21 =	simm.s32 $0xC680  }
0x198: {  	[tilespmem:s23], [sflag:$0x2] =	stream.indirect_vreg.gather [hbm4b:s1+s5], $0x80, v4, vm0, $0xb8;
	[tilespmem:$0x18E80] =	vst v63  }
0x199: {  	s0 =	simm.s32 $0xA680;
	s4 =	rddreg [dreg:$0x3];
	s26 =	simm.s32 $0x14680  }
0x19a: {  	[tilespmem:s26], [sflag:$0x2] =	stream.indirect_vreg.gather [hbm4b:s1+s5], $0x80, v3, vm0, $0xb8;
	[tilespmem:$0x18E80] =	vst v63  }
.LBB2_7:
0x19b: {  	_ =	swait.ge [sflag:s9], $0x2000  }
0x19c: {  	[sflag:s9] =	ssyncset.done $0x0  }
0x19d: {  	[sflag:s9] =	ssyncadd.s32 $0xFFFFE000  }
0x19e: {  	v3 =	vld [tilespmem:$0xD80];
	_ =	sdelay $0x4  }
0x19f: {  	v4 =	vshll.u32 v3, $0x1  }
0x1a0: {  	v3 =	vand.u32 $0x7, v3;
	v4 =	vand.u32 $0xFFFFFFF0, v4  }
0x1a1: {  	v3 =	vor.u32 v3, v4  }
0x1a2: {  	v4 =	vperm.xlane v3, v0;
	_ =	sdelay $0x1  }
0x1a3: {  	v3 =	vperm.xlane v3, v2;
	v4 =	vadd.s32 v1, v4;
	_ =	sdelay $0x1  }
0x1a4: {  	v3 =	vadd.s32 v1, v3;
	_ =	sdelay $0x1  }
0x1a5: {  	s29 =	simm.s32 $0x10E80  }
0x1a6: {  	[hbm4b:s7+s5] =	stream.indirect_vreg.scatter [tilespmem:s29], [sflag:$0x3], $0x80, v4, vm0, $0xb8;
	[tilespmem:$0x18E80] =	vst v63  }
0x1a7: {  	s3 =	simm.s32 $0x11680  }
0x1a8: {  	[hbm4b:s7+s5] =	stream.indirect_vreg.scatter [tilespmem:s3], [sflag:$0x3], $0x80, v3, vm0, $0xb8;
	[tilespmem:$0x18E80] =	vst v63  }
0x1a9: {  	v3 =	vld [tilespmem:$0xD90];
	_ =	sdelay $0x4  }
0x1aa: {  	v61 =	vshll.u32 v3, $0x1  }
0x1ab: {  	v3 =	vand.u32 $0x7, v3;
	v4 =	vand.u32 $0xFFFFFFF0, v61  }
0x1ac: {  	v3 =	vor.u32 v3, v4  }
0x1ad: {  	v4 =	vperm.xlane v3, v0;
	_ =	sdelay $0x1  }
0x1ae: {  	v3 =	vperm.xlane v3, v2;
	v4 =	vadd.s32 v1, v4;
	_ =	sdelay $0x1  }
0x1af: {  	v3 =	vadd.s32 v1, v3;
	_ =	sdelay $0x1  }
0x1b0: {  	s22 =	simm.s32 $0x11E80;
	p0 =	seq.s32 s28, $0x19C0  }
0x1b1: {  	[hbm4b:s7+s5] =	stream.indirect_vreg.scatter [tilespmem:s22], [sflag:$0x3], $0x80, v4, vm0, $0xb8;
	[tilespmem:$0x18E80] =	vst v63  }
0x1b2: {  	s30 =	simm.s32 $0x12680;
	s29 =	simm.s32 @!p0 $0x3  }
0x1b3: {  	[hbm4b:s7+s5] =	stream.indirect_vreg.scatter [tilespmem:s30], [sflag:$0x3], $0x80, v3, vm0, $0xb8;
	[tilespmem:$0x18E80] =	vst v63  }
0x1b4: {  	_ =	swait.ge @!p0 [sflag:s29], $0x2000  }
0x1b5: {  	[sflag:s29] =	ssyncset.done @!p0 $0x0  }
0x1b6: {  	[sflag:s29] =	ssyncadd.s32 @!p0 $0xFFFFE000;
	s29 =	sshra.s32 @!p0 s28, $0x2  }
0x1b7: {  	v3 =	vld @!p0 [tilespmem:s29+$0xFFFFFFD0];
	_ =	sdelay $0x4  }
0x1b8: {  	v3 =	vadd.s32 @!p0 $0xFFFFB1E0, v3  }
0x1b9: {  	vm1 =	vlt.u32 @!p0 v3, $0x9C40  }
0x1ba: {  	v3 =	vnsel @!p0 vm1, $0x0, v3  }
0x1bb: {  	[tilespmem:$0xD00] =	vst @!p0 v3  }
0x1bc: {  	v3 =	vld @!p0 [tilespmem:s29+$0x650];
	_ =	sdelay $0x4  }
0x1bd: {  	v4 =	vld @!p0 [tilespmem:$0xD00];
	[tilespmem:$0xD80] =	vst @!p0 v3  }
0x1be: {  	v3 =	vld @!p0 [tilespmem:s29+$0xFFFFFFE0];
	_ =	sdelay $0x3  }
0x1bf: {  	v6 =	vlaneseq.u32 @!p0  }
0x1c0: {  	v7 =	vshrl.u32 @!p0 v6, $0x3;
	v5 =	vshll.u32 @!p0 v4, $0x1;
	v3 =	vadd.s32 @!p0 $0xFFFFB1E0, v3  }
0x1c1: {  	v4 =	vand.u32 @!p0 $0x7, v4;
	v5 =	vand.u32 @!p0 $0xFFFFFFF0, v5;
	vm1 =	vlt.u32 @!p0 v3, $0x9C40  }
0x1c2: {  	v4 =	vor.u32 @!p0 v4, v5;
	v5 =	vand.u32 @!p0 $0x7, v6;
	v3 =	vnsel @!p0 vm1, $0x0, v3  }
0x1c3: {  	v7 =	vmul.u32 @!p0 $0x8, v7;
	[tilespmem:$0xD10] =	vst @!p0 v3;
	v3 =	vperm.xlane @!p0 v4, v5  }
0x1c4: {  	v6 =	vor.u32 @!p0 $0x8, v6;
	v8 =	vld @!p0 [tilespmem:s29+$0x660]  }
0x1c5: {  	v4 =	vperm.xlane @!p0 v4, v6;
	v3 =	vadd.s32 @!p0 v7, v3;
	_ =	sdelay $0x1  }
0x1c6: {  	v4 =	vadd.s32 @!p0 v7, v4;
	_ =	sdelay $0x1  }
0x1c7: {  	s30 =	simm.s32 @!p0 $0x10E80;
	vm1 =	vmmov @!p0 $0xffff;
	s29 =	simm.s32 @!p0 $0x0;
	[tilespmem:$0xD90] =	vst @!p0 v8  }
0x1c8: {  	[tilespmem:s30], [sflag:$0x1] =	stream.indirect_vreg.gather @!p0 [hbm4b:s1+s29], $0x80, v3, vm1, $0xb8;
	[tilespmem:$0x18E80] =	vst v63  }
0x1c9: {  	s30 =	simm.s32 @!p0 $0x11680  }
0x1ca: {  	[tilespmem:s30], [sflag:$0x1] =	stream.indirect_vreg.gather @!p0 [hbm4b:s1+s29], $0x80, v4, vm1, $0xb8;
	[tilespmem:$0x18E80] =	vst v63  }
0x1cb: {  	v3 =	vld @!p0 [tilespmem:$0xD10];
	_ =	sdelay $0x4  }
0x1cc: {  	v4 =	vshll.u32 @!p0 v3, $0x1  }
0x1cd: {  	v3 =	vand.u32 @!p0 $0x7, v3;
	v4 =	vand.u32 @!p0 $0xFFFFFFF0, v4  }
0x1ce: {  	v3 =	vor.u32 @!p0 v3, v4  }
0x1cf: {  	v4 =	vperm.xlane @!p0 v3, v5;
	_ =	sdelay $0x1  }
0x1d0: {  	v3 =	vperm.xlane @!p0 v3, v6;
	v4 =	vadd.s32 @!p0 v7, v4;
	_ =	sdelay $0x1  }
0x1d1: {  	v3 =	vadd.s32 @!p0 v7, v3;
	_ =	sdelay $0x1  }
0x1d2: {  	s30 =	simm.s32 @!p0 $0x11E80  }
0x1d3: {  	[tilespmem:s30], [sflag:$0x1] =	stream.indirect_vreg.gather @!p0 [hbm4b:s1+s29], $0x80, v4, vm1, $0xb8;
	[tilespmem:$0x18E80] =	vst v63  }
0x1d4: {  	s30 =	simm.s32 @!p0 $0x12680  }
0x1d5: {  	[tilespmem:s30], [sflag:$0x1] =	stream.indirect_vreg.gather @!p0 [hbm4b:s1+s29], $0x80, v3, vm1, $0xb8;
	[tilespmem:$0x18E80] =	vst v63  }
0x1d6: {  	_ =	swait.ge [sflag:s10], $0x2000  }
0x1d7: {  	[sflag:s10] =	ssyncset.done $0x0  }
0x1d8: {  	[sflag:s10] =	ssyncadd.s32 $0xFFFFE000  }
0x1d9: {  	v3 =	vld [tilespmem:$0xE00];
	_ =	sdelay $0x4  }
0x1da: {  	v62 =	vshll.u32 v3, $0x1  }
0x1db: {  	v3 =	vand.u32 $0x7, v3;
	v4 =	vand.u32 $0xFFFFFFF0, v62  }
0x1dc: {  	v3 =	vor.u32 v3, v4  }
0x1dd: {  	v4 =	vperm.xlane v3, v0;
	_ =	sdelay $0x1  }
0x1de: {  	v3 =	vperm.xlane v3, v2;
	v4 =	vadd.s32 v1, v4;
	_ =	sdelay $0x1  }
0x1df: {  	v3 =	vadd.s32 v1, v3;
	_ =	sdelay $0x2  }
0x1e0: {  	[hbm4b:s7+s5] =	stream.indirect_vreg.scatter [tilespmem:s24], [sflag:$0x4], $0x80, v4, vm0, $0xb8;
	[tilespmem:$0x18E80] =	vst v63  }
0x1e1: {  	_ = 	snop  }
0x1e2: {  	[hbm4b:s7+s5] =	stream.indirect_vreg.scatter [tilespmem:s25], [sflag:$0x4], $0x80, v3, vm0, $0xb8;
	[tilespmem:$0x18E80] =	vst v63  }
0x1e3: {  	v3 =	vld [tilespmem:$0xE10];
	_ =	sdelay $0x4  }
0x1e4: {  	v63 =	vshll.u32 v3, $0x1  }
0x1e5: {  	v3 =	vand.u32 $0x7, v3;
	v4 =	vand.u32 $0xFFFFFFF0, v63  }
0x1e6: {  	v3 =	vor.u32 v3, v4  }
0x1e7: {  	v4 =	vperm.xlane v3, v0;
	_ =	sdelay $0x1  }
0x1e8: {  	v3 =	vperm.xlane v3, v2;
	v4 =	vadd.s32 v1, v4;
	_ =	sdelay $0x1  }
0x1e9: {  	v3 =	vadd.s32 v1, v3;
	_ =	sdelay $0x1  }
.Ltmp5:
0x1ea: {  	_ = 	snop;
	(pc) =	sbr.rel @p0 .LBB2_9-.Ltmp5, $4  }
0x1eb: {  	[hbm4b:s7+s5] =	stream.indirect_vreg.scatter [tilespmem:s23], [sflag:$0x4], $0x80, v4, vm0, $0xb8;
	[tilespmem:$0x18E80] =	vst v63  }
0x1ec: {  	s24 =	simm.s32 $0x12E80  }
0x1ed: {  	[hbm4b:s7+s5] =	stream.indirect_vreg.scatter [tilespmem:s26], [sflag:$0x4], $0x80, v3, vm0, $0xb8;
	[tilespmem:$0x18E80] =	vst v63  }
0x1ee: {  	s25 =	simm.s32 $0x13680;
	s23 =	simm.s32 $0x13E80;
	s26 =	simm.s32 $0x14680  }
0x1ef: {  	_ =	swait.ge [sflag:s17], $0x2000  }
0x1f0: {  	[sflag:s17] =	ssyncset.done $0x0  }
0x1f1: {  	s29 =	sshra.s32 s28, $0x2;
	[sflag:s17] =	ssyncadd.s32 $0xFFFFE000  }
0x1f2: {  	v3 =	vld [tilespmem:s29+$0xFFFFFFF0];
	_ =	sdelay $0x4  }
0x1f3: {  	v3 =	vadd.s32 $0xFFFFB1E0, v3  }
0x1f4: {  	vm1 =	vlt.u32 v3, $0x9C40  }
0x1f5: {  	v3 =	vnsel vm1, $0x0, v3  }
0x1f6: {  	[tilespmem:$0xD20] =	vst v3  }
0x1f7: {  	v3 =	vld [tilespmem:s29+$0x670];
	_ =	sdelay $0x4  }
0x1f8: {  	v4 =	vld [tilespmem:$0xD20];
	[tilespmem:$0xE00] =	vst v3  }
0x1f9: {  	v3 =	vld [tilespmem:s29+$0x0];
	_ =	sdelay $0x4  }
0x1fa: {  	v5 =	vshll.u32 v4, $0x1;
	v3 =	vadd.s32 $0xFFFFB1E0, v3  }
0x1fb: {  	v4 =	vand.u32 $0x7, v4;
	v5 =	vand.u32 $0xFFFFFFF0, v5;
	vm1 =	vlt.u32 v3, $0x9C40  }
0x1fc: {  	v4 =	vor.u32 v4, v5;
	v3 =	vnsel vm1, $0x0, v3  }
0x1fd: {  	[tilespmem:$0xD30] =	vst v3;
	v3 =	vperm.xlane v4, v0  }
0x1fe: {  	v62 =	vld [tilespmem:s29+$0x680]  }
0x1ff: {  	v4 =	vperm.xlane v4, v2;
	v3 =	vadd.s32 v1, v3;
	_ =	sdelay $0x1  }
0x200: {  	v4 =	vadd.s32 v1, v4;
	_ =	sdelay $0x1  }
0x201: {  	[tilespmem:$0xE10] =	vst v62  }
0x202: {  	[tilespmem:s24], [sflag:$0x2] =	stream.indirect_vreg.gather [hbm4b:s1+s5], $0x80, v3, vm0, $0xb8;
	[tilespmem:$0x18E80] =	vst v63  }
0x203: {  	_ = 	snop  }
0x204: {  	[tilespmem:s25], [sflag:$0x2] =	stream.indirect_vreg.gather [hbm4b:s1+s5], $0x80, v4, vm0, $0xb8;
	[tilespmem:$0x18E80] =	vst v63  }
0x205: {  	v3 =	vld [tilespmem:$0xD30];
	_ =	sdelay $0x4  }
0x206: {  	v63 =	vshll.u32 v3, $0x1  }
0x207: {  	v3 =	vand.u32 $0x7, v3;
	v4 =	vand.u32 $0xFFFFFFF0, v63  }
0x208: {  	v3 =	vor.u32 v3, v4  }
0x209: {  	v4 =	vperm.xlane v3, v0;
	_ =	sdelay $0x1  }
0x20a: {  	v3 =	vperm.xlane v3, v2;
	v4 =	vadd.s32 v1, v4;
	_ =	sdelay $0x1  }
0x20b: {  	v3 =	vadd.s32 v1, v3;
	_ =	sdelay $0x1  }
.Ltmp6:
0x20c: {  	_ = 	snop;
	(pc) =	sbr.rel .LBB2_7-.Ltmp6, $4  }
0x20d: {  	[tilespmem:s23], [sflag:$0x2] =	stream.indirect_vreg.gather [hbm4b:s1+s5], $0x80, v4, vm0, $0xb8;
	[tilespmem:$0x18E80] =	vst v63  }
0x20e: {  	s28 =	sadd.s32 $0x100, s28;
	s24 =	simm.s32 $0x12E80  }
0x20f: {  	[tilespmem:s26], [sflag:$0x2] =	stream.indirect_vreg.gather [hbm4b:s1+s5], $0x80, v3, vm0, $0xb8;
	[tilespmem:$0x18E80] =	vst v63  }
0x210: {  	s25 =	simm.s32 $0x13680;
	s23 =	simm.s32 $0x13E80;
	s26 =	simm.s32 $0x14680  }
.LBB2_9:
0x211: {  	s1 =	simm.s32 $0x3  }
0x212: {  	_ =	swait.ge [sflag:s1], $0x2000  }
0x213: {  	[sflag:s1] =	ssyncset.done $0x0  }
0x214: {  	[sflag:s1] =	ssyncadd.s32 $0xFFFFE000  }
0x215: {  	_ =	swait.ge [sflag:s17], $0x2000  }
0x216: {  	[sflag:s17] =	ssyncset.done $0x0  }
0x217: {  	[sflag:s17] =	ssyncadd.s32 $0xFFFFE000  }
0x218: {  	v3 =	vld [tilespmem:$0x0];
	_ =	sdelay $0x4  }
0x219: {  	vm1 =	vgt.s32 v3, $0xEA60  }
0x21a: {  	v3 =	vnsel vm1, $0xEA60, v3  }
0x21b: {  	v3 =	vadd.s32 $0xFFFF15A0, v3  }
0x21c: {  	[tilespmem:$0xD00] =	vst v3  }
0x21d: {  	v3 =	vld [tilespmem:$0xD00];
	_ =	sdelay $0x4  }
0x21e: {  	v5 =	vshll.u32 v3, $0x1  }
0x21f: {  	v4 =	vld [tilespmem:$0x10];
	v3 =	vand.u32 $0x7, v3;
	v5 =	vand.u32 $0xFFFFFFF0, v5  }
0x220: {  	v6 =	vld [tilespmem:$0x680];
	v3 =	vor.u32 v3, v5  }
0x221: {  	v7 =	vld [tilespmem:$0x690];
	v5 =	vperm.xlane v3, v0;
	_ =	sdelay $0x1  }
0x222: {  	v3 =	vperm.xlane v3, v2;
	v5 =	vadd.s32 v1, v5  }
0x223: {  	vm1 =	vgt.s32 v4, $0xEA60  }
0x224: {  	[tilespmem:$0xD80] =	vst v6;
	v4 =	vnsel vm1, $0xEA60, v4;
	v3 =	vadd.s32 v1, v3  }
0x225: {  	[tilespmem:$0xD90] =	vst v7;
	v4 =	vadd.s32 $0xFFFF15A0, v4  }
0x226: {  	s1 =	simm.s32 $0x14E80;
	[tilespmem:$0xD10] =	vst v4  }
0x227: {  	[tilespmem:s1], [sflag:$0x1] =	stream.indirect_vreg.gather [hbm4b:s4+s5], $0x80, v5, vm0, $0xb8;
	[tilespmem:$0x18E80] =	vst v63  }
0x228: {  	s23 =	simm.s32 $0x15680  }
0x229: {  	[tilespmem:s23], [sflag:$0x1] =	stream.indirect_vreg.gather [hbm4b:s4+s5], $0x80, v3, vm0, $0xb8;
	[tilespmem:$0x18E80] =	vst v63  }
0x22a: {  	v3 =	vld [tilespmem:$0xD10];
	_ =	sdelay $0x4  }
0x22b: {  	v59 =	vshll.u32 v3, $0x1  }
0x22c: {  	v3 =	vand.u32 $0x7, v3;
	v4 =	vand.u32 $0xFFFFFFF0, v59  }
0x22d: {  	v3 =	vor.u32 v3, v4  }
0x22e: {  	v4 =	vperm.xlane v3, v0;
	_ =	sdelay $0x1  }
0x22f: {  	v3 =	vperm.xlane v3, v2;
	v4 =	vadd.s32 v1, v4;
	_ =	sdelay $0x1  }
0x230: {  	v3 =	vadd.s32 v1, v3;
	_ =	sdelay $0x1  }
0x231: {  	s24 =	simm.s32 $0x15E80  }
0x232: {  	[tilespmem:s24], [sflag:$0x1] =	stream.indirect_vreg.gather [hbm4b:s4+s5], $0x80, v4, vm0, $0xb8;
	[tilespmem:$0x18E80] =	vst v63  }
0x233: {  	s25 =	simm.s32 $0x16680  }
0x234: {  	[tilespmem:s25], [sflag:$0x1] =	stream.indirect_vreg.gather [hbm4b:s4+s5], $0x80, v3, vm0, $0xb8;
	[tilespmem:$0x18E80] =	vst v63  }
0x235: {  	v3 =	vld [tilespmem:$0x20];
	_ =	sdelay $0x4  }
0x236: {  	vm1 =	vgt.s32 v3, $0xEA60  }
0x237: {  	v3 =	vnsel vm1, $0xEA60, v3  }
0x238: {  	v3 =	vadd.s32 $0xFFFF15A0, v3  }
0x239: {  	[tilespmem:$0xD20] =	vst v3  }
0x23a: {  	v3 =	vld [tilespmem:$0xD20];
	_ =	sdelay $0x4  }
0x23b: {  	v60 =	vshll.u32 v3, $0x1  }
0x23c: {  	v4 =	vld [tilespmem:$0x30];
	v3 =	vand.u32 $0x7, v3;
	v5 =	vand.u32 $0xFFFFFFF0, v60  }
0x23d: {  	v61 =	vld [tilespmem:$0x6A0];
	v3 =	vor.u32 v3, v5  }
0x23e: {  	v62 =	vld [tilespmem:$0x6B0];
	v5 =	vperm.xlane v3, v0;
	_ =	sdelay $0x1  }
0x23f: {  	v3 =	vperm.xlane v3, v2;
	v5 =	vadd.s32 v1, v5  }
0x240: {  	vm1 =	vgt.s32 v4, $0xEA60  }
0x241: {  	[tilespmem:$0xE00] =	vst v61;
	v4 =	vnsel vm1, $0xEA60, v4;
	v3 =	vadd.s32 v1, v3  }
0x242: {  	[tilespmem:$0xE10] =	vst v62;
	v4 =	vadd.s32 $0xFFFF15A0, v4  }
0x243: {  	s26 =	simm.s32 $0x16E80;
	[tilespmem:$0xD30] =	vst v4  }
0x244: {  	[tilespmem:s26], [sflag:$0x2] =	stream.indirect_vreg.gather [hbm4b:s4+s5], $0x80, v5, vm0, $0xb8;
	[tilespmem:$0x18E80] =	vst v63  }
0x245: {  	s3 =	simm.s32 $0x17680  }
0x246: {  	[tilespmem:s3], [sflag:$0x2] =	stream.indirect_vreg.gather [hbm4b:s4+s5], $0x80, v3, vm0, $0xb8;
	[tilespmem:$0x18E80] =	vst v63  }
0x247: {  	v3 =	vld [tilespmem:$0xD30];
	_ =	sdelay $0x4  }
0x248: {  	v63 =	vshll.u32 v3, $0x1  }
0x249: {  	v3 =	vand.u32 $0x7, v3;
	v4 =	vand.u32 $0xFFFFFFF0, v63  }
0x24a: {  	v3 =	vor.u32 v3, v4  }
0x24b: {  	v4 =	vperm.xlane v3, v0;
	_ =	sdelay $0x1  }
0x24c: {  	v3 =	vperm.xlane v3, v2;
	v4 =	vadd.s32 v1, v4;
	_ =	sdelay $0x1  }
0x24d: {  	v3 =	vadd.s32 v1, v3;
	_ =	sdelay $0x1  }
0x24e: {  	s22 =	simm.s32 $0x17E80  }
0x24f: {  	[tilespmem:s22], [sflag:$0x2] =	stream.indirect_vreg.gather [hbm4b:s4+s5], $0x80, v4, vm0, $0xb8;
	[tilespmem:$0x18E80] =	vst v63  }
0x250: {  	s2 =	simm.s32 $0x18680;
	s28 =	simm.s32 $0x1C0  }
0x251: {  	[tilespmem:s2], [sflag:$0x2] =	stream.indirect_vreg.gather [hbm4b:s4+s5], $0x80, v3, vm0, $0xb8;
	[tilespmem:$0x18E80] =	vst v63  }
.LBB2_10:
0x252: {  	_ =	swait.ge [sflag:s9], $0x2000  }
0x253: {  	[sflag:s9] =	ssyncset.done $0x0  }
0x254: {  	[sflag:s9] =	ssyncadd.s32 $0xFFFFE000  }
0x255: {  	v3 =	vld [tilespmem:$0xD80];
	_ =	sdelay $0x4  }
0x256: {  	v4 =	vshll.u32 v3, $0x1  }
0x257: {  	v3 =	vand.u32 $0x7, v3;
	v4 =	vand.u32 $0xFFFFFFF0, v4  }
0x258: {  	v3 =	vor.u32 v3, v4  }
0x259: {  	v4 =	vperm.xlane v3, v0;
	_ =	sdelay $0x1  }
0x25a: {  	v3 =	vperm.xlane v3, v2;
	v4 =	vadd.s32 v1, v4;
	_ =	sdelay $0x1  }
0x25b: {  	v3 =	vadd.s32 v1, v3;
	_ =	sdelay $0x2  }
0x25c: {  	[hbm4b:s8+s5] =	stream.indirect_vreg.scatter [tilespmem:s1], [sflag:$0x3], $0x80, v4, vm0, $0xb8;
	[tilespmem:$0x18E80] =	vst v63  }
0x25d: {  	_ = 	snop  }
0x25e: {  	[hbm4b:s8+s5] =	stream.indirect_vreg.scatter [tilespmem:s23], [sflag:$0x3], $0x80, v3, vm0, $0xb8;
	[tilespmem:$0x18E80] =	vst v63  }
0x25f: {  	v3 =	vld [tilespmem:$0xD90];
	_ =	sdelay $0x4  }
0x260: {  	v61 =	vshll.u32 v3, $0x1  }
0x261: {  	v3 =	vand.u32 $0x7, v3;
	v4 =	vand.u32 $0xFFFFFFF0, v61  }
0x262: {  	v3 =	vor.u32 v3, v4  }
0x263: {  	v4 =	vperm.xlane v3, v0;
	_ =	sdelay $0x1  }
0x264: {  	v3 =	vperm.xlane v3, v2;
	v4 =	vadd.s32 v1, v4;
	_ =	sdelay $0x1  }
0x265: {  	v3 =	vadd.s32 v1, v3;
	_ =	sdelay $0x1  }
0x266: {  	p0 =	seq.s32 s28, $0x19C0  }
0x267: {  	[hbm4b:s8+s5] =	stream.indirect_vreg.scatter [tilespmem:s24], [sflag:$0x3], $0x80, v4, vm0, $0xb8;
	[tilespmem:$0x18E80] =	vst v63  }
0x268: {  	s29 =	simm.s32 @!p0 $0x3  }
0x269: {  	[hbm4b:s8+s5] =	stream.indirect_vreg.scatter [tilespmem:s25], [sflag:$0x3], $0x80, v3, vm0, $0xb8;
	[tilespmem:$0x18E80] =	vst v63  }
0x26a: {  	_ =	swait.ge @!p0 [sflag:s29], $0x2000  }
0x26b: {  	[sflag:s29] =	ssyncset.done @!p0 $0x0  }
0x26c: {  	[sflag:s29] =	ssyncadd.s32 @!p0 $0xFFFFE000;
	s29 =	sshra.s32 @!p0 s28, $0x2  }
0x26d: {  	v3 =	vld @!p0 [tilespmem:s29+$0xFFFFFFD0];
	_ =	sdelay $0x4  }
0x26e: {  	vm1 =	vgt.s32 @!p0 v3, $0xEA60  }
0x26f: {  	v3 =	vnsel @!p0 vm1, $0xEA60, v3  }
0x270: {  	v3 =	vadd.s32 @!p0 $0xFFFF15A0, v3  }
0x271: {  	[tilespmem:$0xD00] =	vst @!p0 v3  }
0x272: {  	v3 =	vld @!p0 [tilespmem:s29+$0x650];
	_ =	sdelay $0x4  }
0x273: {  	v4 =	vld @!p0 [tilespmem:$0xD00];
	[tilespmem:$0xD80] =	vst @!p0 v3  }
0x274: {  	v3 =	vld @!p0 [tilespmem:s29+$0xFFFFFFE0];
	_ =	sdelay $0x3  }
0x275: {  	v6 =	vlaneseq.u32 @!p0  }
0x276: {  	v7 =	vshrl.u32 @!p0 v6, $0x3;
	v5 =	vshll.u32 @!p0 v4, $0x1;
	vm1 =	vgt.s32 @!p0 v3, $0xEA60  }
0x277: {  	v4 =	vand.u32 @!p0 $0x7, v4;
	v5 =	vand.u32 @!p0 $0xFFFFFFF0, v5;
	v3 =	vnsel @!p0 vm1, $0xEA60, v3  }
0x278: {  	v4 =	vor.u32 @!p0 v4, v5;
	v5 =	vand.u32 @!p0 $0x7, v6;
	v3 =	vadd.s32 @!p0 $0xFFFF15A0, v3  }
0x279: {  	v7 =	vmul.u32 @!p0 $0x8, v7;
	[tilespmem:$0xD10] =	vst @!p0 v3;
	v3 =	vperm.xlane @!p0 v4, v5  }
0x27a: {  	v6 =	vor.u32 @!p0 $0x8, v6;
	v8 =	vld @!p0 [tilespmem:s29+$0x660]  }
0x27b: {  	v4 =	vperm.xlane @!p0 v4, v6;
	v3 =	vadd.s32 @!p0 v7, v3;
	_ =	sdelay $0x1  }
0x27c: {  	v4 =	vadd.s32 @!p0 v7, v4;
	_ =	sdelay $0x1  }
0x27d: {  	s30 =	simm.s32 @!p0 $0x14E80;
	vm1 =	vmmov @!p0 $0xffff;
	s29 =	simm.s32 @!p0 $0x0;
	[tilespmem:$0xD90] =	vst @!p0 v8  }
0x27e: {  	[tilespmem:s30], [sflag:$0x1] =	stream.indirect_vreg.gather @!p0 [hbm4b:s4+s29], $0x80, v3, vm1, $0xb8;
	[tilespmem:$0x18E80] =	vst v63  }
0x27f: {  	s30 =	simm.s32 @!p0 $0x15680  }
0x280: {  	[tilespmem:s30], [sflag:$0x1] =	stream.indirect_vreg.gather @!p0 [hbm4b:s4+s29], $0x80, v4, vm1, $0xb8;
	[tilespmem:$0x18E80] =	vst v63  }
0x281: {  	v3 =	vld @!p0 [tilespmem:$0xD10];
	_ =	sdelay $0x4  }
0x282: {  	v4 =	vshll.u32 @!p0 v3, $0x1  }
0x283: {  	v3 =	vand.u32 @!p0 $0x7, v3;
	v4 =	vand.u32 @!p0 $0xFFFFFFF0, v4  }
0x284: {  	v3 =	vor.u32 @!p0 v3, v4  }
0x285: {  	v4 =	vperm.xlane @!p0 v3, v5;
	_ =	sdelay $0x1  }
0x286: {  	v3 =	vperm.xlane @!p0 v3, v6;
	v4 =	vadd.s32 @!p0 v7, v4;
	_ =	sdelay $0x1  }
0x287: {  	v3 =	vadd.s32 @!p0 v7, v3;
	_ =	sdelay $0x1  }
0x288: {  	s30 =	simm.s32 @!p0 $0x15E80  }
0x289: {  	[tilespmem:s30], [sflag:$0x1] =	stream.indirect_vreg.gather @!p0 [hbm4b:s4+s29], $0x80, v4, vm1, $0xb8;
	[tilespmem:$0x18E80] =	vst v63  }
0x28a: {  	s30 =	simm.s32 @!p0 $0x16680  }
0x28b: {  	[tilespmem:s30], [sflag:$0x1] =	stream.indirect_vreg.gather @!p0 [hbm4b:s4+s29], $0x80, v3, vm1, $0xb8;
	[tilespmem:$0x18E80] =	vst v63  }
0x28c: {  	_ =	swait.ge [sflag:s10], $0x2000  }
0x28d: {  	[sflag:s10] =	ssyncset.done $0x0  }
0x28e: {  	[sflag:s10] =	ssyncadd.s32 $0xFFFFE000  }
0x28f: {  	v3 =	vld [tilespmem:$0xE00];
	_ =	sdelay $0x4  }
0x290: {  	v62 =	vshll.u32 v3, $0x1  }
0x291: {  	v3 =	vand.u32 $0x7, v3;
	v4 =	vand.u32 $0xFFFFFFF0, v62  }
0x292: {  	v3 =	vor.u32 v3, v4  }
0x293: {  	v4 =	vperm.xlane v3, v0;
	_ =	sdelay $0x1  }
0x294: {  	v3 =	vperm.xlane v3, v2;
	v4 =	vadd.s32 v1, v4;
	_ =	sdelay $0x1  }
0x295: {  	v3 =	vadd.s32 v1, v3;
	_ =	sdelay $0x2  }
0x296: {  	[hbm4b:s8+s5] =	stream.indirect_vreg.scatter [tilespmem:s26], [sflag:$0x4], $0x80, v4, vm0, $0xb8;
	[tilespmem:$0x18E80] =	vst v63  }
0x297: {  	_ = 	snop  }
0x298: {  	[hbm4b:s8+s5] =	stream.indirect_vreg.scatter [tilespmem:s3], [sflag:$0x4], $0x80, v3, vm0, $0xb8;
	[tilespmem:$0x18E80] =	vst v63  }
0x299: {  	v3 =	vld [tilespmem:$0xE10];
	_ =	sdelay $0x4  }
0x29a: {  	v63 =	vshll.u32 v3, $0x1  }
0x29b: {  	v3 =	vand.u32 $0x7, v3;
	v4 =	vand.u32 $0xFFFFFFF0, v63  }
0x29c: {  	v3 =	vor.u32 v3, v4  }
0x29d: {  	v4 =	vperm.xlane v3, v0;
	_ =	sdelay $0x1  }
0x29e: {  	v3 =	vperm.xlane v3, v2;
	v4 =	vadd.s32 v1, v4;
	_ =	sdelay $0x1  }
0x29f: {  	v3 =	vadd.s32 v1, v3;
	_ =	sdelay $0x1  }
.Ltmp7:
0x2a0: {  	_ = 	snop;
	(pc) =	sbr.rel @p0 .LBB2_12-.Ltmp7, $4  }
0x2a1: {  	[hbm4b:s8+s5] =	stream.indirect_vreg.scatter [tilespmem:s22], [sflag:$0x4], $0x80, v4, vm0, $0xb8;
	[tilespmem:$0x18E80] =	vst v63  }
0x2a2: {  	_ = 	snop  }
0x2a3: {  	[hbm4b:s8+s5] =	stream.indirect_vreg.scatter [tilespmem:s2], [sflag:$0x4], $0x80, v3, vm0, $0xb8;
	[tilespmem:$0x18E80] =	vst v63  }
0x2a4: {  	s3 =	simm.s32 $0x17680;
	s22 =	simm.s32 $0x17E80;
	s2 =	simm.s32 $0x18680  }
0x2a5: {  	_ =	swait.ge [sflag:s17], $0x2000  }
0x2a6: {  	[sflag:s17] =	ssyncset.done $0x0  }
0x2a7: {  	s29 =	sshra.s32 s28, $0x2;
	[sflag:s17] =	ssyncadd.s32 $0xFFFFE000  }
0x2a8: {  	v3 =	vld [tilespmem:s29+$0xFFFFFFF0];
	_ =	sdelay $0x4  }
0x2a9: {  	vm1 =	vgt.s32 v3, $0xEA60  }
0x2aa: {  	v3 =	vnsel vm1, $0xEA60, v3  }
0x2ab: {  	v3 =	vadd.s32 $0xFFFF15A0, v3  }
0x2ac: {  	[tilespmem:$0xD20] =	vst v3  }
0x2ad: {  	v3 =	vld [tilespmem:s29+$0x670];
	_ =	sdelay $0x4  }
0x2ae: {  	v4 =	vld [tilespmem:$0xD20];
	[tilespmem:$0xE00] =	vst v3  }
0x2af: {  	v3 =	vld [tilespmem:s29+$0x0];
	_ =	sdelay $0x4  }
0x2b0: {  	v5 =	vshll.u32 v4, $0x1;
	vm1 =	vgt.s32 v3, $0xEA60  }
0x2b1: {  	v4 =	vand.u32 $0x7, v4;
	v5 =	vand.u32 $0xFFFFFFF0, v5;
	v3 =	vnsel vm1, $0xEA60, v3  }
0x2b2: {  	v4 =	vor.u32 v4, v5;
	v3 =	vadd.s32 $0xFFFF15A0, v3  }
0x2b3: {  	[tilespmem:$0xD30] =	vst v3;
	v3 =	vperm.xlane v4, v0  }
0x2b4: {  	v62 =	vld [tilespmem:s29+$0x680]  }
0x2b5: {  	v4 =	vperm.xlane v4, v2;
	v3 =	vadd.s32 v1, v3;
	_ =	sdelay $0x1  }
0x2b6: {  	v4 =	vadd.s32 v1, v4;
	_ =	sdelay $0x1  }
0x2b7: {  	[tilespmem:$0xE10] =	vst v62  }
0x2b8: {  	[tilespmem:s26], [sflag:$0x2] =	stream.indirect_vreg.gather [hbm4b:s4+s5], $0x80, v3, vm0, $0xb8;
	[tilespmem:$0x18E80] =	vst v63  }
0x2b9: {  	_ = 	snop  }
0x2ba: {  	[tilespmem:s3], [sflag:$0x2] =	stream.indirect_vreg.gather [hbm4b:s4+s5], $0x80, v4, vm0, $0xb8;
	[tilespmem:$0x18E80] =	vst v63  }
0x2bb: {  	v3 =	vld [tilespmem:$0xD30];
	_ =	sdelay $0x4  }
0x2bc: {  	v63 =	vshll.u32 v3, $0x1  }
0x2bd: {  	v3 =	vand.u32 $0x7, v3;
	v4 =	vand.u32 $0xFFFFFFF0, v63  }
0x2be: {  	v3 =	vor.u32 v3, v4  }
0x2bf: {  	v4 =	vperm.xlane v3, v0;
	_ =	sdelay $0x1  }
0x2c0: {  	v3 =	vperm.xlane v3, v2;
	v4 =	vadd.s32 v1, v4;
	_ =	sdelay $0x1  }
0x2c1: {  	v3 =	vadd.s32 v1, v3;
	_ =	sdelay $0x1  }
.Ltmp8:
0x2c2: {  	_ = 	snop;
	(pc) =	sbr.rel .LBB2_10-.Ltmp8, $4  }
0x2c3: {  	[tilespmem:s22], [sflag:$0x2] =	stream.indirect_vreg.gather [hbm4b:s4+s5], $0x80, v4, vm0, $0xb8;
	[tilespmem:$0x18E80] =	vst v63  }
0x2c4: {  	s28 =	sadd.s32 $0x100, s28  }
0x2c5: {  	[tilespmem:s2], [sflag:$0x2] =	stream.indirect_vreg.gather [hbm4b:s4+s5], $0x80, v3, vm0, $0xb8;
	[tilespmem:$0x18E80] =	vst v63  }
0x2c6: {  	s3 =	simm.s32 $0x17680;
	s22 =	simm.s32 $0x17E80;
	s2 =	simm.s32 $0x18680  }
.LBB2_13:
0x2c7: {  	_ =	sfence.sel $0x180000  }
0x2c8: {  	[bflag:$0x0] =	sbarrier.arrive $0xFFFF  }
0x2c9: {  	_ =	strace $0x90000047  }
0x2ca: {  	s0 =	stileid.u32;
	[bflag:$0x2] =	sbarrier.arrive $0xFFFF  }
0x2cb: {  	p0 =	sne.s32 s0, $0x0;
	s0 =	rddreg [dreg:$0x4]  }
0x2cc: {  	s0 =	sadd.s32 @!p0 $0x100000, s0  }
0x2cd: {  	[sflag:s0] =	ssyncadd.tile.s32 @!p0 $0x1;
	_ =	shalt  }
.Lfunc_end2:
_tile_overlayer_lowered:
.L_overlay_start_2:
0x2ce: {  	(tag) =	ssettag $0x2  }
0x2cf: {  	s0 =	rddreg [dreg:$0x0];
	s2 =	stileid.u32  }
0x2d0: {  	s1 =	rddreg [dreg:$0x1];
	p0 =	sne.s32 s2, $0x0  }
0x2d1: {  	s3 =	rddreg [dreg:$0x2];
	[bflag:$0x3] =	sbarrier.arrive $0xFFFF;
	s2 =	simm.s32 @!p0 $0x1C05  }
0x2d2: {  	[timem:s3], [sflag:s2] =	dma.local @!p0 [hbm:s0], s1  }
0x2d3: {  	s0 =	simm.s32 @!p0 $0x5  }
0x2d4: {  	_ =	swait.ge @!p0 [sflag:s0], s1  }
0x2d5: {  	s1 =	ssub.s32 @!p0 $0x0, s1;
	[sflag:s0] =	ssyncset.done @!p0 $0x0  }
0x2d6: {  	[sflag:s0] =	ssyncadd.s32 @!p0 s1  }
0x2d7: {  	[bflag:$0x3] =	sbarrier.arrive $0xFFFF  }
0x2d8: {  	_ =	shalt  }

// kernel: branch_1_fun.3.cloned.1.call-start
scs
__scs_entry_jumppad:
0x0: {  	(pc) =	sbr.rel $0x88, $3  }
0x1: {  	(tag) =	ssettag $0x0;
	lr =	simm.s32 $0x1  }
0x2: {  	[smem:$0x3F9A] =	sst lr;
	_ =	strace $0xD0000000  }
0x3: {  	_ = 	snop  }
0x4: {  	_ = 	snop  }
0x5: {  	_ = 	snop  }
0x6: {  	_ = 	snop  }
0x7: {  	_ = 	snop  }
__scs_overlays_trampoline_lowered:
0x8: {  	[smem:$0x3FA9] =	sst s0  }
0x9: {  	[smem:$0x3FAA] =	sst s1  }
0xa: {  	[smem:$0x3FAB] =	sst s2  }
0xb: {  	[smem:$0x3FAC] =	sst s3  }
0xc: {  	[smem:$0x3FAD] =	sst s4  }
0xd: {  	[smem:$0x3FAE] =	sst s5  }
0xe: {  	[smem:$0x3FAF] =	sst s6  }
0xf: {  	[smem:$0x3FB0] =	sst s7  }
0x10: {  	[smem:$0x3FB1] =	sst s8  }
0x11: {  	[smem:$0x3FB2] =	sst s9;
	s0 =	simm.s32 @!p0 $0x0  }
0x12: {  	s1 =	sld [smem:$0x3F98];
	s0 =	simm.s32 @p0 $0x1  }
0x13: {  	[smem:$0x3FB3] =	sst s0;
	s0 =	simm.s32 @!p1 $0x0  }
0x14: {  	s2 =	sld [smem:$0x3F97];
	s0 =	simm.s32 @p1 $0x1  }
0x15: {  	[smem:$0x3FB4] =	sst s0;
	s0 =	simm.s32 @!p2 $0x0  }
0x16: {  	s3 =	sld [smem:$0x3FDB];
	s0 =	simm.s32 @p2 $0x1  }
0x17: {  	s4 =	simm.s32 $0x1BF5;
	[smem:$0x3FB6] =	sst s0  }
0x18: {  	s0 =	sld [smem:$0x3F99];
	_ =	swait.ge [sflag:s4], $0x0  }
0x19: {  	s7 =	sld [smem:$0x3F9A]  }
0x1a: {  	s8 =	sadd.s32 $0xFFFFE003, lr  }
0x1b: {  	s9 =	sadd.s32 $0xFFFFFEF7, lr;
	s5 =	simm.s32 $0xFFFFFFFF;
	p2 =	slt.u32 s8, $0xFFFFF086  }
0x1c: {  	p1 =	slt.u32 s9, $0xF7A;
	s5 =	simm.s32 @!p2 $0x0  }
0x1d: {  	s5 =	simm.s32 @p1 $0x1;
	p0 =	seq.s32 s7, s2  }
0x1e: {  	s7 =	smul.u32 @!p0 $0xF7A, s2;
	p2 =	seq.s32 @!p0 s5, $0x0  }
0x1f: {  	s9 =	smul.u32 $0xF7A, s1;
	s8 =	simm.s32 @!p0 $0x1BF5;
	p2 =	por !p2, p0  }
0x20: {  	[sflag:s8] =	ssyncset.s32 @!p0 $0xFFFFF086;
	s6 =	sadd.s32 @!p0 s3, s7;
	s7 =	simm.s32 @!p0 $0x108  }
0x21: {  	s3 =	sadd.s32 s3, s9;
	s6 =	sadd.s32 @!p0 $0x88, s6;
	s7 =	simm.s32 @p2 $0x1082  }
0x22: {  	[simem:s7], [sflag:s8] =	dma.local @!p0 [hbm:s6], $0xF7A  }
0x23: {  	s9 =	sor.u32 $0xD0000000, s2;
	s6 =	simm.s32 $0x108;
	_ =	swait.ge @!p0 [sflag:s8], $0x0  }
0x24: {  	s3 =	sadd.s32 $0x88, s3;
	s6 =	simm.s32 @!p1 $0x1082;
	[sflag:s4] =	ssyncset.s32 $0xFFFFF086  }
0x25: {  	[simem:s6], [sflag:s4] =	dma.local [hbm:s3], $0xF7A  }
0x26: {  	[smem:$0x3F9A] =	sst s1;
	(tag) =	ssettag s2;
	_ =	strace s9  }
0x27: {  	s1 =	sld [smem:$0x3FAA]  }
0x28: {  	s2 =	sld [smem:$0x3FAB]  }
0x29: {  	s4 =	sld [smem:$0x3FAD]  }
0x2a: {  	p0 =	seq.s32 s5, $0x0;
	s5 =	sld [smem:$0x3FAE]  }
0x2b: {  	s6 =	sld [smem:$0x3FAF]  }
0x2c: {  	s7 =	sld [smem:$0x3FB0]  }
0x2d: {  	s3 =	simm.s32 $0x108;
	s8 =	sld [smem:$0x3FB1]  }
0x2e: {  	s3 =	simm.s32 @!p0 $0x1082;
	s9 =	sld [smem:$0x3FB2]  }
0x2f: {  	lr =	sadd.s32 s0, s3;
	s0 =	sld [smem:$0x3FA9]  }
0x30: {  	s3 =	sld [smem:$0x3FAC]  }
0x31: {  	[smem:$0x3FB5] =	sst s10  }
0x32: {  	s10 =	sld [smem:$0x3FB3];
	_ =	sdelay $0x3  }
0x33: {  	p0 =	seq.s32 s10, $0x1;
	s10 =	sld [smem:$0x3FB5];
	_ =	sdelay $0x3  }
0x34: {  	[smem:$0x3FB5] =	sst s10  }
0x35: {  	s10 =	sld [smem:$0x3FB4];
	_ =	sdelay $0x3  }
0x36: {  	p1 =	seq.s32 s10, $0x1;
	s10 =	sld [smem:$0x3FB5];
	_ =	sdelay $0x3  }
0x37: {  	[smem:$0x3FB5] =	sst s10  }
0x38: {  	s10 =	sld [smem:$0x3FB6]  }
0x39: {  	_ = 	snop;
	(pc) =	sbr.ind lr, $3  }
0x3a: {  	_ = 	snop  }
0x3b: {  	_ = 	snop  }
0x3c: {  	p2 =	seq.s32 s10, $0x1;
	s10 =	sld [smem:$0x3FB5]  }
0x3d: {  	_ =	shalt  }
0x3e: {  	_ =	shalt  }
0x3f: {  	_ =	shalt  }
0x40: {  	_ =	shalt  }
0x41: {  	_ =	shalt  }
0x42: {  	_ =	shalt  }
0x43: {  	_ =	shalt  }
0x44: {  	_ =	shalt  }
0x45: {  	_ =	shalt  }
0x46: {  	_ =	shalt  }
0x47: {  	_ =	shalt  }
0x48: {  	_ =	shalt  }
0x49: {  	_ =	shalt  }
0x4a: {  	_ =	shalt  }
0x4b: {  	_ =	shalt  }
0x4c: {  	_ =	shalt  }
0x4d: {  	_ =	shalt  }
0x4e: {  	_ =	shalt  }
0x4f: {  	_ =	shalt  }
0x50: {  	_ =	shalt  }
0x51: {  	_ =	shalt  }
0x52: {  	_ =	shalt  }
0x53: {  	_ =	shalt  }
0x54: {  	_ =	shalt  }
0x55: {  	_ =	shalt  }
0x56: {  	_ =	shalt  }
0x57: {  	_ =	shalt  }
0x58: {  	_ =	shalt  }
0x59: {  	_ =	shalt  }
0x5a: {  	_ =	shalt  }
0x5b: {  	_ =	shalt  }
0x5c: {  	_ =	shalt  }
0x5d: {  	_ =	shalt  }
0x5e: {  	_ =	shalt  }
0x5f: {  	_ =	shalt  }
0x60: {  	_ =	shalt  }
0x61: {  	_ =	shalt  }
0x62: {  	_ =	shalt  }
0x63: {  	_ =	shalt  }
0x64: {  	_ =	shalt  }
0x65: {  	_ =	shalt  }
0x66: {  	_ =	shalt  }
0x67: {  	_ =	shalt  }
0x68: {  	_ =	shalt  }
0x69: {  	_ =	shalt  }
0x6a: {  	_ =	shalt  }
0x6b: {  	_ =	shalt  }
0x6c: {  	_ =	shalt  }
0x6d: {  	_ =	shalt  }
0x6e: {  	_ =	shalt  }
0x6f: {  	_ =	shalt  }
0x70: {  	_ =	shalt  }
0x71: {  	_ =	shalt  }
0x72: {  	_ =	shalt  }
0x73: {  	_ =	shalt  }
0x74: {  	_ =	shalt  }
0x75: {  	_ =	shalt  }
0x76: {  	_ =	shalt  }
0x77: {  	_ =	shalt  }
0x78: {  	_ =	shalt  }
0x79: {  	_ =	shalt  }
0x7a: {  	_ =	shalt  }
0x7b: {  	_ =	shalt  }
0x7c: {  	_ =	shalt  }
0x7d: {  	_ =	shalt  }
0x7e: {  	_ =	shalt  }
0x7f: {  	_ =	shalt  }
0x80: {  	_ =	shalt  }
0x81: {  	_ =	shalt  }
0x82: {  	_ =	shalt  }
0x83: {  	_ =	shalt  }
0x84: {  	_ =	shalt  }
0x85: {  	_ =	shalt  }
0x86: {  	_ =	shalt  }
0x87: {  	_ =	shalt  }
.Lfunc_end0:
.L_simem_size_0:
called_computation.2_lowered:
.L_overlay_start_0:
0x88: {  	s2 =	sld [smem:$0x3FD9]  }
0x89: {  	s3 =	sld [smem:$0x3FFE];
	_ =	sdelay $0x1  }
0x8a: {  	s1 =	srdreg.scid  }
0x8b: {  	s0 =	sand.u32 $0x1, s1  }
0x8c: {  	s17 =	sshll.u32 s0, $0xA;
	s2 =	sadd.s32 s3, s2  }
0x8d: {  	s2 =	sadd.s32 s2, s17  }
0x8e: {  	[smem:$0x3FC1] =	sst s2  }
0x8f: {  	_ = 	snop  }
0x90: {  	s2 =	sld [smem:$0x3FC8]  }
0x91: {  	s18 =	sld [smem:$0x3FC6]  }
0x92: {  	s4 =	sld [smem:$0x3FD0];
	(tm) =	ssettm $0x1  }
0x93: {  	s5 =	sld [smem:$0x3FFB];
	_ =	sdelay $0x3  }
0x94: {  	_ =	strace s5  }
0x95: {  	s5 =	sld [smem:$0x3FFC];
	_ =	sdelay $0x3  }
0x96: {  	_ =	strace s5  }
0x97: {  	s5 =	sld [smem:$0x3FFD];
	_ =	sdelay $0x3  }
0x98: {  	_ =	strace s5  }
0x99: {  	_ =	strace $0x8FFFFFFF  }
0x9a: {  	s19 =	sld [smem:$0x3FDB];
	_ =	sdelay $0x1  }
0x9b: {  	s6 =	simm.s32 $_scs_section_size  }
0x9c: {  	s7 =	simm.s32 $_size__tile_overlayer_lowered;
	s8 =	simm.s32 $_tile_overlayer_lowered  }
0x9d: {  	s22 =	simm.s32 $0x1BFF;
	s21 =	sshll.u32 s8, $0x1;
	s5 =	sadd.s32 s6, s19  }
0x9e: {  	s9 =	simm.s32 $0x0;
	s20 =	sshll.u32 s7, $0x1;
	s7 =	sadd.s32 s21, s5  }
0x9f: {  	[timem:s9], [sflag:s22] =	dma.local [hbm:s7], s20  }
0xa0: {  	_ =	swait.ge [sflag:s22], s20  }
0xa1: {  	s6 =	ssub.s32 $0x0, s20;
	[sflag:s22] =	ssyncset.done $0x0  }
0xa2: {  	[sflag:s22] =	ssyncadd.s32 s6;
	_ =	sdelay $0x1  }
0xa3: {  	s23 =	simm.s32 $0x1B8B  }
0xa4: {  	_ =	swait.ge [sflag:s23], $0x1  }
0xa5: {  	[sflag:s23] =	ssyncset.done $0x0  }
0xa6: {  	s25 =	simm.s32 $0x1B8E;
	s24 =	sld [smem:$0x3FFE];
	[sflag:s23] =	ssyncadd.s32 $0xFFFFFFFF  }
0xa7: {  	s26 =	simm.s32 $execute0_lowered;
	[smem:$0x3FD2] =	sst s25  }
0xa8: {  	s7 =	sshll.u32 s26, $0x1;
	_ =	strace $0x80000049;
	[dreg:$0x1] =	wrdreg $0xFFFFFFFF  }
0xa9: {  	s28 =	simm.s32 $_size_execute0_lowered;
	s5 =	sadd.s32 s5, s7;
	[dreg:$0x0] =	wrdreg $0x0  }
0xaa: {  	s7 =	sshll.u32 s28, $0x1;
	[dreg:$0x2] =	wrdreg s5  }
0xab: {  	[dreg:$0x3] =	wrdreg s7  }
0xac: {  	[dreg:$0x4] =	wrdreg $0xC0  }
0xad: {  	_ =	task [dreg:s9], $0x5FFFF  }
0xae: {  	[dreg:$0x1] =	wrdreg $0xFFFFFFFF  }
0xaf: {  	[dreg:$0x0] =	wrdreg $0x60  }
0xb0: {  	[dreg:$0x2] =	wrdreg s24  }
0xb1: {  	[dreg:$0x3] =	wrdreg s2  }
0xb2: {  	[dreg:$0x4] =	wrdreg s18  }
0xb3: {  	[dreg:$0x5] =	wrdreg s4  }
0xb4: {  	[dreg:$0x6] =	wrdreg $0x9  }
0xb5: {  	_ =	task.clear_ibuf [dreg:s9], $0x7FFFF;
	_ =	strace $0x90000049  }
0xb6: {  	s29 =	simm.s32 $0x9;
	_ =	strace $0x8000004B  }
0xb7: {  	_ =	swait.ge [sflag:s29], $0x1  }
0xb8: {  	[sflag:s29] =	ssyncadd.s32 $0xFFFFFFFF  }
0xb9: {  	_ =	strace $0x9000004B  }
0xba: {  	_ =	sfence  }
0xbb: {  	s30 =	sld [smem:$0x0];
	_ =	sdelay $0x2  }
0xbc: {  	s31 =	sshll.u32 s1, $0xD;
	s1 =	sshrl.u32 s1, $0x2  }
0xbd: {  	s3 =	sand.u32 $0x4000, s31;
	s1 =	sadd.s32 s1, s30  }
0xbe: {  	s0 =	sor.u32 s3, s0;
	s1 =	sshll.u32 s1, $0x11  }
0xbf: {  	s0 =	sor.u32 s1, s0  }
0xc0: {  	s0 =	sadd.s32 $0x8F2B, s0  }
0xc1: {  	[sflag:s0] =	ssyncadd.remote.s32 $0x1  }
0xc2: {  	_ =	sfence.sel $0xFFFF  }
0xc3: {  	[dreg:$0x0] =	wrdreg $0xFFFFFFFF;
	(pc) =	sbr.abs _section_cstart, $3  }
0xc4: {  	[dreg:$0x1] =	wrdreg $0xFFFFFFFF  }
0xc5: {  	_ =	task.clear_ibuf [dreg:s9], $0x2FFFF;
	_ =	strace $0x9FFFFFFF  }
0xc6: {  	(tm) =	ssettm $0x7FFFFFFF  }
0xc7: {  	_ =	shalt  }
tec
execute0_lowered:
.L_overlay_start_1:
0x0: {  	(tag) =	ssettag $0x1  }
0x1: {  	s0 =	rddreg [dreg:$0x0]  }
0x2: {  	s1 =	rddreg [dreg:$0x1];
	s2 =	srdreg.scid  }
0x3: {  	s4 =	stileid.u32;
	s29 =	simm.s32 $0xA100;
	s30 =	simm.s32 $0xA900  }
0x4: {  	s31 =	simm.s32 $0xB100;
	s12 =	simm.s32 $0xE900;
	s28 =	simm.s32 $0xF900  }
0x5: {  	s3 =	simm.s32 $0x10100;
	s13 =	simm.s32 $0x1;
	s14 =	simm.s32 $0x2  }
0x6: {  	s2 =	sand.u32 $0x1, s2;
	s5 =	sshll.u32 s4, $0x1;
	s8 =	sadd.s32 $0x8A9200, s0  }
0x7: {  	s15 =	sadd.s32 $0x100, s1;
	s16 =	sadd.s32 $0x200, s1;
	s17 =	sadd.s32 $0x300, s1  }
0x8: {  	s18 =	sadd.s32 $0xD8D00, s0;
	s19 =	sadd.s32 $0xD8E00, s0;
	s20 =	sadd.s32 $0xD8F00, s0  }
0x9: {  	s4 =	simm.s32 $0x10900;
	s6 =	sor.u32 s2, s5;
	s2 =	ssub.s32 $0x2, s2  }
0xa: {  	s5 =	simm.s32 $0x0;
	s7 =	smul.u32 $0x38, s6;
	s11 =	sshrl.u32 s2, $0x1  }
0xb: {  	s1 =	simm.s32 $0x0;
	[smem:$0x7FF] =	sst s5;
	s2 =	ssub.s32 s2, s11  }
0xc: {  	s6 =	smul.u32 $0x60, s6;
	s9 =	sadd.s32 s7, s0;
	s26 =	smax.u32 s2, $0x1  }
0xd: {  	_ =	strace $0x8000004A;
	s21 =	sadd.s32 $0xD7C00, s9;
	[dreg:$0xb] =	wrdreg s26  }
0xe: {  	s10 =	sadd.s32 s6, s0;
	s9 =	sadd.s32 $0xD8400, s9;
	[dreg:$0x5] =	wrdreg s21  }
0xf: {  	s11 =	simm.s32 $0xE100;
	s22 =	sadd.s32 $0xC9600, s10;
	[dreg:$0x6] =	wrdreg s9  }
.Ltmp0:
0x10: {  	s23 =	sadd.s32 $0xCA200, s10;
	[dreg:$0x7] =	wrdreg s22;
	(pc) =	sbr.rel .LBB2_1-.Ltmp0, $4  }
0x11: {  	s6 =	sadd.s32 $0xD8C00, s0;
	s24 =	sadd.s32 $0xCAE00, s10;
	[dreg:$0x8] =	wrdreg s23  }
0x12: {  	v2 =	vlaneseq.u32;
	s7 =	sadd.s32 $0x719000, s0;
	s25 =	sadd.s32 $0xCBA00, s10;
	[dreg:$0x9] =	wrdreg s24  }
0x13: {  	vm0 =	vmmov $0xffff;
	v1 =	vshrl.u32 v2, $0x3;
	s2 =	simm.s32 $0xB900;
	s0 =	simm.s32 $0xC100;
	[dreg:$0xa] =	wrdreg s25  }
0x14: {  	v0 =	vand.u32 $0x7, v2;
	v2 =	vor.u32 $0x8, v2;
	v1 =	vmul.u32 $0x8, v1;
	s23 =	simm.s32 $0xC900;
	s24 =	simm.s32 $0xD100;
	s21 =	simm.s32 $0x4  }
.LBB2_12:
0x15: {  	s1 =	simm.s32 $0x3  }
0x16: {  	_ =	swait.ge [sflag:s1], $0x2000  }
0x17: {  	[sflag:s1] =	ssyncset.done $0x0  }
0x18: {  	[sflag:s1] =	ssyncadd.s32 $0xFFFFE000  }
0x19: {  	_ =	swait.ge [sflag:s21], $0x2000  }
0x1a: {  	s26 =	rddreg [dreg:$0xc]  }
0x1b: {  	s9 =	rddreg [dreg:$0xb];
	s1 =	sadd.s32 $0x1, s26  }
0x1c: {  	p0 =	sne.s32 s1, s9  }
.Ltmp1:
0x1d: {  	_ = 	snop;
	(pc) =	sbr.rel @!p0 .LBB2_13-.Ltmp1, $4  }
0x1e: {  	_ = 	snop  }
0x1f: {  	s28 =	simm.s32 $0xF900;
	s4 =	simm.s32 $0x10900;
	s11 =	simm.s32 $0xE100  }
0x20: {  	s12 =	simm.s32 $0xE900;
	s24 =	simm.s32 $0xD100;
	[sflag:s21] =	ssyncset.done $0x0  }
0x21: {  	s29 =	simm.s32 $0xA100;
	s30 =	simm.s32 $0xA900;
	[sflag:s21] =	ssyncadd.s32 $0xFFFFE000  }
.LBB2_1:
0x22: {  	[dreg:$0xc] =	wrdreg s1  }
0x23: {  	s9 =	rddreg [dreg:$0x5];
	s25 =	simm.s32 $0x5  }
0x24: {  	[tilespmem:s5], [sflag:$0x5] =	stream.linear.gather [hbm4b:s9+s5], $0x1C0, $0x38;
	[tilespmem:$0x19100] =	vst v63  }
0x25: {  	_ =	swait.ge [sflag:s25], $0x1C0  }
0x26: {  	[sflag:s25] =	ssyncset.done $0x0  }
0x27: {  	s26 =	simm.s32 $0x200;
	s1 =	rddreg [dreg:$0x6];
	[sflag:s25] =	ssyncadd.s32 $0xFFFFFE40  }
0x28: {  	[tilespmem:s26], [sflag:$0x5] =	stream.linear.gather [hbm4b:s1+s5], $0x1C0, $0x38;
	[tilespmem:$0x19100] =	vst v63  }
0x29: {  	_ =	swait.ge [sflag:s25], $0x1C0  }
0x2a: {  	[sflag:s25] =	ssyncset.done $0x0  }
0x2b: {  	s22 =	simm.s32 $0x400;
	s10 =	rddreg [dreg:$0x7];
	[sflag:s25] =	ssyncadd.s32 $0xFFFFFE40  }
0x2c: {  	[tilespmem:s22], [sflag:$0x5] =	stream.linear.gather [hbm4b:s10+s5], $0x300, $0x38;
	[tilespmem:$0x19100] =	vst v63  }
0x2d: {  	_ =	swait.ge [sflag:s25], $0x300  }
0x2e: {  	[sflag:s25] =	ssyncset.done $0x0  }
0x2f: {  	s1 =	simm.s32 $0x700;
	s26 =	rddreg [dreg:$0x8];
	[sflag:s25] =	ssyncadd.s32 $0xFFFFFD00  }
0x30: {  	[tilespmem:s1], [sflag:$0x5] =	stream.linear.gather [hbm4b:s26+s5], $0x300, $0x38;
	[tilespmem:$0x19100] =	vst v63  }
0x31: {  	_ =	swait.ge [sflag:s25], $0x300  }
0x32: {  	[sflag:s25] =	ssyncset.done $0x0  }
0x33: {  	s22 =	simm.s32 $0xA00;
	s10 =	rddreg [dreg:$0x9];
	[sflag:s25] =	ssyncadd.s32 $0xFFFFFD00  }
0x34: {  	[tilespmem:s22], [sflag:$0x5] =	stream.linear.gather [hbm4b:s10+s5], $0x300, $0x38;
	[tilespmem:$0x19100] =	vst v63  }
0x35: {  	_ =	swait.ge [sflag:s25], $0x300  }
0x36: {  	[sflag:s25] =	ssyncset.done $0x0  }
0x37: {  	s10 =	simm.s32 $0xD00;
	s1 =	rddreg [dreg:$0xa];
	[sflag:s25] =	ssyncadd.s32 $0xFFFFFD00  }
0x38: {  	[tilespmem:s10], [sflag:$0x5] =	stream.linear.gather [hbm4b:s1+s5], $0x300, $0x38;
	[tilespmem:$0x19100] =	vst v63  }
0x39: {  	_ =	swait.ge [sflag:s25], $0x300  }
0x3a: {  	[sflag:s25] =	ssyncset.done $0x0  }
0x3b: {  	[sflag:s25] =	ssyncadd.s32 $0xFFFFFD00  }
0x3c: {  	v3 =	vld [tilespmem:$0x0];
	_ =	sdelay $0x4  }
0x3d: {  	v4 =	vshll.u32 v3, $0x3  }
0x3e: {  	v3 =	vand.u32 $0x7, v3;
	v4 =	vand.u32 $0xFFFFFFC0, v4  }
0x3f: {  	v3 =	vor.u32 v3, v4  }
0x40: {  	v57 =	vld [tilespmem:$0x200];
	v5 =	vperm.xlane v3, v0  }
0x41: {  	v6 =	vld [tilespmem:$0x210]  }
0x42: {  	v5 =	vadd.s32 v1, v5;
	_ =	sdelay $0x2  }
0x43: {  	[tilespmem:$0x1000] =	vst v57  }
0x44: {  	s9 =	simm.s32 $0x1100;
	s1 =	rddreg [dreg:$0x1];
	[tilespmem:$0x1010] =	vst v6  }
0x45: {  	[tilespmem:s9], [sflag:$0x1] =	stream.indirect_vreg.gather [hbm4b:s1+s5], $0x80, v5, vm0, $0xb8;
	[tilespmem:$0x19100] =	vst v63  }
0x46: {  	s10 =	simm.s32 $0x1900;
	v3 =	vperm.xlane v3, v2  }
0x47: {  	[tilespmem:s10], [sflag:$0x1] =	stream.indirect_vreg.gather [hbm4b:s15+s5], $0x80, v5, vm0, $0xb8;
	[tilespmem:$0x19100] =	vst v63  }
0x48: {  	s22 =	simm.s32 $0x2100;
	v3 =	vadd.s32 v1, v3  }
0x49: {  	[tilespmem:s22], [sflag:$0x1] =	stream.indirect_vreg.gather [hbm4b:s16+s5], $0x80, v5, vm0, $0xb8;
	[tilespmem:$0x19100] =	vst v63  }
0x4a: {  	s26 =	simm.s32 $0x2900  }
0x4b: {  	[tilespmem:s26], [sflag:$0x1] =	stream.indirect_vreg.gather [hbm4b:s17+s5], $0x80, v5, vm0, $0xb8;
	[tilespmem:$0x19100] =	vst v63  }
0x4c: {  	s22 =	simm.s32 $0x3100  }
0x4d: {  	[tilespmem:s22], [sflag:$0x1] =	stream.indirect_vreg.gather [hbm4b:s1+s5], $0x80, v3, vm0, $0xb8;
	[tilespmem:$0x19100] =	vst v63  }
0x4e: {  	s26 =	simm.s32 $0x3900  }
0x4f: {  	[tilespmem:s26], [sflag:$0x1] =	stream.indirect_vreg.gather [hbm4b:s15+s5], $0x80, v3, vm0, $0xb8;
	[tilespmem:$0x19100] =	vst v63  }
0x50: {  	s22 =	simm.s32 $0x4100  }
0x51: {  	[tilespmem:s22], [sflag:$0x1] =	stream.indirect_vreg.gather [hbm4b:s16+s5], $0x80, v3, vm0, $0xb8;
	[tilespmem:$0x19100] =	vst v63  }
0x52: {  	s26 =	simm.s32 $0x4900  }
0x53: {  	[tilespmem:s26], [sflag:$0x1] =	stream.indirect_vreg.gather [hbm4b:s17+s5], $0x80, v3, vm0, $0xb8;
	[tilespmem:$0x19100] =	vst v63  }
0x54: {  	v3 =	vld [tilespmem:$0x10];
	_ =	sdelay $0x4  }
0x55: {  	v58 =	vshll.u32 v3, $0x3  }
0x56: {  	v3 =	vand.u32 $0x7, v3;
	v4 =	vand.u32 $0xFFFFFFC0, v58  }
0x57: {  	v3 =	vor.u32 v3, v4  }
0x58: {  	v4 =	vperm.xlane v3, v0;
	_ =	sdelay $0x1  }
0x59: {  	v4 =	vadd.s32 v1, v4;
	_ =	sdelay $0x3  }
0x5a: {  	s10 =	simm.s32 $0x5100  }
0x5b: {  	[tilespmem:s10], [sflag:$0x1] =	stream.indirect_vreg.gather [hbm4b:s1+s5], $0x80, v4, vm0, $0xb8;
	[tilespmem:$0x19100] =	vst v63  }
0x5c: {  	s22 =	simm.s32 $0x5900;
	v3 =	vperm.xlane v3, v2  }
0x5d: {  	[tilespmem:s22], [sflag:$0x1] =	stream.indirect_vreg.gather [hbm4b:s15+s5], $0x80, v4, vm0, $0xb8;
	[tilespmem:$0x19100] =	vst v63  }
0x5e: {  	s26 =	simm.s32 $0x6100;
	v3 =	vadd.s32 v1, v3  }
0x5f: {  	[tilespmem:s26], [sflag:$0x1] =	stream.indirect_vreg.gather [hbm4b:s16+s5], $0x80, v4, vm0, $0xb8;
	[tilespmem:$0x19100] =	vst v63  }
0x60: {  	s10 =	simm.s32 $0x6900  }
0x61: {  	[tilespmem:s10], [sflag:$0x1] =	stream.indirect_vreg.gather [hbm4b:s17+s5], $0x80, v4, vm0, $0xb8;
	[tilespmem:$0x19100] =	vst v63  }
0x62: {  	s22 =	simm.s32 $0x7100  }
0x63: {  	[tilespmem:s22], [sflag:$0x1] =	stream.indirect_vreg.gather [hbm4b:s1+s5], $0x80, v3, vm0, $0xb8;
	[tilespmem:$0x19100] =	vst v63  }
0x64: {  	s26 =	simm.s32 $0x7900  }
0x65: {  	[tilespmem:s26], [sflag:$0x1] =	stream.indirect_vreg.gather [hbm4b:s15+s5], $0x80, v3, vm0, $0xb8;
	[tilespmem:$0x19100] =	vst v63  }
0x66: {  	s10 =	simm.s32 $0x8100  }
0x67: {  	[tilespmem:s10], [sflag:$0x1] =	stream.indirect_vreg.gather [hbm4b:s16+s5], $0x80, v3, vm0, $0xb8;
	[tilespmem:$0x19100] =	vst v63  }
0x68: {  	s22 =	simm.s32 $0x8900  }
0x69: {  	[tilespmem:s22], [sflag:$0x1] =	stream.indirect_vreg.gather [hbm4b:s17+s5], $0x80, v3, vm0, $0xb8;
	[tilespmem:$0x19100] =	vst v63  }
0x6a: {  	v3 =	vld [tilespmem:$0x20];
	_ =	sdelay $0x4  }
0x6b: {  	v59 =	vshll.u32 v3, $0x3  }
0x6c: {  	v3 =	vand.u32 $0x7, v3;
	v4 =	vand.u32 $0xFFFFFFC0, v59  }
0x6d: {  	v3 =	vor.u32 v3, v4  }
0x6e: {  	v60 =	vld [tilespmem:$0x220];
	v61 =	vperm.xlane v3, v0  }
0x6f: {  	v62 =	vld [tilespmem:$0x230]  }
0x70: {  	v5 =	vadd.s32 v1, v61;
	_ =	sdelay $0x2  }
0x71: {  	[tilespmem:$0x1080] =	vst v60  }
0x72: {  	s22 =	simm.s32 $0x9100;
	[tilespmem:$0x1090] =	vst v62  }
0x73: {  	[tilespmem:s22], [sflag:$0x2] =	stream.indirect_vreg.gather [hbm4b:s1+s5], $0x80, v5, vm0, $0xb8;
	[tilespmem:$0x19100] =	vst v63  }
0x74: {  	s26 =	simm.s32 $0x9900;
	v3 =	vperm.xlane v3, v2  }
0x75: {  	[tilespmem:s26], [sflag:$0x2] =	stream.indirect_vreg.gather [hbm4b:s15+s5], $0x80, v5, vm0, $0xb8;
	[tilespmem:$0x19100] =	vst v63  }
0x76: {  	v3 =	vadd.s32 v1, v3  }
0x77: {  	[tilespmem:s29], [sflag:$0x2] =	stream.indirect_vreg.gather [hbm4b:s16+s5], $0x80, v5, vm0, $0xb8;
	[tilespmem:$0x19100] =	vst v63  }
0x78: {  	_ = 	snop  }
0x79: {  	[tilespmem:s30], [sflag:$0x2] =	stream.indirect_vreg.gather [hbm4b:s17+s5], $0x80, v5, vm0, $0xb8;
	[tilespmem:$0x19100] =	vst v63  }
0x7a: {  	_ = 	snop  }
0x7b: {  	[tilespmem:s31], [sflag:$0x2] =	stream.indirect_vreg.gather [hbm4b:s1+s5], $0x80, v3, vm0, $0xb8;
	[tilespmem:$0x19100] =	vst v63  }
0x7c: {  	_ = 	snop  }
0x7d: {  	[tilespmem:s2], [sflag:$0x2] =	stream.indirect_vreg.gather [hbm4b:s15+s5], $0x80, v3, vm0, $0xb8;
	[tilespmem:$0x19100] =	vst v63  }
0x7e: {  	_ = 	snop  }
0x7f: {  	[tilespmem:s0], [sflag:$0x2] =	stream.indirect_vreg.gather [hbm4b:s16+s5], $0x80, v3, vm0, $0xb8;
	[tilespmem:$0x19100] =	vst v63  }
0x80: {  	_ = 	snop  }
0x81: {  	[tilespmem:s23], [sflag:$0x2] =	stream.indirect_vreg.gather [hbm4b:s17+s5], $0x80, v3, vm0, $0xb8;
	[tilespmem:$0x19100] =	vst v63  }
0x82: {  	v3 =	vld [tilespmem:$0x30];
	_ =	sdelay $0x4  }
0x83: {  	v63 =	vshll.u32 v3, $0x3  }
0x84: {  	v3 =	vand.u32 $0x7, v3;
	v4 =	vand.u32 $0xFFFFFFC0, v63  }
0x85: {  	v3 =	vor.u32 v3, v4  }
0x86: {  	v4 =	vperm.xlane v3, v0;
	_ =	sdelay $0x1  }
0x87: {  	v4 =	vadd.s32 v1, v4;
	_ =	sdelay $0x4  }
0x88: {  	[tilespmem:s24], [sflag:$0x2] =	stream.indirect_vreg.gather [hbm4b:s1+s5], $0x80, v4, vm0, $0xb8;
	[tilespmem:$0x19100] =	vst v63  }
0x89: {  	s30 =	simm.s32 $0xD900;
	v3 =	vperm.xlane v3, v2  }
0x8a: {  	[tilespmem:s30], [sflag:$0x2] =	stream.indirect_vreg.gather [hbm4b:s15+s5], $0x80, v4, vm0, $0xb8;
	[tilespmem:$0x19100] =	vst v63  }
0x8b: {  	v3 =	vadd.s32 v1, v3  }
0x8c: {  	[tilespmem:s11], [sflag:$0x2] =	stream.indirect_vreg.gather [hbm4b:s16+s5], $0x80, v4, vm0, $0xb8;
	[tilespmem:$0x19100] =	vst v63  }
0x8d: {  	_ = 	snop  }
0x8e: {  	[tilespmem:s12], [sflag:$0x2] =	stream.indirect_vreg.gather [hbm4b:s17+s5], $0x80, v4, vm0, $0xb8;
	[tilespmem:$0x19100] =	vst v63  }
0x8f: {  	s31 =	simm.s32 $0xF100  }
0x90: {  	[tilespmem:s31], [sflag:$0x2] =	stream.indirect_vreg.gather [hbm4b:s1+s5], $0x80, v3, vm0, $0xb8;
	[tilespmem:$0x19100] =	vst v63  }
0x91: {  	_ = 	snop  }
0x92: {  	[tilespmem:s28], [sflag:$0x2] =	stream.indirect_vreg.gather [hbm4b:s15+s5], $0x80, v3, vm0, $0xb8;
	[tilespmem:$0x19100] =	vst v63  }
0x93: {  	_ = 	snop  }
0x94: {  	[tilespmem:s3], [sflag:$0x2] =	stream.indirect_vreg.gather [hbm4b:s16+s5], $0x80, v3, vm0, $0xb8;
	[tilespmem:$0x19100] =	vst v63  }
0x95: {  	s25 =	simm.s32 $0x0  }
0x96: {  	[tilespmem:s4], [sflag:$0x2] =	stream.indirect_vreg.gather [hbm4b:s17+s5], $0x80, v3, vm0, $0xb8;
	[tilespmem:$0x19100] =	vst v63  }
.LBB2_2:
0x97: {  	_ =	swait.ge [sflag:s13], $0x8000  }
0x98: {  	[sflag:s13] =	ssyncset.done $0x0  }
0x99: {  	[sflag:s13] =	ssyncadd.s32 $0xFFFF8000  }
0x9a: {  	v3 =	vld [tilespmem:$0x1000];
	_ =	sdelay $0x4  }
0x9b: {  	v4 =	vshll.u32 v3, $0x3  }
0x9c: {  	v3 =	vand.u32 $0x7, v3;
	v4 =	vand.u32 $0xFFFFFFC0, v4  }
0x9d: {  	v3 =	vor.u32 v3, v4  }
0x9e: {  	v4 =	vperm.xlane v3, v0;
	_ =	sdelay $0x1  }
0x9f: {  	v4 =	vadd.s32 v1, v4;
	_ =	sdelay $0x4  }
0xa0: {  	[hbm4b:s6+s5] =	stream.indirect_vreg.scatter [tilespmem:s9], [sflag:$0x3], $0x80, v4, vm0, $0xb8;
	[tilespmem:$0x19100] =	vst v63  }
0xa1: {  	s0 =	simm.s32 $0x1900;
	v3 =	vperm.xlane v3, v2  }
0xa2: {  	[hbm4b:s18+s5] =	stream.indirect_vreg.scatter [tilespmem:s0], [sflag:$0x3], $0x80, v4, vm0, $0xb8;
	[tilespmem:$0x19100] =	vst v63  }
0xa3: {  	s26 =	simm.s32 $0x2100;
	v3 =	vadd.s32 v1, v3  }
0xa4: {  	[hbm4b:s19+s5] =	stream.indirect_vreg.scatter [tilespmem:s26], [sflag:$0x3], $0x80, v4, vm0, $0xb8;
	[tilespmem:$0x19100] =	vst v63  }
0xa5: {  	s31 =	simm.s32 $0x2900  }
0xa6: {  	[hbm4b:s20+s5] =	stream.indirect_vreg.scatter [tilespmem:s31], [sflag:$0x3], $0x80, v4, vm0, $0xb8;
	[tilespmem:$0x19100] =	vst v63  }
0xa7: {  	s1 =	simm.s32 $0x3100  }
0xa8: {  	[hbm4b:s6+s5] =	stream.indirect_vreg.scatter [tilespmem:s1], [sflag:$0x3], $0x80, v3, vm0, $0xb8;
	[tilespmem:$0x19100] =	vst v63  }
0xa9: {  	s2 =	simm.s32 $0x3900  }
0xaa: {  	[hbm4b:s18+s5] =	stream.indirect_vreg.scatter [tilespmem:s2], [sflag:$0x3], $0x80, v3, vm0, $0xb8;
	[tilespmem:$0x19100] =	vst v63  }
0xab: {  	s10 =	simm.s32 $0x4100  }
0xac: {  	[hbm4b:s19+s5] =	stream.indirect_vreg.scatter [tilespmem:s10], [sflag:$0x3], $0x80, v3, vm0, $0xb8;
	[tilespmem:$0x19100] =	vst v63  }
0xad: {  	s11 =	simm.s32 $0x4900  }
0xae: {  	[hbm4b:s20+s5] =	stream.indirect_vreg.scatter [tilespmem:s11], [sflag:$0x3], $0x80, v3, vm0, $0xb8;
	[tilespmem:$0x19100] =	vst v63  }
0xaf: {  	v3 =	vld [tilespmem:$0x1010];
	_ =	sdelay $0x4  }
0xb0: {  	v63 =	vshll.u32 v3, $0x3  }
0xb1: {  	v3 =	vand.u32 $0x7, v3;
	v4 =	vand.u32 $0xFFFFFFC0, v63  }
0xb2: {  	v3 =	vor.u32 v3, v4  }
0xb3: {  	v4 =	vperm.xlane v3, v0;
	_ =	sdelay $0x1  }
0xb4: {  	v4 =	vadd.s32 v1, v4;
	_ =	sdelay $0x3  }
0xb5: {  	s12 =	simm.s32 $0x5100  }
0xb6: {  	[hbm4b:s6+s5] =	stream.indirect_vreg.scatter [tilespmem:s12], [sflag:$0x3], $0x80, v4, vm0, $0xb8;
	[tilespmem:$0x19100] =	vst v63  }
0xb7: {  	s13 =	simm.s32 $0x5900;
	v3 =	vperm.xlane v3, v2  }
0xb8: {  	[hbm4b:s18+s5] =	stream.indirect_vreg.scatter [tilespmem:s13], [sflag:$0x3], $0x80, v4, vm0, $0xb8;
	[tilespmem:$0x19100] =	vst v63  }
0xb9: {  	s22 =	simm.s32 $0x6100;
	v3 =	vadd.s32 v1, v3  }
0xba: {  	[hbm4b:s19+s5] =	stream.indirect_vreg.scatter [tilespmem:s22], [sflag:$0x3], $0x80, v4, vm0, $0xb8;
	[tilespmem:$0x19100] =	vst v63  }
0xbb: {  	s23 =	simm.s32 $0x6900  }
0xbc: {  	[hbm4b:s20+s5] =	stream.indirect_vreg.scatter [tilespmem:s23], [sflag:$0x3], $0x80, v4, vm0, $0xb8;
	[tilespmem:$0x19100] =	vst v63  }
0xbd: {  	s24 =	simm.s32 $0x7100  }
0xbe: {  	[hbm4b:s6+s5] =	stream.indirect_vreg.scatter [tilespmem:s24], [sflag:$0x3], $0x80, v3, vm0, $0xb8;
	[tilespmem:$0x19100] =	vst v63  }
0xbf: {  	s29 =	simm.s32 $0x7900;
	p0 =	seq.s32 s25, $0x600  }
0xc0: {  	[hbm4b:s18+s5] =	stream.indirect_vreg.scatter [tilespmem:s29], [sflag:$0x3], $0x80, v3, vm0, $0xb8;
	[tilespmem:$0x19100] =	vst v63  }
.Ltmp2:
0xc1: {  	_ = 	snop;
	(pc) =	sbr.rel @p0 .LBB2_4-.Ltmp2, $4  }
0xc2: {  	s30 =	simm.s32 $0x8100  }
0xc3: {  	[hbm4b:s19+s5] =	stream.indirect_vreg.scatter [tilespmem:s30], [sflag:$0x3], $0x80, v3, vm0, $0xb8;
	[tilespmem:$0x19100] =	vst v63  }
0xc4: {  	s31 =	simm.s32 $0x8900  }
0xc5: {  	[hbm4b:s20+s5] =	stream.indirect_vreg.scatter [tilespmem:s31], [sflag:$0x3], $0x80, v3, vm0, $0xb8;
	[tilespmem:$0x19100] =	vst v63  }
0xc6: {  	s0 =	simm.s32 $0x3  }
0xc7: {  	_ =	swait.ge [sflag:s0], $0x8000  }
0xc8: {  	[sflag:s0] =	ssyncset.done $0x0  }
0xc9: {  	s26 =	sshra.s32 s25, $0x2;
	[sflag:s0] =	ssyncadd.s32 $0xFFFF8000  }
0xca: {  	v3 =	vld [tilespmem:s26+$0x240];
	_ =	sdelay $0x4  }
0xcb: {  	[tilespmem:$0x1000] =	vst v3  }
0xcc: {  	v3 =	vld [tilespmem:s26+$0x250];
	_ =	sdelay $0x4  }
0xcd: {  	[tilespmem:$0x1010] =	vst v3  }
0xce: {  	v3 =	vld [tilespmem:s26+$0x40];
	_ =	sdelay $0x4  }
0xcf: {  	v4 =	vshll.u32 v3, $0x3  }
0xd0: {  	v3 =	vand.u32 $0x7, v3;
	v4 =	vand.u32 $0xFFFFFFC0, v4  }
0xd1: {  	v3 =	vor.u32 v3, v4  }
0xd2: {  	v4 =	vperm.xlane v3, v0;
	_ =	sdelay $0x1  }
0xd3: {  	v4 =	vadd.s32 v1, v4;
	_ =	sdelay $0x3  }
0xd4: {  	s1 =	rddreg [dreg:$0x1]  }
0xd5: {  	[tilespmem:s9], [sflag:$0x1] =	stream.indirect_vreg.gather [hbm4b:s1+s5], $0x80, v4, vm0, $0xb8;
	[tilespmem:$0x19100] =	vst v63  }
0xd6: {  	s2 =	simm.s32 $0x1900;
	v3 =	vperm.xlane v3, v2  }
0xd7: {  	[tilespmem:s2], [sflag:$0x1] =	stream.indirect_vreg.gather [hbm4b:s15+s5], $0x80, v4, vm0, $0xb8;
	[tilespmem:$0x19100] =	vst v63  }
0xd8: {  	s10 =	simm.s32 $0x2100;
	v3 =	vadd.s32 v1, v3  }
0xd9: {  	[tilespmem:s10], [sflag:$0x1] =	stream.indirect_vreg.gather [hbm4b:s16+s5], $0x80, v4, vm0, $0xb8;
	[tilespmem:$0x19100] =	vst v63  }
0xda: {  	s9 =	simm.s32 $0x2900  }
0xdb: {  	[tilespmem:s9], [sflag:$0x1] =	stream.indirect_vreg.gather [hbm4b:s17+s5], $0x80, v4, vm0, $0xb8;
	[tilespmem:$0x19100] =	vst v63  }
0xdc: {  	s11 =	simm.s32 $0x3100  }
0xdd: {  	[tilespmem:s11], [sflag:$0x1] =	stream.indirect_vreg.gather [hbm4b:s1+s5], $0x80, v3, vm0, $0xb8;
	[tilespmem:$0x19100] =	vst v63  }
0xde: {  	s10 =	simm.s32 $0x3900  }
0xdf: {  	[tilespmem:s10], [sflag:$0x1] =	stream.indirect_vreg.gather [hbm4b:s15+s5], $0x80, v3, vm0, $0xb8;
	[tilespmem:$0x19100] =	vst v63  }
0xe0: {  	s12 =	simm.s32 $0x4100  }
0xe1: {  	[tilespmem:s12], [sflag:$0x1] =	stream.indirect_vreg.gather [hbm4b:s16+s5], $0x80, v3, vm0, $0xb8;
	[tilespmem:$0x19100] =	vst v63  }
0xe2: {  	s11 =	simm.s32 $0x4900  }
0xe3: {  	[tilespmem:s11], [sflag:$0x1] =	stream.indirect_vreg.gather [hbm4b:s17+s5], $0x80, v3, vm0, $0xb8;
	[tilespmem:$0x19100] =	vst v63  }
0xe4: {  	v3 =	vld [tilespmem:s26+$0x50];
	_ =	sdelay $0x4  }
0xe5: {  	v63 =	vshll.u32 v3, $0x3  }
0xe6: {  	v3 =	vand.u32 $0x7, v3;
	v4 =	vand.u32 $0xFFFFFFC0, v63  }
0xe7: {  	v3 =	vor.u32 v3, v4  }
0xe8: {  	v4 =	vperm.xlane v3, v0;
	_ =	sdelay $0x1  }
0xe9: {  	v4 =	vadd.s32 v1, v4;
	_ =	sdelay $0x3  }
0xea: {  	s12 =	simm.s32 $0x5100  }
0xeb: {  	[tilespmem:s12], [sflag:$0x1] =	stream.indirect_vreg.gather [hbm4b:s1+s5], $0x80, v4, vm0, $0xb8;
	[tilespmem:$0x19100] =	vst v63  }
0xec: {  	s13 =	simm.s32 $0x5900;
	v3 =	vperm.xlane v3, v2  }
0xed: {  	[tilespmem:s13], [sflag:$0x1] =	stream.indirect_vreg.gather [hbm4b:s15+s5], $0x80, v4, vm0, $0xb8;
	[tilespmem:$0x19100] =	vst v63  }
0xee: {  	s22 =	simm.s32 $0x6100;
	v3 =	vadd.s32 v1, v3  }
0xef: {  	[tilespmem:s22], [sflag:$0x1] =	stream.indirect_vreg.gather [hbm4b:s16+s5], $0x80, v4, vm0, $0xb8;
	[tilespmem:$0x19100] =	vst v63  }
0xf0: {  	s23 =	simm.s32 $0x6900  }
0xf1: {  	[tilespmem:s23], [sflag:$0x1] =	stream.indirect_vreg.gather [hbm4b:s17+s5], $0x80, v4, vm0, $0xb8;
	[tilespmem:$0x19100] =	vst v63  }
0xf2: {  	s24 =	simm.s32 $0x7100  }
0xf3: {  	[tilespmem:s24], [sflag:$0x1] =	stream.indirect_vreg.gather [hbm4b:s1+s5], $0x80, v3, vm0, $0xb8;
	[tilespmem:$0x19100] =	vst v63  }
0xf4: {  	s29 =	simm.s32 $0x7900  }
0xf5: {  	[tilespmem:s29], [sflag:$0x1] =	stream.indirect_vreg.gather [hbm4b:s15+s5], $0x80, v3, vm0, $0xb8;
	[tilespmem:$0x19100] =	vst v63  }
0xf6: {  	s30 =	simm.s32 $0x8100  }
0xf7: {  	[tilespmem:s30], [sflag:$0x1] =	stream.indirect_vreg.gather [hbm4b:s16+s5], $0x80, v3, vm0, $0xb8;
	[tilespmem:$0x19100] =	vst v63  }
0xf8: {  	s31 =	simm.s32 $0x8900  }
0xf9: {  	[tilespmem:s31], [sflag:$0x1] =	stream.indirect_vreg.gather [hbm4b:s17+s5], $0x80, v3, vm0, $0xb8;
	[tilespmem:$0x19100] =	vst v63  }
.LBB2_4:
0xfa: {  	_ =	swait.ge [sflag:s14], $0x8000  }
0xfb: {  	[sflag:s14] =	ssyncset.done $0x0  }
0xfc: {  	[sflag:s14] =	ssyncadd.s32 $0xFFFF8000  }
0xfd: {  	v3 =	vld [tilespmem:$0x1080];
	_ =	sdelay $0x4  }
0xfe: {  	v4 =	vshll.u32 v3, $0x3  }
0xff: {  	v3 =	vand.u32 $0x7, v3;
	v4 =	vand.u32 $0xFFFFFFC0, v4  }
0x100: {  	v3 =	vor.u32 v3, v4  }
0x101: {  	v4 =	vperm.xlane v3, v0;
	_ =	sdelay $0x1  }
0x102: {  	v4 =	vadd.s32 v1, v4;
	_ =	sdelay $0x3  }
0x103: {  	s22 =	simm.s32 $0x9100  }
0x104: {  	[hbm4b:s6+s5] =	stream.indirect_vreg.scatter [tilespmem:s22], [sflag:$0x4], $0x80, v4, vm0, $0xb8;
	[tilespmem:$0x19100] =	vst v63  }
0x105: {  	s29 =	simm.s32 $0x9900;
	v3 =	vperm.xlane v3, v2  }
0x106: {  	[hbm4b:s18+s5] =	stream.indirect_vreg.scatter [tilespmem:s29], [sflag:$0x4], $0x80, v4, vm0, $0xb8;
	[tilespmem:$0x19100] =	vst v63  }
0x107: {  	s30 =	simm.s32 $0xA100;
	v3 =	vadd.s32 v1, v3  }
0x108: {  	[hbm4b:s19+s5] =	stream.indirect_vreg.scatter [tilespmem:s30], [sflag:$0x4], $0x80, v4, vm0, $0xb8;
	[tilespmem:$0x19100] =	vst v63  }
0x109: {  	s31 =	simm.s32 $0xA900  }
0x10a: {  	[hbm4b:s20+s5] =	stream.indirect_vreg.scatter [tilespmem:s31], [sflag:$0x4], $0x80, v4, vm0, $0xb8;
	[tilespmem:$0x19100] =	vst v63  }
0x10b: {  	s2 =	simm.s32 $0xB100  }
0x10c: {  	[hbm4b:s6+s5] =	stream.indirect_vreg.scatter [tilespmem:s2], [sflag:$0x4], $0x80, v3, vm0, $0xb8;
	[tilespmem:$0x19100] =	vst v63  }
0x10d: {  	s0 =	simm.s32 $0xB900  }
0x10e: {  	[hbm4b:s18+s5] =	stream.indirect_vreg.scatter [tilespmem:s0], [sflag:$0x4], $0x80, v3, vm0, $0xb8;
	[tilespmem:$0x19100] =	vst v63  }
0x10f: {  	s23 =	simm.s32 $0xC100  }
0x110: {  	[hbm4b:s19+s5] =	stream.indirect_vreg.scatter [tilespmem:s23], [sflag:$0x4], $0x80, v3, vm0, $0xb8;
	[tilespmem:$0x19100] =	vst v63  }
0x111: {  	s24 =	simm.s32 $0xC900  }
0x112: {  	[hbm4b:s20+s5] =	stream.indirect_vreg.scatter [tilespmem:s24], [sflag:$0x4], $0x80, v3, vm0, $0xb8;
	[tilespmem:$0x19100] =	vst v63  }
0x113: {  	v3 =	vld [tilespmem:$0x1090];
	_ =	sdelay $0x4  }
0x114: {  	v63 =	vshll.u32 v3, $0x3  }
0x115: {  	v3 =	vand.u32 $0x7, v3;
	v4 =	vand.u32 $0xFFFFFFC0, v63  }
0x116: {  	v3 =	vor.u32 v3, v4  }
0x117: {  	v4 =	vperm.xlane v3, v0;
	_ =	sdelay $0x1  }
0x118: {  	v4 =	vadd.s32 v1, v4;
	_ =	sdelay $0x3  }
0x119: {  	s10 =	simm.s32 $0xD100  }
0x11a: {  	[hbm4b:s6+s5] =	stream.indirect_vreg.scatter [tilespmem:s10], [sflag:$0x4], $0x80, v4, vm0, $0xb8;
	[tilespmem:$0x19100] =	vst v63  }
0x11b: {  	s11 =	simm.s32 $0xD900;
	v3 =	vperm.xlane v3, v2  }
0x11c: {  	[hbm4b:s18+s5] =	stream.indirect_vreg.scatter [tilespmem:s11], [sflag:$0x4], $0x80, v4, vm0, $0xb8;
	[tilespmem:$0x19100] =	vst v63  }
0x11d: {  	s12 =	simm.s32 $0xE100;
	v3 =	vadd.s32 v1, v3  }
0x11e: {  	[hbm4b:s19+s5] =	stream.indirect_vreg.scatter [tilespmem:s12], [sflag:$0x4], $0x80, v4, vm0, $0xb8;
	[tilespmem:$0x19100] =	vst v63  }
0x11f: {  	s9 =	simm.s32 $0xE900  }
0x120: {  	[hbm4b:s20+s5] =	stream.indirect_vreg.scatter [tilespmem:s9], [sflag:$0x4], $0x80, v4, vm0, $0xb8;
	[tilespmem:$0x19100] =	vst v63  }
0x121: {  	s1 =	simm.s32 $0xF100  }
0x122: {  	[hbm4b:s6+s5] =	stream.indirect_vreg.scatter [tilespmem:s1], [sflag:$0x4], $0x80, v3, vm0, $0xb8;
	[tilespmem:$0x19100] =	vst v63  }
0x123: {  	_ = 	snop  }
0x124: {  	[hbm4b:s18+s5] =	stream.indirect_vreg.scatter [tilespmem:s28], [sflag:$0x4], $0x80, v3, vm0, $0xb8;
	[tilespmem:$0x19100] =	vst v63  }
.Ltmp3:
0x125: {  	_ = 	snop;
	(pc) =	sbr.rel @p0 .LBB2_6-.Ltmp3, $4  }
0x126: {  	[hbm4b:s19+s5] =	stream.indirect_vreg.scatter [tilespmem:s3], [sflag:$0x4], $0x80, v3, vm0, $0xb8;
	[tilespmem:$0x19100] =	vst v63  }
0x127: {  	_ = 	snop  }
0x128: {  	[hbm4b:s20+s5] =	stream.indirect_vreg.scatter [tilespmem:s4], [sflag:$0x4], $0x80, v3, vm0, $0xb8;
	[tilespmem:$0x19100] =	vst v63  }
0x129: {  	s13 =	simm.s32 $0x10900;
	s3 =	simm.s32 $0xF900;
	s4 =	simm.s32 $0x10100  }
0x12a: {  	_ =	swait.ge [sflag:s21], $0x8000  }
0x12b: {  	[sflag:s21] =	ssyncset.done $0x0  }
0x12c: {  	s26 =	sshra.s32 s25, $0x2;
	[sflag:s21] =	ssyncadd.s32 $0xFFFF8000  }
0x12d: {  	v3 =	vld [tilespmem:s26+$0x260];
	_ =	sdelay $0x4  }
0x12e: {  	[tilespmem:$0x1080] =	vst v3  }
0x12f: {  	v3 =	vld [tilespmem:s26+$0x270];
	_ =	sdelay $0x4  }
0x130: {  	[tilespmem:$0x1090] =	vst v3  }
0x131: {  	v3 =	vld [tilespmem:s26+$0x60];
	_ =	sdelay $0x4  }
0x132: {  	v4 =	vshll.u32 v3, $0x3  }
0x133: {  	v3 =	vand.u32 $0x7, v3;
	v4 =	vand.u32 $0xFFFFFFC0, v4  }
0x134: {  	v3 =	vor.u32 v3, v4  }
0x135: {  	v4 =	vperm.xlane v3, v0;
	_ =	sdelay $0x1  }
0x136: {  	v4 =	vadd.s32 v1, v4;
	_ =	sdelay $0x3  }
0x137: {  	s28 =	rddreg [dreg:$0x1]  }
0x138: {  	[tilespmem:s22], [sflag:$0x2] =	stream.indirect_vreg.gather [hbm4b:s28+s5], $0x80, v4, vm0, $0xb8;
	[tilespmem:$0x19100] =	vst v63  }
0x139: {  	v3 =	vperm.xlane v3, v2  }
0x13a: {  	[tilespmem:s29], [sflag:$0x2] =	stream.indirect_vreg.gather [hbm4b:s15+s5], $0x80, v4, vm0, $0xb8;
	[tilespmem:$0x19100] =	vst v63  }
0x13b: {  	v3 =	vadd.s32 v1, v3  }
0x13c: {  	[tilespmem:s30], [sflag:$0x2] =	stream.indirect_vreg.gather [hbm4b:s16+s5], $0x80, v4, vm0, $0xb8;
	[tilespmem:$0x19100] =	vst v63  }
0x13d: {  	_ = 	snop  }
0x13e: {  	[tilespmem:s31], [sflag:$0x2] =	stream.indirect_vreg.gather [hbm4b:s17+s5], $0x80, v4, vm0, $0xb8;
	[tilespmem:$0x19100] =	vst v63  }
0x13f: {  	_ = 	snop  }
0x140: {  	[tilespmem:s2], [sflag:$0x2] =	stream.indirect_vreg.gather [hbm4b:s28+s5], $0x80, v3, vm0, $0xb8;
	[tilespmem:$0x19100] =	vst v63  }
0x141: {  	_ = 	snop  }
0x142: {  	[tilespmem:s0], [sflag:$0x2] =	stream.indirect_vreg.gather [hbm4b:s15+s5], $0x80, v3, vm0, $0xb8;
	[tilespmem:$0x19100] =	vst v63  }
0x143: {  	_ = 	snop  }
0x144: {  	[tilespmem:s23], [sflag:$0x2] =	stream.indirect_vreg.gather [hbm4b:s16+s5], $0x80, v3, vm0, $0xb8;
	[tilespmem:$0x19100] =	vst v63  }
0x145: {  	_ = 	snop  }
0x146: {  	[tilespmem:s24], [sflag:$0x2] =	stream.indirect_vreg.gather [hbm4b:s17+s5], $0x80, v3, vm0, $0xb8;
	[tilespmem:$0x19100] =	vst v63  }
0x147: {  	v3 =	vld [tilespmem:s26+$0x70];
	_ =	sdelay $0x4  }
0x148: {  	v63 =	vshll.u32 v3, $0x3  }
0x149: {  	v3 =	vand.u32 $0x7, v3;
	v4 =	vand.u32 $0xFFFFFFC0, v63  }
0x14a: {  	v3 =	vor.u32 v3, v4  }
0x14b: {  	v4 =	vperm.xlane v3, v0;
	_ =	sdelay $0x1  }
0x14c: {  	v4 =	vadd.s32 v1, v4;
	_ =	sdelay $0x4  }
0x14d: {  	[tilespmem:s10], [sflag:$0x2] =	stream.indirect_vreg.gather [hbm4b:s28+s5], $0x80, v4, vm0, $0xb8;
	[tilespmem:$0x19100] =	vst v63  }
0x14e: {  	v3 =	vperm.xlane v3, v2  }
0x14f: {  	[tilespmem:s11], [sflag:$0x2] =	stream.indirect_vreg.gather [hbm4b:s15+s5], $0x80, v4, vm0, $0xb8;
	[tilespmem:$0x19100] =	vst v63  }
0x150: {  	v3 =	vadd.s32 v1, v3  }
0x151: {  	[tilespmem:s12], [sflag:$0x2] =	stream.indirect_vreg.gather [hbm4b:s16+s5], $0x80, v4, vm0, $0xb8;
	[tilespmem:$0x19100] =	vst v63  }
0x152: {  	_ = 	snop  }
0x153: {  	[tilespmem:s9], [sflag:$0x2] =	stream.indirect_vreg.gather [hbm4b:s17+s5], $0x80, v4, vm0, $0xb8;
	[tilespmem:$0x19100] =	vst v63  }
0x154: {  	_ = 	snop  }
0x155: {  	[tilespmem:s1], [sflag:$0x2] =	stream.indirect_vreg.gather [hbm4b:s28+s5], $0x80, v3, vm0, $0xb8;
	[tilespmem:$0x19100] =	vst v63  }
0x156: {  	_ = 	snop  }
0x157: {  	[tilespmem:s3], [sflag:$0x2] =	stream.indirect_vreg.gather [hbm4b:s15+s5], $0x80, v3, vm0, $0xb8;
	[tilespmem:$0x19100] =	vst v63  }
.Ltmp4:
0x158: {  	_ = 	snop;
	(pc) =	sbr.rel .LBB2_2-.Ltmp4, $4  }
0x159: {  	[tilespmem:s4], [sflag:$0x2] =	stream.indirect_vreg.gather [hbm4b:s16+s5], $0x80, v3, vm0, $0xb8;
	[tilespmem:$0x19100] =	vst v63  }
0x15a: {  	s25 =	sadd.s32 $0x100, s25;
	s9 =	simm.s32 $0x1100;
	s28 =	simm.s32 $0xF900  }
0x15b: {  	[tilespmem:s13], [sflag:$0x2] =	stream.indirect_vreg.gather [hbm4b:s17+s5], $0x80, v3, vm0, $0xb8;
	[tilespmem:$0x19100] =	vst v63  }
0x15c: {  	s3 =	simm.s32 $0x10100;
	s4 =	simm.s32 $0x10900;
	s13 =	simm.s32 $0x1  }
.LBB2_6:
0x15d: {  	s0 =	simm.s32 $0x3  }
0x15e: {  	_ =	swait.ge [sflag:s0], $0x8000  }
0x15f: {  	[sflag:s0] =	ssyncset.done $0x0  }
0x160: {  	[sflag:s0] =	ssyncadd.s32 $0xFFFF8000  }
0x161: {  	_ =	swait.ge [sflag:s21], $0x8000  }
0x162: {  	[sflag:s21] =	ssyncset.done $0x0  }
0x163: {  	[sflag:s21] =	ssyncadd.s32 $0xFFFF8000  }
0x164: {  	v3 =	vld [tilespmem:$0x400];
	_ =	sdelay $0x4  }
0x165: {  	v4 =	vshll.u32 v3, $0x1  }
0x166: {  	v3 =	vand.u32 $0x7, v3;
	v4 =	vand.u32 $0xFFFFFFF0, v4  }
0x167: {  	v3 =	vor.u32 v3, v4  }
0x168: {  	v57 =	vld [tilespmem:$0x700];
	v5 =	vperm.xlane v3, v0  }
0x169: {  	v6 =	vld [tilespmem:$0x710]  }
0x16a: {  	v3 =	vperm.xlane v3, v2;
	v5 =	vadd.s32 v1, v5;
	_ =	sdelay $0x1  }
0x16b: {  	v3 =	vadd.s32 v1, v3  }
0x16c: {  	[tilespmem:$0x1000] =	vst v57  }
0x16d: {  	s25 =	simm.s32 $0x0;
	s10 =	simm.s32 $0x11100;
	s1 =	rddreg [dreg:$0x2];
	[tilespmem:$0x1010] =	vst v6  }
0x16e: {  	[tilespmem:s10], [sflag:$0x1] =	stream.indirect_vreg.gather [hbm4b:s1+s25], $0x80, v5, vm0, $0xb8;
	[tilespmem:$0x19100] =	vst v63  }
0x16f: {  	s22 =	simm.s32 $0x11900  }
0x170: {  	[tilespmem:s22], [sflag:$0x1] =	stream.indirect_vreg.gather [hbm4b:s1+s25], $0x80, v3, vm0, $0xb8;
	[tilespmem:$0x19100] =	vst v63  }
0x171: {  	v3 =	vld [tilespmem:$0x410];
	_ =	sdelay $0x4  }
0x172: {  	v58 =	vshll.u32 v3, $0x1  }
0x173: {  	v3 =	vand.u32 $0x7, v3;
	v4 =	vand.u32 $0xFFFFFFF0, v58  }
0x174: {  	v3 =	vor.u32 v3, v4  }
0x175: {  	v4 =	vperm.xlane v3, v0;
	_ =	sdelay $0x1  }
0x176: {  	v3 =	vperm.xlane v3, v2;
	v4 =	vadd.s32 v1, v4;
	_ =	sdelay $0x1  }
0x177: {  	v3 =	vadd.s32 v1, v3;
	_ =	sdelay $0x1  }
0x178: {  	s28 =	simm.s32 $0x12100  }
0x179: {  	[tilespmem:s28], [sflag:$0x1] =	stream.indirect_vreg.gather [hbm4b:s1+s25], $0x80, v4, vm0, $0xb8;
	[tilespmem:$0x19100] =	vst v63  }
0x17a: {  	s30 =	simm.s32 $0x12900  }
0x17b: {  	[tilespmem:s30], [sflag:$0x1] =	stream.indirect_vreg.gather [hbm4b:s1+s25], $0x80, v3, vm0, $0xb8;
	[tilespmem:$0x19100] =	vst v63  }
0x17c: {  	v3 =	vld [tilespmem:$0x420];
	_ =	sdelay $0x4  }
0x17d: {  	v59 =	vshll.u32 v3, $0x1  }
0x17e: {  	v3 =	vand.u32 $0x7, v3;
	v4 =	vand.u32 $0xFFFFFFF0, v59  }
0x17f: {  	v3 =	vor.u32 v3, v4  }
0x180: {  	v60 =	vld [tilespmem:$0x720];
	v61 =	vperm.xlane v3, v0  }
0x181: {  	v62 =	vld [tilespmem:$0x730]  }
0x182: {  	v3 =	vperm.xlane v3, v2;
	v5 =	vadd.s32 v1, v61;
	_ =	sdelay $0x1  }
0x183: {  	v3 =	vadd.s32 v1, v3  }
0x184: {  	[tilespmem:$0x1080] =	vst v60  }
0x185: {  	s11 =	simm.s32 $0x13100;
	[tilespmem:$0x1090] =	vst v62  }
0x186: {  	[tilespmem:s11], [sflag:$0x2] =	stream.indirect_vreg.gather [hbm4b:s1+s25], $0x80, v5, vm0, $0xb8;
	[tilespmem:$0x19100] =	vst v63  }
0x187: {  	s12 =	simm.s32 $0x13900  }
0x188: {  	[tilespmem:s12], [sflag:$0x2] =	stream.indirect_vreg.gather [hbm4b:s1+s25], $0x80, v3, vm0, $0xb8;
	[tilespmem:$0x19100] =	vst v63  }
0x189: {  	v3 =	vld [tilespmem:$0x430];
	_ =	sdelay $0x4  }
0x18a: {  	v63 =	vshll.u32 v3, $0x1  }
0x18b: {  	v3 =	vand.u32 $0x7, v3;
	v4 =	vand.u32 $0xFFFFFFF0, v63  }
0x18c: {  	v3 =	vor.u32 v3, v4  }
0x18d: {  	v4 =	vperm.xlane v3, v0;
	_ =	sdelay $0x1  }
0x18e: {  	v3 =	vperm.xlane v3, v2;
	v4 =	vadd.s32 v1, v4;
	_ =	sdelay $0x1  }
0x18f: {  	v3 =	vadd.s32 v1, v3  }
0x190: {  	s24 =	simm.s32 $0x14100;
	s29 =	simm.s32 $0x14900;
	s31 =	simm.s32 $0xB100  }
0x191: {  	s2 =	simm.s32 $0xB900;
	s23 =	simm.s32 $0xC900;
	s3 =	simm.s32 $0x10100  }
0x192: {  	[tilespmem:s24], [sflag:$0x2] =	stream.indirect_vreg.gather [hbm4b:s1+s25], $0x80, v4, vm0, $0xb8;
	[tilespmem:$0x19100] =	vst v63  }
0x193: {  	s13 =	simm.s32 $0x1;
	s0 =	simm.s32 $0xC100;
	s4 =	rddreg [dreg:$0x3]  }
0x194: {  	[tilespmem:s29], [sflag:$0x2] =	stream.indirect_vreg.gather [hbm4b:s1+s25], $0x80, v3, vm0, $0xb8;
	[tilespmem:$0x19100] =	vst v63  }
.LBB2_7:
0x195: {  	_ =	swait.ge [sflag:s13], $0x2000  }
0x196: {  	[sflag:s13] =	ssyncset.done $0x0  }
0x197: {  	[sflag:s13] =	ssyncadd.s32 $0xFFFFE000  }
0x198: {  	v3 =	vld [tilespmem:$0x1000];
	_ =	sdelay $0x4  }
0x199: {  	v4 =	vshll.u32 v3, $0x1  }
0x19a: {  	v3 =	vand.u32 $0x7, v3;
	v4 =	vand.u32 $0xFFFFFFF0, v4  }
0x19b: {  	v3 =	vor.u32 v3, v4  }
0x19c: {  	v4 =	vperm.xlane v3, v0;
	_ =	sdelay $0x1  }
0x19d: {  	v3 =	vperm.xlane v3, v2;
	v4 =	vadd.s32 v1, v4;
	_ =	sdelay $0x1  }
0x19e: {  	v3 =	vadd.s32 v1, v3;
	_ =	sdelay $0x2  }
0x19f: {  	[hbm4b:s7+s5] =	stream.indirect_vreg.scatter [tilespmem:s10], [sflag:$0x3], $0x80, v4, vm0, $0xb8;
	[tilespmem:$0x19100] =	vst v63  }
0x1a0: {  	_ = 	snop  }
0x1a1: {  	[hbm4b:s7+s5] =	stream.indirect_vreg.scatter [tilespmem:s22], [sflag:$0x3], $0x80, v3, vm0, $0xb8;
	[tilespmem:$0x19100] =	vst v63  }
0x1a2: {  	v3 =	vld [tilespmem:$0x1010];
	_ =	sdelay $0x4  }
0x1a3: {  	v61 =	vshll.u32 v3, $0x1  }
0x1a4: {  	v3 =	vand.u32 $0x7, v3;
	v4 =	vand.u32 $0xFFFFFFF0, v61  }
0x1a5: {  	v3 =	vor.u32 v3, v4  }
0x1a6: {  	v4 =	vperm.xlane v3, v0;
	_ =	sdelay $0x1  }
0x1a7: {  	v3 =	vperm.xlane v3, v2;
	v4 =	vadd.s32 v1, v4;
	_ =	sdelay $0x1  }
0x1a8: {  	v3 =	vadd.s32 v1, v3;
	_ =	sdelay $0x1  }
0x1a9: {  	s9 =	simm.s32 $0x12100;
	p0 =	seq.s32 s25, $0xB00  }
0x1aa: {  	[hbm4b:s7+s5] =	stream.indirect_vreg.scatter [tilespmem:s9], [sflag:$0x3], $0x80, v4, vm0, $0xb8;
	[tilespmem:$0x19100] =	vst v63  }
0x1ab: {  	s30 =	simm.s32 $0x12900;
	s26 =	simm.s32 @!p0 $0x3  }
0x1ac: {  	[hbm4b:s7+s5] =	stream.indirect_vreg.scatter [tilespmem:s30], [sflag:$0x3], $0x80, v3, vm0, $0xb8;
	[tilespmem:$0x19100] =	vst v63  }
0x1ad: {  	_ =	swait.ge @!p0 [sflag:s26], $0x2000  }
0x1ae: {  	[sflag:s26] =	ssyncset.done @!p0 $0x0  }
0x1af: {  	[sflag:s26] =	ssyncadd.s32 @!p0 $0xFFFFE000;
	s26 =	sshra.s32 @!p0 s25, $0x2  }
0x1b0: {  	v3 =	vld @!p0 [tilespmem:s26+$0x740];
	_ =	sdelay $0x4  }
0x1b1: {  	[tilespmem:$0x1000] =	vst @!p0 v3  }
0x1b2: {  	v3 =	vld @!p0 [tilespmem:s26+$0x750];
	_ =	sdelay $0x4  }
0x1b3: {  	[tilespmem:$0x1010] =	vst @!p0 v3  }
0x1b4: {  	v3 =	vld @!p0 [tilespmem:s26+$0x440];
	_ =	sdelay $0x4  }
0x1b5: {  	v4 =	vshll.u32 @!p0 v3, $0x1  }
0x1b6: {  	v5 =	vlaneseq.u32 @!p0;
	v3 =	vand.u32 @!p0 $0x7, v3;
	v4 =	vand.u32 @!p0 $0xFFFFFFF0, v4  }
0x1b7: {  	v6 =	vshrl.u32 @!p0 v5, $0x3;
	v3 =	vor.u32 @!p0 v3, v4;
	v4 =	vand.u32 @!p0 $0x7, v5  }
0x1b8: {  	v6 =	vmul.u32 @!p0 $0x8, v6;
	v7 =	vperm.xlane @!p0 v3, v4  }
0x1b9: {  	v5 =	vor.u32 @!p0 $0x8, v5  }
0x1ba: {  	v3 =	vperm.xlane @!p0 v3, v5;
	v7 =	vadd.s32 @!p0 v6, v7;
	_ =	sdelay $0x1  }
0x1bb: {  	v3 =	vadd.s32 @!p0 v6, v3;
	_ =	sdelay $0x1  }
0x1bc: {  	vm1 =	vmmov @!p0 $0xffff;
	s28 =	simm.s32 @!p0 $0x0;
	s9 =	simm.s32 @!p0 $0x11100  }
0x1bd: {  	[tilespmem:s9], [sflag:$0x1] =	stream.indirect_vreg.gather @!p0 [hbm4b:s1+s28], $0x80, v7, vm1, $0xb8;
	[tilespmem:$0x19100] =	vst v63  }
0x1be: {  	s9 =	simm.s32 @!p0 $0x11900  }
0x1bf: {  	[tilespmem:s9], [sflag:$0x1] =	stream.indirect_vreg.gather @!p0 [hbm4b:s1+s28], $0x80, v3, vm1, $0xb8;
	[tilespmem:$0x19100] =	vst v63  }
0x1c0: {  	v3 =	vld @!p0 [tilespmem:s26+$0x450];
	_ =	sdelay $0x4  }
0x1c1: {  	v7 =	vshll.u32 @!p0 v3, $0x1  }
0x1c2: {  	v3 =	vand.u32 @!p0 $0x7, v3;
	v7 =	vand.u32 @!p0 $0xFFFFFFF0, v7  }
0x1c3: {  	v3 =	vor.u32 @!p0 v3, v7  }
0x1c4: {  	v4 =	vperm.xlane @!p0 v3, v4;
	_ =	sdelay $0x1  }
0x1c5: {  	v3 =	vperm.xlane @!p0 v3, v5;
	v4 =	vadd.s32 @!p0 v6, v4;
	_ =	sdelay $0x1  }
0x1c6: {  	v3 =	vadd.s32 @!p0 v6, v3;
	_ =	sdelay $0x1  }
0x1c7: {  	s9 =	simm.s32 @!p0 $0x12100  }
0x1c8: {  	[tilespmem:s9], [sflag:$0x1] =	stream.indirect_vreg.gather @!p0 [hbm4b:s1+s28], $0x80, v4, vm1, $0xb8;
	[tilespmem:$0x19100] =	vst v63  }
0x1c9: {  	s9 =	simm.s32 @!p0 $0x12900  }
0x1ca: {  	[tilespmem:s9], [sflag:$0x1] =	stream.indirect_vreg.gather @!p0 [hbm4b:s1+s28], $0x80, v3, vm1, $0xb8;
	[tilespmem:$0x19100] =	vst v63  }
0x1cb: {  	_ =	swait.ge [sflag:s14], $0x2000  }
0x1cc: {  	[sflag:s14] =	ssyncset.done $0x0  }
0x1cd: {  	[sflag:s14] =	ssyncadd.s32 $0xFFFFE000  }
0x1ce: {  	v3 =	vld [tilespmem:$0x1080];
	_ =	sdelay $0x4  }
0x1cf: {  	v62 =	vshll.u32 v3, $0x1  }
0x1d0: {  	v3 =	vand.u32 $0x7, v3;
	v4 =	vand.u32 $0xFFFFFFF0, v62  }
0x1d1: {  	v3 =	vor.u32 v3, v4  }
0x1d2: {  	v4 =	vperm.xlane v3, v0;
	_ =	sdelay $0x1  }
0x1d3: {  	v3 =	vperm.xlane v3, v2;
	v4 =	vadd.s32 v1, v4;
	_ =	sdelay $0x1  }
0x1d4: {  	v3 =	vadd.s32 v1, v3;
	_ =	sdelay $0x2  }
0x1d5: {  	[hbm4b:s7+s5] =	stream.indirect_vreg.scatter [tilespmem:s11], [sflag:$0x4], $0x80, v4, vm0, $0xb8;
	[tilespmem:$0x19100] =	vst v63  }
0x1d6: {  	_ = 	snop  }
0x1d7: {  	[hbm4b:s7+s5] =	stream.indirect_vreg.scatter [tilespmem:s12], [sflag:$0x4], $0x80, v3, vm0, $0xb8;
	[tilespmem:$0x19100] =	vst v63  }
0x1d8: {  	v3 =	vld [tilespmem:$0x1090];
	_ =	sdelay $0x4  }
0x1d9: {  	v63 =	vshll.u32 v3, $0x1  }
0x1da: {  	v3 =	vand.u32 $0x7, v3;
	v4 =	vand.u32 $0xFFFFFFF0, v63  }
0x1db: {  	v3 =	vor.u32 v3, v4  }
0x1dc: {  	v4 =	vperm.xlane v3, v0;
	_ =	sdelay $0x1  }
0x1dd: {  	v3 =	vperm.xlane v3, v2;
	v4 =	vadd.s32 v1, v4;
	_ =	sdelay $0x1  }
0x1de: {  	v3 =	vadd.s32 v1, v3  }
.Ltmp5:
0x1df: {  	_ = 	snop;
	(pc) =	sbr.rel @p0 .LBB2_9-.Ltmp5, $4  }
0x1e0: {  	s26 =	simm.s32 $0x14900  }
0x1e1: {  	[hbm4b:s7+s5] =	stream.indirect_vreg.scatter [tilespmem:s24], [sflag:$0x4], $0x80, v4, vm0, $0xb8;
	[tilespmem:$0x19100] =	vst v63  }
0x1e2: {  	s11 =	simm.s32 $0x13100;
	s12 =	simm.s32 $0x13900;
	s24 =	simm.s32 $0x14100  }
0x1e3: {  	[hbm4b:s7+s5] =	stream.indirect_vreg.scatter [tilespmem:s29], [sflag:$0x4], $0x80, v3, vm0, $0xb8;
	[tilespmem:$0x19100] =	vst v63  }
0x1e4: {  	_ =	swait.ge [sflag:s21], $0x2000  }
0x1e5: {  	[sflag:s21] =	ssyncset.done $0x0  }
0x1e6: {  	s9 =	sshra.s32 s25, $0x2;
	[sflag:s21] =	ssyncadd.s32 $0xFFFFE000  }
0x1e7: {  	v3 =	vld [tilespmem:s9+$0x760];
	_ =	sdelay $0x4  }
0x1e8: {  	[tilespmem:$0x1080] =	vst v3  }
0x1e9: {  	v3 =	vld [tilespmem:s9+$0x770];
	_ =	sdelay $0x4  }
0x1ea: {  	[tilespmem:$0x1090] =	vst v3  }
0x1eb: {  	v3 =	vld [tilespmem:s9+$0x460];
	_ =	sdelay $0x4  }
0x1ec: {  	v4 =	vshll.u32 v3, $0x1  }
0x1ed: {  	v3 =	vand.u32 $0x7, v3;
	v4 =	vand.u32 $0xFFFFFFF0, v4  }
0x1ee: {  	v3 =	vor.u32 v3, v4  }
0x1ef: {  	v4 =	vperm.xlane v3, v0;
	_ =	sdelay $0x1  }
0x1f0: {  	v3 =	vperm.xlane v3, v2;
	v4 =	vadd.s32 v1, v4;
	_ =	sdelay $0x1  }
0x1f1: {  	v3 =	vadd.s32 v1, v3;
	_ =	sdelay $0x2  }
0x1f2: {  	[tilespmem:s11], [sflag:$0x2] =	stream.indirect_vreg.gather [hbm4b:s1+s5], $0x80, v4, vm0, $0xb8;
	[tilespmem:$0x19100] =	vst v63  }
0x1f3: {  	_ = 	snop  }
0x1f4: {  	[tilespmem:s12], [sflag:$0x2] =	stream.indirect_vreg.gather [hbm4b:s1+s5], $0x80, v3, vm0, $0xb8;
	[tilespmem:$0x19100] =	vst v63  }
0x1f5: {  	v3 =	vld [tilespmem:s9+$0x470];
	_ =	sdelay $0x4  }
0x1f6: {  	v63 =	vshll.u32 v3, $0x1  }
0x1f7: {  	v3 =	vand.u32 $0x7, v3;
	v4 =	vand.u32 $0xFFFFFFF0, v63  }
0x1f8: {  	v3 =	vor.u32 v3, v4  }
0x1f9: {  	v4 =	vperm.xlane v3, v0;
	_ =	sdelay $0x1  }
0x1fa: {  	v3 =	vperm.xlane v3, v2;
	v4 =	vadd.s32 v1, v4;
	_ =	sdelay $0x1  }
0x1fb: {  	v3 =	vadd.s32 v1, v3  }
.Ltmp6:
0x1fc: {  	_ = 	snop;
	(pc) =	sbr.rel .LBB2_7-.Ltmp6, $4  }
0x1fd: {  	s25 =	sadd.s32 $0x100, s25;
	s29 =	simm.s32 $0x14900  }
0x1fe: {  	[tilespmem:s24], [sflag:$0x2] =	stream.indirect_vreg.gather [hbm4b:s1+s5], $0x80, v4, vm0, $0xb8;
	[tilespmem:$0x19100] =	vst v63  }
0x1ff: {  	s11 =	simm.s32 $0x13100;
	s12 =	simm.s32 $0x13900;
	s24 =	simm.s32 $0x14100  }
0x200: {  	[tilespmem:s26], [sflag:$0x2] =	stream.indirect_vreg.gather [hbm4b:s1+s5], $0x80, v3, vm0, $0xb8;
	[tilespmem:$0x19100] =	vst v63  }
.LBB2_9:
0x201: {  	s1 =	simm.s32 $0x3  }
0x202: {  	_ =	swait.ge [sflag:s1], $0x2000  }
0x203: {  	[sflag:s1] =	ssyncset.done $0x0  }
0x204: {  	[sflag:s1] =	ssyncadd.s32 $0xFFFFE000  }
0x205: {  	_ =	swait.ge [sflag:s21], $0x2000  }
0x206: {  	[sflag:s21] =	ssyncset.done $0x0  }
0x207: {  	[sflag:s21] =	ssyncadd.s32 $0xFFFFE000  }
0x208: {  	v3 =	vld [tilespmem:$0xA00];
	_ =	sdelay $0x4  }
0x209: {  	v4 =	vshll.u32 v3, $0x1  }
0x20a: {  	v3 =	vand.u32 $0x7, v3;
	v4 =	vand.u32 $0xFFFFFFF0, v4  }
0x20b: {  	v3 =	vor.u32 v3, v4  }
0x20c: {  	v57 =	vld [tilespmem:$0xD00];
	v5 =	vperm.xlane v3, v0  }
0x20d: {  	v6 =	vld [tilespmem:$0xD10]  }
0x20e: {  	v3 =	vperm.xlane v3, v2;
	v5 =	vadd.s32 v1, v5;
	_ =	sdelay $0x1  }
0x20f: {  	v3 =	vadd.s32 v1, v3  }
0x210: {  	[tilespmem:$0x1000] =	vst v57  }
0x211: {  	s25 =	simm.s32 $0x0;
	s1 =	simm.s32 $0x15100;
	[tilespmem:$0x1010] =	vst v6  }
0x212: {  	[tilespmem:s1], [sflag:$0x1] =	stream.indirect_vreg.gather [hbm4b:s4+s25], $0x80, v5, vm0, $0xb8;
	[tilespmem:$0x19100] =	vst v63  }
0x213: {  	s10 =	simm.s32 $0x15900  }
0x214: {  	[tilespmem:s10], [sflag:$0x1] =	stream.indirect_vreg.gather [hbm4b:s4+s25], $0x80, v3, vm0, $0xb8;
	[tilespmem:$0x19100] =	vst v63  }
0x215: {  	v3 =	vld [tilespmem:$0xA10];
	_ =	sdelay $0x4  }
0x216: {  	v58 =	vshll.u32 v3, $0x1  }
0x217: {  	v3 =	vand.u32 $0x7, v3;
	v4 =	vand.u32 $0xFFFFFFF0, v58  }
0x218: {  	v3 =	vor.u32 v3, v4  }
0x219: {  	v4 =	vperm.xlane v3, v0;
	_ =	sdelay $0x1  }
0x21a: {  	v3 =	vperm.xlane v3, v2;
	v4 =	vadd.s32 v1, v4;
	_ =	sdelay $0x1  }
0x21b: {  	v3 =	vadd.s32 v1, v3;
	_ =	sdelay $0x1  }
0x21c: {  	s11 =	simm.s32 $0x16100  }
0x21d: {  	[tilespmem:s11], [sflag:$0x1] =	stream.indirect_vreg.gather [hbm4b:s4+s25], $0x80, v4, vm0, $0xb8;
	[tilespmem:$0x19100] =	vst v63  }
0x21e: {  	s12 =	simm.s32 $0x16900  }
0x21f: {  	[tilespmem:s12], [sflag:$0x1] =	stream.indirect_vreg.gather [hbm4b:s4+s25], $0x80, v3, vm0, $0xb8;
	[tilespmem:$0x19100] =	vst v63  }
0x220: {  	v3 =	vld [tilespmem:$0xA20];
	_ =	sdelay $0x4  }
0x221: {  	v59 =	vshll.u32 v3, $0x1  }
0x222: {  	v3 =	vand.u32 $0x7, v3;
	v4 =	vand.u32 $0xFFFFFFF0, v59  }
0x223: {  	v3 =	vor.u32 v3, v4  }
0x224: {  	v60 =	vld [tilespmem:$0xD20];
	v61 =	vperm.xlane v3, v0  }
0x225: {  	v62 =	vld [tilespmem:$0xD30]  }
0x226: {  	v3 =	vperm.xlane v3, v2;
	v5 =	vadd.s32 v1, v61;
	_ =	sdelay $0x1  }
0x227: {  	v3 =	vadd.s32 v1, v3  }
0x228: {  	[tilespmem:$0x1080] =	vst v60  }
0x229: {  	s22 =	simm.s32 $0x17100;
	[tilespmem:$0x1090] =	vst v62  }
0x22a: {  	[tilespmem:s22], [sflag:$0x2] =	stream.indirect_vreg.gather [hbm4b:s4+s25], $0x80, v5, vm0, $0xb8;
	[tilespmem:$0x19100] =	vst v63  }
0x22b: {  	s24 =	simm.s32 $0x17900  }
0x22c: {  	[tilespmem:s24], [sflag:$0x2] =	stream.indirect_vreg.gather [hbm4b:s4+s25], $0x80, v3, vm0, $0xb8;
	[tilespmem:$0x19100] =	vst v63  }
0x22d: {  	v3 =	vld [tilespmem:$0xA30];
	_ =	sdelay $0x4  }
0x22e: {  	v63 =	vshll.u32 v3, $0x1  }
0x22f: {  	v3 =	vand.u32 $0x7, v3;
	v4 =	vand.u32 $0xFFFFFFF0, v63  }
0x230: {  	v3 =	vor.u32 v3, v4  }
0x231: {  	v4 =	vperm.xlane v3, v0;
	_ =	sdelay $0x1  }
0x232: {  	v3 =	vperm.xlane v3, v2;
	v4 =	vadd.s32 v1, v4;
	_ =	sdelay $0x1  }
0x233: {  	v3 =	vadd.s32 v1, v3;
	_ =	sdelay $0x1  }
0x234: {  	s29 =	simm.s32 $0x18100  }
0x235: {  	[tilespmem:s29], [sflag:$0x2] =	stream.indirect_vreg.gather [hbm4b:s4+s25], $0x80, v4, vm0, $0xb8;
	[tilespmem:$0x19100] =	vst v63  }
0x236: {  	s30 =	simm.s32 $0x18900  }
0x237: {  	[tilespmem:s30], [sflag:$0x2] =	stream.indirect_vreg.gather [hbm4b:s4+s25], $0x80, v3, vm0, $0xb8;
	[tilespmem:$0x19100] =	vst v63  }
.LBB2_10:
0x238: {  	_ =	swait.ge [sflag:s13], $0x2000  }
0x239: {  	[sflag:s13] =	ssyncset.done $0x0  }
0x23a: {  	[sflag:s13] =	ssyncadd.s32 $0xFFFFE000  }
0x23b: {  	v3 =	vld [tilespmem:$0x1000];
	_ =	sdelay $0x4  }
0x23c: {  	v4 =	vshll.u32 v3, $0x1  }
0x23d: {  	v3 =	vand.u32 $0x7, v3;
	v4 =	vand.u32 $0xFFFFFFF0, v4  }
0x23e: {  	v3 =	vor.u32 v3, v4  }
0x23f: {  	v4 =	vperm.xlane v3, v0;
	_ =	sdelay $0x1  }
0x240: {  	v3 =	vperm.xlane v3, v2;
	v4 =	vadd.s32 v1, v4;
	_ =	sdelay $0x1  }
0x241: {  	v3 =	vadd.s32 v1, v3;
	_ =	sdelay $0x2  }
0x242: {  	[hbm4b:s8+s5] =	stream.indirect_vreg.scatter [tilespmem:s1], [sflag:$0x3], $0x80, v4, vm0, $0xb8;
	[tilespmem:$0x19100] =	vst v63  }
0x243: {  	_ = 	snop  }
0x244: {  	[hbm4b:s8+s5] =	stream.indirect_vreg.scatter [tilespmem:s10], [sflag:$0x3], $0x80, v3, vm0, $0xb8;
	[tilespmem:$0x19100] =	vst v63  }
0x245: {  	v3 =	vld [tilespmem:$0x1010];
	_ =	sdelay $0x4  }
0x246: {  	v61 =	vshll.u32 v3, $0x1  }
0x247: {  	v3 =	vand.u32 $0x7, v3;
	v4 =	vand.u32 $0xFFFFFFF0, v61  }
0x248: {  	v3 =	vor.u32 v3, v4  }
0x249: {  	v4 =	vperm.xlane v3, v0;
	_ =	sdelay $0x1  }
0x24a: {  	v3 =	vperm.xlane v3, v2;
	v4 =	vadd.s32 v1, v4;
	_ =	sdelay $0x1  }
0x24b: {  	v3 =	vadd.s32 v1, v3;
	_ =	sdelay $0x1  }
0x24c: {  	p0 =	seq.s32 s25, $0xB00  }
0x24d: {  	[hbm4b:s8+s5] =	stream.indirect_vreg.scatter [tilespmem:s11], [sflag:$0x3], $0x80, v4, vm0, $0xb8;
	[tilespmem:$0x19100] =	vst v63  }
0x24e: {  	s9 =	simm.s32 @!p0 $0x3  }
0x24f: {  	[hbm4b:s8+s5] =	stream.indirect_vreg.scatter [tilespmem:s12], [sflag:$0x3], $0x80, v3, vm0, $0xb8;
	[tilespmem:$0x19100] =	vst v63  }
0x250: {  	_ =	swait.ge @!p0 [sflag:s9], $0x2000  }
0x251: {  	[sflag:s9] =	ssyncset.done @!p0 $0x0  }
0x252: {  	[sflag:s9] =	ssyncadd.s32 @!p0 $0xFFFFE000;
	s9 =	sshra.s32 @!p0 s25, $0x2  }
0x253: {  	v3 =	vld @!p0 [tilespmem:s9+$0xD40];
	_ =	sdelay $0x4  }
0x254: {  	[tilespmem:$0x1000] =	vst @!p0 v3  }
0x255: {  	v3 =	vld @!p0 [tilespmem:s9+$0xD50];
	_ =	sdelay $0x4  }
0x256: {  	[tilespmem:$0x1010] =	vst @!p0 v3  }
0x257: {  	v3 =	vld @!p0 [tilespmem:s9+$0xA40];
	_ =	sdelay $0x4  }
0x258: {  	v4 =	vshll.u32 @!p0 v3, $0x1  }
0x259: {  	v5 =	vlaneseq.u32 @!p0;
	v3 =	vand.u32 @!p0 $0x7, v3;
	v4 =	vand.u32 @!p0 $0xFFFFFFF0, v4  }
0x25a: {  	v6 =	vshrl.u32 @!p0 v5, $0x3;
	v3 =	vor.u32 @!p0 v3, v4;
	v4 =	vand.u32 @!p0 $0x7, v5  }
0x25b: {  	v6 =	vmul.u32 @!p0 $0x8, v6;
	v7 =	vperm.xlane @!p0 v3, v4  }
0x25c: {  	v5 =	vor.u32 @!p0 $0x8, v5  }
0x25d: {  	v3 =	vperm.xlane @!p0 v3, v5;
	v7 =	vadd.s32 @!p0 v6, v7;
	_ =	sdelay $0x1  }
0x25e: {  	v3 =	vadd.s32 @!p0 v6, v3;
	_ =	sdelay $0x1  }
0x25f: {  	vm1 =	vmmov @!p0 $0xffff;
	s26 =	simm.s32 @!p0 $0x0;
	s28 =	simm.s32 @!p0 $0x15100  }
0x260: {  	[tilespmem:s28], [sflag:$0x1] =	stream.indirect_vreg.gather @!p0 [hbm4b:s4+s26], $0x80, v7, vm1, $0xb8;
	[tilespmem:$0x19100] =	vst v63  }
0x261: {  	s28 =	simm.s32 @!p0 $0x15900  }
0x262: {  	[tilespmem:s28], [sflag:$0x1] =	stream.indirect_vreg.gather @!p0 [hbm4b:s4+s26], $0x80, v3, vm1, $0xb8;
	[tilespmem:$0x19100] =	vst v63  }
0x263: {  	v3 =	vld @!p0 [tilespmem:s9+$0xA50];
	_ =	sdelay $0x4  }
0x264: {  	v7 =	vshll.u32 @!p0 v3, $0x1  }
0x265: {  	v3 =	vand.u32 @!p0 $0x7, v3;
	v7 =	vand.u32 @!p0 $0xFFFFFFF0, v7  }
0x266: {  	v3 =	vor.u32 @!p0 v3, v7  }
0x267: {  	v4 =	vperm.xlane @!p0 v3, v4;
	_ =	sdelay $0x1  }
0x268: {  	v3 =	vperm.xlane @!p0 v3, v5;
	v4 =	vadd.s32 @!p0 v6, v4;
	_ =	sdelay $0x1  }
0x269: {  	v3 =	vadd.s32 @!p0 v6, v3;
	_ =	sdelay $0x1  }
0x26a: {  	s9 =	simm.s32 @!p0 $0x16100  }
0x26b: {  	[tilespmem:s9], [sflag:$0x1] =	stream.indirect_vreg.gather @!p0 [hbm4b:s4+s26], $0x80, v4, vm1, $0xb8;
	[tilespmem:$0x19100] =	vst v63  }
0x26c: {  	s9 =	simm.s32 @!p0 $0x16900  }
0x26d: {  	[tilespmem:s9], [sflag:$0x1] =	stream.indirect_vreg.gather @!p0 [hbm4b:s4+s26], $0x80, v3, vm1, $0xb8;
	[tilespmem:$0x19100] =	vst v63  }
0x26e: {  	_ =	swait.ge [sflag:s14], $0x2000  }
0x26f: {  	[sflag:s14] =	ssyncset.done $0x0  }
0x270: {  	[sflag:s14] =	ssyncadd.s32 $0xFFFFE000  }
0x271: {  	v3 =	vld [tilespmem:$0x1080];
	_ =	sdelay $0x4  }
0x272: {  	v62 =	vshll.u32 v3, $0x1  }
0x273: {  	v3 =	vand.u32 $0x7, v3;
	v4 =	vand.u32 $0xFFFFFFF0, v62  }
0x274: {  	v3 =	vor.u32 v3, v4  }
0x275: {  	v4 =	vperm.xlane v3, v0;
	_ =	sdelay $0x1  }
0x276: {  	v3 =	vperm.xlane v3, v2;
	v4 =	vadd.s32 v1, v4;
	_ =	sdelay $0x1  }
0x277: {  	v3 =	vadd.s32 v1, v3;
	_ =	sdelay $0x2  }
0x278: {  	[hbm4b:s8+s5] =	stream.indirect_vreg.scatter [tilespmem:s22], [sflag:$0x4], $0x80, v4, vm0, $0xb8;
	[tilespmem:$0x19100] =	vst v63  }
0x279: {  	_ = 	snop  }
0x27a: {  	[hbm4b:s8+s5] =	stream.indirect_vreg.scatter [tilespmem:s24], [sflag:$0x4], $0x80, v3, vm0, $0xb8;
	[tilespmem:$0x19100] =	vst v63  }
0x27b: {  	v3 =	vld [tilespmem:$0x1090];
	_ =	sdelay $0x4  }
0x27c: {  	v63 =	vshll.u32 v3, $0x1  }
0x27d: {  	v3 =	vand.u32 $0x7, v3;
	v4 =	vand.u32 $0xFFFFFFF0, v63  }
0x27e: {  	v3 =	vor.u32 v3, v4  }
0x27f: {  	v4 =	vperm.xlane v3, v0;
	_ =	sdelay $0x1  }
0x280: {  	v3 =	vperm.xlane v3, v2;
	v4 =	vadd.s32 v1, v4;
	_ =	sdelay $0x1  }
0x281: {  	v3 =	vadd.s32 v1, v3  }
.Ltmp7:
0x282: {  	_ = 	snop;
	(pc) =	sbr.rel @p0 .LBB2_12-.Ltmp7, $4  }
0x283: {  	_ = 	snop  }
0x284: {  	[hbm4b:s8+s5] =	stream.indirect_vreg.scatter [tilespmem:s29], [sflag:$0x4], $0x80, v4, vm0, $0xb8;
	[tilespmem:$0x19100] =	vst v63  }
0x285: {  	s26 =	simm.s32 $0x18900  }
0x286: {  	[hbm4b:s8+s5] =	stream.indirect_vreg.scatter [tilespmem:s30], [sflag:$0x4], $0x80, v3, vm0, $0xb8;
	[tilespmem:$0x19100] =	vst v63  }
0x287: {  	_ =	swait.ge [sflag:s21], $0x2000  }
0x288: {  	[sflag:s21] =	ssyncset.done $0x0  }
0x289: {  	s9 =	sshra.s32 s25, $0x2;
	[sflag:s21] =	ssyncadd.s32 $0xFFFFE000  }
0x28a: {  	v3 =	vld [tilespmem:s9+$0xD60];
	_ =	sdelay $0x4  }
0x28b: {  	[tilespmem:$0x1080] =	vst v3  }
0x28c: {  	v3 =	vld [tilespmem:s9+$0xD70];
	_ =	sdelay $0x4  }
0x28d: {  	[tilespmem:$0x1090] =	vst v3  }
0x28e: {  	v3 =	vld [tilespmem:s9+$0xA60];
	_ =	sdelay $0x4  }
0x28f: {  	v4 =	vshll.u32 v3, $0x1  }
0x290: {  	v3 =	vand.u32 $0x7, v3;
	v4 =	vand.u32 $0xFFFFFFF0, v4  }
0x291: {  	v3 =	vor.u32 v3, v4  }
0x292: {  	v4 =	vperm.xlane v3, v0;
	_ =	sdelay $0x1  }
0x293: {  	v3 =	vperm.xlane v3, v2;
	v4 =	vadd.s32 v1, v4;
	_ =	sdelay $0x1  }
0x294: {  	v3 =	vadd.s32 v1, v3;
	_ =	sdelay $0x2  }
0x295: {  	[tilespmem:s22], [sflag:$0x2] =	stream.indirect_vreg.gather [hbm4b:s4+s5], $0x80, v4, vm0, $0xb8;
	[tilespmem:$0x19100] =	vst v63  }
0x296: {  	_ = 	snop  }
0x297: {  	[tilespmem:s24], [sflag:$0x2] =	stream.indirect_vreg.gather [hbm4b:s4+s5], $0x80, v3, vm0, $0xb8;
	[tilespmem:$0x19100] =	vst v63  }
0x298: {  	v3 =	vld [tilespmem:s9+$0xA70];
	_ =	sdelay $0x4  }
0x299: {  	v63 =	vshll.u32 v3, $0x1  }
0x29a: {  	v3 =	vand.u32 $0x7, v3;
	v4 =	vand.u32 $0xFFFFFFF0, v63  }
0x29b: {  	v3 =	vor.u32 v3, v4  }
0x29c: {  	v4 =	vperm.xlane v3, v0;
	_ =	sdelay $0x1  }
0x29d: {  	v3 =	vperm.xlane v3, v2;
	v4 =	vadd.s32 v1, v4;
	_ =	sdelay $0x1  }
0x29e: {  	v3 =	vadd.s32 v1, v3  }
.Ltmp8:
0x29f: {  	_ = 	snop;
	(pc) =	sbr.rel .LBB2_10-.Ltmp8, $4  }
0x2a0: {  	_ = 	snop  }
0x2a1: {  	[tilespmem:s29], [sflag:$0x2] =	stream.indirect_vreg.gather [hbm4b:s4+s5], $0x80, v4, vm0, $0xb8;
	[tilespmem:$0x19100] =	vst v63  }
0x2a2: {  	s25 =	sadd.s32 $0x100, s25;
	s30 =	simm.s32 $0x18900  }
0x2a3: {  	[tilespmem:s26], [sflag:$0x2] =	stream.indirect_vreg.gather [hbm4b:s4+s5], $0x80, v3, vm0, $0xb8;
	[tilespmem:$0x19100] =	vst v63  }
.LBB2_13:
0x2a4: {  	_ =	sfence.sel $0x180000  }
0x2a5: {  	[bflag:$0x0] =	sbarrier.arrive $0xFFFF  }
0x2a6: {  	_ =	strace $0x9000004A  }
0x2a7: {  	s0 =	stileid.u32;
	[bflag:$0x2] =	sbarrier.arrive $0xFFFF  }
0x2a8: {  	p0 =	sne.s32 s0, $0x0;
	s0 =	rddreg [dreg:$0x4]  }
0x2a9: {  	s0 =	sadd.s32 @!p0 $0x100000, s0  }
0x2aa: {  	[sflag:s0] =	ssyncadd.tile.s32 @!p0 $0x1;
	_ =	shalt  }
.Lfunc_end2:
_tile_overlayer_lowered:
.L_overlay_start_2:
0x2ab: {  	(tag) =	ssettag $0x2  }
0x2ac: {  	s0 =	rddreg [dreg:$0x0];
	s2 =	stileid.u32  }
0x2ad: {  	s1 =	rddreg [dreg:$0x1];
	p0 =	sne.s32 s2, $0x0  }
0x2ae: {  	s3 =	rddreg [dreg:$0x2];
	[bflag:$0x3] =	sbarrier.arrive $0xFFFF;
	s2 =	simm.s32 @!p0 $0x1C05  }
0x2af: {  	[timem:s3], [sflag:s2] =	dma.local @!p0 [hbm:s0], s1  }
0x2b0: {  	s0 =	simm.s32 @!p0 $0x5  }
0x2b1: {  	_ =	swait.ge @!p0 [sflag:s0], s1  }
0x2b2: {  	s1 =	ssub.s32 @!p0 $0x0, s1;
	[sflag:s0] =	ssyncset.done @!p0 $0x0  }
0x2b3: {  	[sflag:s0] =	ssyncadd.s32 @!p0 s1  }
0x2b4: {  	[bflag:$0x3] =	sbarrier.arrive $0xFFFF  }
0x2b5: {  	_ =	shalt  }

// kernel: sparse-core-data-format-call.cloned.1.call-start
scs
called_computation_lowered:
.L_overlay_start_0:
0x0: {  	s2 =	sld [smem:$0x3FD9]  }
0x1: {  	s3 =	sld [smem:$0x3FFE];
	_ =	sdelay $0x1  }
0x2: {  	s1 =	srdreg.scid  }
0x3: {  	s0 =	sand.u32 $0x1, s1  }
0x4: {  	s18 =	sshll.u32 s0, $0xA;
	s2 =	sadd.s32 s3, s2  }
0x5: {  	s2 =	sadd.s32 s2, s18  }
0x6: {  	[smem:$0x3FC1] =	sst s2  }
0x7: {  	_ = 	snop  }
0x8: {  	s2 =	sld [smem:$0x3FD0];
	(tm) =	ssettm $0x1  }
0x9: {  	s19 =	sld [smem:$0x3FFB];
	_ =	sdelay $0x3  }
0xa: {  	_ =	strace s19  }
0xb: {  	s3 =	sld [smem:$0x3FFC];
	_ =	sdelay $0x3  }
0xc: {  	_ =	strace s3  }
0xd: {  	s3 =	sld [smem:$0x3FFD];
	_ =	sdelay $0x3  }
0xe: {  	_ =	strace s3  }
0xf: {  	_ =	strace $0x8FFFFFFF  }
0x10: {  	s20 =	sld [smem:$0x3FDB];
	_ =	sdelay $0x1  }
0x11: {  	s4 =	simm.s32 $_scs_section_size  }
0x12: {  	s5 =	simm.s32 $_size__tile_overlayer_lowered;
	s6 =	simm.s32 $_tile_overlayer_lowered  }
0x13: {  	s23 =	simm.s32 $0x1BFF;
	s22 =	sshll.u32 s6, $0x1;
	s3 =	sadd.s32 s4, s20  }
0x14: {  	s7 =	simm.s32 $0x0;
	s21 =	sshll.u32 s5, $0x1;
	s5 =	sadd.s32 s22, s3  }
0x15: {  	[timem:s7], [sflag:s23] =	dma.local [hbm:s5], s21  }
0x16: {  	_ =	swait.ge [sflag:s23], s21  }
0x17: {  	s4 =	ssub.s32 $0x0, s21;
	[sflag:s23] =	ssyncset.done $0x0  }
0x18: {  	[sflag:s23] =	ssyncadd.s32 s4;
	_ =	sdelay $0x1  }
0x19: {  	s24 =	simm.s32 $0x1B8B  }
0x1a: {  	_ =	swait.ge [sflag:s24], $0x1  }
0x1b: {  	[sflag:s24] =	ssyncset.done $0x0  }
0x1c: {  	s26 =	simm.s32 $0x1B8E;
	s25 =	sld [smem:$0x3FFE];
	[sflag:s24] =	ssyncadd.s32 $0xFFFFFFFF  }
0x1d: {  	s27 =	simm.s32 $execute0_lowered;
	[smem:$0x3FD2] =	sst s26  }
0x1e: {  	s5 =	sshll.u32 s27, $0x1;
	_ =	strace $0x8000004C;
	[dreg:$0x1] =	wrdreg $0xFFFFFFFF  }
0x1f: {  	s28 =	simm.s32 $_size_execute0_lowered;
	s3 =	sadd.s32 s3, s5;
	[dreg:$0x0] =	wrdreg $0x0  }
0x20: {  	s5 =	sshll.u32 s28, $0x1;
	[dreg:$0x2] =	wrdreg s3  }
0x21: {  	[dreg:$0x3] =	wrdreg s5  }
0x22: {  	[dreg:$0x4] =	wrdreg $0xC0  }
0x23: {  	_ =	task [dreg:s7], $0x5FFFF  }
0x24: {  	[dreg:$0x1] =	wrdreg $0xFFFFFFFF  }
0x25: {  	[dreg:$0x0] =	wrdreg $0x60  }
0x26: {  	[dreg:$0x2] =	wrdreg s25  }
0x27: {  	[dreg:$0x3] =	wrdreg s2  }
0x28: {  	[dreg:$0x4] =	wrdreg $0x9  }
0x29: {  	_ =	task.clear_ibuf [dreg:s7], $0x5FFFF;
	_ =	strace $0x9000004C  }
0x2a: {  	s29 =	simm.s32 $0x9;
	_ =	strace $0x8000004E  }
0x2b: {  	_ =	swait.ge [sflag:s29], $0x1  }
0x2c: {  	[sflag:s29] =	ssyncadd.s32 $0xFFFFFFFF  }
0x2d: {  	_ =	strace $0x9000004E  }
0x2e: {  	_ =	sfence  }
0x2f: {  	s30 =	sld [smem:$0x0];
	_ =	sdelay $0x2  }
0x30: {  	s31 =	sshll.u32 s1, $0xD;
	s1 =	sshrl.u32 s1, $0x2  }
0x31: {  	s3 =	sand.u32 $0x4000, s31;
	s1 =	sadd.s32 s1, s30  }
0x32: {  	s0 =	sor.u32 s3, s0;
	s1 =	sshll.u32 s1, $0x11  }
0x33: {  	s0 =	sor.u32 s1, s0  }
0x34: {  	s0 =	sadd.s32 $0x8F2B, s0  }
0x35: {  	[sflag:s0] =	ssyncadd.remote.s32 $0x1  }
0x36: {  	_ =	sfence.sel $0xFFFF  }
0x37: {  	[dreg:$0x0] =	wrdreg $0xFFFFFFFF;
	(pc) =	sbr.abs _section_cstart, $3  }
0x38: {  	[dreg:$0x1] =	wrdreg $0xFFFFFFFF  }
0x39: {  	_ =	task.clear_ibuf [dreg:s7], $0x2FFFF;
	_ =	strace $0x9FFFFFFF  }
0x3a: {  	(tm) =	ssettm $0x7FFFFFFF  }
0x3b: {  	_ =	shalt  }
tec
execute0_lowered:
.L_overlay_start_1:
0x0: {  	(tag) =	ssettag $0x1  }
0x1: {  	s0 =	stileid.u32;
	s1 =	srdreg.scid  }
0x2: {  	s2 =	sshll.u32 s0, $0x7;
	s3 =	sshll.u32 s0, $0x4;
	s4 =	sshll.u32 s1, $0x8  }
0x3: {  	s7 =	rddreg [dreg:$0x0];
	s1 =	sand.u32 $0x380, s2;
	s29 =	sor.u32 s3, s4  }
0x4: {  	s8 =	simm.s32 $0x2;
	s2 =	sand.u32 $0x180, s29;
	s30 =	ssub.s32 $0x400, s1  }
0x5: {  	s15 =	simm.s32 $0x0;
	s31 =	sand.u32 $0x380, s30;
	s5 =	ssub.s32 $0x400, s2  }
0x6: {  	s4 =	simm.s32 $0x1;
	p0 =	sne.s32 s31, $0x0;
	s6 =	sand.u32 $0x180, s5  }
0x7: {  	s4 =	simm.s32 @!p0 $0x0;
	p0 =	sne.s32 s6, $0x0;
	s6 =	simm.s32 $0x1  }
0x8: {  	s3 =	sshrl.u32 s30, $0xA;
	s5 =	sshrl.u32 s5, $0x9;
	s6 =	simm.s32 @!p0 $0x0  }
0x9: {  	s9 =	simm.s32 $0x2000;
	s3 =	sadd.s32 s4, s3;
	s5 =	sadd.s32 s6, s5  }
0xa: {  	s10 =	simm.s32 $0x0;
	s16 =	simm.s32 $0x0;
	s6 =	smul.u32 s5, s3  }
.Ltmp0:
0xb: {  	s17 =	simm.s32 $0x0;
	s4 =	rddreg [dreg:$0x1];
	(pc) =	sbr.rel .LBB1_1-.Ltmp0, $4  }
0xc: {  	s12 =	simm.s32 $0x0;
	s14 =	simm.s32 $0x0;
	s3 =	rddreg [dreg:$0x2]  }
0xd: {  	_ =	strace $0x8000004D;
	s5 =	simm.s32 $0x1;
	s6 =	smul.u32 $0x32, s6  }
0xe: {  	s7 =	sadd.s32 $0x1600, s7;
	s13 =	smov.u32 s1;
	[sflag:s5] =	ssyncpa.u1 $0x0  }
0xf: {  	s11 =	smov.u32 s2;
	[sflag:s8] =	ssyncpa.u1 $0x0;
	s8 =	sor.u32 $0x1, s6  }
.LBB1_4:
0x10: {  	_ =	sdelay $0x3  }
0x11: {  	[tilespmem:v0+s20+$0xFFFFFFD0 ss:$0x1] =	vst.idx.msk $0xffff, v6  }
0x12: {  	v56 =	vld.idx.msk [tilespmem:v1+s19+$0x0 ss:$0x1], $0xffff;
	[tilespmem:v0+s20+$0xFFFFFFE0 ss:$0x1] =	vst.idx.msk $0xffff, v4  }
0x13: {  	v57 =	vld.idx.msk [tilespmem:v1+s19+$0xFFFFFF90 ss:$0x1], $0xffff;
	[tilespmem:v0+s20+$0xFFFFFFF0 ss:$0x1] =	vst.idx.msk $0xffff, v2  }
0x14: {  	v58 =	vld.idx.msk [tilespmem:v1+s19+$0xFFFFFFA0 ss:$0x1], $0xffff;
	[tilespmem:v0+s20+$0x0 ss:$0x1] =	vst.idx.msk $0xffff, v3  }
0x15: {  	v59 =	vld.idx.msk [tilespmem:v1+s19+$0xFFFFFFB0 ss:$0x1], $0xffff;
	[tilespmem:v0+s20+$0x10 ss:$0x1] =	vst.idx.msk $0xffff, v5  }
0x16: {  	v60 =	vld.idx.msk [tilespmem:v1+s19+$0xFFFFFFC0 ss:$0x1], $0xffff;
	[tilespmem:v0+s20+$0x20 ss:$0x1] =	vst.idx.msk $0xffff, v7  }
0x17: {  	v61 =	vld.idx.msk [tilespmem:v1+s19+$0xFFFFFFD0 ss:$0x1], $0xffff;
	[tilespmem:v0+s19+$0x30 ss:$0x1] =	vst.idx.msk $0xffff, v56  }
0x18: {  	v62 =	vld.idx.msk [tilespmem:v1+s19+$0xFFFFFFE0 ss:$0x1], $0xffff;
	[tilespmem:v0+s19+$0xFFFFFFC0 ss:$0x1] =	vst.idx.msk $0xffff, v57  }
0x19: {  	v63 =	vld.idx.msk [tilespmem:v1+s19+$0xFFFFFFF0 ss:$0x1], $0xffff;
	s17 =	sshll.u32 s17, $0x7;
	[tilespmem:v0+s19+$0xFFFFFFD0 ss:$0x1] =	vst.idx.msk $0xffff, v58  }
0x1a: {  	s30 =	sand.u32 $0x78, s15;
	s16 =	sshll.u32 s16, $0x11;
	s21 =	sand.u32 $0x380, s17;
	[tilespmem:v0+s19+$0xFFFFFFE0 ss:$0x1] =	vst.idx.msk $0xffff, v59  }
0x1b: {  	s31 =	sand.u32 $0x7, s15;
	s17 =	sand.u32 $0x1FC00, s17;
	s20 =	sor.u32 s21, s30;
	[tilespmem:v0+s19+$0xFFFFFFF0 ss:$0x1] =	vst.idx.msk $0xffff, v60  }
0x1c: {  	s16 =	sadd.s32 s4, s16;
	s17 =	sadd.s32 s15, s17;
	s20 =	sshrl.u32 s20, $0x3;
	[tilespmem:v0+s19+$0x0 ss:$0x1] =	vst.idx.msk $0xffff, v61  }
0x1d: {  	s15 =	sshll.u32 s31, $0x12;
	s17 =	sand.u32 $0x1FF80, s17;
	s16 =	sadd.s32 s20, s16;
	[tilespmem:v0+s19+$0x10 ss:$0x1] =	vst.idx.msk $0xffff, v62  }
0x1e: {  	s15 =	sor.u32 $0x400, s15;
	[tilespmem:v0+s19+$0x20 ss:$0x1] =	vst.idx.msk $0xffff, v63;
	s16 =	sadd.s32 s17, s16  }
0x1f: {  	[hbm4b:s16+s15] =	stream.strided.scatter [tilespmem:s18], [sflag:$0x2], $0x4000, s9, s15, $0x38;
	[tilespmem:$0x10000] =	vst v63  }
.LBB1_5:
0x20: {  	s18 =	sadd.s32 $0x200, s11  }
0x21: {  	s15 =	simm.s32 $0x1;
	p1 =	sgt.s32 s18, $0x3FF  }
0x22: {  	s15 =	simm.s32 @!p1 $0x0  }
0x23: {  	s19 =	sadd.s32 s15, s12  }
0x24: {  	s21 =	smov.u32 s13;
	s15 =	sadd.s32 $0x400, s13;
	p2 =	sgt.s32 s19, $0x31  }
0x25: {  	s21 =	smov.u32 @p2 s15  }
0x26: {  	p0 =	slt.u32 s14, $0x2;
	s18 =	smov.u32 @p1 s2;
	p1 =	sgt.s32 s21, $0x3FF  }
0x27: {  	s20 =	simm.s32 @!p0 $0x2;
	s21 =	smov.u32 @p1 s1;
	p1 =	sne.s32 s14, s8  }
.Ltmp1:
0x28: {  	_ =	swait.ge @!p0 [sflag:s20], $0x4000;
	(pc) =	sbr.rel @!p1 .LBB1_6-.Ltmp1, $4  }
0x29: {  	s16 =	smov.u32 s12;
	[sflag:s20] =	ssyncset.done @!p0 $0x0  }
0x2a: {  	s17 =	smov.u32 s13;
	s10 =	sadd.s32 $0x4000, s10;
	[sflag:s20] =	ssyncadd.s32 @!p0 $0xFFFFC000  }
0x2b: {  	s19 =	simm.s32 @p2 $0x0;
	s15 =	smov.u32 s11;
	s11 =	smov.u32 s18  }
0x2c: {  	s12 =	smov.u32 s19;
	s14 =	sadd.s32 $0x1, s14;
	s13 =	smov.u32 s21  }
.LBB1_1:
0x2d: {  	p0 =	sge.u32 s14, s6  }
0x2e: {  	s18 =	sshll.u32 @!p0 s12, $0xA  }
0x2f: {  	s19 =	sshll.u32 @!p0 s11, $0x3;
	s18 =	sand.u32 @!p0 $0xFFFFE000, s18  }
0x30: {  	s18 =	sadd.s32 @!p0 s18, s19  }
0x31: {  	s18 =	sshrl.u32 @!p0 s18, $0xA  }
0x32: {  	s19 =	smulhi.u32 @!p0 $0x4924925, s18  }
0x33: {  	s20 =	sshll.u32 @!p0 s12, $0x7;
	s22 =	smul.u32 @!p0 $0x1C00, s13  }
0x34: {  	s21 =	sand.u32 @!p0 $0x78, s11;
	s20 =	sand.u32 @!p0 $0x380, s20;
	s19 =	smul.u32 @!p0 $0x38, s19  }
0x35: {  	s31 =	sadd.s32 $0xFFFFFFFF, s14;
	s20 =	sor.u32 @!p0 s21, s20;
	s21 =	sadd.s32 @!p0 s7, s22  }
0x36: {  	s20 =	sshrl.u32 @!p0 s20, $0x3;
	s18 =	ssub.s32 @!p0 s18, s19;
	s19 =	sxor.u32 @!p0 $0xFFFFFFFF, s14  }
0x37: {  	s20 =	sadd.s32 @!p0 s20, s21;
	s21 =	sand.u32 @!p0 $0x7, s11;
	s19 =	sshll.u32 @!p0 s19, $0xE  }
0x38: {  	s21 =	sshll.u32 @!p0 s21, $0x12;
	s18 =	sshll.u32 @!p0 s18, $0x7;
	s19 =	sand.u32 @!p0 $0x4000, s19  }
0x39: {  	s18 =	sadd.s32 @!p0 s18, s20;
	s20 =	sor.u32 @!p0 $0x80, s21;
	s21 =	simm.s32 @!p0 $0xE000  }
0x3a: {  	[tilespmem:s19], [sflag:$0x1] =	stream.strided.gather @!p0 [hbm4b:s18+s20], $0x4000, s21, s20, $0x38;
	[tilespmem:$0x10000] =	vst v63  }
0x3b: {  	p0 =	sge.u32 s31, s6  }
.Ltmp2:
0x3c: {  	_ = 	snop;
	(pc) =	sbr.rel @p0 .LBB1_5-.Ltmp2, $1  }
0x3d: {  	_ =	sdelay $0x3  }
0x3e: {  	s18 =	sand.u32 $0x4000, s10  }
0x3f: {  	s19 =	sor.u32 $0x70, s18  }
0x40: {  	v1 =	vmov s19;
	_ =	sdelay $0x1  }
0x41: {  	_ =	swait.ge [sflag:s5], $0x4000  }
0x42: {  	[sflag:s5] =	ssyncset.done $0x0  }
0x43: {  	s20 =	simm.s32 $0x0;
	[sflag:s5] =	ssyncadd.s32 $0xFFFFC000  }
0x44: {  	s18 =	sor.u32 $0x8040, s18;
	v7 =	vld.idx.msk [tilespmem:v1+s20+$0x0 ss:$0x1], $0xffff  }
0x45: {  	v0 =	vmov s18;
	v8 =	vld.idx.msk [tilespmem:v1+s20+$0xFFFFFF90 ss:$0x1], $0xffff  }
0x46: {  	v6 =	vld.idx.msk [tilespmem:v1+s20+$0xFFFFFFA0 ss:$0x1], $0xffff  }
0x47: {  	v4 =	vld.idx.msk [tilespmem:v1+s20+$0xFFFFFFB0 ss:$0x1], $0xffff  }
0x48: {  	v2 =	vld.idx.msk [tilespmem:v1+s20+$0xFFFFFFC0 ss:$0x1], $0xffff  }
0x49: {  	s31 =	sshll.u32 s14, $0xE;
	v3 =	vld.idx.msk [tilespmem:v1+s20+$0xFFFFFFD0 ss:$0x1], $0xffff  }
0x4a: {  	s18 =	sand.u32 $0x4000, s31;
	v5 =	vld.idx.msk [tilespmem:v1+s20+$0xFFFFFFE0 ss:$0x1], $0xffff;
	[tilespmem:v0+s20+$0x30 ss:$0x1] =	vst.idx.msk $0xffff, v7  }
0x4b: {  	s21 =	simm.s32 $0x400;
	s19 =	simm.s32 $0x80;
	s18 =	sor.u32 $0x8000, s18;
	[tilespmem:v0+s20+$0xFFFFFFC0 ss:$0x1] =	vst.idx.msk $0xffff, v8;
	v7 =	vld.idx.msk [tilespmem:v1+s20+$0xFFFFFFF0 ss:$0x1], $0xffff  }
.LBB1_3:
0x4c: {  	p0 =	sne.s32 s21, $0xFE00;
	v8 =	vld.idx.msk [tilespmem:v1+s19+$0x0 ss:$0x1], $0xffff;
	[tilespmem:v0+s20+$0xFFFFFFD0 ss:$0x1] =	vst.idx.msk $0xffff, v6  }
0x4d: {  	v9 =	vld.idx.msk [tilespmem:v1+s19+$0xFFFFFF90 ss:$0x1], $0xffff;
	[tilespmem:v0+s20+$0xFFFFFFE0 ss:$0x1] =	vst.idx.msk $0xffff, v4  }
0x4e: {  	v6 =	vld.idx.msk [tilespmem:v1+s19+$0xFFFFFFA0 ss:$0x1], $0xffff;
	[tilespmem:v0+s20+$0xFFFFFFF0 ss:$0x1] =	vst.idx.msk $0xffff, v2  }
.Ltmp3:
0x4f: {  	v4 =	vld.idx.msk [tilespmem:v1+s19+$0xFFFFFFB0 ss:$0x1], $0xffff;
	[tilespmem:v0+s20+$0x0 ss:$0x1] =	vst.idx.msk $0xffff, v3;
	(pc) =	sbr.rel @p0 .LBB1_3-.Ltmp3, $4  }
0x50: {  	v2 =	vld.idx.msk [tilespmem:v1+s19+$0xFFFFFFC0 ss:$0x1], $0xffff;
	[tilespmem:v0+s20+$0x10 ss:$0x1] =	vst.idx.msk $0xffff, v5  }
0x51: {  	v3 =	vld.idx.msk [tilespmem:v1+s19+$0xFFFFFFD0 ss:$0x1], $0xffff;
	[tilespmem:v0+s20+$0x20 ss:$0x1] =	vst.idx.msk $0xffff, v7;
	s20 =	smov.u32 s19  }
0x52: {  	v5 =	vld.idx.msk [tilespmem:v1+s20+$0xFFFFFFE0 ss:$0x1], $0xffff;
	[tilespmem:v0+s20+$0x30 ss:$0x1] =	vst.idx.msk $0xffff, v8  }
0x53: {  	s19 =	sshra.s32 s21, $0x2;
	s21 =	sadd.s32 $0x200, s21;
	[tilespmem:v0+s20+$0xFFFFFFC0 ss:$0x1] =	vst.idx.msk $0xffff, v9;
	v7 =	vld.idx.msk [tilespmem:v1+s20+$0xFFFFFFF0 ss:$0x1], $0xffff  }
.Ltmp4:
0x54: {  	_ = 	snop;
	(pc) =	sbr.rel .LBB1_4-.Ltmp4, $1  }
0x55: {  	_ =	sdelay $0x3  }
.LBB1_6:
0x56: {  	_ =	sfence.sel $0x180000  }
0x57: {  	s1 =	simm.s32 $0x1;
	[bflag:$0x0] =	sbarrier.arrive $0xFFFF  }
0x58: {  	s31 =	simm.s32 $0x2;
	[sflag:s1] =	ssyncpa.u1 $0x1  }
0x59: {  	[sflag:s31] =	ssyncpa.u1 $0x1  }
0x5a: {  	p0 =	sne.s32 s0, $0x0;
	_ =	strace $0x9000004D  }
0x5b: {  	s0 =	sadd.s32 @!p0 $0x100000, s3;
	[bflag:$0x2] =	sbarrier.arrive $0xFFFF  }
0x5c: {  	[sflag:s0] =	ssyncadd.tile.s32 @!p0 $0x1;
	_ =	shalt  }
.Lfunc_end1:
_tile_overlayer_lowered:
.L_overlay_start_2:
0x5d: {  	(tag) =	ssettag $0x2  }
0x5e: {  	s0 =	rddreg [dreg:$0x0];
	s2 =	stileid.u32  }
0x5f: {  	s1 =	rddreg [dreg:$0x1];
	p0 =	sne.s32 s2, $0x0  }
0x60: {  	s3 =	rddreg [dreg:$0x2];
	[bflag:$0x3] =	sbarrier.arrive $0xFFFF;
	s2 =	simm.s32 @!p0 $0x1C01  }
0x61: {  	[timem:s3], [sflag:s2] =	dma.local @!p0 [hbm:s0], s1  }
0x62: {  	s0 =	simm.s32 @!p0 $0x1  }
0x63: {  	_ =	swait.ge @!p0 [sflag:s0], s1  }
0x64: {  	s1 =	ssub.s32 @!p0 $0x0, s1;
	[sflag:s0] =	ssyncset.done @!p0 $0x0  }
0x65: {  	[sflag:s0] =	ssyncadd.s32 @!p0 s1  }
0x66: {  	[bflag:$0x3] =	sbarrier.arrive $0xFFFF  }
0x67: {  	_ =	shalt  }

</sc_bundles>
